<compile_context>
chip_gen: v7x
topology: tpu7x:2x2x1
jax: 0.10.2.dev20260603
libtpu: 0.0.44.dev20260713+nightly
codegen_flags: <defaults>
</compile_context>

<pallas_src>
import functools
import math

import jax
import jax.numpy as jnp
from jax import lax
from jax.experimental import pallas as pl
from jax.experimental.pallas import tpu as pltpu
from jax.experimental.pallas import tpu_sc as plsc

N = 10000
E = 320000
D_IN = 128
D_H = 128
D_OUT = 64

NP = 10240
CHUNK = 128
PHASES = 2
KP = 40
KPS = 48
KA = PHASES * KP
E_PAD = 32 * KA * CHUNK
ROWS_PER_TILE = NP // 16
NBUF = 2

_mesh = plsc.VectorSubcoreMesh(core_axis_name="c", subcore_axis_name="s")


def _fill_rows(ref, nrows, value):
    vv = jnp.full((16,), value, jnp.float32)

    def body(i, _):
        for d in range(8):
            ref[i, pl.ds(16 * d, 16)] = vv
        return 0

    lax.fori_loop(0, nrows, body, 0)


@functools.partial(
    pl.kernel,
    out_type=jax.ShapeDtypeStruct((2, NP, 128), jnp.float32),
    mesh=_mesh,
    scratch_types=[
        pltpu.VMEM((KP, CHUNK), jnp.int32),
        pltpu.VMEM((CHUNK, 128), jnp.float32),
        pltpu.VMEM_SHARED((NP, 128), jnp.float32),
        pltpu.SemaphoreType.DMA,
    ],
)
def _deg_kernel(dst4_hbm, deg_hbm, dst_v, buf_v, acc_s, sem):
    cid = lax.axis_index("c")
    sid = lax.axis_index("s")
    wid = cid * 16 + sid

    _fill_rows(buf_v, CHUNK, 0.0)
    base = sid * ROWS_PER_TILE
    for k in range(ROWS_PER_TILE // CHUNK):
        pltpu.sync_copy(buf_v, acc_s.at[pl.ds(base + k * CHUNK, CHUNK)])
    _fill_rows(buf_v, CHUNK, 1.0)
    plsc.subcore_barrier()

    def deg_group(j0, _):
        for b in range(8):
            pltpu.async_copy(buf_v, acc_s.at[dst_v.at[j0 + b]], sem, add=True)
        for b in range(8):
            pltpu.make_async_copy(buf_v, acc_s.at[dst_v.at[j0 + b]],
                                  sem).wait()
        return 0

    for ph in range(PHASES):
        pltpu.sync_copy(dst4_hbm.at[wid, ph], dst_v)
        lax.fori_loop(0, KP // 8, lambda i, c: deg_group(i * 8, c), 0)
    plsc.subcore_barrier()

    pltpu.sync_copy(
        acc_s.at[pl.ds(base, ROWS_PER_TILE)],
        deg_hbm.at[cid, pl.ds(base, ROWS_PER_TILE)],
    )


@functools.partial(
    pl.kernel,
    out_type=jax.ShapeDtypeStruct((2, NP, 128), jnp.float32),
    mesh=_mesh,
    scratch_types=[
        pltpu.VMEM((KPS, CHUNK), jnp.int32),
        pltpu.VMEM((KP, CHUNK), jnp.int32),
        [pltpu.VMEM((CHUNK, 128), jnp.float32)] * NBUF,
        pltpu.VMEM_SHARED((NP, 128), jnp.float32),
        [pltpu.SemaphoreType.DMA] * NBUF,
        [pltpu.SemaphoreType.DMA] * NBUF,
    ],
)
def _edge_kernel(g_hbm, src4_hbm, dst4_hbm, agg_hbm,
                 src_v, dst_v, rows, acc_s, gsem, ssem):
    cid = lax.axis_index("c")
    sid = lax.axis_index("s")
    wid = cid * 16 + sid

    _fill_rows(rows[0], CHUNK, 0.0)
    base = sid * ROWS_PER_TILE
    for k in range(ROWS_PER_TILE // CHUNK):
        pltpu.sync_copy(rows[0], acc_s.at[pl.ds(base + k * CHUNK, CHUNK)])
    plsc.subcore_barrier()

    def edge_pair(j0, _):
        H = CHUNK // 2
        ds = []
        for b in range(NBUF):
            j = j0 + b
            ds.append(pltpu.async_copy(
                g_hbm.at[src_v.at[j, pl.ds(0, H)]],
                rows[b].at[pl.ds(0, H)], gsem[b]))
            ds.append(pltpu.async_copy(
                g_hbm.at[src_v.at[j, pl.ds(H, H)]],
                rows[b].at[pl.ds(H, H)], gsem[b]))
        for b in range(NBUF):
            ds[2 * b].wait()
            ds[2 * b + 1].wait()
            pltpu.sync_copy(rows[b], acc_s.at[dst_v.at[j0 + b]], add=True)
        return 0

    for ph in range(PHASES):
        pltpu.sync_copy(src4_hbm.at[wid, ph], src_v)
        pltpu.sync_copy(dst4_hbm.at[wid, ph], dst_v)
        lax.fori_loop(0, KP // 2, lambda i, c: edge_pair(i * 2, c), 0)
    plsc.subcore_barrier()

    pltpu.sync_copy(
        acc_s.at[pl.ds(base, ROWS_PER_TILE)],
        agg_hbm.at[cid, pl.ds(base, ROWS_PER_TILE)],
    )


BLK = 1024
GRID = NP // BLK


def _dinv_blk(d0_ref, d1_ref):
    deg = d0_ref[:, 0] + d1_ref[:, 0] + 1.0
    return 1.0 / jnp.sqrt(deg)


def _tc_first_body(x_ref, w_ref, d0_ref, d1_ref, g_ref):
    dinv = _dinv_blk(d0_ref, d1_ref)
    h = jnp.dot(x_ref[...], w_ref[...], preferred_element_type=jnp.float32)
    g_ref[...] = h * dinv[:, None]


def _tc_mid_body(a0_ref, a1_ref, g_ref, d0_ref, d1_ref,
                 w_ref, s_ref, t_ref, o_ref):
    dinv = _dinv_blk(d0_ref, d1_ref)
    u = (a0_ref[...] + a1_ref[...] + g_ref[...]) * dinv[:, None]
    h = jnp.maximum(u * s_ref[...] + t_ref[...], 0.0)
    o_ref[...] = jnp.dot(
        h, w_ref[...], preferred_element_type=jnp.float32) * dinv[:, None]


def _tc_last_body(a0_ref, a1_ref, g_ref, d0_ref, d1_ref, b_ref, out_ref):
    dinv = _dinv_blk(d0_ref, d1_ref)
    z = ((a0_ref[...] + a1_ref[...] + g_ref[...]) * dinv[:, None])[:, :D_OUT]
    z = z + b_ref[...]
    m = jnp.max(z, axis=1, keepdims=True)
    zs = z - m
    out_ref[...] = zs - jnp.log(jnp.sum(jnp.exp(zs), axis=1, keepdims=True))


def _row_spec(w):
    return pl.BlockSpec((BLK, w), lambda i: (i, 0))


def _full_spec(shape):
    return pl.BlockSpec(shape, lambda i: tuple(0 for _ in shape))


def _mid_call(a2, g, d0, d1, w, s, t):
    return pl.pallas_call(
        _tc_mid_body,
        grid=(GRID,),
        in_specs=[_row_spec(128), _row_spec(128), _row_spec(128),
                  _row_spec(16), _row_spec(16), _full_spec((128, 128)),
                  _full_spec((1, 128)), _full_spec((1, 128))],
        out_specs=_row_spec(128),
        out_shape=jax.ShapeDtypeStruct((NP, 128), jnp.float32),
    )(a2[0], a2[1], g, d0, d1, w, s, t)


def kernel(x, edge_index, W1, b1, g1, be1, W2, b2, g2, be2, W3, b3):
    f32 = jnp.float32
    src = edge_index[0].astype(jnp.int32)
    dst = edge_index[1].astype(jnp.int32)
    pad = jnp.full((E_PAD - E,), N, jnp.int32)
    src4 = jnp.concatenate([src, pad]).reshape(32, PHASES, KP, CHUNK)
    src4 = jnp.pad(src4, ((0, 0), (0, 0), (0, KPS - KP), (0, 0)),
                   constant_values=N)
    dst4 = jnp.concatenate([dst, pad]).reshape(32, PHASES, KP, CHUNK)

    xp = jnp.zeros((NP, D_IN), f32).at[:N].set(x)

    deg2 = _deg_kernel(dst4)
    d0 = deg2[0, :, :16]
    d1 = deg2[1, :, :16]

    bn_c = 1.0 / math.sqrt(1.0 + 1e-5)
    s1 = (g1 * bn_c).reshape(1, D_H)
    t1 = (b1 * g1 * bn_c + be1).reshape(1, D_H)
    s2 = (g2 * bn_c).reshape(1, D_H)
    t2 = (b2 * g2 * bn_c + be2).reshape(1, D_H)
    b3r = b3.reshape(1, D_OUT)
    W3p = jnp.zeros((D_H, 128), f32).at[:, :D_OUT].set(W3)

    ga = pl.pallas_call(
        _tc_first_body,
        grid=(GRID,),
        in_specs=[_row_spec(128), _full_spec((128, 128)),
                  _row_spec(16), _row_spec(16)],
        out_specs=_row_spec(128),
        out_shape=jax.ShapeDtypeStruct((NP, 128), f32),
    )(xp, W1, d0, d1)

    agg1 = _edge_kernel(ga, src4, dst4)
    gb = _mid_call(agg1, ga, d0, d1, W2, s1, t1)
    agg2 = _edge_kernel(gb, src4, dst4)
    gc = _mid_call(agg2, gb, d0, d1, W3p, s2, t2)
    agg3 = _edge_kernel(gc, src4, dst4)

    out = pl.pallas_call(
        _tc_last_body,
        grid=(GRID,),
        in_specs=[_row_spec(128), _row_spec(128), _row_spec(128),
                  _row_spec(16), _row_spec(16), _full_spec((1, 64))],
        out_specs=_row_spec(64),
        out_shape=jax.ShapeDtypeStruct((NP, 64), f32),
    )(agg3[0], agg3[1], gc, d0, d1, b3r)

    return out[:N]

# --- scband reference (transcript-rebuilt; emitter-appended) ---
"""Pipeline reference for scband-dgnn-40510131536131 (READ-ONLY COPY).

The authoritative reference and input builder live on the scoring server;
editing this copy changes nothing except your own understanding.
"""

import jax, jax.numpy as jnp
import numpy as np

N = 10000
E = 320000
D_IN = 128
D_H = 128
D_OUT = 64


def gcn_conv(x, edge_index, W, b):
    n = x.shape[0]
    src = edge_index[0]
    dst = edge_index[1]
    loop = jnp.arange(n, dtype=edge_index.dtype)
    src = jnp.concatenate([src, loop])
    dst = jnp.concatenate([dst, loop])
    deg = jnp.zeros((n,), dtype=x.dtype).at[dst].add(1.0)
    dinv = jnp.where(deg > 0, 1.0 / jnp.sqrt(deg), 0.0)
    norm = dinv[src] * dinv[dst]
    h = x @ W
    msg = h[src] * norm[:, None]
    out = jnp.zeros((n, W.shape[1]), dtype=x.dtype).at[dst].add(msg)
    return out + b


def bn_eval(x, gamma, beta, eps=1e-5):
    # BatchNorm1d in eval mode with running_mean=0, running_var=1
    return (x - 0.0) / jnp.sqrt(1.0 + eps) * gamma + beta


def setup_inputs(seed: int = 0) -> dict:
    key = jax.random.key(seed)
    ks = jax.random.split(key, 10)
    x = jax.random.normal(ks[0], (N, D_IN), dtype=jnp.float32)
    edge_index = jax.random.randint(ks[1], (2, E), 0, N, dtype=jnp.int64)
    W1 = jax.random.normal(ks[2], (D_IN, D_H), dtype=jnp.float32) * (1.0 / np.sqrt(D_IN))
    b1 = jnp.zeros((D_H,), dtype=jnp.float32)
    g1 = jnp.ones((D_H,), dtype=jnp.float32)
    be1 = jnp.zeros((D_H,), dtype=jnp.float32)
    W2 = jax.random.normal(ks[3], (D_H, D_H), dtype=jnp.float32) * (1.0 / np.sqrt(D_H))
    b2 = jnp.zeros((D_H,), dtype=jnp.float32)
    g2 = jnp.ones((D_H,), dtype=jnp.float32)
    be2 = jnp.zeros((D_H,), dtype=jnp.float32)
    W3 = jax.random.normal(ks[4], (D_H, D_OUT), dtype=jnp.float32) * (1.0 / np.sqrt(D_H))
    b3 = jnp.zeros((D_OUT,), dtype=jnp.float32)
    return {"x": x, "edge_index": edge_index, "W1": W1, "b1": b1, "g1": g1, "be1": be1,
            "W2": W2, "b2": b2, "g2": g2, "be2": be2, "W3": W3, "b3": b3}


def reference(x, edge_index, W1, b1, g1, be1, W2, b2, g2, be2, W3, b3):
    # GCNConv -> BN(eval) -> relu -> (dropout=identity in eval)
    h = gcn_conv(x, edge_index, W1, b1)
    h = bn_eval(h, g1, be1)
    h = jax.nn.relu(h)
    h = gcn_conv(h, edge_index, W2, b2)
    h = bn_eval(h, g2, be2)
    h = jax.nn.relu(h)
    h = gcn_conv(h, edge_index, W3, b3)
    return jax.nn.log_softmax(h, axis=1)

if __name__ == "__main__":
    import jax
    _d = setup_inputs()
    print(jax.jit(kernel)(*tuple(_d.values())))

</pallas_src>

<mosaic_0001>
#map = affine_map<(d0, d1) -> (0, 0, 0, 0)>
#map1 = affine_map<(d0, d1) -> (0, 0, 0)>
module attributes {stable_mosaic.version = 14 : i64} {
  func.func @_deg_kernel(%arg0: i32, %arg1: i32, %arg2: memref<32x2x40x128xi32, #tpu.memory_space<hbm>>, %arg3: memref<2x10240x128xf32, #tpu.memory_space<hbm>>, %arg4: memref<40x128xi32, #tpu.memory_space<vmem>>, %arg5: memref<128x128xf32, #tpu.memory_space<vmem>>, %arg6: memref<10240x128xf32, #tpu.memory_space<vmem_shared>>, %arg7: memref<!tpu.dma_semaphore, #tpu.memory_space<semaphore_mem>>) attributes {dimension_semantics = [#tpu.dimension_semantics<core_parallel>, #tpu.dimension_semantics<subcore_parallel>], iteration_bounds = array<i64: 2, 16>, scalar_prefetch = 0 : i64, scratch_operands = 4 : i64, tpu.core_type = #tpu.core_type<sc_vector_subcore>, window_params = [{transform_indices = #map}, {transform_indices = #map1}]} {
    %mul3A = arith.constant 16 : i32
    %mul3A_0 = arith.muli %arg0, %mul3A : i32
    %add3A = arith.addi %mul3A_0, %arg1 : i32
    %broadcast_in_dim3A = arith.constant 0.000000e+00 : f32
    %broadcast_in_dim3A_1 = vector.broadcast %broadcast_in_dim3A : f32 to vector<16xf32>
    %scan3A = arith.constant 0 : i32
    %scan3A_2 = arith.constant 0 : i32
    %scan3A_3 = arith.constant 128 : i32
    %scan3A_4 = arith.addi %scan3A_2, %scan3A_3 : i32
    %scan3A_5 = arith.constant 1 : i32
    %scan3A_6 = scf.for %scan3A_45 = %scan3A_2 to %scan3A_4 step %scan3A_5 iter_args(%scan3A_46 = %scan3A) -> (i32)  : i32 {
      %swap3A = arith.index_cast %scan3A_45 : i32 to index
      %swap3A_47 = arith.constant 0 : index
      %swap3A_48 = tpu.vector_load %arg5[%swap3A, %swap3A_47] {strides = array<i32>} : memref<128x128xf32, #tpu.memory_space<vmem>>, vector<1x16xf32>,
      %swap3A_49 = vector.shape_cast %swap3A_48 : vector<1x16xf32> to vector<16xf32>
      %swap3A_50 = vector.shape_cast %broadcast_in_dim3A_1 : vector<16xf32> to vector<1x16xf32>
      tpu.vector_store %arg5[%swap3A, %swap3A_47], %swap3A_50 {strides = array<i32>} : memref<128x128xf32, #tpu.memory_space<vmem>>, vector<1x16xf32>,
      %swap3A_51 = arith.index_cast %scan3A_45 : i32 to index
      %swap3A_52 = arith.constant 16 : index
      %swap3A_53 = tpu.vector_load %arg5[%swap3A_51, %swap3A_52] {strides = array<i32>} : memref<128x128xf32, #tpu.memory_space<vmem>>, vector<1x16xf32>,
      %swap3A_54 = vector.shape_cast %swap3A_53 : vector<1x16xf32> to vector<16xf32>
      %swap3A_55 = vector.shape_cast %broadcast_in_dim3A_1 : vector<16xf32> to vector<1x16xf32>
      tpu.vector_store %arg5[%swap3A_51, %swap3A_52], %swap3A_55 {strides = array<i32>} : memref<128x128xf32, #tpu.memory_space<vmem>>, vector<1x16xf32>,
      %swap3A_56 = arith.index_cast %scan3A_45 : i32 to index
      %swap3A_57 = arith.constant 32 : index
      %swap3A_58 = tpu.vector_load %arg5[%swap3A_56, %swap3A_57] {strides = array<i32>} : memref<128x128xf32, #tpu.memory_space<vmem>>, vector<1x16xf32>,
      %swap3A_59 = vector.shape_cast %swap3A_58 : vector<1x16xf32> to vector<16xf32>
      %swap3A_60 = vector.shape_cast %broadcast_in_dim3A_1 : vector<16xf32> to vector<1x16xf32>
      tpu.vector_store %arg5[%swap3A_56, %swap3A_57], %swap3A_60 {strides = array<i32>} : memref<128x128xf32, #tpu.memory_space<vmem>>, vector<1x16xf32>,
      %swap3A_61 = arith.index_cast %scan3A_45 : i32 to index
      %swap3A_62 = arith.constant 48 : index
      %swap3A_63 = tpu.vector_load %arg5[%swap3A_61, %swap3A_62] {strides = array<i32>} : memref<128x128xf32, #tpu.memory_space<vmem>>, vector<1x16xf32>,
      %swap3A_64 = vector.shape_cast %swap3A_63 : vector<1x16xf32> to vector<16xf32>
      %swap3A_65 = vector.shape_cast %broadcast_in_dim3A_1 : vector<16xf32> to vector<1x16xf32>
      tpu.vector_store %arg5[%swap3A_61, %swap3A_62], %swap3A_65 {strides = array<i32>} : memref<128x128xf32, #tpu.memory_space<vmem>>, vector<1x16xf32>,
      %swap3A_66 = arith.index_cast %scan3A_45 : i32 to index
      %swap3A_67 = arith.constant 64 : index
      %swap3A_68 = tpu.vector_load %arg5[%swap3A_66, %swap3A_67] {strides = array<i32>} : memref<128x128xf32, #tpu.memory_space<vmem>>, vector<1x16xf32>,
      %swap3A_69 = vector.shape_cast %swap3A_68 : vector<1x16xf32> to vector<16xf32>
      %swap3A_70 = vector.shape_cast %broadcast_in_dim3A_1 : vector<16xf32> to vector<1x16xf32>
      tpu.vector_store %arg5[%swap3A_66, %swap3A_67], %swap3A_70 {strides = array<i32>} : memref<128x128xf32, #tpu.memory_space<vmem>>, vector<1x16xf32>,
      %swap3A_71 = arith.index_cast %scan3A_45 : i32 to index
      %swap3A_72 = arith.constant 80 : index
      %swap3A_73 = tpu.vector_load %arg5[%swap3A_71, %swap3A_72] {strides = array<i32>} : memref<128x128xf32, #tpu.memory_space<vmem>>, vector<1x16xf32>,
      %swap3A_74 = vector.shape_cast %swap3A_73 : vector<1x16xf32> to vector<16xf32>
      %swap3A_75 = vector.shape_cast %broadcast_in_dim3A_1 : vector<16xf32> to vector<1x16xf32>
      tpu.vector_store %arg5[%swap3A_71, %swap3A_72], %swap3A_75 {strides = array<i32>} : memref<128x128xf32, #tpu.memory_space<vmem>>, vector<1x16xf32>,
      %swap3A_76 = arith.index_cast %scan3A_45 : i32 to index
      %swap3A_77 = arith.constant 96 : index
      %swap3A_78 = tpu.vector_load %arg5[%swap3A_76, %swap3A_77] {strides = array<i32>} : memref<128x128xf32, #tpu.memory_space<vmem>>, vector<1x16xf32>,
      %swap3A_79 = vector.shape_cast %swap3A_78 : vector<1x16xf32> to vector<16xf32>
      %swap3A_80 = vector.shape_cast %broadcast_in_dim3A_1 : vector<16xf32> to vector<1x16xf32>
      tpu.vector_store %arg5[%swap3A_76, %swap3A_77], %swap3A_80 {strides = array<i32>} : memref<128x128xf32, #tpu.memory_space<vmem>>, vector<1x16xf32>,
      %swap3A_81 = arith.index_cast %scan3A_45 : i32 to index
      %swap3A_82 = arith.constant 112 : index
      %swap3A_83 = tpu.vector_load %arg5[%swap3A_81, %swap3A_82] {strides = array<i32>} : memref<128x128xf32, #tpu.memory_space<vmem>>, vector<1x16xf32>,
      %swap3A_84 = vector.shape_cast %swap3A_83 : vector<1x16xf32> to vector<16xf32>
      %swap3A_85 = vector.shape_cast %broadcast_in_dim3A_1 : vector<16xf32> to vector<1x16xf32>
      tpu.vector_store %arg5[%swap3A_81, %swap3A_82], %swap3A_85 {strides = array<i32>} : memref<128x128xf32, #tpu.memory_space<vmem>>, vector<1x16xf32>,
      %scan3A_86 = arith.constant 0 : i32
      scf.yield %scan3A_86 : i32
    }
    %scan3A_7 = arith.constant 128 : i32
    %mul3A_8 = arith.constant 640 : i32
    %mul3A_9 = arith.muli %arg1, %mul3A_8 : i32
    %add3A_10 = arith.constant 0 : i32
    %add3A_11 = arith.addi %mul3A_9, %add3A_10 : i32
    "tpu.region"() ({
      %run_scoped3A_45 = tpu.sem_alloc : memref<!tpu.dma_semaphore, #tpu.memory_space<semaphore_mem>>
      %dma_start3A = arith.constant 0 : i32
      %dma_start3A_46 = tpu.memref_slice %arg6[%add3A_11, %dma_start3A] : memref<10240x128xf32, #tpu.memory_space<vmem_shared>> -> memref<128x128xf32, #tpu.memory_space<vmem_shared>>
      %dma_start3A_47 = arith.constant 0 : i32
      %dma_start3A_48 = tpu.memref_slice %arg6[%add3A_11, %dma_start3A_47] : memref<10240x128xf32, #tpu.memory_space<vmem_shared>> -> memref<128x128xf32, #tpu.memory_space<vmem_shared>>
      tpu.enqueue_dma source(%arg5 : memref<128x128xf32, #tpu.memory_space<vmem>>) target(%dma_start3A_48 : memref<128x128xf32, #tpu.memory_space<vmem_shared>>) target_semaphore(%run_scoped3A_45 : memref<!tpu.dma_semaphore, #tpu.memory_space<semaphore_mem>>)
      %dma_wait3A = arith.constant 0 : i32
      %dma_wait3A_49 = tpu.memref_slice %arg6[%add3A_11, %dma_wait3A] : memref<10240x128xf32, #tpu.memory_space<vmem_shared>> -> memref<128x128xf32, #tpu.memory_space<vmem_shared>>
      %dma_wait3A_50 = arith.constant 0 : i32
      %dma_wait3A_51 = tpu.memref_slice %arg6[%add3A_11, %dma_wait3A_50] : memref<10240x128xf32, #tpu.memory_space<vmem_shared>> -> memref<128x128xf32, #tpu.memory_space<vmem_shared>>
      tpu.wait_dma2 semaphore(%run_scoped3A_45 : memref<!tpu.dma_semaphore, #tpu.memory_space<semaphore_mem>>) src(%arg5 : memref<128x128xf32, #tpu.memory_space<vmem>>) dst(%dma_wait3A_51 : memref<128x128xf32, #tpu.memory_space<vmem_shared>>)
      tpu.yield
    }) : () -> ()
    %add3A_12 = arith.constant 128 : i32
    %add3A_13 = arith.addi %mul3A_9, %add3A_12 : i32
    "tpu.region"() ({
      %run_scoped3A_45 = tpu.sem_alloc : memref<!tpu.dma_semaphore, #tpu.memory_space<semaphore_mem>>
      %dma_start3A = arith.constant 0 : i32
      %dma_start3A_46 = tpu.memref_slice %arg6[%add3A_13, %dma_start3A] : memref<10240x128xf32, #tpu.memory_space<vmem_shared>> -> memref<128x128xf32, #tpu.memory_space<vmem_shared>>
      %dma_start3A_47 = arith.constant 0 : i32
      %dma_start3A_48 = tpu.memref_slice %arg6[%add3A_13, %dma_start3A_47] : memref<10240x128xf32, #tpu.memory_space<vmem_shared>> -> memref<128x128xf32, #tpu.memory_space<vmem_shared>>
      tpu.enqueue_dma source(%arg5 : memref<128x128xf32, #tpu.memory_space<vmem>>) target(%dma_start3A_48 : memref<128x128xf32, #tpu.memory_space<vmem_shared>>) target_semaphore(%run_scoped3A_45 : memref<!tpu.dma_semaphore, #tpu.memory_space<semaphore_mem>>)
      %dma_wait3A = arith.constant 0 : i32
      %dma_wait3A_49 = tpu.memref_slice %arg6[%add3A_13, %dma_wait3A] : memref<10240x128xf32, #tpu.memory_space<vmem_shared>> -> memref<128x128xf32, #tpu.memory_space<vmem_shared>>
      %dma_wait3A_50 = arith.constant 0 : i32
      %dma_wait3A_51 = tpu.memref_slice %arg6[%add3A_13, %dma_wait3A_50] : memref<10240x128xf32, #tpu.memory_space<vmem_shared>> -> memref<128x128xf32, #tpu.memory_space<vmem_shared>>
      tpu.wait_dma2 semaphore(%run_scoped3A_45 : memref<!tpu.dma_semaphore, #tpu.memory_space<semaphore_mem>>) src(%arg5 : memref<128x128xf32, #tpu.memory_space<vmem>>) dst(%dma_wait3A_51 : memref<128x128xf32, #tpu.memory_space<vmem_shared>>)
      tpu.yield
    }) : () -> ()
    %add3A_14 = arith.constant 256 : i32
    %add3A_15 = arith.addi %mul3A_9, %add3A_14 : i32
    "tpu.region"() ({
      %run_scoped3A_45 = tpu.sem_alloc : memref<!tpu.dma_semaphore, #tpu.memory_space<semaphore_mem>>
      %dma_start3A = arith.constant 0 : i32
      %dma_start3A_46 = tpu.memref_slice %arg6[%add3A_15, %dma_start3A] : memref<10240x128xf32, #tpu.memory_space<vmem_shared>> -> memref<128x128xf32, #tpu.memory_space<vmem_shared>>
      %dma_start3A_47 = arith.constant 0 : i32
      %dma_start3A_48 = tpu.memref_slice %arg6[%add3A_15, %dma_start3A_47] : memref<10240x128xf32, #tpu.memory_space<vmem_shared>> -> memref<128x128xf32, #tpu.memory_space<vmem_shared>>
      tpu.enqueue_dma source(%arg5 : memref<128x128xf32, #tpu.memory_space<vmem>>) target(%dma_start3A_48 : memref<128x128xf32, #tpu.memory_space<vmem_shared>>) target_semaphore(%run_scoped3A_45 : memref<!tpu.dma_semaphore, #tpu.memory_space<semaphore_mem>>)
      %dma_wait3A = arith.constant 0 : i32
      %dma_wait3A_49 = tpu.memref_slice %arg6[%add3A_15, %dma_wait3A] : memref<10240x128xf32, #tpu.memory_space<vmem_shared>> -> memref<128x128xf32, #tpu.memory_space<vmem_shared>>
      %dma_wait3A_50 = arith.constant 0 : i32
      %dma_wait3A_51 = tpu.memref_slice %arg6[%add3A_15, %dma_wait3A_50] : memref<10240x128xf32, #tpu.memory_space<vmem_shared>> -> memref<128x128xf32, #tpu.memory_space<vmem_shared>>
      tpu.wait_dma2 semaphore(%run_scoped3A_45 : memref<!tpu.dma_semaphore, #tpu.memory_space<semaphore_mem>>) src(%arg5 : memref<128x128xf32, #tpu.memory_space<vmem>>) dst(%dma_wait3A_51 : memref<128x128xf32, #tpu.memory_space<vmem_shared>>)
      tpu.yield
    }) : () -> ()
    %add3A_16 = arith.constant 384 : i32
    %add3A_17 = arith.addi %mul3A_9, %add3A_16 : i32
    "tpu.region"() ({
      %run_scoped3A_45 = tpu.sem_alloc : memref<!tpu.dma_semaphore, #tpu.memory_space<semaphore_mem>>
      %dma_start3A = arith.constant 0 : i32
      %dma_start3A_46 = tpu.memref_slice %arg6[%add3A_17, %dma_start3A] : memref<10240x128xf32, #tpu.memory_space<vmem_shared>> -> memref<128x128xf32, #tpu.memory_space<vmem_shared>>
      %dma_start3A_47 = arith.constant 0 : i32
      %dma_start3A_48 = tpu.memref_slice %arg6[%add3A_17, %dma_start3A_47] : memref<10240x128xf32, #tpu.memory_space<vmem_shared>> -> memref<128x128xf32, #tpu.memory_space<vmem_shared>>
      tpu.enqueue_dma source(%arg5 : memref<128x128xf32, #tpu.memory_space<vmem>>) target(%dma_start3A_48 : memref<128x128xf32, #tpu.memory_space<vmem_shared>>) target_semaphore(%run_scoped3A_45 : memref<!tpu.dma_semaphore, #tpu.memory_space<semaphore_mem>>)
      %dma_wait3A = arith.constant 0 : i32
      %dma_wait3A_49 = tpu.memref_slice %arg6[%add3A_17, %dma_wait3A] : memref<10240x128xf32, #tpu.memory_space<vmem_shared>> -> memref<128x128xf32, #tpu.memory_space<vmem_shared>>
      %dma_wait3A_50 = arith.constant 0 : i32
      %dma_wait3A_51 = tpu.memref_slice %arg6[%add3A_17, %dma_wait3A_50] : memref<10240x128xf32, #tpu.memory_space<vmem_shared>> -> memref<128x128xf32, #tpu.memory_space<vmem_shared>>
      tpu.wait_dma2 semaphore(%run_scoped3A_45 : memref<!tpu.dma_semaphore, #tpu.memory_space<semaphore_mem>>) src(%arg5 : memref<128x128xf32, #tpu.memory_space<vmem>>) dst(%dma_wait3A_51 : memref<128x128xf32, #tpu.memory_space<vmem_shared>>)
      tpu.yield
    }) : () -> ()
    %add3A_18 = arith.constant 512 : i32
    %add3A_19 = arith.addi %mul3A_9, %add3A_18 : i32
    "tpu.region"() ({
      %run_scoped3A_45 = tpu.sem_alloc : memref<!tpu.dma_semaphore, #tpu.memory_space<semaphore_mem>>
      %dma_start3A = arith.constant 0 : i32
      %dma_start3A_46 = tpu.memref_slice %arg6[%add3A_19, %dma_start3A] : memref<10240x128xf32, #tpu.memory_space<vmem_shared>> -> memref<128x128xf32, #tpu.memory_space<vmem_shared>>
      %dma_start3A_47 = arith.constant 0 : i32
      %dma_start3A_48 = tpu.memref_slice %arg6[%add3A_19, %dma_start3A_47] : memref<10240x128xf32, #tpu.memory_space<vmem_shared>> -> memref<128x128xf32, #tpu.memory_space<vmem_shared>>
      tpu.enqueue_dma source(%arg5 : memref<128x128xf32, #tpu.memory_space<vmem>>) target(%dma_start3A_48 : memref<128x128xf32, #tpu.memory_space<vmem_shared>>) target_semaphore(%run_scoped3A_45 : memref<!tpu.dma_semaphore, #tpu.memory_space<semaphore_mem>>)
      %dma_wait3A = arith.constant 0 : i32
      %dma_wait3A_49 = tpu.memref_slice %arg6[%add3A_19, %dma_wait3A] : memref<10240x128xf32, #tpu.memory_space<vmem_shared>> -> memref<128x128xf32, #tpu.memory_space<vmem_shared>>
      %dma_wait3A_50 = arith.constant 0 : i32
      %dma_wait3A_51 = tpu.memref_slice %arg6[%add3A_19, %dma_wait3A_50] : memref<10240x128xf32, #tpu.memory_space<vmem_shared>> -> memref<128x128xf32, #tpu.memory_space<vmem_shared>>
      tpu.wait_dma2 semaphore(%run_scoped3A_45 : memref<!tpu.dma_semaphore, #tpu.memory_space<semaphore_mem>>) src(%arg5 : memref<128x128xf32, #tpu.memory_space<vmem>>) dst(%dma_wait3A_51 : memref<128x128xf32, #tpu.memory_space<vmem_shared>>)
      tpu.yield
    }) : () -> ()
    %broadcast_in_dim3A_20 = arith.constant 1.000000e+00 : f32
    %broadcast_in_dim3A_21 = vector.broadcast %broadcast_in_dim3A_20 : f32 to vector<16xf32>
    %scan3A_22 = arith.constant 0 : i32
    %scan3A_23 = arith.constant 0 : i32
    %scan3A_24 = arith.constant 128 : i32
    %scan3A_25 = arith.addi %scan3A_23, %scan3A_24 : i32
    %scan3A_26 = arith.constant 1 : i32
    %scan3A_27 = scf.for %scan3A_45 = %scan3A_23 to %scan3A_25 step %scan3A_26 iter_args(%scan3A_46 = %scan3A_22) -> (i32)  : i32 {
      %swap3A = arith.index_cast %scan3A_45 : i32 to index
      %swap3A_47 = arith.constant 0 : index
      %swap3A_48 = tpu.vector_load %arg5[%swap3A, %swap3A_47] {strides = array<i32>} : memref<128x128xf32, #tpu.memory_space<vmem>>, vector<1x16xf32>,
      %swap3A_49 = vector.shape_cast %swap3A_48 : vector<1x16xf32> to vector<16xf32>
      %swap3A_50 = vector.shape_cast %broadcast_in_dim3A_21 : vector<16xf32> to vector<1x16xf32>
      tpu.vector_store %arg5[%swap3A, %swap3A_47], %swap3A_50 {strides = array<i32>} : memref<128x128xf32, #tpu.memory_space<vmem>>, vector<1x16xf32>,
      %swap3A_51 = arith.index_cast %scan3A_45 : i32 to index
      %swap3A_52 = arith.constant 16 : index
      %swap3A_53 = tpu.vector_load %arg5[%swap3A_51, %swap3A_52] {strides = array<i32>} : memref<128x128xf32, #tpu.memory_space<vmem>>, vector<1x16xf32>,
      %swap3A_54 = vector.shape_cast %swap3A_53 : vector<1x16xf32> to vector<16xf32>
      %swap3A_55 = vector.shape_cast %broadcast_in_dim3A_21 : vector<16xf32> to vector<1x16xf32>
      tpu.vector_store %arg5[%swap3A_51, %swap3A_52], %swap3A_55 {strides = array<i32>} : memref<128x128xf32, #tpu.memory_space<vmem>>, vector<1x16xf32>,
      %swap3A_56 = arith.index_cast %scan3A_45 : i32 to index
      %swap3A_57 = arith.constant 32 : index
      %swap3A_58 = tpu.vector_load %arg5[%swap3A_56, %swap3A_57] {strides = array<i32>} : memref<128x128xf32, #tpu.memory_space<vmem>>, vector<1x16xf32>,
      %swap3A_59 = vector.shape_cast %swap3A_58 : vector<1x16xf32> to vector<16xf32>
      %swap3A_60 = vector.shape_cast %broadcast_in_dim3A_21 : vector<16xf32> to vector<1x16xf32>
      tpu.vector_store %arg5[%swap3A_56, %swap3A_57], %swap3A_60 {strides = array<i32>} : memref<128x128xf32, #tpu.memory_space<vmem>>, vector<1x16xf32>,
      %swap3A_61 = arith.index_cast %scan3A_45 : i32 to index
      %swap3A_62 = arith.constant 48 : index
      %swap3A_63 = tpu.vector_load %arg5[%swap3A_61, %swap3A_62] {strides = array<i32>} : memref<128x128xf32, #tpu.memory_space<vmem>>, vector<1x16xf32>,
      %swap3A_64 = vector.shape_cast %swap3A_63 : vector<1x16xf32> to vector<16xf32>
      %swap3A_65 = vector.shape_cast %broadcast_in_dim3A_21 : vector<16xf32> to vector<1x16xf32>
      tpu.vector_store %arg5[%swap3A_61, %swap3A_62], %swap3A_65 {strides = array<i32>} : memref<128x128xf32, #tpu.memory_space<vmem>>, vector<1x16xf32>,
      %swap3A_66 = arith.index_cast %scan3A_45 : i32 to index
      %swap3A_67 = arith.constant 64 : index
      %swap3A_68 = tpu.vector_load %arg5[%swap3A_66, %swap3A_67] {strides = array<i32>} : memref<128x128xf32, #tpu.memory_space<vmem>>, vector<1x16xf32>,
      %swap3A_69 = vector.shape_cast %swap3A_68 : vector<1x16xf32> to vector<16xf32>
      %swap3A_70 = vector.shape_cast %broadcast_in_dim3A_21 : vector<16xf32> to vector<1x16xf32>
      tpu.vector_store %arg5[%swap3A_66, %swap3A_67], %swap3A_70 {strides = array<i32>} : memref<128x128xf32, #tpu.memory_space<vmem>>, vector<1x16xf32>,
      %swap3A_71 = arith.index_cast %scan3A_45 : i32 to index
      %swap3A_72 = arith.constant 80 : index
      %swap3A_73 = tpu.vector_load %arg5[%swap3A_71, %swap3A_72] {strides = array<i32>} : memref<128x128xf32, #tpu.memory_space<vmem>>, vector<1x16xf32>,
      %swap3A_74 = vector.shape_cast %swap3A_73 : vector<1x16xf32> to vector<16xf32>
      %swap3A_75 = vector.shape_cast %broadcast_in_dim3A_21 : vector<16xf32> to vector<1x16xf32>
      tpu.vector_store %arg5[%swap3A_71, %swap3A_72], %swap3A_75 {strides = array<i32>} : memref<128x128xf32, #tpu.memory_space<vmem>>, vector<1x16xf32>,
      %swap3A_76 = arith.index_cast %scan3A_45 : i32 to index
      %swap3A_77 = arith.constant 96 : index
      %swap3A_78 = tpu.vector_load %arg5[%swap3A_76, %swap3A_77] {strides = array<i32>} : memref<128x128xf32, #tpu.memory_space<vmem>>, vector<1x16xf32>,
      %swap3A_79 = vector.shape_cast %swap3A_78 : vector<1x16xf32> to vector<16xf32>
      %swap3A_80 = vector.shape_cast %broadcast_in_dim3A_21 : vector<16xf32> to vector<1x16xf32>
      tpu.vector_store %arg5[%swap3A_76, %swap3A_77], %swap3A_80 {strides = array<i32>} : memref<128x128xf32, #tpu.memory_space<vmem>>, vector<1x16xf32>,
      %swap3A_81 = arith.index_cast %scan3A_45 : i32 to index
      %swap3A_82 = arith.constant 112 : index
      %swap3A_83 = tpu.vector_load %arg5[%swap3A_81, %swap3A_82] {strides = array<i32>} : memref<128x128xf32, #tpu.memory_space<vmem>>, vector<1x16xf32>,
      %swap3A_84 = vector.shape_cast %swap3A_83 : vector<1x16xf32> to vector<16xf32>
      %swap3A_85 = vector.shape_cast %broadcast_in_dim3A_21 : vector<16xf32> to vector<1x16xf32>
      tpu.vector_store %arg5[%swap3A_81, %swap3A_82], %swap3A_85 {strides = array<i32>} : memref<128x128xf32, #tpu.memory_space<vmem>>, vector<1x16xf32>,
      %scan3A_86 = arith.constant 0 : i32
      scf.yield %scan3A_86 : i32
    }
    %scan3A_28 = arith.constant 128 : i32
    %barrier3A = arith.constant 0 : index
    tpu.barrier barrier_id(%barrier3A)
    %run_scoped3A = arith.constant 0 : i32
    "tpu.region"() ({
      %run_scoped3A_45 = tpu.sem_alloc : memref<!tpu.dma_semaphore, #tpu.memory_space<semaphore_mem>>
      %dma_start3A = arith.constant 0 : i32
      %dma_start3A_46 = arith.constant 0 : i32
      %dma_start3A_47 = tpu.memref_slice %arg2[%add3A, %run_scoped3A, %dma_start3A, %dma_start3A_46] : memref<32x2x40x128xi32, #tpu.memory_space<hbm>> -> memref<1x1x40x128xi32, #tpu.memory_space<hbm>>
      %dma_start3A_48 = tpu.memref_squeeze %dma_start3A_47 : memref<1x1x40x128xi32, #tpu.memory_space<hbm>> -> memref<40x128xi32, #tpu.memory_space<hbm>>
      %dma_start3A_49 = arith.constant 0 : i32
      %dma_start3A_50 = arith.constant 0 : i32
      %dma_start3A_51 = tpu.memref_slice %arg2[%add3A, %run_scoped3A, %dma_start3A_49, %dma_start3A_50] : memref<32x2x40x128xi32, #tpu.memory_space<hbm>> -> memref<1x1x40x128xi32, #tpu.memory_space<hbm>>
      %dma_start3A_52 = tpu.memref_squeeze %dma_start3A_51 : memref<1x1x40x128xi32, #tpu.memory_space<hbm>> -> memref<40x128xi32, #tpu.memory_space<hbm>>
      tpu.enqueue_dma source(%dma_start3A_52 : memref<40x128xi32, #tpu.memory_space<hbm>>) target(%arg4 : memref<40x128xi32, #tpu.memory_space<vmem>>) target_semaphore(%run_scoped3A_45 : memref<!tpu.dma_semaphore, #tpu.memory_space<semaphore_mem>>)
      %dma_wait3A = arith.constant 0 : i32
      %dma_wait3A_53 = arith.constant 0 : i32
      %dma_wait3A_54 = tpu.memref_slice %arg2[%add3A, %run_scoped3A, %dma_wait3A, %dma_wait3A_53] : memref<32x2x40x128xi32, #tpu.memory_space<hbm>> -> memref<1x1x40x128xi32, #tpu.memory_space<hbm>>
      %dma_wait3A_55 = tpu.memref_squeeze %dma_wait3A_54 : memref<1x1x40x128xi32, #tpu.memory_space<hbm>> -> memref<40x128xi32, #tpu.memory_space<hbm>>
      %dma_wait3A_56 = arith.constant 0 : i32
      %dma_wait3A_57 = arith.constant 0 : i32
      %dma_wait3A_58 = tpu.memref_slice %arg2[%add3A, %run_scoped3A, %dma_wait3A_56, %dma_wait3A_57] : memref<32x2x40x128xi32, #tpu.memory_space<hbm>> -> memref<1x1x40x128xi32, #tpu.memory_space<hbm>>
      %dma_wait3A_59 = tpu.memref_squeeze %dma_wait3A_58 : memref<1x1x40x128xi32, #tpu.memory_space<hbm>> -> memref<40x128xi32, #tpu.memory_space<hbm>>
      tpu.wait_dma2 semaphore(%run_scoped3A_45 : memref<!tpu.dma_semaphore, #tpu.memory_space<semaphore_mem>>) src(%dma_wait3A_59 : memref<40x128xi32, #tpu.memory_space<hbm>>) dst(%arg4 : memref<40x128xi32, #tpu.memory_space<vmem>>)
      tpu.yield
    }) : () -> ()
    %scan3A_29 = arith.constant 0 : i32
    %scan3A_30 = arith.constant 0 : i32
    %scan3A_31 = arith.constant 5 : i32
    %scan3A_32 = arith.addi %scan3A_30, %scan3A_31 : i32
    %scan3A_33 = arith.constant 1 : i32
    %scan3A_34 = scf.for %scan3A_45 = %scan3A_30 to %scan3A_32 step %scan3A_33 iter_args(%scan3A_46 = %scan3A_29) -> (i32)  : i32 {
      %mul3A_47 = arith.constant 8 : i32
      %mul3A_48 = arith.muli %scan3A_45, %mul3A_47 : i32
      %add3A_49 = arith.constant 0 : i32
      %add3A_50 = arith.addi %mul3A_48, %add3A_49 : i32
      %dma_start3A = arith.constant 0 : i32
      %dma_start3A_51 = tpu.memref_slice %arg4[%add3A_50, %dma_start3A] : memref<40x128xi32, #tpu.memory_space<vmem>> -> memref<1x128xi32, #tpu.memory_space<vmem>>
      %dma_start3A_52 = tpu.memref_squeeze %dma_start3A_51 : memref<1x128xi32, #tpu.memory_space<vmem>> -> memref<128xi32, #tpu.memory_space<vmem>>
      %dma_start3A_53 = arith.constant 0 : i32
      %dma_start3A_54 = arith.constant 0 : i32
      %dma_start3A_55 = tpu.memref_slice %arg6[%dma_start3A_53, %dma_start3A_54] : memref<10240x128xf32, #tpu.memory_space<vmem_shared>> -> memref<10240x128xf32, #tpu.memory_space<vmem_shared>>
      tpu.enqueue_indirect_dma source(%arg5 : memref<128x128xf32, #tpu.memory_space<vmem>>) target(%dma_start3A_55 : memref<10240x128xf32, #tpu.memory_space<vmem_shared>>) offsets(%dma_start3A_52 : memref<128xi32, #tpu.memory_space<vmem>>) semaphore(%arg7 : memref<!tpu.dma_semaphore, #tpu.memory_space<semaphore_mem>>) {add = true}
      %add3A_56 = arith.constant 1 : i32
      %add3A_57 = arith.addi %mul3A_48, %add3A_56 : i32
      %dma_start3A_58 = arith.constant 0 : i32
      %dma_start3A_59 = tpu.memref_slice %arg4[%add3A_57, %dma_start3A_58] : memref<40x128xi32, #tpu.memory_space<vmem>> -> memref<1x128xi32, #tpu.memory_space<vmem>>
      %dma_start3A_60 = tpu.memref_squeeze %dma_start3A_59 : memref<1x128xi32, #tpu.memory_space<vmem>> -> memref<128xi32, #tpu.memory_space<vmem>>
      %dma_start3A_61 = arith.constant 0 : i32
      %dma_start3A_62 = arith.constant 0 : i32
      %dma_start3A_63 = tpu.memref_slice %arg6[%dma_start3A_61, %dma_start3A_62] : memref<10240x128xf32, #tpu.memory_space<vmem_shared>> -> memref<10240x128xf32, #tpu.memory_space<vmem_shared>>
      tpu.enqueue_indirect_dma source(%arg5 : memref<128x128xf32, #tpu.memory_space<vmem>>) target(%dma_start3A_63 : memref<10240x128xf32, #tpu.memory_space<vmem_shared>>) offsets(%dma_start3A_60 : memref<128xi32, #tpu.memory_space<vmem>>) semaphore(%arg7 : memref<!tpu.dma_semaphore, #tpu.memory_space<semaphore_mem>>) {add = true}
      %add3A_64 = arith.constant 2 : i32
      %add3A_65 = arith.addi %mul3A_48, %add3A_64 : i32
      %dma_start3A_66 = arith.constant 0 : i32
      %dma_start3A_67 = tpu.memref_slice %arg4[%add3A_65, %dma_start3A_66] : memref<40x128xi32, #tpu.memory_space<vmem>> -> memref<1x128xi32, #tpu.memory_space<vmem>>
      %dma_start3A_68 = tpu.memref_squeeze %dma_start3A_67 : memref<1x128xi32, #tpu.memory_space<vmem>> -> memref<128xi32, #tpu.memory_space<vmem>>
      %dma_start3A_69 = arith.constant 0 : i32
      %dma_start3A_70 = arith.constant 0 : i32
      %dma_start3A_71 = tpu.memref_slice %arg6[%dma_start3A_69, %dma_start3A_70] : memref<10240x128xf32, #tpu.memory_space<vmem_shared>> -> memref<10240x128xf32, #tpu.memory_space<vmem_shared>>
      tpu.enqueue_indirect_dma source(%arg5 : memref<128x128xf32, #tpu.memory_space<vmem>>) target(%dma_start3A_71 : memref<10240x128xf32, #tpu.memory_space<vmem_shared>>) offsets(%dma_start3A_68 : memref<128xi32, #tpu.memory_space<vmem>>) semaphore(%arg7 : memref<!tpu.dma_semaphore, #tpu.memory_space<semaphore_mem>>) {add = true}
      %add3A_72 = arith.constant 3 : i32
      %add3A_73 = arith.addi %mul3A_48, %add3A_72 : i32
      %dma_start3A_74 = arith.constant 0 : i32
      %dma_start3A_75 = tpu.memref_slice %arg4[%add3A_73, %dma_start3A_74] : memref<40x128xi32, #tpu.memory_space<vmem>> -> memref<1x128xi32, #tpu.memory_space<vmem>>
      %dma_start3A_76 = tpu.memref_squeeze %dma_start3A_75 : memref<1x128xi32, #tpu.memory_space<vmem>> -> memref<128xi32, #tpu.memory_space<vmem>>
      %dma_start3A_77 = arith.constant 0 : i32
      %dma_start3A_78 = arith.constant 0 : i32
      %dma_start3A_79 = tpu.memref_slice %arg6[%dma_start3A_77, %dma_start3A_78] : memref<10240x128xf32, #tpu.memory_space<vmem_shared>> -> memref<10240x128xf32, #tpu.memory_space<vmem_shared>>
      tpu.enqueue_indirect_dma source(%arg5 : memref<128x128xf32, #tpu.memory_space<vmem>>) target(%dma_start3A_79 : memref<10240x128xf32, #tpu.memory_space<vmem_shared>>) offsets(%dma_start3A_76 : memref<128xi32, #tpu.memory_space<vmem>>) semaphore(%arg7 : memref<!tpu.dma_semaphore, #tpu.memory_space<semaphore_mem>>) {add = true}
      %add3A_80 = arith.constant 4 : i32
      %add3A_81 = arith.addi %mul3A_48, %add3A_80 : i32
      %dma_start3A_82 = arith.constant 0 : i32
      %dma_start3A_83 = tpu.memref_slice %arg4[%add3A_81, %dma_start3A_82] : memref<40x128xi32, #tpu.memory_space<vmem>> -> memref<1x128xi32, #tpu.memory_space<vmem>>
      %dma_start3A_84 = tpu.memref_squeeze %dma_start3A_83 : memref<1x128xi32, #tpu.memory_space<vmem>> -> memref<128xi32, #tpu.memory_space<vmem>>
      %dma_start3A_85 = arith.constant 0 : i32
      %dma_start3A_86 = arith.constant 0 : i32
      %dma_start3A_87 = tpu.memref_slice %arg6[%dma_start3A_85, %dma_start3A_86] : memref<10240x128xf32, #tpu.memory_space<vmem_shared>> -> memref<10240x128xf32, #tpu.memory_space<vmem_shared>>
      tpu.enqueue_indirect_dma source(%arg5 : memref<128x128xf32, #tpu.memory_space<vmem>>) target(%dma_start3A_87 : memref<10240x128xf32, #tpu.memory_space<vmem_shared>>) offsets(%dma_start3A_84 : memref<128xi32, #tpu.memory_space<vmem>>) semaphore(%arg7 : memref<!tpu.dma_semaphore, #tpu.memory_space<semaphore_mem>>) {add = true}
      %add3A_88 = arith.constant 5 : i32
      %add3A_89 = arith.addi %mul3A_48, %add3A_88 : i32
      %dma_start3A_90 = arith.constant 0 : i32
      %dma_start3A_91 = tpu.memref_slice %arg4[%add3A_89, %dma_start3A_90] : memref<40x128xi32, #tpu.memory_space<vmem>> -> memref<1x128xi32, #tpu.memory_space<vmem>>
      %dma_start3A_92 = tpu.memref_squeeze %dma_start3A_91 : memref<1x128xi32, #tpu.memory_space<vmem>> -> memref<128xi32, #tpu.memory_space<vmem>>
      %dma_start3A_93 = arith.constant 0 : i32
      %dma_start3A_94 = arith.constant 0 : i32
      %dma_start3A_95 = tpu.memref_slice %arg6[%dma_start3A_93, %dma_start3A_94] : memref<10240x128xf32, #tpu.memory_space<vmem_shared>> -> memref<10240x128xf32, #tpu.memory_space<vmem_shared>>
      tpu.enqueue_indirect_dma source(%arg5 : memref<128x128xf32, #tpu.memory_space<vmem>>) target(%dma_start3A_95 : memref<10240x128xf32, #tpu.memory_space<vmem_shared>>) offsets(%dma_start3A_92 : memref<128xi32, #tpu.memory_space<vmem>>) semaphore(%arg7 : memref<!tpu.dma_semaphore, #tpu.memory_space<semaphore_mem>>) {add = true}
      %add3A_96 = arith.constant 6 : i32
      %add3A_97 = arith.addi %mul3A_48, %add3A_96 : i32
      %dma_start3A_98 = arith.constant 0 : i32
      %dma_start3A_99 = tpu.memref_slice %arg4[%add3A_97, %dma_start3A_98] : memref<40x128xi32, #tpu.memory_space<vmem>> -> memref<1x128xi32, #tpu.memory_space<vmem>>
      %dma_start3A_100 = tpu.memref_squeeze %dma_start3A_99 : memref<1x128xi32, #tpu.memory_space<vmem>> -> memref<128xi32, #tpu.memory_space<vmem>>
      %dma_start3A_101 = arith.constant 0 : i32
      %dma_start3A_102 = arith.constant 0 : i32
      %dma_start3A_103 = tpu.memref_slice %arg6[%dma_start3A_101, %dma_start3A_102] : memref<10240x128xf32, #tpu.memory_space<vmem_shared>> -> memref<10240x128xf32, #tpu.memory_space<vmem_shared>>
      tpu.enqueue_indirect_dma source(%arg5 : memref<128x128xf32, #tpu.memory_space<vmem>>) target(%dma_start3A_103 : memref<10240x128xf32, #tpu.memory_space<vmem_shared>>) offsets(%dma_start3A_100 : memref<128xi32, #tpu.memory_space<vmem>>) semaphore(%arg7 : memref<!tpu.dma_semaphore, #tpu.memory_space<semaphore_mem>>) {add = true}
      %add3A_104 = arith.constant 7 : i32
      %add3A_105 = arith.addi %mul3A_48, %add3A_104 : i32
      %dma_start3A_106 = arith.constant 0 : i32
      %dma_start3A_107 = tpu.memref_slice %arg4[%add3A_105, %dma_start3A_106] : memref<40x128xi32, #tpu.memory_space<vmem>> -> memref<1x128xi32, #tpu.memory_space<vmem>>
      %dma_start3A_108 = tpu.memref_squeeze %dma_start3A_107 : memref<1x128xi32, #tpu.memory_space<vmem>> -> memref<128xi32, #tpu.memory_space<vmem>>
      %dma_start3A_109 = arith.constant 0 : i32
      %dma_start3A_110 = arith.constant 0 : i32
      %dma_start3A_111 = tpu.memref_slice %arg6[%dma_start3A_109, %dma_start3A_110] : memref<10240x128xf32, #tpu.memory_space<vmem_shared>> -> memref<10240x128xf32, #tpu.memory_space<vmem_shared>>
      tpu.enqueue_indirect_dma source(%arg5 : memref<128x128xf32, #tpu.memory_space<vmem>>) target(%dma_start3A_111 : memref<10240x128xf32, #tpu.memory_space<vmem_shared>>) offsets(%dma_start3A_108 : memref<128xi32, #tpu.memory_space<vmem>>) semaphore(%arg7 : memref<!tpu.dma_semaphore, #tpu.memory_space<semaphore_mem>>) {add = true}
      %add3A_112 = arith.constant 0 : i32
      %add3A_113 = arith.addi %mul3A_48, %add3A_112 : i32
      %dma_wait3A = arith.constant 0 : i32
      %dma_wait3A_114 = tpu.memref_slice %arg4[%add3A_113, %dma_wait3A] : memref<40x128xi32, #tpu.memory_space<vmem>> -> memref<1x128xi32, #tpu.memory_space<vmem>>
      %dma_wait3A_115 = tpu.memref_squeeze %dma_wait3A_114 : memref<1x128xi32, #tpu.memory_space<vmem>> -> memref<128xi32, #tpu.memory_space<vmem>>
      %dma_wait3A_116 = arith.constant 0 : i32
      %dma_wait3A_117 = arith.constant 0 : i32
      %dma_wait3A_118 = tpu.memref_slice %arg6[%dma_wait3A_116, %dma_wait3A_117] : memref<10240x128xf32, #tpu.memory_space<vmem_shared>> -> memref<10240x128xf32, #tpu.memory_space<vmem_shared>>
      tpu.wait_indirect_dma semaphore(%arg7 : memref<!tpu.dma_semaphore, #tpu.memory_space<semaphore_mem>>) src(%arg5 : memref<128x128xf32, #tpu.memory_space<vmem>>) dst(%dma_wait3A_118 : memref<10240x128xf32, #tpu.memory_space<vmem_shared>>)
      %add3A_119 = arith.constant 1 : i32
      %add3A_120 = arith.addi %mul3A_48, %add3A_119 : i32
      %dma_wait3A_121 = arith.constant 0 : i32
      %dma_wait3A_122 = tpu.memref_slice %arg4[%add3A_120, %dma_wait3A_121] : memref<40x128xi32, #tpu.memory_space<vmem>> -> memref<1x128xi32, #tpu.memory_space<vmem>>
      %dma_wait3A_123 = tpu.memref_squeeze %dma_wait3A_122 : memref<1x128xi32, #tpu.memory_space<vmem>> -> memref<128xi32, #tpu.memory_space<vmem>>
      %dma_wait3A_124 = arith.constant 0 : i32
      %dma_wait3A_125 = arith.constant 0 : i32
      %dma_wait3A_126 = tpu.memref_slice %arg6[%dma_wait3A_124, %dma_wait3A_125] : memref<10240x128xf32, #tpu.memory_space<vmem_shared>> -> memref<10240x128xf32, #tpu.memory_space<vmem_shared>>
      tpu.wait_indirect_dma semaphore(%arg7 : memref<!tpu.dma_semaphore, #tpu.memory_space<semaphore_mem>>) src(%arg5 : memref<128x128xf32, #tpu.memory_space<vmem>>) dst(%dma_wait3A_126 : memref<10240x128xf32, #tpu.memory_space<vmem_shared>>)
      %add3A_127 = arith.constant 2 : i32
      %add3A_128 = arith.addi %mul3A_48, %add3A_127 : i32
      %dma_wait3A_129 = arith.constant 0 : i32
      %dma_wait3A_130 = tpu.memref_slice %arg4[%add3A_128, %dma_wait3A_129] : memref<40x128xi32, #tpu.memory_space<vmem>> -> memref<1x128xi32, #tpu.memory_space<vmem>>
      %dma_wait3A_131 = tpu.memref_squeeze %dma_wait3A_130 : memref<1x128xi32, #tpu.memory_space<vmem>> -> memref<128xi32, #tpu.memory_space<vmem>>
      %dma_wait3A_132 = arith.constant 0 : i32
      %dma_wait3A_133 = arith.constant 0 : i32
      %dma_wait3A_134 = tpu.memref_slice %arg6[%dma_wait3A_132, %dma_wait3A_133] : memref<10240x128xf32, #tpu.memory_space<vmem_shared>> -> memref<10240x128xf32, #tpu.memory_space<vmem_shared>>
      tpu.wait_indirect_dma semaphore(%arg7 : memref<!tpu.dma_semaphore, #tpu.memory_space<semaphore_mem>>) src(%arg5 : memref<128x128xf32, #tpu.memory_space<vmem>>) dst(%dma_wait3A_134 : memref<10240x128xf32, #tpu.memory_space<vmem_shared>>)
      %add3A_135 = arith.constant 3 : i32
      %add3A_136 = arith.addi %mul3A_48, %add3A_135 : i32
      %dma_wait3A_137 = arith.constant 0 : i32
      %dma_wait3A_138 = tpu.memref_slice %arg4[%add3A_136, %dma_wait3A_137] : memref<40x128xi32, #tpu.memory_space<vmem>> -> memref<1x128xi32, #tpu.memory_space<vmem>>
      %dma_wait3A_139 = tpu.memref_squeeze %dma_wait3A_138 : memref<1x128xi32, #tpu.memory_space<vmem>> -> memref<128xi32, #tpu.memory_space<vmem>>
      %dma_wait3A_140 = arith.constant 0 : i32
      %dma_wait3A_141 = arith.constant 0 : i32
      %dma_wait3A_142 = tpu.memref_slice %arg6[%dma_wait3A_140, %dma_wait3A_141] : memref<10240x128xf32, #tpu.memory_space<vmem_shared>> -> memref<10240x128xf32, #tpu.memory_space<vmem_shared>>
      tpu.wait_indirect_dma semaphore(%arg7 : memref<!tpu.dma_semaphore, #tpu.memory_space<semaphore_mem>>) src(%arg5 : memref<128x128xf32, #tpu.memory_space<vmem>>) dst(%dma_wait3A_142 : memref<10240x128xf32, #tpu.memory_space<vmem_shared>>)
      %add3A_143 = arith.constant 4 : i32
      %add3A_144 = arith.addi %mul3A_48, %add3A_143 : i32
      %dma_wait3A_145 = arith.constant 0 : i32
      %dma_wait3A_146 = tpu.memref_slice %arg4[%add3A_144, %dma_wait3A_145] : memref<40x128xi32, #tpu.memory_space<vmem>> -> memref<1x128xi32, #tpu.memory_space<vmem>>
      %dma_wait3A_147 = tpu.memref_squeeze %dma_wait3A_146 : memref<1x128xi32, #tpu.memory_space<vmem>> -> memref<128xi32, #tpu.memory_space<vmem>>
      %dma_wait3A_148 = arith.constant 0 : i32
      %dma_wait3A_149 = arith.constant 0 : i32
      %dma_wait3A_150 = tpu.memref_slice %arg6[%dma_wait3A_148, %dma_wait3A_149] : memref<10240x128xf32, #tpu.memory_space<vmem_shared>> -> memref<10240x128xf32, #tpu.memory_space<vmem_shared>>
      tpu.wait_indirect_dma semaphore(%arg7 : memref<!tpu.dma_semaphore, #tpu.memory_space<semaphore_mem>>) src(%arg5 : memref<128x128xf32, #tpu.memory_space<vmem>>) dst(%dma_wait3A_150 : memref<10240x128xf32, #tpu.memory_space<vmem_shared>>)
      %add3A_151 = arith.constant 5 : i32
      %add3A_152 = arith.addi %mul3A_48, %add3A_151 : i32
      %dma_wait3A_153 = arith.constant 0 : i32
      %dma_wait3A_154 = tpu.memref_slice %arg4[%add3A_152, %dma_wait3A_153] : memref<40x128xi32, #tpu.memory_space<vmem>> -> memref<1x128xi32, #tpu.memory_space<vmem>>
      %dma_wait3A_155 = tpu.memref_squeeze %dma_wait3A_154 : memref<1x128xi32, #tpu.memory_space<vmem>> -> memref<128xi32, #tpu.memory_space<vmem>>
      %dma_wait3A_156 = arith.constant 0 : i32
      %dma_wait3A_157 = arith.constant 0 : i32
      %dma_wait3A_158 = tpu.memref_slice %arg6[%dma_wait3A_156, %dma_wait3A_157] : memref<10240x128xf32, #tpu.memory_space<vmem_shared>> -> memref<10240x128xf32, #tpu.memory_space<vmem_shared>>
      tpu.wait_indirect_dma semaphore(%arg7 : memref<!tpu.dma_semaphore, #tpu.memory_space<semaphore_mem>>) src(%arg5 : memref<128x128xf32, #tpu.memory_space<vmem>>) dst(%dma_wait3A_158 : memref<10240x128xf32, #tpu.memory_space<vmem_shared>>)
      %add3A_159 = arith.constant 6 : i32
      %add3A_160 = arith.addi %mul3A_48, %add3A_159 : i32
      %dma_wait3A_161 = arith.constant 0 : i32
      %dma_wait3A_162 = tpu.memref_slice %arg4[%add3A_160, %dma_wait3A_161] : memref<40x128xi32, #tpu.memory_space<vmem>> -> memref<1x128xi32, #tpu.memory_space<vmem>>
      %dma_wait3A_163 = tpu.memref_squeeze %dma_wait3A_162 : memref<1x128xi32, #tpu.memory_space<vmem>> -> memref<128xi32, #tpu.memory_space<vmem>>
      %dma_wait3A_164 = arith.constant 0 : i32
      %dma_wait3A_165 = arith.constant 0 : i32
      %dma_wait3A_166 = tpu.memref_slice %arg6[%dma_wait3A_164, %dma_wait3A_165] : memref<10240x128xf32, #tpu.memory_space<vmem_shared>> -> memref<10240x128xf32, #tpu.memory_space<vmem_shared>>
      tpu.wait_indirect_dma semaphore(%arg7 : memref<!tpu.dma_semaphore, #tpu.memory_space<semaphore_mem>>) src(%arg5 : memref<128x128xf32, #tpu.memory_space<vmem>>) dst(%dma_wait3A_166 : memref<10240x128xf32, #tpu.memory_space<vmem_shared>>)
      %add3A_167 = arith.constant 7 : i32
      %add3A_168 = arith.addi %mul3A_48, %add3A_167 : i32
      %dma_wait3A_169 = arith.constant 0 : i32
      %dma_wait3A_170 = tpu.memref_slice %arg4[%add3A_168, %dma_wait3A_169] : memref<40x128xi32, #tpu.memory_space<vmem>> -> memref<1x128xi32, #tpu.memory_space<vmem>>
      %dma_wait3A_171 = tpu.memref_squeeze %dma_wait3A_170 : memref<1x128xi32, #tpu.memory_space<vmem>> -> memref<128xi32, #tpu.memory_space<vmem>>
      %dma_wait3A_172 = arith.constant 0 : i32
      %dma_wait3A_173 = arith.constant 0 : i32
      %dma_wait3A_174 = tpu.memref_slice %arg6[%dma_wait3A_172, %dma_wait3A_173] : memref<10240x128xf32, #tpu.memory_space<vmem_shared>> -> memref<10240x128xf32, #tpu.memory_space<vmem_shared>>
      tpu.wait_indirect_dma semaphore(%arg7 : memref<!tpu.dma_semaphore, #tpu.memory_space<semaphore_mem>>) src(%arg5 : memref<128x128xf32, #tpu.memory_space<vmem>>) dst(%dma_wait3A_174 : memref<10240x128xf32, #tpu.memory_space<vmem_shared>>)
      %scan3A_175 = arith.constant 0 : i32
      scf.yield %scan3A_175 : i32
    }
    %scan3A_35 = arith.constant 5 : i32
    %run_scoped3A_36 = arith.constant 1 : i32
    "tpu.region"() ({
      %run_scoped3A_45 = tpu.sem_alloc : memref<!tpu.dma_semaphore, #tpu.memory_space<semaphore_mem>>
      %dma_start3A = arith.constant 0 : i32
      %dma_start3A_46 = arith.constant 0 : i32
      %dma_start3A_47 = tpu.memref_slice %arg2[%add3A, %run_scoped3A_36, %dma_start3A, %dma_start3A_46] : memref<32x2x40x128xi32, #tpu.memory_space<hbm>> -> memref<1x1x40x128xi32, #tpu.memory_space<hbm>>
      %dma_start3A_48 = tpu.memref_squeeze %dma_start3A_47 : memref<1x1x40x128xi32, #tpu.memory_space<hbm>> -> memref<40x128xi32, #tpu.memory_space<hbm>>
      %dma_start3A_49 = arith.constant 0 : i32
      %dma_start3A_50 = arith.constant 0 : i32
      %dma_start3A_51 = tpu.memref_slice %arg2[%add3A, %run_scoped3A_36, %dma_start3A_49, %dma_start3A_50] : memref<32x2x40x128xi32, #tpu.memory_space<hbm>> -> memref<1x1x40x128xi32, #tpu.memory_space<hbm>>
      %dma_start3A_52 = tpu.memref_squeeze %dma_start3A_51 : memref<1x1x40x128xi32, #tpu.memory_space<hbm>> -> memref<40x128xi32, #tpu.memory_space<hbm>>
      tpu.enqueue_dma source(%dma_start3A_52 : memref<40x128xi32, #tpu.memory_space<hbm>>) target(%arg4 : memref<40x128xi32, #tpu.memory_space<vmem>>) target_semaphore(%run_scoped3A_45 : memref<!tpu.dma_semaphore, #tpu.memory_space<semaphore_mem>>)
      %dma_wait3A = arith.constant 0 : i32
      %dma_wait3A_53 = arith.constant 0 : i32
      %dma_wait3A_54 = tpu.memref_slice %arg2[%add3A, %run_scoped3A_36, %dma_wait3A, %dma_wait3A_53] : memref<32x2x40x128xi32, #tpu.memory_space<hbm>> -> memref<1x1x40x128xi32, #tpu.memory_space<hbm>>
      %dma_wait3A_55 = tpu.memref_squeeze %dma_wait3A_54 : memref<1x1x40x128xi32, #tpu.memory_space<hbm>> -> memref<40x128xi32, #tpu.memory_space<hbm>>
      %dma_wait3A_56 = arith.constant 0 : i32
      %dma_wait3A_57 = arith.constant 0 : i32
      %dma_wait3A_58 = tpu.memref_slice %arg2[%add3A, %run_scoped3A_36, %dma_wait3A_56, %dma_wait3A_57] : memref<32x2x40x128xi32, #tpu.memory_space<hbm>> -> memref<1x1x40x128xi32, #tpu.memory_space<hbm>>
      %dma_wait3A_59 = tpu.memref_squeeze %dma_wait3A_58 : memref<1x1x40x128xi32, #tpu.memory_space<hbm>> -> memref<40x128xi32, #tpu.memory_space<hbm>>
      tpu.wait_dma2 semaphore(%run_scoped3A_45 : memref<!tpu.dma_semaphore, #tpu.memory_space<semaphore_mem>>) src(%dma_wait3A_59 : memref<40x128xi32, #tpu.memory_space<hbm>>) dst(%arg4 : memref<40x128xi32, #tpu.memory_space<vmem>>)
      tpu.yield
    }) : () -> ()
    %scan3A_37 = arith.constant 0 : i32
    %scan3A_38 = arith.constant 0 : i32
    %scan3A_39 = arith.constant 5 : i32
    %scan3A_40 = arith.addi %scan3A_38, %scan3A_39 : i32
    %scan3A_41 = arith.constant 1 : i32
    %scan3A_42 = scf.for %scan3A_45 = %scan3A_38 to %scan3A_40 step %scan3A_41 iter_args(%scan3A_46 = %scan3A_37) -> (i32)  : i32 {
      %mul3A_47 = arith.constant 8 : i32
      %mul3A_48 = arith.muli %scan3A_45, %mul3A_47 : i32
      %add3A_49 = arith.constant 0 : i32
      %add3A_50 = arith.addi %mul3A_48, %add3A_49 : i32
      %dma_start3A = arith.constant 0 : i32
      %dma_start3A_51 = tpu.memref_slice %arg4[%add3A_50, %dma_start3A] : memref<40x128xi32, #tpu.memory_space<vmem>> -> memref<1x128xi32, #tpu.memory_space<vmem>>
      %dma_start3A_52 = tpu.memref_squeeze %dma_start3A_51 : memref<1x128xi32, #tpu.memory_space<vmem>> -> memref<128xi32, #tpu.memory_space<vmem>>
      %dma_start3A_53 = arith.constant 0 : i32
      %dma_start3A_54 = arith.constant 0 : i32
      %dma_start3A_55 = tpu.memref_slice %arg6[%dma_start3A_53, %dma_start3A_54] : memref<10240x128xf32, #tpu.memory_space<vmem_shared>> -> memref<10240x128xf32, #tpu.memory_space<vmem_shared>>
      tpu.enqueue_indirect_dma source(%arg5 : memref<128x128xf32, #tpu.memory_space<vmem>>) target(%dma_start3A_55 : memref<10240x128xf32, #tpu.memory_space<vmem_shared>>) offsets(%dma_start3A_52 : memref<128xi32, #tpu.memory_space<vmem>>) semaphore(%arg7 : memref<!tpu.dma_semaphore, #tpu.memory_space<semaphore_mem>>) {add = true}
      %add3A_56 = arith.constant 1 : i32
      %add3A_57 = arith.addi %mul3A_48, %add3A_56 : i32
      %dma_start3A_58 = arith.constant 0 : i32
      %dma_start3A_59 = tpu.memref_slice %arg4[%add3A_57, %dma_start3A_58] : memref<40x128xi32, #tpu.memory_space<vmem>> -> memref<1x128xi32, #tpu.memory_space<vmem>>
      %dma_start3A_60 = tpu.memref_squeeze %dma_start3A_59 : memref<1x128xi32, #tpu.memory_space<vmem>> -> memref<128xi32, #tpu.memory_space<vmem>>
      %dma_start3A_61 = arith.constant 0 : i32
      %dma_start3A_62 = arith.constant 0 : i32
      %dma_start3A_63 = tpu.memref_slice %arg6[%dma_start3A_61, %dma_start3A_62] : memref<10240x128xf32, #tpu.memory_space<vmem_shared>> -> memref<10240x128xf32, #tpu.memory_space<vmem_shared>>
      tpu.enqueue_indirect_dma source(%arg5 : memref<128x128xf32, #tpu.memory_space<vmem>>) target(%dma_start3A_63 : memref<10240x128xf32, #tpu.memory_space<vmem_shared>>) offsets(%dma_start3A_60 : memref<128xi32, #tpu.memory_space<vmem>>) semaphore(%arg7 : memref<!tpu.dma_semaphore, #tpu.memory_space<semaphore_mem>>) {add = true}
      %add3A_64 = arith.constant 2 : i32
      %add3A_65 = arith.addi %mul3A_48, %add3A_64 : i32
      %dma_start3A_66 = arith.constant 0 : i32
      %dma_start3A_67 = tpu.memref_slice %arg4[%add3A_65, %dma_start3A_66] : memref<40x128xi32, #tpu.memory_space<vmem>> -> memref<1x128xi32, #tpu.memory_space<vmem>>
      %dma_start3A_68 = tpu.memref_squeeze %dma_start3A_67 : memref<1x128xi32, #tpu.memory_space<vmem>> -> memref<128xi32, #tpu.memory_space<vmem>>
      %dma_start3A_69 = arith.constant 0 : i32
      %dma_start3A_70 = arith.constant 0 : i32
      %dma_start3A_71 = tpu.memref_slice %arg6[%dma_start3A_69, %dma_start3A_70] : memref<10240x128xf32, #tpu.memory_space<vmem_shared>> -> memref<10240x128xf32, #tpu.memory_space<vmem_shared>>
      tpu.enqueue_indirect_dma source(%arg5 : memref<128x128xf32, #tpu.memory_space<vmem>>) target(%dma_start3A_71 : memref<10240x128xf32, #tpu.memory_space<vmem_shared>>) offsets(%dma_start3A_68 : memref<128xi32, #tpu.memory_space<vmem>>) semaphore(%arg7 : memref<!tpu.dma_semaphore, #tpu.memory_space<semaphore_mem>>) {add = true}
      %add3A_72 = arith.constant 3 : i32
      %add3A_73 = arith.addi %mul3A_48, %add3A_72 : i32
      %dma_start3A_74 = arith.constant 0 : i32
      %dma_start3A_75 = tpu.memref_slice %arg4[%add3A_73, %dma_start3A_74] : memref<40x128xi32, #tpu.memory_space<vmem>> -> memref<1x128xi32, #tpu.memory_space<vmem>>
      %dma_start3A_76 = tpu.memref_squeeze %dma_start3A_75 : memref<1x128xi32, #tpu.memory_space<vmem>> -> memref<128xi32, #tpu.memory_space<vmem>>
      %dma_start3A_77 = arith.constant 0 : i32
      %dma_start3A_78 = arith.constant 0 : i32
      %dma_start3A_79 = tpu.memref_slice %arg6[%dma_start3A_77, %dma_start3A_78] : memref<10240x128xf32, #tpu.memory_space<vmem_shared>> -> memref<10240x128xf32, #tpu.memory_space<vmem_shared>>
      tpu.enqueue_indirect_dma source(%arg5 : memref<128x128xf32, #tpu.memory_space<vmem>>) target(%dma_start3A_79 : memref<10240x128xf32, #tpu.memory_space<vmem_shared>>) offsets(%dma_start3A_76 : memref<128xi32, #tpu.memory_space<vmem>>) semaphore(%arg7 : memref<!tpu.dma_semaphore, #tpu.memory_space<semaphore_mem>>) {add = true}
      %add3A_80 = arith.constant 4 : i32
      %add3A_81 = arith.addi %mul3A_48, %add3A_80 : i32
      %dma_start3A_82 = arith.constant 0 : i32
      %dma_start3A_83 = tpu.memref_slice %arg4[%add3A_81, %dma_start3A_82] : memref<40x128xi32, #tpu.memory_space<vmem>> -> memref<1x128xi32, #tpu.memory_space<vmem>>
      %dma_start3A_84 = tpu.memref_squeeze %dma_start3A_83 : memref<1x128xi32, #tpu.memory_space<vmem>> -> memref<128xi32, #tpu.memory_space<vmem>>
      %dma_start3A_85 = arith.constant 0 : i32
      %dma_start3A_86 = arith.constant 0 : i32
      %dma_start3A_87 = tpu.memref_slice %arg6[%dma_start3A_85, %dma_start3A_86] : memref<10240x128xf32, #tpu.memory_space<vmem_shared>> -> memref<10240x128xf32, #tpu.memory_space<vmem_shared>>
      tpu.enqueue_indirect_dma source(%arg5 : memref<128x128xf32, #tpu.memory_space<vmem>>) target(%dma_start3A_87 : memref<10240x128xf32, #tpu.memory_space<vmem_shared>>) offsets(%dma_start3A_84 : memref<128xi32, #tpu.memory_space<vmem>>) semaphore(%arg7 : memref<!tpu.dma_semaphore, #tpu.memory_space<semaphore_mem>>) {add = true}
      %add3A_88 = arith.constant 5 : i32
      %add3A_89 = arith.addi %mul3A_48, %add3A_88 : i32
      %dma_start3A_90 = arith.constant 0 : i32
      %dma_start3A_91 = tpu.memref_slice %arg4[%add3A_89, %dma_start3A_90] : memref<40x128xi32, #tpu.memory_space<vmem>> -> memref<1x128xi32, #tpu.memory_space<vmem>>
      %dma_start3A_92 = tpu.memref_squeeze %dma_start3A_91 : memref<1x128xi32, #tpu.memory_space<vmem>> -> memref<128xi32, #tpu.memory_space<vmem>>
      %dma_start3A_93 = arith.constant 0 : i32
      %dma_start3A_94 = arith.constant 0 : i32
      %dma_start3A_95 = tpu.memref_slice %arg6[%dma_start3A_93, %dma_start3A_94] : memref<10240x128xf32, #tpu.memory_space<vmem_shared>> -> memref<10240x128xf32, #tpu.memory_space<vmem_shared>>
      tpu.enqueue_indirect_dma source(%arg5 : memref<128x128xf32, #tpu.memory_space<vmem>>) target(%dma_start3A_95 : memref<10240x128xf32, #tpu.memory_space<vmem_shared>>) offsets(%dma_start3A_92 : memref<128xi32, #tpu.memory_space<vmem>>) semaphore(%arg7 : memref<!tpu.dma_semaphore, #tpu.memory_space<semaphore_mem>>) {add = true}
      %add3A_96 = arith.constant 6 : i32
      %add3A_97 = arith.addi %mul3A_48, %add3A_96 : i32
      %dma_start3A_98 = arith.constant 0 : i32
      %dma_start3A_99 = tpu.memref_slice %arg4[%add3A_97, %dma_start3A_98] : memref<40x128xi32, #tpu.memory_space<vmem>> -> memref<1x128xi32, #tpu.memory_space<vmem>>
      %dma_start3A_100 = tpu.memref_squeeze %dma_start3A_99 : memref<1x128xi32, #tpu.memory_space<vmem>> -> memref<128xi32, #tpu.memory_space<vmem>>
      %dma_start3A_101 = arith.constant 0 : i32
      %dma_start3A_102 = arith.constant 0 : i32
      %dma_start3A_103 = tpu.memref_slice %arg6[%dma_start3A_101, %dma_start3A_102] : memref<10240x128xf32, #tpu.memory_space<vmem_shared>> -> memref<10240x128xf32, #tpu.memory_space<vmem_shared>>
      tpu.enqueue_indirect_dma source(%arg5 : memref<128x128xf32, #tpu.memory_space<vmem>>) target(%dma_start3A_103 : memref<10240x128xf32, #tpu.memory_space<vmem_shared>>) offsets(%dma_start3A_100 : memref<128xi32, #tpu.memory_space<vmem>>) semaphore(%arg7 : memref<!tpu.dma_semaphore, #tpu.memory_space<semaphore_mem>>) {add = true}
      %add3A_104 = arith.constant 7 : i32
      %add3A_105 = arith.addi %mul3A_48, %add3A_104 : i32
      %dma_start3A_106 = arith.constant 0 : i32
      %dma_start3A_107 = tpu.memref_slice %arg4[%add3A_105, %dma_start3A_106] : memref<40x128xi32, #tpu.memory_space<vmem>> -> memref<1x128xi32, #tpu.memory_space<vmem>>
      %dma_start3A_108 = tpu.memref_squeeze %dma_start3A_107 : memref<1x128xi32, #tpu.memory_space<vmem>> -> memref<128xi32, #tpu.memory_space<vmem>>
      %dma_start3A_109 = arith.constant 0 : i32
      %dma_start3A_110 = arith.constant 0 : i32
      %dma_start3A_111 = tpu.memref_slice %arg6[%dma_start3A_109, %dma_start3A_110] : memref<10240x128xf32, #tpu.memory_space<vmem_shared>> -> memref<10240x128xf32, #tpu.memory_space<vmem_shared>>
      tpu.enqueue_indirect_dma source(%arg5 : memref<128x128xf32, #tpu.memory_space<vmem>>) target(%dma_start3A_111 : memref<10240x128xf32, #tpu.memory_space<vmem_shared>>) offsets(%dma_start3A_108 : memref<128xi32, #tpu.memory_space<vmem>>) semaphore(%arg7 : memref<!tpu.dma_semaphore, #tpu.memory_space<semaphore_mem>>) {add = true}
      %add3A_112 = arith.constant 0 : i32
      %add3A_113 = arith.addi %mul3A_48, %add3A_112 : i32
      %dma_wait3A = arith.constant 0 : i32
      %dma_wait3A_114 = tpu.memref_slice %arg4[%add3A_113, %dma_wait3A] : memref<40x128xi32, #tpu.memory_space<vmem>> -> memref<1x128xi32, #tpu.memory_space<vmem>>
      %dma_wait3A_115 = tpu.memref_squeeze %dma_wait3A_114 : memref<1x128xi32, #tpu.memory_space<vmem>> -> memref<128xi32, #tpu.memory_space<vmem>>
      %dma_wait3A_116 = arith.constant 0 : i32
      %dma_wait3A_117 = arith.constant 0 : i32
      %dma_wait3A_118 = tpu.memref_slice %arg6[%dma_wait3A_116, %dma_wait3A_117] : memref<10240x128xf32, #tpu.memory_space<vmem_shared>> -> memref<10240x128xf32, #tpu.memory_space<vmem_shared>>
      tpu.wait_indirect_dma semaphore(%arg7 : memref<!tpu.dma_semaphore, #tpu.memory_space<semaphore_mem>>) src(%arg5 : memref<128x128xf32, #tpu.memory_space<vmem>>) dst(%dma_wait3A_118 : memref<10240x128xf32, #tpu.memory_space<vmem_shared>>)
      %add3A_119 = arith.constant 1 : i32
      %add3A_120 = arith.addi %mul3A_48, %add3A_119 : i32
      %dma_wait3A_121 = arith.constant 0 : i32
      %dma_wait3A_122 = tpu.memref_slice %arg4[%add3A_120, %dma_wait3A_121] : memref<40x128xi32, #tpu.memory_space<vmem>> -> memref<1x128xi32, #tpu.memory_space<vmem>>
      %dma_wait3A_123 = tpu.memref_squeeze %dma_wait3A_122 : memref<1x128xi32, #tpu.memory_space<vmem>> -> memref<128xi32, #tpu.memory_space<vmem>>
      %dma_wait3A_124 = arith.constant 0 : i32
      %dma_wait3A_125 = arith.constant 0 : i32
      %dma_wait3A_126 = tpu.memref_slice %arg6[%dma_wait3A_124, %dma_wait3A_125] : memref<10240x128xf32, #tpu.memory_space<vmem_shared>> -> memref<10240x128xf32, #tpu.memory_space<vmem_shared>>
      tpu.wait_indirect_dma semaphore(%arg7 : memref<!tpu.dma_semaphore, #tpu.memory_space<semaphore_mem>>) src(%arg5 : memref<128x128xf32, #tpu.memory_space<vmem>>) dst(%dma_wait3A_126 : memref<10240x128xf32, #tpu.memory_space<vmem_shared>>)
      %add3A_127 = arith.constant 2 : i32
      %add3A_128 = arith.addi %mul3A_48, %add3A_127 : i32
      %dma_wait3A_129 = arith.constant 0 : i32
      %dma_wait3A_130 = tpu.memref_slice %arg4[%add3A_128, %dma_wait3A_129] : memref<40x128xi32, #tpu.memory_space<vmem>> -> memref<1x128xi32, #tpu.memory_space<vmem>>
      %dma_wait3A_131 = tpu.memref_squeeze %dma_wait3A_130 : memref<1x128xi32, #tpu.memory_space<vmem>> -> memref<128xi32, #tpu.memory_space<vmem>>
      %dma_wait3A_132 = arith.constant 0 : i32
      %dma_wait3A_133 = arith.constant 0 : i32
      %dma_wait3A_134 = tpu.memref_slice %arg6[%dma_wait3A_132, %dma_wait3A_133] : memref<10240x128xf32, #tpu.memory_space<vmem_shared>> -> memref<10240x128xf32, #tpu.memory_space<vmem_shared>>
      tpu.wait_indirect_dma semaphore(%arg7 : memref<!tpu.dma_semaphore, #tpu.memory_space<semaphore_mem>>) src(%arg5 : memref<128x128xf32, #tpu.memory_space<vmem>>) dst(%dma_wait3A_134 : memref<10240x128xf32, #tpu.memory_space<vmem_shared>>)
      %add3A_135 = arith.constant 3 : i32
      %add3A_136 = arith.addi %mul3A_48, %add3A_135 : i32
      %dma_wait3A_137 = arith.constant 0 : i32
      %dma_wait3A_138 = tpu.memref_slice %arg4[%add3A_136, %dma_wait3A_137] : memref<40x128xi32, #tpu.memory_space<vmem>> -> memref<1x128xi32, #tpu.memory_space<vmem>>
      %dma_wait3A_139 = tpu.memref_squeeze %dma_wait3A_138 : memref<1x128xi32, #tpu.memory_space<vmem>> -> memref<128xi32, #tpu.memory_space<vmem>>
      %dma_wait3A_140 = arith.constant 0 : i32
      %dma_wait3A_141 = arith.constant 0 : i32
      %dma_wait3A_142 = tpu.memref_slice %arg6[%dma_wait3A_140, %dma_wait3A_141] : memref<10240x128xf32, #tpu.memory_space<vmem_shared>> -> memref<10240x128xf32, #tpu.memory_space<vmem_shared>>
      tpu.wait_indirect_dma semaphore(%arg7 : memref<!tpu.dma_semaphore, #tpu.memory_space<semaphore_mem>>) src(%arg5 : memref<128x128xf32, #tpu.memory_space<vmem>>) dst(%dma_wait3A_142 : memref<10240x128xf32, #tpu.memory_space<vmem_shared>>)
      %add3A_143 = arith.constant 4 : i32
      %add3A_144 = arith.addi %mul3A_48, %add3A_143 : i32
      %dma_wait3A_145 = arith.constant 0 : i32
      %dma_wait3A_146 = tpu.memref_slice %arg4[%add3A_144, %dma_wait3A_145] : memref<40x128xi32, #tpu.memory_space<vmem>> -> memref<1x128xi32, #tpu.memory_space<vmem>>
      %dma_wait3A_147 = tpu.memref_squeeze %dma_wait3A_146 : memref<1x128xi32, #tpu.memory_space<vmem>> -> memref<128xi32, #tpu.memory_space<vmem>>
      %dma_wait3A_148 = arith.constant 0 : i32
      %dma_wait3A_149 = arith.constant 0 : i32
      %dma_wait3A_150 = tpu.memref_slice %arg6[%dma_wait3A_148, %dma_wait3A_149] : memref<10240x128xf32, #tpu.memory_space<vmem_shared>> -> memref<10240x128xf32, #tpu.memory_space<vmem_shared>>
      tpu.wait_indirect_dma semaphore(%arg7 : memref<!tpu.dma_semaphore, #tpu.memory_space<semaphore_mem>>) src(%arg5 : memref<128x128xf32, #tpu.memory_space<vmem>>) dst(%dma_wait3A_150 : memref<10240x128xf32, #tpu.memory_space<vmem_shared>>)
      %add3A_151 = arith.constant 5 : i32
      %add3A_152 = arith.addi %mul3A_48, %add3A_151 : i32
      %dma_wait3A_153 = arith.constant 0 : i32
      %dma_wait3A_154 = tpu.memref_slice %arg4[%add3A_152, %dma_wait3A_153] : memref<40x128xi32, #tpu.memory_space<vmem>> -> memref<1x128xi32, #tpu.memory_space<vmem>>
      %dma_wait3A_155 = tpu.memref_squeeze %dma_wait3A_154 : memref<1x128xi32, #tpu.memory_space<vmem>> -> memref<128xi32, #tpu.memory_space<vmem>>
      %dma_wait3A_156 = arith.constant 0 : i32
      %dma_wait3A_157 = arith.constant 0 : i32
      %dma_wait3A_158 = tpu.memref_slice %arg6[%dma_wait3A_156, %dma_wait3A_157] : memref<10240x128xf32, #tpu.memory_space<vmem_shared>> -> memref<10240x128xf32, #tpu.memory_space<vmem_shared>>
      tpu.wait_indirect_dma semaphore(%arg7 : memref<!tpu.dma_semaphore, #tpu.memory_space<semaphore_mem>>) src(%arg5 : memref<128x128xf32, #tpu.memory_space<vmem>>) dst(%dma_wait3A_158 : memref<10240x128xf32, #tpu.memory_space<vmem_shared>>)
      %add3A_159 = arith.constant 6 : i32
      %add3A_160 = arith.addi %mul3A_48, %add3A_159 : i32
      %dma_wait3A_161 = arith.constant 0 : i32
      %dma_wait3A_162 = tpu.memref_slice %arg4[%add3A_160, %dma_wait3A_161] : memref<40x128xi32, #tpu.memory_space<vmem>> -> memref<1x128xi32, #tpu.memory_space<vmem>>
      %dma_wait3A_163 = tpu.memref_squeeze %dma_wait3A_162 : memref<1x128xi32, #tpu.memory_space<vmem>> -> memref<128xi32, #tpu.memory_space<vmem>>
      %dma_wait3A_164 = arith.constant 0 : i32
      %dma_wait3A_165 = arith.constant 0 : i32
      %dma_wait3A_166 = tpu.memref_slice %arg6[%dma_wait3A_164, %dma_wait3A_165] : memref<10240x128xf32, #tpu.memory_space<vmem_shared>> -> memref<10240x128xf32, #tpu.memory_space<vmem_shared>>
      tpu.wait_indirect_dma semaphore(%arg7 : memref<!tpu.dma_semaphore, #tpu.memory_space<semaphore_mem>>) src(%arg5 : memref<128x128xf32, #tpu.memory_space<vmem>>) dst(%dma_wait3A_166 : memref<10240x128xf32, #tpu.memory_space<vmem_shared>>)
      %add3A_167 = arith.constant 7 : i32
      %add3A_168 = arith.addi %mul3A_48, %add3A_167 : i32
      %dma_wait3A_169 = arith.constant 0 : i32
      %dma_wait3A_170 = tpu.memref_slice %arg4[%add3A_168, %dma_wait3A_169] : memref<40x128xi32, #tpu.memory_space<vmem>> -> memref<1x128xi32, #tpu.memory_space<vmem>>
      %dma_wait3A_171 = tpu.memref_squeeze %dma_wait3A_170 : memref<1x128xi32, #tpu.memory_space<vmem>> -> memref<128xi32, #tpu.memory_space<vmem>>
      %dma_wait3A_172 = arith.constant 0 : i32
      %dma_wait3A_173 = arith.constant 0 : i32
      %dma_wait3A_174 = tpu.memref_slice %arg6[%dma_wait3A_172, %dma_wait3A_173] : memref<10240x128xf32, #tpu.memory_space<vmem_shared>> -> memref<10240x128xf32, #tpu.memory_space<vmem_shared>>
      tpu.wait_indirect_dma semaphore(%arg7 : memref<!tpu.dma_semaphore, #tpu.memory_space<semaphore_mem>>) src(%arg5 : memref<128x128xf32, #tpu.memory_space<vmem>>) dst(%dma_wait3A_174 : memref<10240x128xf32, #tpu.memory_space<vmem_shared>>)
      %scan3A_175 = arith.constant 0 : i32
      scf.yield %scan3A_175 : i32
    }
    %scan3A_43 = arith.constant 5 : i32
    %barrier3A_44 = arith.constant 0 : index
    tpu.barrier barrier_id(%barrier3A_44)
    "tpu.region"() ({
      %run_scoped3A_45 = tpu.sem_alloc : memref<!tpu.dma_semaphore, #tpu.memory_space<semaphore_mem>>
      %dma_start3A = arith.constant 0 : i32
      %dma_start3A_46 = tpu.memref_slice %arg3[%arg0, %mul3A_9, %dma_start3A] : memref<2x10240x128xf32, #tpu.memory_space<hbm>> -> memref<1x640x128xf32, #tpu.memory_space<hbm>>
      %dma_start3A_47 = tpu.memref_squeeze %dma_start3A_46 : memref<1x640x128xf32, #tpu.memory_space<hbm>> -> memref<640x128xf32, #tpu.memory_space<hbm>>
      %dma_start3A_48 = arith.constant 0 : i32
      %dma_start3A_49 = tpu.memref_slice %arg6[%mul3A_9, %dma_start3A_48] : memref<10240x128xf32, #tpu.memory_space<vmem_shared>> -> memref<640x128xf32, #tpu.memory_space<vmem_shared>>
      tpu.enqueue_dma source(%dma_start3A_49 : memref<640x128xf32, #tpu.memory_space<vmem_shared>>) target(%dma_start3A_47 : memref<640x128xf32, #tpu.memory_space<hbm>>) target_semaphore(%run_scoped3A_45 : memref<!tpu.dma_semaphore, #tpu.memory_space<semaphore_mem>>)
      %dma_wait3A = arith.constant 0 : i32
      %dma_wait3A_50 = tpu.memref_slice %arg3[%arg0, %mul3A_9, %dma_wait3A] : memref<2x10240x128xf32, #tpu.memory_space<hbm>> -> memref<1x640x128xf32, #tpu.memory_space<hbm>>
      %dma_wait3A_51 = tpu.memref_squeeze %dma_wait3A_50 : memref<1x640x128xf32, #tpu.memory_space<hbm>> -> memref<640x128xf32, #tpu.memory_space<hbm>>
      %dma_wait3A_52 = arith.constant 0 : i32
      %dma_wait3A_53 = tpu.memref_slice %arg6[%mul3A_9, %dma_wait3A_52] : memref<10240x128xf32, #tpu.memory_space<vmem_shared>> -> memref<640x128xf32, #tpu.memory_space<vmem_shared>>
      tpu.wait_dma2 semaphore(%run_scoped3A_45 : memref<!tpu.dma_semaphore, #tpu.memory_space<semaphore_mem>>) src(%dma_wait3A_53 : memref<640x128xf32, #tpu.memory_space<vmem_shared>>) dst(%dma_wait3A_51 : memref<640x128xf32, #tpu.memory_space<hbm>>)
      tpu.yield
    }) : () -> ()
    return
  }
}

#map = affine_map<(d0, d1) -> (0, 0)>
#map1 = affine_map<(d0, d1) -> (0, 0, 0, 0)>
#map2 = affine_map<(d0, d1) -> (0, 0, 0)>
module attributes {stable_mosaic.version = 14 : i64} {
  func.func @_edge_kernel(%arg0: i32, %arg1: i32, %arg2: memref<10240x128xf32, #tpu.memory_space<hbm>>, %arg3: memref<32x2x48x128xi32, #tpu.memory_space<hbm>>, %arg4: memref<32x2x40x128xi32, #tpu.memory_space<hbm>>, %arg5: memref<2x10240x128xf32, #tpu.memory_space<hbm>>, %arg6: memref<48x128xi32, #tpu.memory_space<vmem>>, %arg7: memref<40x128xi32, #tpu.memory_space<vmem>>, %arg8: memref<128x128xf32, #tpu.memory_space<vmem>>, %arg9: memref<128x128xf32, #tpu.memory_space<vmem>>, %arg10: memref<10240x128xf32, #tpu.memory_space<vmem_shared>>, %arg11: memref<!tpu.dma_semaphore, #tpu.memory_space<semaphore_mem>>, %arg12: memref<!tpu.dma_semaphore, #tpu.memory_space<semaphore_mem>>, %arg13: memref<!tpu.dma_semaphore, #tpu.memory_space<semaphore_mem>>, %arg14: memref<!tpu.dma_semaphore, #tpu.memory_space<semaphore_mem>>) attributes {dimension_semantics = [#tpu.dimension_semantics<core_parallel>, #tpu.dimension_semantics<subcore_parallel>], iteration_bounds = array<i64: 2, 16>, scalar_prefetch = 0 : i64, scratch_operands = 9 : i64, tpu.core_type = #tpu.core_type<sc_vector_subcore>, window_params = [{transform_indices = #map}, {transform_indices = #map1}, {transform_indices = #map1}, {transform_indices = #map2}]} {
    %mul3A = arith.constant 16 : i32
    %mul3A_0 = arith.muli %arg0, %mul3A : i32
    %add3A = arith.addi %mul3A_0, %arg1 : i32
    %broadcast_in_dim3A = arith.constant 0.000000e+00 : f32
    %broadcast_in_dim3A_1 = vector.broadcast %broadcast_in_dim3A : f32 to vector<16xf32>
    %scan3A = arith.constant 0 : i32
    %scan3A_2 = arith.constant 0 : i32
    %scan3A_3 = arith.constant 128 : i32
    %scan3A_4 = arith.addi %scan3A_2, %scan3A_3 : i32
    %scan3A_5 = arith.constant 1 : i32
    %scan3A_6 = scf.for %scan3A_38 = %scan3A_2 to %scan3A_4 step %scan3A_5 iter_args(%scan3A_39 = %scan3A) -> (i32)  : i32 {
      %swap3A = arith.index_cast %scan3A_38 : i32 to index
      %swap3A_40 = arith.constant 0 : index
      %swap3A_41 = tpu.vector_load %arg8[%swap3A, %swap3A_40] {strides = array<i32>} : memref<128x128xf32, #tpu.memory_space<vmem>>, vector<1x16xf32>,
      %swap3A_42 = vector.shape_cast %swap3A_41 : vector<1x16xf32> to vector<16xf32>
      %swap3A_43 = vector.shape_cast %broadcast_in_dim3A_1 : vector<16xf32> to vector<1x16xf32>
      tpu.vector_store %arg8[%swap3A, %swap3A_40], %swap3A_43 {strides = array<i32>} : memref<128x128xf32, #tpu.memory_space<vmem>>, vector<1x16xf32>,
      %swap3A_44 = arith.index_cast %scan3A_38 : i32 to index
      %swap3A_45 = arith.constant 16 : index
      %swap3A_46 = tpu.vector_load %arg8[%swap3A_44, %swap3A_45] {strides = array<i32>} : memref<128x128xf32, #tpu.memory_space<vmem>>, vector<1x16xf32>,
      %swap3A_47 = vector.shape_cast %swap3A_46 : vector<1x16xf32> to vector<16xf32>
      %swap3A_48 = vector.shape_cast %broadcast_in_dim3A_1 : vector<16xf32> to vector<1x16xf32>
      tpu.vector_store %arg8[%swap3A_44, %swap3A_45], %swap3A_48 {strides = array<i32>} : memref<128x128xf32, #tpu.memory_space<vmem>>, vector<1x16xf32>,
      %swap3A_49 = arith.index_cast %scan3A_38 : i32 to index
      %swap3A_50 = arith.constant 32 : index
      %swap3A_51 = tpu.vector_load %arg8[%swap3A_49, %swap3A_50] {strides = array<i32>} : memref<128x128xf32, #tpu.memory_space<vmem>>, vector<1x16xf32>,
      %swap3A_52 = vector.shape_cast %swap3A_51 : vector<1x16xf32> to vector<16xf32>
      %swap3A_53 = vector.shape_cast %broadcast_in_dim3A_1 : vector<16xf32> to vector<1x16xf32>
      tpu.vector_store %arg8[%swap3A_49, %swap3A_50], %swap3A_53 {strides = array<i32>} : memref<128x128xf32, #tpu.memory_space<vmem>>, vector<1x16xf32>,
      %swap3A_54 = arith.index_cast %scan3A_38 : i32 to index
      %swap3A_55 = arith.constant 48 : index
      %swap3A_56 = tpu.vector_load %arg8[%swap3A_54, %swap3A_55] {strides = array<i32>} : memref<128x128xf32, #tpu.memory_space<vmem>>, vector<1x16xf32>,
      %swap3A_57 = vector.shape_cast %swap3A_56 : vector<1x16xf32> to vector<16xf32>
      %swap3A_58 = vector.shape_cast %broadcast_in_dim3A_1 : vector<16xf32> to vector<1x16xf32>
      tpu.vector_store %arg8[%swap3A_54, %swap3A_55], %swap3A_58 {strides = array<i32>} : memref<128x128xf32, #tpu.memory_space<vmem>>, vector<1x16xf32>,
      %swap3A_59 = arith.index_cast %scan3A_38 : i32 to index
      %swap3A_60 = arith.constant 64 : index
      %swap3A_61 = tpu.vector_load %arg8[%swap3A_59, %swap3A_60] {strides = array<i32>} : memref<128x128xf32, #tpu.memory_space<vmem>>, vector<1x16xf32>,
      %swap3A_62 = vector.shape_cast %swap3A_61 : vector<1x16xf32> to vector<16xf32>
      %swap3A_63 = vector.shape_cast %broadcast_in_dim3A_1 : vector<16xf32> to vector<1x16xf32>
      tpu.vector_store %arg8[%swap3A_59, %swap3A_60], %swap3A_63 {strides = array<i32>} : memref<128x128xf32, #tpu.memory_space<vmem>>, vector<1x16xf32>,
      %swap3A_64 = arith.index_cast %scan3A_38 : i32 to index
      %swap3A_65 = arith.constant 80 : index
      %swap3A_66 = tpu.vector_load %arg8[%swap3A_64, %swap3A_65] {strides = array<i32>} : memref<128x128xf32, #tpu.memory_space<vmem>>, vector<1x16xf32>,
      %swap3A_67 = vector.shape_cast %swap3A_66 : vector<1x16xf32> to vector<16xf32>
      %swap3A_68 = vector.shape_cast %broadcast_in_dim3A_1 : vector<16xf32> to vector<1x16xf32>
      tpu.vector_store %arg8[%swap3A_64, %swap3A_65], %swap3A_68 {strides = array<i32>} : memref<128x128xf32, #tpu.memory_space<vmem>>, vector<1x16xf32>,
      %swap3A_69 = arith.index_cast %scan3A_38 : i32 to index
      %swap3A_70 = arith.constant 96 : index
      %swap3A_71 = tpu.vector_load %arg8[%swap3A_69, %swap3A_70] {strides = array<i32>} : memref<128x128xf32, #tpu.memory_space<vmem>>, vector<1x16xf32>,
      %swap3A_72 = vector.shape_cast %swap3A_71 : vector<1x16xf32> to vector<16xf32>
      %swap3A_73 = vector.shape_cast %broadcast_in_dim3A_1 : vector<16xf32> to vector<1x16xf32>
      tpu.vector_store %arg8[%swap3A_69, %swap3A_70], %swap3A_73 {strides = array<i32>} : memref<128x128xf32, #tpu.memory_space<vmem>>, vector<1x16xf32>,
      %swap3A_74 = arith.index_cast %scan3A_38 : i32 to index
      %swap3A_75 = arith.constant 112 : index
      %swap3A_76 = tpu.vector_load %arg8[%swap3A_74, %swap3A_75] {strides = array<i32>} : memref<128x128xf32, #tpu.memory_space<vmem>>, vector<1x16xf32>,
      %swap3A_77 = vector.shape_cast %swap3A_76 : vector<1x16xf32> to vector<16xf32>
      %swap3A_78 = vector.shape_cast %broadcast_in_dim3A_1 : vector<16xf32> to vector<1x16xf32>
      tpu.vector_store %arg8[%swap3A_74, %swap3A_75], %swap3A_78 {strides = array<i32>} : memref<128x128xf32, #tpu.memory_space<vmem>>, vector<1x16xf32>,
      %scan3A_79 = arith.constant 0 : i32
      scf.yield %scan3A_79 : i32
    }
    %scan3A_7 = arith.constant 128 : i32
    %mul3A_8 = arith.constant 640 : i32
    %mul3A_9 = arith.muli %arg1, %mul3A_8 : i32
    %add3A_10 = arith.constant 0 : i32
    %add3A_11 = arith.addi %mul3A_9, %add3A_10 : i32
    "tpu.region"() ({
      %run_scoped3A_38 = tpu.sem_alloc : memref<!tpu.dma_semaphore, #tpu.memory_space<semaphore_mem>>
      %dma_start3A = arith.constant 0 : i32
      %dma_start3A_39 = tpu.memref_slice %arg10[%add3A_11, %dma_start3A] : memref<10240x128xf32, #tpu.memory_space<vmem_shared>> -> memref<128x128xf32, #tpu.memory_space<vmem_shared>>
      %dma_start3A_40 = arith.constant 0 : i32
      %dma_start3A_41 = tpu.memref_slice %arg10[%add3A_11, %dma_start3A_40] : memref<10240x128xf32, #tpu.memory_space<vmem_shared>> -> memref<128x128xf32, #tpu.memory_space<vmem_shared>>
      tpu.enqueue_dma source(%arg8 : memref<128x128xf32, #tpu.memory_space<vmem>>) target(%dma_start3A_41 : memref<128x128xf32, #tpu.memory_space<vmem_shared>>) target_semaphore(%run_scoped3A_38 : memref<!tpu.dma_semaphore, #tpu.memory_space<semaphore_mem>>)
      %dma_wait3A = arith.constant 0 : i32
      %dma_wait3A_42 = tpu.memref_slice %arg10[%add3A_11, %dma_wait3A] : memref<10240x128xf32, #tpu.memory_space<vmem_shared>> -> memref<128x128xf32, #tpu.memory_space<vmem_shared>>
      %dma_wait3A_43 = arith.constant 0 : i32
      %dma_wait3A_44 = tpu.memref_slice %arg10[%add3A_11, %dma_wait3A_43] : memref<10240x128xf32, #tpu.memory_space<vmem_shared>> -> memref<128x128xf32, #tpu.memory_space<vmem_shared>>
      tpu.wait_dma2 semaphore(%run_scoped3A_38 : memref<!tpu.dma_semaphore, #tpu.memory_space<semaphore_mem>>) src(%arg8 : memref<128x128xf32, #tpu.memory_space<vmem>>) dst(%dma_wait3A_44 : memref<128x128xf32, #tpu.memory_space<vmem_shared>>)
      tpu.yield
    }) : () -> ()
    %add3A_12 = arith.constant 128 : i32
    %add3A_13 = arith.addi %mul3A_9, %add3A_12 : i32
    "tpu.region"() ({
      %run_scoped3A_38 = tpu.sem_alloc : memref<!tpu.dma_semaphore, #tpu.memory_space<semaphore_mem>>
      %dma_start3A = arith.constant 0 : i32
      %dma_start3A_39 = tpu.memref_slice %arg10[%add3A_13, %dma_start3A] : memref<10240x128xf32, #tpu.memory_space<vmem_shared>> -> memref<128x128xf32, #tpu.memory_space<vmem_shared>>
      %dma_start3A_40 = arith.constant 0 : i32
      %dma_start3A_41 = tpu.memref_slice %arg10[%add3A_13, %dma_start3A_40] : memref<10240x128xf32, #tpu.memory_space<vmem_shared>> -> memref<128x128xf32, #tpu.memory_space<vmem_shared>>
      tpu.enqueue_dma source(%arg8 : memref<128x128xf32, #tpu.memory_space<vmem>>) target(%dma_start3A_41 : memref<128x128xf32, #tpu.memory_space<vmem_shared>>) target_semaphore(%run_scoped3A_38 : memref<!tpu.dma_semaphore, #tpu.memory_space<semaphore_mem>>)
      %dma_wait3A = arith.constant 0 : i32
      %dma_wait3A_42 = tpu.memref_slice %arg10[%add3A_13, %dma_wait3A] : memref<10240x128xf32, #tpu.memory_space<vmem_shared>> -> memref<128x128xf32, #tpu.memory_space<vmem_shared>>
      %dma_wait3A_43 = arith.constant 0 : i32
      %dma_wait3A_44 = tpu.memref_slice %arg10[%add3A_13, %dma_wait3A_43] : memref<10240x128xf32, #tpu.memory_space<vmem_shared>> -> memref<128x128xf32, #tpu.memory_space<vmem_shared>>
      tpu.wait_dma2 semaphore(%run_scoped3A_38 : memref<!tpu.dma_semaphore, #tpu.memory_space<semaphore_mem>>) src(%arg8 : memref<128x128xf32, #tpu.memory_space<vmem>>) dst(%dma_wait3A_44 : memref<128x128xf32, #tpu.memory_space<vmem_shared>>)
      tpu.yield
    }) : () -> ()
    %add3A_14 = arith.constant 256 : i32
    %add3A_15 = arith.addi %mul3A_9, %add3A_14 : i32
    "tpu.region"() ({
      %run_scoped3A_38 = tpu.sem_alloc : memref<!tpu.dma_semaphore, #tpu.memory_space<semaphore_mem>>
      %dma_start3A = arith.constant 0 : i32
      %dma_start3A_39 = tpu.memref_slice %arg10[%add3A_15, %dma_start3A] : memref<10240x128xf32, #tpu.memory_space<vmem_shared>> -> memref<128x128xf32, #tpu.memory_space<vmem_shared>>
      %dma_start3A_40 = arith.constant 0 : i32
      %dma_start3A_41 = tpu.memref_slice %arg10[%add3A_15, %dma_start3A_40] : memref<10240x128xf32, #tpu.memory_space<vmem_shared>> -> memref<128x128xf32, #tpu.memory_space<vmem_shared>>
      tpu.enqueue_dma source(%arg8 : memref<128x128xf32, #tpu.memory_space<vmem>>) target(%dma_start3A_41 : memref<128x128xf32, #tpu.memory_space<vmem_shared>>) target_semaphore(%run_scoped3A_38 : memref<!tpu.dma_semaphore, #tpu.memory_space<semaphore_mem>>)
      %dma_wait3A = arith.constant 0 : i32
      %dma_wait3A_42 = tpu.memref_slice %arg10[%add3A_15, %dma_wait3A] : memref<10240x128xf32, #tpu.memory_space<vmem_shared>> -> memref<128x128xf32, #tpu.memory_space<vmem_shared>>
      %dma_wait3A_43 = arith.constant 0 : i32
      %dma_wait3A_44 = tpu.memref_slice %arg10[%add3A_15, %dma_wait3A_43] : memref<10240x128xf32, #tpu.memory_space<vmem_shared>> -> memref<128x128xf32, #tpu.memory_space<vmem_shared>>
      tpu.wait_dma2 semaphore(%run_scoped3A_38 : memref<!tpu.dma_semaphore, #tpu.memory_space<semaphore_mem>>) src(%arg8 : memref<128x128xf32, #tpu.memory_space<vmem>>) dst(%dma_wait3A_44 : memref<128x128xf32, #tpu.memory_space<vmem_shared>>)
      tpu.yield
    }) : () -> ()
    %add3A_16 = arith.constant 384 : i32
    %add3A_17 = arith.addi %mul3A_9, %add3A_16 : i32
    "tpu.region"() ({
      %run_scoped3A_38 = tpu.sem_alloc : memref<!tpu.dma_semaphore, #tpu.memory_space<semaphore_mem>>
      %dma_start3A = arith.constant 0 : i32
      %dma_start3A_39 = tpu.memref_slice %arg10[%add3A_17, %dma_start3A] : memref<10240x128xf32, #tpu.memory_space<vmem_shared>> -> memref<128x128xf32, #tpu.memory_space<vmem_shared>>
      %dma_start3A_40 = arith.constant 0 : i32
      %dma_start3A_41 = tpu.memref_slice %arg10[%add3A_17, %dma_start3A_40] : memref<10240x128xf32, #tpu.memory_space<vmem_shared>> -> memref<128x128xf32, #tpu.memory_space<vmem_shared>>
      tpu.enqueue_dma source(%arg8 : memref<128x128xf32, #tpu.memory_space<vmem>>) target(%dma_start3A_41 : memref<128x128xf32, #tpu.memory_space<vmem_shared>>) target_semaphore(%run_scoped3A_38 : memref<!tpu.dma_semaphore, #tpu.memory_space<semaphore_mem>>)
      %dma_wait3A = arith.constant 0 : i32
      %dma_wait3A_42 = tpu.memref_slice %arg10[%add3A_17, %dma_wait3A] : memref<10240x128xf32, #tpu.memory_space<vmem_shared>> -> memref<128x128xf32, #tpu.memory_space<vmem_shared>>
      %dma_wait3A_43 = arith.constant 0 : i32
      %dma_wait3A_44 = tpu.memref_slice %arg10[%add3A_17, %dma_wait3A_43] : memref<10240x128xf32, #tpu.memory_space<vmem_shared>> -> memref<128x128xf32, #tpu.memory_space<vmem_shared>>
      tpu.wait_dma2 semaphore(%run_scoped3A_38 : memref<!tpu.dma_semaphore, #tpu.memory_space<semaphore_mem>>) src(%arg8 : memref<128x128xf32, #tpu.memory_space<vmem>>) dst(%dma_wait3A_44 : memref<128x128xf32, #tpu.memory_space<vmem_shared>>)
      tpu.yield
    }) : () -> ()
    %add3A_18 = arith.constant 512 : i32
    %add3A_19 = arith.addi %mul3A_9, %add3A_18 : i32
    "tpu.region"() ({
      %run_scoped3A_38 = tpu.sem_alloc : memref<!tpu.dma_semaphore, #tpu.memory_space<semaphore_mem>>
      %dma_start3A = arith.constant 0 : i32
      %dma_start3A_39 = tpu.memref_slice %arg10[%add3A_19, %dma_start3A] : memref<10240x128xf32, #tpu.memory_space<vmem_shared>> -> memref<128x128xf32, #tpu.memory_space<vmem_shared>>
      %dma_start3A_40 = arith.constant 0 : i32
      %dma_start3A_41 = tpu.memref_slice %arg10[%add3A_19, %dma_start3A_40] : memref<10240x128xf32, #tpu.memory_space<vmem_shared>> -> memref<128x128xf32, #tpu.memory_space<vmem_shared>>
      tpu.enqueue_dma source(%arg8 : memref<128x128xf32, #tpu.memory_space<vmem>>) target(%dma_start3A_41 : memref<128x128xf32, #tpu.memory_space<vmem_shared>>) target_semaphore(%run_scoped3A_38 : memref<!tpu.dma_semaphore, #tpu.memory_space<semaphore_mem>>)
      %dma_wait3A = arith.constant 0 : i32
      %dma_wait3A_42 = tpu.memref_slice %arg10[%add3A_19, %dma_wait3A] : memref<10240x128xf32, #tpu.memory_space<vmem_shared>> -> memref<128x128xf32, #tpu.memory_space<vmem_shared>>
      %dma_wait3A_43 = arith.constant 0 : i32
      %dma_wait3A_44 = tpu.memref_slice %arg10[%add3A_19, %dma_wait3A_43] : memref<10240x128xf32, #tpu.memory_space<vmem_shared>> -> memref<128x128xf32, #tpu.memory_space<vmem_shared>>
      tpu.wait_dma2 semaphore(%run_scoped3A_38 : memref<!tpu.dma_semaphore, #tpu.memory_space<semaphore_mem>>) src(%arg8 : memref<128x128xf32, #tpu.memory_space<vmem>>) dst(%dma_wait3A_44 : memref<128x128xf32, #tpu.memory_space<vmem_shared>>)
      tpu.yield
    }) : () -> ()
    %barrier3A = arith.constant 0 : index
    tpu.barrier barrier_id(%barrier3A)
    %run_scoped3A = arith.constant 0 : i32
    "tpu.region"() ({
      %run_scoped3A_38 = tpu.sem_alloc : memref<!tpu.dma_semaphore, #tpu.memory_space<semaphore_mem>>
      %dma_start3A = arith.constant 0 : i32
      %dma_start3A_39 = arith.constant 0 : i32
      %dma_start3A_40 = tpu.memref_slice %arg3[%add3A, %run_scoped3A, %dma_start3A, %dma_start3A_39] : memref<32x2x48x128xi32, #tpu.memory_space<hbm>> -> memref<1x1x48x128xi32, #tpu.memory_space<hbm>>
      %dma_start3A_41 = tpu.memref_squeeze %dma_start3A_40 : memref<1x1x48x128xi32, #tpu.memory_space<hbm>> -> memref<48x128xi32, #tpu.memory_space<hbm>>
      %dma_start3A_42 = arith.constant 0 : i32
      %dma_start3A_43 = arith.constant 0 : i32
      %dma_start3A_44 = tpu.memref_slice %arg3[%add3A, %run_scoped3A, %dma_start3A_42, %dma_start3A_43] : memref<32x2x48x128xi32, #tpu.memory_space<hbm>> -> memref<1x1x48x128xi32, #tpu.memory_space<hbm>>
      %dma_start3A_45 = tpu.memref_squeeze %dma_start3A_44 : memref<1x1x48x128xi32, #tpu.memory_space<hbm>> -> memref<48x128xi32, #tpu.memory_space<hbm>>
      tpu.enqueue_dma source(%dma_start3A_45 : memref<48x128xi32, #tpu.memory_space<hbm>>) target(%arg6 : memref<48x128xi32, #tpu.memory_space<vmem>>) target_semaphore(%run_scoped3A_38 : memref<!tpu.dma_semaphore, #tpu.memory_space<semaphore_mem>>)
      %dma_wait3A = arith.constant 0 : i32
      %dma_wait3A_46 = arith.constant 0 : i32
      %dma_wait3A_47 = tpu.memref_slice %arg3[%add3A, %run_scoped3A, %dma_wait3A, %dma_wait3A_46] : memref<32x2x48x128xi32, #tpu.memory_space<hbm>> -> memref<1x1x48x128xi32, #tpu.memory_space<hbm>>
      %dma_wait3A_48 = tpu.memref_squeeze %dma_wait3A_47 : memref<1x1x48x128xi32, #tpu.memory_space<hbm>> -> memref<48x128xi32, #tpu.memory_space<hbm>>
      %dma_wait3A_49 = arith.constant 0 : i32
      %dma_wait3A_50 = arith.constant 0 : i32
      %dma_wait3A_51 = tpu.memref_slice %arg3[%add3A, %run_scoped3A, %dma_wait3A_49, %dma_wait3A_50] : memref<32x2x48x128xi32, #tpu.memory_space<hbm>> -> memref<1x1x48x128xi32, #tpu.memory_space<hbm>>
      %dma_wait3A_52 = tpu.memref_squeeze %dma_wait3A_51 : memref<1x1x48x128xi32, #tpu.memory_space<hbm>> -> memref<48x128xi32, #tpu.memory_space<hbm>>
      tpu.wait_dma2 semaphore(%run_scoped3A_38 : memref<!tpu.dma_semaphore, #tpu.memory_space<semaphore_mem>>) src(%dma_wait3A_52 : memref<48x128xi32, #tpu.memory_space<hbm>>) dst(%arg6 : memref<48x128xi32, #tpu.memory_space<vmem>>)
      tpu.yield
    }) : () -> ()
    %run_scoped3A_20 = arith.constant 0 : i32
    "tpu.region"() ({
      %run_scoped3A_38 = tpu.sem_alloc : memref<!tpu.dma_semaphore, #tpu.memory_space<semaphore_mem>>
      %dma_start3A = arith.constant 0 : i32
      %dma_start3A_39 = arith.constant 0 : i32
      %dma_start3A_40 = tpu.memref_slice %arg4[%add3A, %run_scoped3A_20, %dma_start3A, %dma_start3A_39] : memref<32x2x40x128xi32, #tpu.memory_space<hbm>> -> memref<1x1x40x128xi32, #tpu.memory_space<hbm>>
      %dma_start3A_41 = tpu.memref_squeeze %dma_start3A_40 : memref<1x1x40x128xi32, #tpu.memory_space<hbm>> -> memref<40x128xi32, #tpu.memory_space<hbm>>
      %dma_start3A_42 = arith.constant 0 : i32
      %dma_start3A_43 = arith.constant 0 : i32
      %dma_start3A_44 = tpu.memref_slice %arg4[%add3A, %run_scoped3A_20, %dma_start3A_42, %dma_start3A_43] : memref<32x2x40x128xi32, #tpu.memory_space<hbm>> -> memref<1x1x40x128xi32, #tpu.memory_space<hbm>>
      %dma_start3A_45 = tpu.memref_squeeze %dma_start3A_44 : memref<1x1x40x128xi32, #tpu.memory_space<hbm>> -> memref<40x128xi32, #tpu.memory_space<hbm>>
      tpu.enqueue_dma source(%dma_start3A_45 : memref<40x128xi32, #tpu.memory_space<hbm>>) target(%arg7 : memref<40x128xi32, #tpu.memory_space<vmem>>) target_semaphore(%run_scoped3A_38 : memref<!tpu.dma_semaphore, #tpu.memory_space<semaphore_mem>>)
      %dma_wait3A = arith.constant 0 : i32
      %dma_wait3A_46 = arith.constant 0 : i32
      %dma_wait3A_47 = tpu.memref_slice %arg4[%add3A, %run_scoped3A_20, %dma_wait3A, %dma_wait3A_46] : memref<32x2x40x128xi32, #tpu.memory_space<hbm>> -> memref<1x1x40x128xi32, #tpu.memory_space<hbm>>
      %dma_wait3A_48 = tpu.memref_squeeze %dma_wait3A_47 : memref<1x1x40x128xi32, #tpu.memory_space<hbm>> -> memref<40x128xi32, #tpu.memory_space<hbm>>
      %dma_wait3A_49 = arith.constant 0 : i32
      %dma_wait3A_50 = arith.constant 0 : i32
      %dma_wait3A_51 = tpu.memref_slice %arg4[%add3A, %run_scoped3A_20, %dma_wait3A_49, %dma_wait3A_50] : memref<32x2x40x128xi32, #tpu.memory_space<hbm>> -> memref<1x1x40x128xi32, #tpu.memory_space<hbm>>
      %dma_wait3A_52 = tpu.memref_squeeze %dma_wait3A_51 : memref<1x1x40x128xi32, #tpu.memory_space<hbm>> -> memref<40x128xi32, #tpu.memory_space<hbm>>
      tpu.wait_dma2 semaphore(%run_scoped3A_38 : memref<!tpu.dma_semaphore, #tpu.memory_space<semaphore_mem>>) src(%dma_wait3A_52 : memref<40x128xi32, #tpu.memory_space<hbm>>) dst(%arg7 : memref<40x128xi32, #tpu.memory_space<vmem>>)
      tpu.yield
    }) : () -> ()
    %scan3A_21 = arith.constant 0 : i32
    %scan3A_22 = arith.constant 0 : i32
    %scan3A_23 = arith.constant 20 : i32
    %scan3A_24 = arith.addi %scan3A_22, %scan3A_23 : i32
    %scan3A_25 = arith.constant 1 : i32
    %scan3A_26 = scf.for %scan3A_38 = %scan3A_22 to %scan3A_24 step %scan3A_25 iter_args(%scan3A_39 = %scan3A_21) -> (i32)  : i32 {
      %mul3A_40 = arith.constant 2 : i32
      %mul3A_41 = arith.muli %scan3A_38, %mul3A_40 : i32
      %add3A_42 = arith.constant 0 : i32
      %add3A_43 = arith.addi %mul3A_41, %add3A_42 : i32
      %dma_start3A = arith.constant 0 : i32
      %dma_start3A_44 = arith.constant 0 : i32
      %dma_start3A_45 = tpu.memref_slice %arg8[%dma_start3A, %dma_start3A_44] : memref<128x128xf32, #tpu.memory_space<vmem>> -> memref<64x128xf32, #tpu.memory_space<vmem>>
      %dma_start3A_46 = arith.constant 0 : i32
      %dma_start3A_47 = tpu.memref_slice %arg6[%add3A_43, %dma_start3A_46] : memref<48x128xi32, #tpu.memory_space<vmem>> -> memref<1x64xi32, #tpu.memory_space<vmem>>
      %dma_start3A_48 = tpu.memref_squeeze %dma_start3A_47 : memref<1x64xi32, #tpu.memory_space<vmem>> -> memref<64xi32, #tpu.memory_space<vmem>>
      %dma_start3A_49 = arith.constant 0 : i32
      %dma_start3A_50 = arith.constant 0 : i32
      %dma_start3A_51 = tpu.memref_slice %arg2[%dma_start3A_49, %dma_start3A_50] : memref<10240x128xf32, #tpu.memory_space<hbm>> -> memref<10240x128xf32, #tpu.memory_space<hbm>>
      tpu.enqueue_indirect_dma source(%dma_start3A_51 : memref<10240x128xf32, #tpu.memory_space<hbm>>) target(%dma_start3A_45 : memref<64x128xf32, #tpu.memory_space<vmem>>) offsets(%dma_start3A_48 : memref<64xi32, #tpu.memory_space<vmem>>) semaphore(%arg11 : memref<!tpu.dma_semaphore, #tpu.memory_space<semaphore_mem>>)
      %dma_start3A_52 = arith.constant 64 : i32
      %dma_start3A_53 = arith.constant 0 : i32
      %dma_start3A_54 = tpu.memref_slice %arg8[%dma_start3A_52, %dma_start3A_53] : memref<128x128xf32, #tpu.memory_space<vmem>> -> memref<64x128xf32, #tpu.memory_space<vmem>>
      %dma_start3A_55 = arith.constant 64 : i32
      %dma_start3A_56 = tpu.memref_slice %arg6[%add3A_43, %dma_start3A_55] : memref<48x128xi32, #tpu.memory_space<vmem>> -> memref<1x64xi32, #tpu.memory_space<vmem>>
      %dma_start3A_57 = tpu.memref_squeeze %dma_start3A_56 : memref<1x64xi32, #tpu.memory_space<vmem>> -> memref<64xi32, #tpu.memory_space<vmem>>
      %dma_start3A_58 = arith.constant 0 : i32
      %dma_start3A_59 = arith.constant 0 : i32
      %dma_start3A_60 = tpu.memref_slice %arg2[%dma_start3A_58, %dma_start3A_59] : memref<10240x128xf32, #tpu.memory_space<hbm>> -> memref<10240x128xf32, #tpu.memory_space<hbm>>
      tpu.enqueue_indirect_dma source(%dma_start3A_60 : memref<10240x128xf32, #tpu.memory_space<hbm>>) target(%dma_start3A_54 : memref<64x128xf32, #tpu.memory_space<vmem>>) offsets(%dma_start3A_57 : memref<64xi32, #tpu.memory_space<vmem>>) semaphore(%arg11 : memref<!tpu.dma_semaphore, #tpu.memory_space<semaphore_mem>>)
      %add3A_61 = arith.constant 1 : i32
      %add3A_62 = arith.addi %mul3A_41, %add3A_61 : i32
      %dma_start3A_63 = arith.constant 0 : i32
      %dma_start3A_64 = arith.constant 0 : i32
      %dma_start3A_65 = tpu.memref_slice %arg9[%dma_start3A_63, %dma_start3A_64] : memref<128x128xf32, #tpu.memory_space<vmem>> -> memref<64x128xf32, #tpu.memory_space<vmem>>
      %dma_start3A_66 = arith.constant 0 : i32
      %dma_start3A_67 = tpu.memref_slice %arg6[%add3A_62, %dma_start3A_66] : memref<48x128xi32, #tpu.memory_space<vmem>> -> memref<1x64xi32, #tpu.memory_space<vmem>>
      %dma_start3A_68 = tpu.memref_squeeze %dma_start3A_67 : memref<1x64xi32, #tpu.memory_space<vmem>> -> memref<64xi32, #tpu.memory_space<vmem>>
      %dma_start3A_69 = arith.constant 0 : i32
      %dma_start3A_70 = arith.constant 0 : i32
      %dma_start3A_71 = tpu.memref_slice %arg2[%dma_start3A_69, %dma_start3A_70] : memref<10240x128xf32, #tpu.memory_space<hbm>> -> memref<10240x128xf32, #tpu.memory_space<hbm>>
      tpu.enqueue_indirect_dma source(%dma_start3A_71 : memref<10240x128xf32, #tpu.memory_space<hbm>>) target(%dma_start3A_65 : memref<64x128xf32, #tpu.memory_space<vmem>>) offsets(%dma_start3A_68 : memref<64xi32, #tpu.memory_space<vmem>>) semaphore(%arg12 : memref<!tpu.dma_semaphore, #tpu.memory_space<semaphore_mem>>)
      %dma_start3A_72 = arith.constant 64 : i32
      %dma_start3A_73 = arith.constant 0 : i32
      %dma_start3A_74 = tpu.memref_slice %arg9[%dma_start3A_72, %dma_start3A_73] : memref<128x128xf32, #tpu.memory_space<vmem>> -> memref<64x128xf32, #tpu.memory_space<vmem>>
      %dma_start3A_75 = arith.constant 64 : i32
      %dma_start3A_76 = tpu.memref_slice %arg6[%add3A_62, %dma_start3A_75] : memref<48x128xi32, #tpu.memory_space<vmem>> -> memref<1x64xi32, #tpu.memory_space<vmem>>
      %dma_start3A_77 = tpu.memref_squeeze %dma_start3A_76 : memref<1x64xi32, #tpu.memory_space<vmem>> -> memref<64xi32, #tpu.memory_space<vmem>>
      %dma_start3A_78 = arith.constant 0 : i32
      %dma_start3A_79 = arith.constant 0 : i32
      %dma_start3A_80 = tpu.memref_slice %arg2[%dma_start3A_78, %dma_start3A_79] : memref<10240x128xf32, #tpu.memory_space<hbm>> -> memref<10240x128xf32, #tpu.memory_space<hbm>>
      tpu.enqueue_indirect_dma source(%dma_start3A_80 : memref<10240x128xf32, #tpu.memory_space<hbm>>) target(%dma_start3A_74 : memref<64x128xf32, #tpu.memory_space<vmem>>) offsets(%dma_start3A_77 : memref<64xi32, #tpu.memory_space<vmem>>) semaphore(%arg12 : memref<!tpu.dma_semaphore, #tpu.memory_space<semaphore_mem>>)
      %dma_wait3A = arith.constant 0 : i32
      %dma_wait3A_81 = arith.constant 0 : i32
      %dma_wait3A_82 = tpu.memref_slice %arg8[%dma_wait3A, %dma_wait3A_81] : memref<128x128xf32, #tpu.memory_space<vmem>> -> memref<64x128xf32, #tpu.memory_space<vmem>>
      %dma_wait3A_83 = arith.constant 0 : i32
      %dma_wait3A_84 = tpu.memref_slice %arg6[%add3A_43, %dma_wait3A_83] : memref<48x128xi32, #tpu.memory_space<vmem>> -> memref<1x64xi32, #tpu.memory_space<vmem>>
      %dma_wait3A_85 = tpu.memref_squeeze %dma_wait3A_84 : memref<1x64xi32, #tpu.memory_space<vmem>> -> memref<64xi32, #tpu.memory_space<vmem>>
      %dma_wait3A_86 = arith.constant 0 : i32
      %dma_wait3A_87 = arith.constant 0 : i32
      %dma_wait3A_88 = tpu.memref_slice %arg2[%dma_wait3A_86, %dma_wait3A_87] : memref<10240x128xf32, #tpu.memory_space<hbm>> -> memref<10240x128xf32, #tpu.memory_space<hbm>>
      tpu.wait_indirect_dma semaphore(%arg11 : memref<!tpu.dma_semaphore, #tpu.memory_space<semaphore_mem>>) src(%dma_wait3A_88 : memref<10240x128xf32, #tpu.memory_space<hbm>>) dst(%dma_wait3A_82 : memref<64x128xf32, #tpu.memory_space<vmem>>)
      %dma_wait3A_89 = arith.constant 64 : i32
      %dma_wait3A_90 = arith.constant 0 : i32
      %dma_wait3A_91 = tpu.memref_slice %arg8[%dma_wait3A_89, %dma_wait3A_90] : memref<128x128xf32, #tpu.memory_space<vmem>> -> memref<64x128xf32, #tpu.memory_space<vmem>>
      %dma_wait3A_92 = arith.constant 64 : i32
      %dma_wait3A_93 = tpu.memref_slice %arg6[%add3A_43, %dma_wait3A_92] : memref<48x128xi32, #tpu.memory_space<vmem>> -> memref<1x64xi32, #tpu.memory_space<vmem>>
      %dma_wait3A_94 = tpu.memref_squeeze %dma_wait3A_93 : memref<1x64xi32, #tpu.memory_space<vmem>> -> memref<64xi32, #tpu.memory_space<vmem>>
      %dma_wait3A_95 = arith.constant 0 : i32
      %dma_wait3A_96 = arith.constant 0 : i32
      %dma_wait3A_97 = tpu.memref_slice %arg2[%dma_wait3A_95, %dma_wait3A_96] : memref<10240x128xf32, #tpu.memory_space<hbm>> -> memref<10240x128xf32, #tpu.memory_space<hbm>>
      tpu.wait_indirect_dma semaphore(%arg11 : memref<!tpu.dma_semaphore, #tpu.memory_space<semaphore_mem>>) src(%dma_wait3A_97 : memref<10240x128xf32, #tpu.memory_space<hbm>>) dst(%dma_wait3A_91 : memref<64x128xf32, #tpu.memory_space<vmem>>)
      %add3A_98 = arith.constant 0 : i32
      %add3A_99 = arith.addi %mul3A_41, %add3A_98 : i32
      "tpu.region"() ({
        %run_scoped3A_121 = tpu.sem_alloc : memref<!tpu.dma_semaphore, #tpu.memory_space<semaphore_mem>>
        %dma_start3A_122 = arith.constant 0 : i32
        %dma_start3A_123 = tpu.memref_slice %arg7[%add3A_99, %dma_start3A_122] : memref<40x128xi32, #tpu.memory_space<vmem>> -> memref<1x128xi32, #tpu.memory_space<vmem>>
        %dma_start3A_124 = tpu.memref_squeeze %dma_start3A_123 : memref<1x128xi32, #tpu.memory_space<vmem>> -> memref<128xi32, #tpu.memory_space<vmem>>
        %dma_start3A_125 = arith.constant 0 : i32
        %dma_start3A_126 = arith.constant 0 : i32
        %dma_start3A_127 = tpu.memref_slice %arg10[%dma_start3A_125, %dma_start3A_126] : memref<10240x128xf32, #tpu.memory_space<vmem_shared>> -> memref<10240x128xf32, #tpu.memory_space<vmem_shared>>
        tpu.enqueue_indirect_dma source(%arg8 : memref<128x128xf32, #tpu.memory_space<vmem>>) target(%dma_start3A_127 : memref<10240x128xf32, #tpu.memory_space<vmem_shared>>) offsets(%dma_start3A_124 : memref<128xi32, #tpu.memory_space<vmem>>) semaphore(%run_scoped3A_121 : memref<!tpu.dma_semaphore, #tpu.memory_space<semaphore_mem>>) {add = true}
        %dma_wait3A_128 = arith.constant 0 : i32
        %dma_wait3A_129 = tpu.memref_slice %arg7[%add3A_99, %dma_wait3A_128] : memref<40x128xi32, #tpu.memory_space<vmem>> -> memref<1x128xi32, #tpu.memory_space<vmem>>
        %dma_wait3A_130 = tpu.memref_squeeze %dma_wait3A_129 : memref<1x128xi32, #tpu.memory_space<vmem>> -> memref<128xi32, #tpu.memory_space<vmem>>
        %dma_wait3A_131 = arith.constant 0 : i32
        %dma_wait3A_132 = arith.constant 0 : i32
        %dma_wait3A_133 = tpu.memref_slice %arg10[%dma_wait3A_131, %dma_wait3A_132] : memref<10240x128xf32, #tpu.memory_space<vmem_shared>> -> memref<10240x128xf32, #tpu.memory_space<vmem_shared>>
        tpu.wait_indirect_dma semaphore(%run_scoped3A_121 : memref<!tpu.dma_semaphore, #tpu.memory_space<semaphore_mem>>) src(%arg8 : memref<128x128xf32, #tpu.memory_space<vmem>>) dst(%dma_wait3A_133 : memref<10240x128xf32, #tpu.memory_space<vmem_shared>>)
        tpu.yield
      }) : () -> ()
      %dma_wait3A_100 = arith.constant 0 : i32
      %dma_wait3A_101 = arith.constant 0 : i32
      %dma_wait3A_102 = tpu.memref_slice %arg9[%dma_wait3A_100, %dma_wait3A_101] : memref<128x128xf32, #tpu.memory_space<vmem>> -> memref<64x128xf32, #tpu.memory_space<vmem>>
      %dma_wait3A_103 = arith.constant 0 : i32
      %dma_wait3A_104 = tpu.memref_slice %arg6[%add3A_62, %dma_wait3A_103] : memref<48x128xi32, #tpu.memory_space<vmem>> -> memref<1x64xi32, #tpu.memory_space<vmem>>
      %dma_wait3A_105 = tpu.memref_squeeze %dma_wait3A_104 : memref<1x64xi32, #tpu.memory_space<vmem>> -> memref<64xi32, #tpu.memory_space<vmem>>
      %dma_wait3A_106 = arith.constant 0 : i32
      %dma_wait3A_107 = arith.constant 0 : i32
      %dma_wait3A_108 = tpu.memref_slice %arg2[%dma_wait3A_106, %dma_wait3A_107] : memref<10240x128xf32, #tpu.memory_space<hbm>> -> memref<10240x128xf32, #tpu.memory_space<hbm>>
      tpu.wait_indirect_dma semaphore(%arg12 : memref<!tpu.dma_semaphore, #tpu.memory_space<semaphore_mem>>) src(%dma_wait3A_108 : memref<10240x128xf32, #tpu.memory_space<hbm>>) dst(%dma_wait3A_102 : memref<64x128xf32, #tpu.memory_space<vmem>>)
      %dma_wait3A_109 = arith.constant 64 : i32
      %dma_wait3A_110 = arith.constant 0 : i32
      %dma_wait3A_111 = tpu.memref_slice %arg9[%dma_wait3A_109, %dma_wait3A_110] : memref<128x128xf32, #tpu.memory_space<vmem>> -> memref<64x128xf32, #tpu.memory_space<vmem>>
      %dma_wait3A_112 = arith.constant 64 : i32
      %dma_wait3A_113 = tpu.memref_slice %arg6[%add3A_62, %dma_wait3A_112] : memref<48x128xi32, #tpu.memory_space<vmem>> -> memref<1x64xi32, #tpu.memory_space<vmem>>
      %dma_wait3A_114 = tpu.memref_squeeze %dma_wait3A_113 : memref<1x64xi32, #tpu.memory_space<vmem>> -> memref<64xi32, #tpu.memory_space<vmem>>
      %dma_wait3A_115 = arith.constant 0 : i32
      %dma_wait3A_116 = arith.constant 0 : i32
      %dma_wait3A_117 = tpu.memref_slice %arg2[%dma_wait3A_115, %dma_wait3A_116] : memref<10240x128xf32, #tpu.memory_space<hbm>> -> memref<10240x128xf32, #tpu.memory_space<hbm>>
      tpu.wait_indirect_dma semaphore(%arg12 : memref<!tpu.dma_semaphore, #tpu.memory_space<semaphore_mem>>) src(%dma_wait3A_117 : memref<10240x128xf32, #tpu.memory_space<hbm>>) dst(%dma_wait3A_111 : memref<64x128xf32, #tpu.memory_space<vmem>>)
      %add3A_118 = arith.constant 1 : i32
      %add3A_119 = arith.addi %mul3A_41, %add3A_118 : i32
      "tpu.region"() ({
        %run_scoped3A_121 = tpu.sem_alloc : memref<!tpu.dma_semaphore, #tpu.memory_space<semaphore_mem>>
        %dma_start3A_122 = arith.constant 0 : i32
        %dma_start3A_123 = tpu.memref_slice %arg7[%add3A_119, %dma_start3A_122] : memref<40x128xi32, #tpu.memory_space<vmem>> -> memref<1x128xi32, #tpu.memory_space<vmem>>
        %dma_start3A_124 = tpu.memref_squeeze %dma_start3A_123 : memref<1x128xi32, #tpu.memory_space<vmem>> -> memref<128xi32, #tpu.memory_space<vmem>>
        %dma_start3A_125 = arith.constant 0 : i32
        %dma_start3A_126 = arith.constant 0 : i32
        %dma_start3A_127 = tpu.memref_slice %arg10[%dma_start3A_125, %dma_start3A_126] : memref<10240x128xf32, #tpu.memory_space<vmem_shared>> -> memref<10240x128xf32, #tpu.memory_space<vmem_shared>>
        tpu.enqueue_indirect_dma source(%arg9 : memref<128x128xf32, #tpu.memory_space<vmem>>) target(%dma_start3A_127 : memref<10240x128xf32, #tpu.memory_space<vmem_shared>>) offsets(%dma_start3A_124 : memref<128xi32, #tpu.memory_space<vmem>>) semaphore(%run_scoped3A_121 : memref<!tpu.dma_semaphore, #tpu.memory_space<semaphore_mem>>) {add = true}
        %dma_wait3A_128 = arith.constant 0 : i32
        %dma_wait3A_129 = tpu.memref_slice %arg7[%add3A_119, %dma_wait3A_128] : memref<40x128xi32, #tpu.memory_space<vmem>> -> memref<1x128xi32, #tpu.memory_space<vmem>>
        %dma_wait3A_130 = tpu.memref_squeeze %dma_wait3A_129 : memref<1x128xi32, #tpu.memory_space<vmem>> -> memref<128xi32, #tpu.memory_space<vmem>>
        %dma_wait3A_131 = arith.constant 0 : i32
        %dma_wait3A_132 = arith.constant 0 : i32
        %dma_wait3A_133 = tpu.memref_slice %arg10[%dma_wait3A_131, %dma_wait3A_132] : memref<10240x128xf32, #tpu.memory_space<vmem_shared>> -> memref<10240x128xf32, #tpu.memory_space<vmem_shared>>
        tpu.wait_indirect_dma semaphore(%run_scoped3A_121 : memref<!tpu.dma_semaphore, #tpu.memory_space<semaphore_mem>>) src(%arg9 : memref<128x128xf32, #tpu.memory_space<vmem>>) dst(%dma_wait3A_133 : memref<10240x128xf32, #tpu.memory_space<vmem_shared>>)
        tpu.yield
      }) : () -> ()
      %scan3A_120 = arith.constant 0 : i32
      scf.yield %scan3A_120 : i32
    }
    %scan3A_27 = arith.constant 20 : i32
    %run_scoped3A_28 = arith.constant 1 : i32
    "tpu.region"() ({
      %run_scoped3A_38 = tpu.sem_alloc : memref<!tpu.dma_semaphore, #tpu.memory_space<semaphore_mem>>
      %dma_start3A = arith.constant 0 : i32
      %dma_start3A_39 = arith.constant 0 : i32
      %dma_start3A_40 = tpu.memref_slice %arg3[%add3A, %run_scoped3A_28, %dma_start3A, %dma_start3A_39] : memref<32x2x48x128xi32, #tpu.memory_space<hbm>> -> memref<1x1x48x128xi32, #tpu.memory_space<hbm>>
      %dma_start3A_41 = tpu.memref_squeeze %dma_start3A_40 : memref<1x1x48x128xi32, #tpu.memory_space<hbm>> -> memref<48x128xi32, #tpu.memory_space<hbm>>
      %dma_start3A_42 = arith.constant 0 : i32
      %dma_start3A_43 = arith.constant 0 : i32
      %dma_start3A_44 = tpu.memref_slice %arg3[%add3A, %run_scoped3A_28, %dma_start3A_42, %dma_start3A_43] : memref<32x2x48x128xi32, #tpu.memory_space<hbm>> -> memref<1x1x48x128xi32, #tpu.memory_space<hbm>>
      %dma_start3A_45 = tpu.memref_squeeze %dma_start3A_44 : memref<1x1x48x128xi32, #tpu.memory_space<hbm>> -> memref<48x128xi32, #tpu.memory_space<hbm>>
      tpu.enqueue_dma source(%dma_start3A_45 : memref<48x128xi32, #tpu.memory_space<hbm>>) target(%arg6 : memref<48x128xi32, #tpu.memory_space<vmem>>) target_semaphore(%run_scoped3A_38 : memref<!tpu.dma_semaphore, #tpu.memory_space<semaphore_mem>>)
      %dma_wait3A = arith.constant 0 : i32
      %dma_wait3A_46 = arith.constant 0 : i32
      %dma_wait3A_47 = tpu.memref_slice %arg3[%add3A, %run_scoped3A_28, %dma_wait3A, %dma_wait3A_46] : memref<32x2x48x128xi32, #tpu.memory_space<hbm>> -> memref<1x1x48x128xi32, #tpu.memory_space<hbm>>
      %dma_wait3A_48 = tpu.memref_squeeze %dma_wait3A_47 : memref<1x1x48x128xi32, #tpu.memory_space<hbm>> -> memref<48x128xi32, #tpu.memory_space<hbm>>
      %dma_wait3A_49 = arith.constant 0 : i32
      %dma_wait3A_50 = arith.constant 0 : i32
      %dma_wait3A_51 = tpu.memref_slice %arg3[%add3A, %run_scoped3A_28, %dma_wait3A_49, %dma_wait3A_50] : memref<32x2x48x128xi32, #tpu.memory_space<hbm>> -> memref<1x1x48x128xi32, #tpu.memory_space<hbm>>
      %dma_wait3A_52 = tpu.memref_squeeze %dma_wait3A_51 : memref<1x1x48x128xi32, #tpu.memory_space<hbm>> -> memref<48x128xi32, #tpu.memory_space<hbm>>
      tpu.wait_dma2 semaphore(%run_scoped3A_38 : memref<!tpu.dma_semaphore, #tpu.memory_space<semaphore_mem>>) src(%dma_wait3A_52 : memref<48x128xi32, #tpu.memory_space<hbm>>) dst(%arg6 : memref<48x128xi32, #tpu.memory_space<vmem>>)
      tpu.yield
    }) : () -> ()
    %run_scoped3A_29 = arith.constant 1 : i32
    "tpu.region"() ({
      %run_scoped3A_38 = tpu.sem_alloc : memref<!tpu.dma_semaphore, #tpu.memory_space<semaphore_mem>>
      %dma_start3A = arith.constant 0 : i32
      %dma_start3A_39 = arith.constant 0 : i32
      %dma_start3A_40 = tpu.memref_slice %arg4[%add3A, %run_scoped3A_29, %dma_start3A, %dma_start3A_39] : memref<32x2x40x128xi32, #tpu.memory_space<hbm>> -> memref<1x1x40x128xi32, #tpu.memory_space<hbm>>
      %dma_start3A_41 = tpu.memref_squeeze %dma_start3A_40 : memref<1x1x40x128xi32, #tpu.memory_space<hbm>> -> memref<40x128xi32, #tpu.memory_space<hbm>>
      %dma_start3A_42 = arith.constant 0 : i32
      %dma_start3A_43 = arith.constant 0 : i32
      %dma_start3A_44 = tpu.memref_slice %arg4[%add3A, %run_scoped3A_29, %dma_start3A_42, %dma_start3A_43] : memref<32x2x40x128xi32, #tpu.memory_space<hbm>> -> memref<1x1x40x128xi32, #tpu.memory_space<hbm>>
      %dma_start3A_45 = tpu.memref_squeeze %dma_start3A_44 : memref<1x1x40x128xi32, #tpu.memory_space<hbm>> -> memref<40x128xi32, #tpu.memory_space<hbm>>
      tpu.enqueue_dma source(%dma_start3A_45 : memref<40x128xi32, #tpu.memory_space<hbm>>) target(%arg7 : memref<40x128xi32, #tpu.memory_space<vmem>>) target_semaphore(%run_scoped3A_38 : memref<!tpu.dma_semaphore, #tpu.memory_space<semaphore_mem>>)
      %dma_wait3A = arith.constant 0 : i32
      %dma_wait3A_46 = arith.constant 0 : i32
      %dma_wait3A_47 = tpu.memref_slice %arg4[%add3A, %run_scoped3A_29, %dma_wait3A, %dma_wait3A_46] : memref<32x2x40x128xi32, #tpu.memory_space<hbm>> -> memref<1x1x40x128xi32, #tpu.memory_space<hbm>>
      %dma_wait3A_48 = tpu.memref_squeeze %dma_wait3A_47 : memref<1x1x40x128xi32, #tpu.memory_space<hbm>> -> memref<40x128xi32, #tpu.memory_space<hbm>>
      %dma_wait3A_49 = arith.constant 0 : i32
      %dma_wait3A_50 = arith.constant 0 : i32
      %dma_wait3A_51 = tpu.memref_slice %arg4[%add3A, %run_scoped3A_29, %dma_wait3A_49, %dma_wait3A_50] : memref<32x2x40x128xi32, #tpu.memory_space<hbm>> -> memref<1x1x40x128xi32, #tpu.memory_space<hbm>>
      %dma_wait3A_52 = tpu.memref_squeeze %dma_wait3A_51 : memref<1x1x40x128xi32, #tpu.memory_space<hbm>> -> memref<40x128xi32, #tpu.memory_space<hbm>>
      tpu.wait_dma2 semaphore(%run_scoped3A_38 : memref<!tpu.dma_semaphore, #tpu.memory_space<semaphore_mem>>) src(%dma_wait3A_52 : memref<40x128xi32, #tpu.memory_space<hbm>>) dst(%arg7 : memref<40x128xi32, #tpu.memory_space<vmem>>)
      tpu.yield
    }) : () -> ()
    %scan3A_30 = arith.constant 0 : i32
    %scan3A_31 = arith.constant 0 : i32
    %scan3A_32 = arith.constant 20 : i32
    %scan3A_33 = arith.addi %scan3A_31, %scan3A_32 : i32
    %scan3A_34 = arith.constant 1 : i32
    %scan3A_35 = scf.for %scan3A_38 = %scan3A_31 to %scan3A_33 step %scan3A_34 iter_args(%scan3A_39 = %scan3A_30) -> (i32)  : i32 {
      %mul3A_40 = arith.constant 2 : i32
      %mul3A_41 = arith.muli %scan3A_38, %mul3A_40 : i32
      %add3A_42 = arith.constant 0 : i32
      %add3A_43 = arith.addi %mul3A_41, %add3A_42 : i32
      %dma_start3A = arith.constant 0 : i32
      %dma_start3A_44 = arith.constant 0 : i32
      %dma_start3A_45 = tpu.memref_slice %arg8[%dma_start3A, %dma_start3A_44] : memref<128x128xf32, #tpu.memory_space<vmem>> -> memref<64x128xf32, #tpu.memory_space<vmem>>
      %dma_start3A_46 = arith.constant 0 : i32
      %dma_start3A_47 = tpu.memref_slice %arg6[%add3A_43, %dma_start3A_46] : memref<48x128xi32, #tpu.memory_space<vmem>> -> memref<1x64xi32, #tpu.memory_space<vmem>>
      %dma_start3A_48 = tpu.memref_squeeze %dma_start3A_47 : memref<1x64xi32, #tpu.memory_space<vmem>> -> memref<64xi32, #tpu.memory_space<vmem>>
      %dma_start3A_49 = arith.constant 0 : i32
      %dma_start3A_50 = arith.constant 0 : i32
      %dma_start3A_51 = tpu.memref_slice %arg2[%dma_start3A_49, %dma_start3A_50] : memref<10240x128xf32, #tpu.memory_space<hbm>> -> memref<10240x128xf32, #tpu.memory_space<hbm>>
      tpu.enqueue_indirect_dma source(%dma_start3A_51 : memref<10240x128xf32, #tpu.memory_space<hbm>>) target(%dma_start3A_45 : memref<64x128xf32, #tpu.memory_space<vmem>>) offsets(%dma_start3A_48 : memref<64xi32, #tpu.memory_space<vmem>>) semaphore(%arg11 : memref<!tpu.dma_semaphore, #tpu.memory_space<semaphore_mem>>)
      %dma_start3A_52 = arith.constant 64 : i32
      %dma_start3A_53 = arith.constant 0 : i32
      %dma_start3A_54 = tpu.memref_slice %arg8[%dma_start3A_52, %dma_start3A_53] : memref<128x128xf32, #tpu.memory_space<vmem>> -> memref<64x128xf32, #tpu.memory_space<vmem>>
      %dma_start3A_55 = arith.constant 64 : i32
      %dma_start3A_56 = tpu.memref_slice %arg6[%add3A_43, %dma_start3A_55] : memref<48x128xi32, #tpu.memory_space<vmem>> -> memref<1x64xi32, #tpu.memory_space<vmem>>
      %dma_start3A_57 = tpu.memref_squeeze %dma_start3A_56 : memref<1x64xi32, #tpu.memory_space<vmem>> -> memref<64xi32, #tpu.memory_space<vmem>>
      %dma_start3A_58 = arith.constant 0 : i32
      %dma_start3A_59 = arith.constant 0 : i32
      %dma_start3A_60 = tpu.memref_slice %arg2[%dma_start3A_58, %dma_start3A_59] : memref<10240x128xf32, #tpu.memory_space<hbm>> -> memref<10240x128xf32, #tpu.memory_space<hbm>>
      tpu.enqueue_indirect_dma source(%dma_start3A_60 : memref<10240x128xf32, #tpu.memory_space<hbm>>) target(%dma_start3A_54 : memref<64x128xf32, #tpu.memory_space<vmem>>) offsets(%dma_start3A_57 : memref<64xi32, #tpu.memory_space<vmem>>) semaphore(%arg11 : memref<!tpu.dma_semaphore, #tpu.memory_space<semaphore_mem>>)
      %add3A_61 = arith.constant 1 : i32
      %add3A_62 = arith.addi %mul3A_41, %add3A_61 : i32
      %dma_start3A_63 = arith.constant 0 : i32
      %dma_start3A_64 = arith.constant 0 : i32
      %dma_start3A_65 = tpu.memref_slice %arg9[%dma_start3A_63, %dma_start3A_64] : memref<128x128xf32, #tpu.memory_space<vmem>> -> memref<64x128xf32, #tpu.memory_space<vmem>>
      %dma_start3A_66 = arith.constant 0 : i32
      %dma_start3A_67 = tpu.memref_slice %arg6[%add3A_62, %dma_start3A_66] : memref<48x128xi32, #tpu.memory_space<vmem>> -> memref<1x64xi32, #tpu.memory_space<vmem>>
      %dma_start3A_68 = tpu.memref_squeeze %dma_start3A_67 : memref<1x64xi32, #tpu.memory_space<vmem>> -> memref<64xi32, #tpu.memory_space<vmem>>
      %dma_start3A_69 = arith.constant 0 : i32
      %dma_start3A_70 = arith.constant 0 : i32
      %dma_start3A_71 = tpu.memref_slice %arg2[%dma_start3A_69, %dma_start3A_70] : memref<10240x128xf32, #tpu.memory_space<hbm>> -> memref<10240x128xf32, #tpu.memory_space<hbm>>
      tpu.enqueue_indirect_dma source(%dma_start3A_71 : memref<10240x128xf32, #tpu.memory_space<hbm>>) target(%dma_start3A_65 : memref<64x128xf32, #tpu.memory_space<vmem>>) offsets(%dma_start3A_68 : memref<64xi32, #tpu.memory_space<vmem>>) semaphore(%arg12 : memref<!tpu.dma_semaphore, #tpu.memory_space<semaphore_mem>>)
      %dma_start3A_72 = arith.constant 64 : i32
      %dma_start3A_73 = arith.constant 0 : i32
      %dma_start3A_74 = tpu.memref_slice %arg9[%dma_start3A_72, %dma_start3A_73] : memref<128x128xf32, #tpu.memory_space<vmem>> -> memref<64x128xf32, #tpu.memory_space<vmem>>
      %dma_start3A_75 = arith.constant 64 : i32
      %dma_start3A_76 = tpu.memref_slice %arg6[%add3A_62, %dma_start3A_75] : memref<48x128xi32, #tpu.memory_space<vmem>> -> memref<1x64xi32, #tpu.memory_space<vmem>>
      %dma_start3A_77 = tpu.memref_squeeze %dma_start3A_76 : memref<1x64xi32, #tpu.memory_space<vmem>> -> memref<64xi32, #tpu.memory_space<vmem>>
      %dma_start3A_78 = arith.constant 0 : i32
      %dma_start3A_79 = arith.constant 0 : i32
      %dma_start3A_80 = tpu.memref_slice %arg2[%dma_start3A_78, %dma_start3A_79] : memref<10240x128xf32, #tpu.memory_space<hbm>> -> memref<10240x128xf32, #tpu.memory_space<hbm>>
      tpu.enqueue_indirect_dma source(%dma_start3A_80 : memref<10240x128xf32, #tpu.memory_space<hbm>>) target(%dma_start3A_74 : memref<64x128xf32, #tpu.memory_space<vmem>>) offsets(%dma_start3A_77 : memref<64xi32, #tpu.memory_space<vmem>>) semaphore(%arg12 : memref<!tpu.dma_semaphore, #tpu.memory_space<semaphore_mem>>)
      %dma_wait3A = arith.constant 0 : i32
      %dma_wait3A_81 = arith.constant 0 : i32
      %dma_wait3A_82 = tpu.memref_slice %arg8[%dma_wait3A, %dma_wait3A_81] : memref<128x128xf32, #tpu.memory_space<vmem>> -> memref<64x128xf32, #tpu.memory_space<vmem>>
      %dma_wait3A_83 = arith.constant 0 : i32
      %dma_wait3A_84 = tpu.memref_slice %arg6[%add3A_43, %dma_wait3A_83] : memref<48x128xi32, #tpu.memory_space<vmem>> -> memref<1x64xi32, #tpu.memory_space<vmem>>
      %dma_wait3A_85 = tpu.memref_squeeze %dma_wait3A_84 : memref<1x64xi32, #tpu.memory_space<vmem>> -> memref<64xi32, #tpu.memory_space<vmem>>
      %dma_wait3A_86 = arith.constant 0 : i32
      %dma_wait3A_87 = arith.constant 0 : i32
      %dma_wait3A_88 = tpu.memref_slice %arg2[%dma_wait3A_86, %dma_wait3A_87] : memref<10240x128xf32, #tpu.memory_space<hbm>> -> memref<10240x128xf32, #tpu.memory_space<hbm>>
      tpu.wait_indirect_dma semaphore(%arg11 : memref<!tpu.dma_semaphore, #tpu.memory_space<semaphore_mem>>) src(%dma_wait3A_88 : memref<10240x128xf32, #tpu.memory_space<hbm>>) dst(%dma_wait3A_82 : memref<64x128xf32, #tpu.memory_space<vmem>>)
      %dma_wait3A_89 = arith.constant 64 : i32
      %dma_wait3A_90 = arith.constant 0 : i32
      %dma_wait3A_91 = tpu.memref_slice %arg8[%dma_wait3A_89, %dma_wait3A_90] : memref<128x128xf32, #tpu.memory_space<vmem>> -> memref<64x128xf32, #tpu.memory_space<vmem>>
      %dma_wait3A_92 = arith.constant 64 : i32
      %dma_wait3A_93 = tpu.memref_slice %arg6[%add3A_43, %dma_wait3A_92] : memref<48x128xi32, #tpu.memory_space<vmem>> -> memref<1x64xi32, #tpu.memory_space<vmem>>
      %dma_wait3A_94 = tpu.memref_squeeze %dma_wait3A_93 : memref<1x64xi32, #tpu.memory_space<vmem>> -> memref<64xi32, #tpu.memory_space<vmem>>
      %dma_wait3A_95 = arith.constant 0 : i32
      %dma_wait3A_96 = arith.constant 0 : i32
      %dma_wait3A_97 = tpu.memref_slice %arg2[%dma_wait3A_95, %dma_wait3A_96] : memref<10240x128xf32, #tpu.memory_space<hbm>> -> memref<10240x128xf32, #tpu.memory_space<hbm>>
      tpu.wait_indirect_dma semaphore(%arg11 : memref<!tpu.dma_semaphore, #tpu.memory_space<semaphore_mem>>) src(%dma_wait3A_97 : memref<10240x128xf32, #tpu.memory_space<hbm>>) dst(%dma_wait3A_91 : memref<64x128xf32, #tpu.memory_space<vmem>>)
      %add3A_98 = arith.constant 0 : i32
      %add3A_99 = arith.addi %mul3A_41, %add3A_98 : i32
      "tpu.region"() ({
        %run_scoped3A_121 = tpu.sem_alloc : memref<!tpu.dma_semaphore, #tpu.memory_space<semaphore_mem>>
        %dma_start3A_122 = arith.constant 0 : i32
        %dma_start3A_123 = tpu.memref_slice %arg7[%add3A_99, %dma_start3A_122] : memref<40x128xi32, #tpu.memory_space<vmem>> -> memref<1x128xi32, #tpu.memory_space<vmem>>
        %dma_start3A_124 = tpu.memref_squeeze %dma_start3A_123 : memref<1x128xi32, #tpu.memory_space<vmem>> -> memref<128xi32, #tpu.memory_space<vmem>>
        %dma_start3A_125 = arith.constant 0 : i32
        %dma_start3A_126 = arith.constant 0 : i32
        %dma_start3A_127 = tpu.memref_slice %arg10[%dma_start3A_125, %dma_start3A_126] : memref<10240x128xf32, #tpu.memory_space<vmem_shared>> -> memref<10240x128xf32, #tpu.memory_space<vmem_shared>>
        tpu.enqueue_indirect_dma source(%arg8 : memref<128x128xf32, #tpu.memory_space<vmem>>) target(%dma_start3A_127 : memref<10240x128xf32, #tpu.memory_space<vmem_shared>>) offsets(%dma_start3A_124 : memref<128xi32, #tpu.memory_space<vmem>>) semaphore(%run_scoped3A_121 : memref<!tpu.dma_semaphore, #tpu.memory_space<semaphore_mem>>) {add = true}
        %dma_wait3A_128 = arith.constant 0 : i32
        %dma_wait3A_129 = tpu.memref_slice %arg7[%add3A_99, %dma_wait3A_128] : memref<40x128xi32, #tpu.memory_space<vmem>> -> memref<1x128xi32, #tpu.memory_space<vmem>>
        %dma_wait3A_130 = tpu.memref_squeeze %dma_wait3A_129 : memref<1x128xi32, #tpu.memory_space<vmem>> -> memref<128xi32, #tpu.memory_space<vmem>>
        %dma_wait3A_131 = arith.constant 0 : i32
        %dma_wait3A_132 = arith.constant 0 : i32
        %dma_wait3A_133 = tpu.memref_slice %arg10[%dma_wait3A_131, %dma_wait3A_132] : memref<10240x128xf32, #tpu.memory_space<vmem_shared>> -> memref<10240x128xf32, #tpu.memory_space<vmem_shared>>
        tpu.wait_indirect_dma semaphore(%run_scoped3A_121 : memref<!tpu.dma_semaphore, #tpu.memory_space<semaphore_mem>>) src(%arg8 : memref<128x128xf32, #tpu.memory_space<vmem>>) dst(%dma_wait3A_133 : memref<10240x128xf32, #tpu.memory_space<vmem_shared>>)
        tpu.yield
      }) : () -> ()
      %dma_wait3A_100 = arith.constant 0 : i32
      %dma_wait3A_101 = arith.constant 0 : i32
      %dma_wait3A_102 = tpu.memref_slice %arg9[%dma_wait3A_100, %dma_wait3A_101] : memref<128x128xf32, #tpu.memory_space<vmem>> -> memref<64x128xf32, #tpu.memory_space<vmem>>
      %dma_wait3A_103 = arith.constant 0 : i32
      %dma_wait3A_104 = tpu.memref_slice %arg6[%add3A_62, %dma_wait3A_103] : memref<48x128xi32, #tpu.memory_space<vmem>> -> memref<1x64xi32, #tpu.memory_space<vmem>>
      %dma_wait3A_105 = tpu.memref_squeeze %dma_wait3A_104 : memref<1x64xi32, #tpu.memory_space<vmem>> -> memref<64xi32, #tpu.memory_space<vmem>>
      %dma_wait3A_106 = arith.constant 0 : i32
      %dma_wait3A_107 = arith.constant 0 : i32
      %dma_wait3A_108 = tpu.memref_slice %arg2[%dma_wait3A_106, %dma_wait3A_107] : memref<10240x128xf32, #tpu.memory_space<hbm>> -> memref<10240x128xf32, #tpu.memory_space<hbm>>
      tpu.wait_indirect_dma semaphore(%arg12 : memref<!tpu.dma_semaphore, #tpu.memory_space<semaphore_mem>>) src(%dma_wait3A_108 : memref<10240x128xf32, #tpu.memory_space<hbm>>) dst(%dma_wait3A_102 : memref<64x128xf32, #tpu.memory_space<vmem>>)
      %dma_wait3A_109 = arith.constant 64 : i32
      %dma_wait3A_110 = arith.constant 0 : i32
      %dma_wait3A_111 = tpu.memref_slice %arg9[%dma_wait3A_109, %dma_wait3A_110] : memref<128x128xf32, #tpu.memory_space<vmem>> -> memref<64x128xf32, #tpu.memory_space<vmem>>
      %dma_wait3A_112 = arith.constant 64 : i32
      %dma_wait3A_113 = tpu.memref_slice %arg6[%add3A_62, %dma_wait3A_112] : memref<48x128xi32, #tpu.memory_space<vmem>> -> memref<1x64xi32, #tpu.memory_space<vmem>>
      %dma_wait3A_114 = tpu.memref_squeeze %dma_wait3A_113 : memref<1x64xi32, #tpu.memory_space<vmem>> -> memref<64xi32, #tpu.memory_space<vmem>>
      %dma_wait3A_115 = arith.constant 0 : i32
      %dma_wait3A_116 = arith.constant 0 : i32
      %dma_wait3A_117 = tpu.memref_slice %arg2[%dma_wait3A_115, %dma_wait3A_116] : memref<10240x128xf32, #tpu.memory_space<hbm>> -> memref<10240x128xf32, #tpu.memory_space<hbm>>
      tpu.wait_indirect_dma semaphore(%arg12 : memref<!tpu.dma_semaphore, #tpu.memory_space<semaphore_mem>>) src(%dma_wait3A_117 : memref<10240x128xf32, #tpu.memory_space<hbm>>) dst(%dma_wait3A_111 : memref<64x128xf32, #tpu.memory_space<vmem>>)
      %add3A_118 = arith.constant 1 : i32
      %add3A_119 = arith.addi %mul3A_41, %add3A_118 : i32
      "tpu.region"() ({
        %run_scoped3A_121 = tpu.sem_alloc : memref<!tpu.dma_semaphore, #tpu.memory_space<semaphore_mem>>
        %dma_start3A_122 = arith.constant 0 : i32
        %dma_start3A_123 = tpu.memref_slice %arg7[%add3A_119, %dma_start3A_122] : memref<40x128xi32, #tpu.memory_space<vmem>> -> memref<1x128xi32, #tpu.memory_space<vmem>>
        %dma_start3A_124 = tpu.memref_squeeze %dma_start3A_123 : memref<1x128xi32, #tpu.memory_space<vmem>> -> memref<128xi32, #tpu.memory_space<vmem>>
        %dma_start3A_125 = arith.constant 0 : i32
        %dma_start3A_126 = arith.constant 0 : i32
        %dma_start3A_127 = tpu.memref_slice %arg10[%dma_start3A_125, %dma_start3A_126] : memref<10240x128xf32, #tpu.memory_space<vmem_shared>> -> memref<10240x128xf32, #tpu.memory_space<vmem_shared>>
        tpu.enqueue_indirect_dma source(%arg9 : memref<128x128xf32, #tpu.memory_space<vmem>>) target(%dma_start3A_127 : memref<10240x128xf32, #tpu.memory_space<vmem_shared>>) offsets(%dma_start3A_124 : memref<128xi32, #tpu.memory_space<vmem>>) semaphore(%run_scoped3A_121 : memref<!tpu.dma_semaphore, #tpu.memory_space<semaphore_mem>>) {add = true}
        %dma_wait3A_128 = arith.constant 0 : i32
        %dma_wait3A_129 = tpu.memref_slice %arg7[%add3A_119, %dma_wait3A_128] : memref<40x128xi32, #tpu.memory_space<vmem>> -> memref<1x128xi32, #tpu.memory_space<vmem>>
        %dma_wait3A_130 = tpu.memref_squeeze %dma_wait3A_129 : memref<1x128xi32, #tpu.memory_space<vmem>> -> memref<128xi32, #tpu.memory_space<vmem>>
        %dma_wait3A_131 = arith.constant 0 : i32
        %dma_wait3A_132 = arith.constant 0 : i32
        %dma_wait3A_133 = tpu.memref_slice %arg10[%dma_wait3A_131, %dma_wait3A_132] : memref<10240x128xf32, #tpu.memory_space<vmem_shared>> -> memref<10240x128xf32, #tpu.memory_space<vmem_shared>>
        tpu.wait_indirect_dma semaphore(%run_scoped3A_121 : memref<!tpu.dma_semaphore, #tpu.memory_space<semaphore_mem>>) src(%arg9 : memref<128x128xf32, #tpu.memory_space<vmem>>) dst(%dma_wait3A_133 : memref<10240x128xf32, #tpu.memory_space<vmem_shared>>)
        tpu.yield
      }) : () -> ()
      %scan3A_120 = arith.constant 0 : i32
      scf.yield %scan3A_120 : i32
    }
    %scan3A_36 = arith.constant 20 : i32
    %barrier3A_37 = arith.constant 0 : index
    tpu.barrier barrier_id(%barrier3A_37)
    "tpu.region"() ({
      %run_scoped3A_38 = tpu.sem_alloc : memref<!tpu.dma_semaphore, #tpu.memory_space<semaphore_mem>>
      %dma_start3A = arith.constant 0 : i32
      %dma_start3A_39 = tpu.memref_slice %arg5[%arg0, %mul3A_9, %dma_start3A] : memref<2x10240x128xf32, #tpu.memory_space<hbm>> -> memref<1x640x128xf32, #tpu.memory_space<hbm>>
      %dma_start3A_40 = tpu.memref_squeeze %dma_start3A_39 : memref<1x640x128xf32, #tpu.memory_space<hbm>> -> memref<640x128xf32, #tpu.memory_space<hbm>>
      %dma_start3A_41 = arith.constant 0 : i32
      %dma_start3A_42 = tpu.memref_slice %arg10[%mul3A_9, %dma_start3A_41] : memref<10240x128xf32, #tpu.memory_space<vmem_shared>> -> memref<640x128xf32, #tpu.memory_space<vmem_shared>>
      tpu.enqueue_dma source(%dma_start3A_42 : memref<640x128xf32, #tpu.memory_space<vmem_shared>>) target(%dma_start3A_40 : memref<640x128xf32, #tpu.memory_space<hbm>>) target_semaphore(%run_scoped3A_38 : memref<!tpu.dma_semaphore, #tpu.memory_space<semaphore_mem>>)
      %dma_wait3A = arith.constant 0 : i32
      %dma_wait3A_43 = tpu.memref_slice %arg5[%arg0, %mul3A_9, %dma_wait3A] : memref<2x10240x128xf32, #tpu.memory_space<hbm>> -> memref<1x640x128xf32, #tpu.memory_space<hbm>>
      %dma_wait3A_44 = tpu.memref_squeeze %dma_wait3A_43 : memref<1x640x128xf32, #tpu.memory_space<hbm>> -> memref<640x128xf32, #tpu.memory_space<hbm>>
      %dma_wait3A_45 = arith.constant 0 : i32
      %dma_wait3A_46 = tpu.memref_slice %arg10[%mul3A_9, %dma_wait3A_45] : memref<10240x128xf32, #tpu.memory_space<vmem_shared>> -> memref<640x128xf32, #tpu.memory_space<vmem_shared>>
      tpu.wait_dma2 semaphore(%run_scoped3A_38 : memref<!tpu.dma_semaphore, #tpu.memory_space<semaphore_mem>>) src(%dma_wait3A_46 : memref<640x128xf32, #tpu.memory_space<vmem_shared>>) dst(%dma_wait3A_44 : memref<640x128xf32, #tpu.memory_space<hbm>>)
      tpu.yield
    }) : () -> ()
    return
  }
}

#map = affine_map<(d0, d1) -> (0, 0)>
#map1 = affine_map<(d0, d1) -> (0, 0, 0, 0)>
#map2 = affine_map<(d0, d1) -> (0, 0, 0)>
module attributes {stable_mosaic.version = 14 : i64} {
  func.func @_edge_kernel(%arg0: i32, %arg1: i32, %arg2: memref<10240x128xf32, #tpu.memory_space<hbm>>, %arg3: memref<32x2x48x128xi32, #tpu.memory_space<hbm>>, %arg4: memref<32x2x40x128xi32, #tpu.memory_space<hbm>>, %arg5: memref<2x10240x128xf32, #tpu.memory_space<hbm>>, %arg6: memref<48x128xi32, #tpu.memory_space<vmem>>, %arg7: memref<40x128xi32, #tpu.memory_space<vmem>>, %arg8: memref<128x128xf32, #tpu.memory_space<vmem>>, %arg9: memref<128x128xf32, #tpu.memory_space<vmem>>, %arg10: memref<10240x128xf32, #tpu.memory_space<vmem_shared>>, %arg11: memref<!tpu.dma_semaphore, #tpu.memory_space<semaphore_mem>>, %arg12: memref<!tpu.dma_semaphore, #tpu.memory_space<semaphore_mem>>, %arg13: memref<!tpu.dma_semaphore, #tpu.memory_space<semaphore_mem>>, %arg14: memref<!tpu.dma_semaphore, #tpu.memory_space<semaphore_mem>>) attributes {dimension_semantics = [#tpu.dimension_semantics<core_parallel>, #tpu.dimension_semantics<subcore_parallel>], iteration_bounds = array<i64: 2, 16>, scalar_prefetch = 0 : i64, scratch_operands = 9 : i64, tpu.core_type = #tpu.core_type<sc_vector_subcore>, window_params = [{transform_indices = #map}, {transform_indices = #map1}, {transform_indices = #map1}, {transform_indices = #map2}]} {
    %mul3A = arith.constant 16 : i32
    %mul3A_0 = arith.muli %arg0, %mul3A : i32
    %add3A = arith.addi %mul3A_0, %arg1 : i32
    %broadcast_in_dim3A = arith.constant 0.000000e+00 : f32
    %broadcast_in_dim3A_1 = vector.broadcast %broadcast_in_dim3A : f32 to vector<16xf32>
    %scan3A = arith.constant 0 : i32
    %scan3A_2 = arith.constant 0 : i32
    %scan3A_3 = arith.constant 128 : i32
    %scan3A_4 = arith.addi %scan3A_2, %scan3A_3 : i32
    %scan3A_5 = arith.constant 1 : i32
    %scan3A_6 = scf.for %scan3A_38 = %scan3A_2 to %scan3A_4 step %scan3A_5 iter_args(%scan3A_39 = %scan3A) -> (i32)  : i32 {
      %swap3A = arith.index_cast %scan3A_38 : i32 to index
      %swap3A_40 = arith.constant 0 : index
      %swap3A_41 = tpu.vector_load %arg8[%swap3A, %swap3A_40] {strides = array<i32>} : memref<128x128xf32, #tpu.memory_space<vmem>>, vector<1x16xf32>,
      %swap3A_42 = vector.shape_cast %swap3A_41 : vector<1x16xf32> to vector<16xf32>
      %swap3A_43 = vector.shape_cast %broadcast_in_dim3A_1 : vector<16xf32> to vector<1x16xf32>
      tpu.vector_store %arg8[%swap3A, %swap3A_40], %swap3A_43 {strides = array<i32>} : memref<128x128xf32, #tpu.memory_space<vmem>>, vector<1x16xf32>,
      %swap3A_44 = arith.index_cast %scan3A_38 : i32 to index
      %swap3A_45 = arith.constant 16 : index
      %swap3A_46 = tpu.vector_load %arg8[%swap3A_44, %swap3A_45] {strides = array<i32>} : memref<128x128xf32, #tpu.memory_space<vmem>>, vector<1x16xf32>,
      %swap3A_47 = vector.shape_cast %swap3A_46 : vector<1x16xf32> to vector<16xf32>
      %swap3A_48 = vector.shape_cast %broadcast_in_dim3A_1 : vector<16xf32> to vector<1x16xf32>
      tpu.vector_store %arg8[%swap3A_44, %swap3A_45], %swap3A_48 {strides = array<i32>} : memref<128x128xf32, #tpu.memory_space<vmem>>, vector<1x16xf32>,
      %swap3A_49 = arith.index_cast %scan3A_38 : i32 to index
      %swap3A_50 = arith.constant 32 : index
      %swap3A_51 = tpu.vector_load %arg8[%swap3A_49, %swap3A_50] {strides = array<i32>} : memref<128x128xf32, #tpu.memory_space<vmem>>, vector<1x16xf32>,
      %swap3A_52 = vector.shape_cast %swap3A_51 : vector<1x16xf32> to vector<16xf32>
      %swap3A_53 = vector.shape_cast %broadcast_in_dim3A_1 : vector<16xf32> to vector<1x16xf32>
      tpu.vector_store %arg8[%swap3A_49, %swap3A_50], %swap3A_53 {strides = array<i32>} : memref<128x128xf32, #tpu.memory_space<vmem>>, vector<1x16xf32>,
      %swap3A_54 = arith.index_cast %scan3A_38 : i32 to index
      %swap3A_55 = arith.constant 48 : index
      %swap3A_56 = tpu.vector_load %arg8[%swap3A_54, %swap3A_55] {strides = array<i32>} : memref<128x128xf32, #tpu.memory_space<vmem>>, vector<1x16xf32>,
      %swap3A_57 = vector.shape_cast %swap3A_56 : vector<1x16xf32> to vector<16xf32>
      %swap3A_58 = vector.shape_cast %broadcast_in_dim3A_1 : vector<16xf32> to vector<1x16xf32>
      tpu.vector_store %arg8[%swap3A_54, %swap3A_55], %swap3A_58 {strides = array<i32>} : memref<128x128xf32, #tpu.memory_space<vmem>>, vector<1x16xf32>,
      %swap3A_59 = arith.index_cast %scan3A_38 : i32 to index
      %swap3A_60 = arith.constant 64 : index
      %swap3A_61 = tpu.vector_load %arg8[%swap3A_59, %swap3A_60] {strides = array<i32>} : memref<128x128xf32, #tpu.memory_space<vmem>>, vector<1x16xf32>,
      %swap3A_62 = vector.shape_cast %swap3A_61 : vector<1x16xf32> to vector<16xf32>
      %swap3A_63 = vector.shape_cast %broadcast_in_dim3A_1 : vector<16xf32> to vector<1x16xf32>
      tpu.vector_store %arg8[%swap3A_59, %swap3A_60], %swap3A_63 {strides = array<i32>} : memref<128x128xf32, #tpu.memory_space<vmem>>, vector<1x16xf32>,
      %swap3A_64 = arith.index_cast %scan3A_38 : i32 to index
      %swap3A_65 = arith.constant 80 : index
      %swap3A_66 = tpu.vector_load %arg8[%swap3A_64, %swap3A_65] {strides = array<i32>} : memref<128x128xf32, #tpu.memory_space<vmem>>, vector<1x16xf32>,
      %swap3A_67 = vector.shape_cast %swap3A_66 : vector<1x16xf32> to vector<16xf32>
      %swap3A_68 = vector.shape_cast %broadcast_in_dim3A_1 : vector<16xf32> to vector<1x16xf32>
      tpu.vector_store %arg8[%swap3A_64, %swap3A_65], %swap3A_68 {strides = array<i32>} : memref<128x128xf32, #tpu.memory_space<vmem>>, vector<1x16xf32>,
      %swap3A_69 = arith.index_cast %scan3A_38 : i32 to index
      %swap3A_70 = arith.constant 96 : index
      %swap3A_71 = tpu.vector_load %arg8[%swap3A_69, %swap3A_70] {strides = array<i32>} : memref<128x128xf32, #tpu.memory_space<vmem>>, vector<1x16xf32>,
      %swap3A_72 = vector.shape_cast %swap3A_71 : vector<1x16xf32> to vector<16xf32>
      %swap3A_73 = vector.shape_cast %broadcast_in_dim3A_1 : vector<16xf32> to vector<1x16xf32>
      tpu.vector_store %arg8[%swap3A_69, %swap3A_70], %swap3A_73 {strides = array<i32>} : memref<128x128xf32, #tpu.memory_space<vmem>>, vector<1x16xf32>,
      %swap3A_74 = arith.index_cast %scan3A_38 : i32 to index
      %swap3A_75 = arith.constant 112 : index
      %swap3A_76 = tpu.vector_load %arg8[%swap3A_74, %swap3A_75] {strides = array<i32>} : memref<128x128xf32, #tpu.memory_space<vmem>>, vector<1x16xf32>,
      %swap3A_77 = vector.shape_cast %swap3A_76 : vector<1x16xf32> to vector<16xf32>
      %swap3A_78 = vector.shape_cast %broadcast_in_dim3A_1 : vector<16xf32> to vector<1x16xf32>
      tpu.vector_store %arg8[%swap3A_74, %swap3A_75], %swap3A_78 {strides = array<i32>} : memref<128x128xf32, #tpu.memory_space<vmem>>, vector<1x16xf32>,
      %scan3A_79 = arith.constant 0 : i32
      scf.yield %scan3A_79 : i32
    }
    %scan3A_7 = arith.constant 128 : i32
    %mul3A_8 = arith.constant 640 : i32
    %mul3A_9 = arith.muli %arg1, %mul3A_8 : i32
    %add3A_10 = arith.constant 0 : i32
    %add3A_11 = arith.addi %mul3A_9, %add3A_10 : i32
    "tpu.region"() ({
      %run_scoped3A_38 = tpu.sem_alloc : memref<!tpu.dma_semaphore, #tpu.memory_space<semaphore_mem>>
      %dma_start3A = arith.constant 0 : i32
      %dma_start3A_39 = tpu.memref_slice %arg10[%add3A_11, %dma_start3A] : memref<10240x128xf32, #tpu.memory_space<vmem_shared>> -> memref<128x128xf32, #tpu.memory_space<vmem_shared>>
      %dma_start3A_40 = arith.constant 0 : i32
      %dma_start3A_41 = tpu.memref_slice %arg10[%add3A_11, %dma_start3A_40] : memref<10240x128xf32, #tpu.memory_space<vmem_shared>> -> memref<128x128xf32, #tpu.memory_space<vmem_shared>>
      tpu.enqueue_dma source(%arg8 : memref<128x128xf32, #tpu.memory_space<vmem>>) target(%dma_start3A_41 : memref<128x128xf32, #tpu.memory_space<vmem_shared>>) target_semaphore(%run_scoped3A_38 : memref<!tpu.dma_semaphore, #tpu.memory_space<semaphore_mem>>)
      %dma_wait3A = arith.constant 0 : i32
      %dma_wait3A_42 = tpu.memref_slice %arg10[%add3A_11, %dma_wait3A] : memref<10240x128xf32, #tpu.memory_space<vmem_shared>> -> memref<128x128xf32, #tpu.memory_space<vmem_shared>>
      %dma_wait3A_43 = arith.constant 0 : i32
      %dma_wait3A_44 = tpu.memref_slice %arg10[%add3A_11, %dma_wait3A_43] : memref<10240x128xf32, #tpu.memory_space<vmem_shared>> -> memref<128x128xf32, #tpu.memory_space<vmem_shared>>
      tpu.wait_dma2 semaphore(%run_scoped3A_38 : memref<!tpu.dma_semaphore, #tpu.memory_space<semaphore_mem>>) src(%arg8 : memref<128x128xf32, #tpu.memory_space<vmem>>) dst(%dma_wait3A_44 : memref<128x128xf32, #tpu.memory_space<vmem_shared>>)
      tpu.yield
    }) : () -> ()
    %add3A_12 = arith.constant 128 : i32
    %add3A_13 = arith.addi %mul3A_9, %add3A_12 : i32
    "tpu.region"() ({
      %run_scoped3A_38 = tpu.sem_alloc : memref<!tpu.dma_semaphore, #tpu.memory_space<semaphore_mem>>
      %dma_start3A = arith.constant 0 : i32
      %dma_start3A_39 = tpu.memref_slice %arg10[%add3A_13, %dma_start3A] : memref<10240x128xf32, #tpu.memory_space<vmem_shared>> -> memref<128x128xf32, #tpu.memory_space<vmem_shared>>
      %dma_start3A_40 = arith.constant 0 : i32
      %dma_start3A_41 = tpu.memref_slice %arg10[%add3A_13, %dma_start3A_40] : memref<10240x128xf32, #tpu.memory_space<vmem_shared>> -> memref<128x128xf32, #tpu.memory_space<vmem_shared>>
      tpu.enqueue_dma source(%arg8 : memref<128x128xf32, #tpu.memory_space<vmem>>) target(%dma_start3A_41 : memref<128x128xf32, #tpu.memory_space<vmem_shared>>) target_semaphore(%run_scoped3A_38 : memref<!tpu.dma_semaphore, #tpu.memory_space<semaphore_mem>>)
      %dma_wait3A = arith.constant 0 : i32
      %dma_wait3A_42 = tpu.memref_slice %arg10[%add3A_13, %dma_wait3A] : memref<10240x128xf32, #tpu.memory_space<vmem_shared>> -> memref<128x128xf32, #tpu.memory_space<vmem_shared>>
      %dma_wait3A_43 = arith.constant 0 : i32
      %dma_wait3A_44 = tpu.memref_slice %arg10[%add3A_13, %dma_wait3A_43] : memref<10240x128xf32, #tpu.memory_space<vmem_shared>> -> memref<128x128xf32, #tpu.memory_space<vmem_shared>>
      tpu.wait_dma2 semaphore(%run_scoped3A_38 : memref<!tpu.dma_semaphore, #tpu.memory_space<semaphore_mem>>) src(%arg8 : memref<128x128xf32, #tpu.memory_space<vmem>>) dst(%dma_wait3A_44 : memref<128x128xf32, #tpu.memory_space<vmem_shared>>)
      tpu.yield
    }) : () -> ()
    %add3A_14 = arith.constant 256 : i32
    %add3A_15 = arith.addi %mul3A_9, %add3A_14 : i32
    "tpu.region"() ({
      %run_scoped3A_38 = tpu.sem_alloc : memref<!tpu.dma_semaphore, #tpu.memory_space<semaphore_mem>>
      %dma_start3A = arith.constant 0 : i32
      %dma_start3A_39 = tpu.memref_slice %arg10[%add3A_15, %dma_start3A] : memref<10240x128xf32, #tpu.memory_space<vmem_shared>> -> memref<128x128xf32, #tpu.memory_space<vmem_shared>>
      %dma_start3A_40 = arith.constant 0 : i32
      %dma_start3A_41 = tpu.memref_slice %arg10[%add3A_15, %dma_start3A_40] : memref<10240x128xf32, #tpu.memory_space<vmem_shared>> -> memref<128x128xf32, #tpu.memory_space<vmem_shared>>
      tpu.enqueue_dma source(%arg8 : memref<128x128xf32, #tpu.memory_space<vmem>>) target(%dma_start3A_41 : memref<128x128xf32, #tpu.memory_space<vmem_shared>>) target_semaphore(%run_scoped3A_38 : memref<!tpu.dma_semaphore, #tpu.memory_space<semaphore_mem>>)
      %dma_wait3A = arith.constant 0 : i32
      %dma_wait3A_42 = tpu.memref_slice %arg10[%add3A_15, %dma_wait3A] : memref<10240x128xf32, #tpu.memory_space<vmem_shared>> -> memref<128x128xf32, #tpu.memory_space<vmem_shared>>
      %dma_wait3A_43 = arith.constant 0 : i32
      %dma_wait3A_44 = tpu.memref_slice %arg10[%add3A_15, %dma_wait3A_43] : memref<10240x128xf32, #tpu.memory_space<vmem_shared>> -> memref<128x128xf32, #tpu.memory_space<vmem_shared>>
      tpu.wait_dma2 semaphore(%run_scoped3A_38 : memref<!tpu.dma_semaphore, #tpu.memory_space<semaphore_mem>>) src(%arg8 : memref<128x128xf32, #tpu.memory_space<vmem>>) dst(%dma_wait3A_44 : memref<128x128xf32, #tpu.memory_space<vmem_shared>>)
      tpu.yield
    }) : () -> ()
    %add3A_16 = arith.constant 384 : i32
    %add3A_17 = arith.addi %mul3A_9, %add3A_16 : i32
    "tpu.region"() ({
      %run_scoped3A_38 = tpu.sem_alloc : memref<!tpu.dma_semaphore, #tpu.memory_space<semaphore_mem>>
      %dma_start3A = arith.constant 0 : i32
      %dma_start3A_39 = tpu.memref_slice %arg10[%add3A_17, %dma_start3A] : memref<10240x128xf32, #tpu.memory_space<vmem_shared>> -> memref<128x128xf32, #tpu.memory_space<vmem_shared>>
      %dma_start3A_40 = arith.constant 0 : i32
      %dma_start3A_41 = tpu.memref_slice %arg10[%add3A_17, %dma_start3A_40] : memref<10240x128xf32, #tpu.memory_space<vmem_shared>> -> memref<128x128xf32, #tpu.memory_space<vmem_shared>>
      tpu.enqueue_dma source(%arg8 : memref<128x128xf32, #tpu.memory_space<vmem>>) target(%dma_start3A_41 : memref<128x128xf32, #tpu.memory_space<vmem_shared>>) target_semaphore(%run_scoped3A_38 : memref<!tpu.dma_semaphore, #tpu.memory_space<semaphore_mem>>)
      %dma_wait3A = arith.constant 0 : i32
      %dma_wait3A_42 = tpu.memref_slice %arg10[%add3A_17, %dma_wait3A] : memref<10240x128xf32, #tpu.memory_space<vmem_shared>> -> memref<128x128xf32, #tpu.memory_space<vmem_shared>>
      %dma_wait3A_43 = arith.constant 0 : i32
      %dma_wait3A_44 = tpu.memref_slice %arg10[%add3A_17, %dma_wait3A_43] : memref<10240x128xf32, #tpu.memory_space<vmem_shared>> -> memref<128x128xf32, #tpu.memory_space<vmem_shared>>
      tpu.wait_dma2 semaphore(%run_scoped3A_38 : memref<!tpu.dma_semaphore, #tpu.memory_space<semaphore_mem>>) src(%arg8 : memref<128x128xf32, #tpu.memory_space<vmem>>) dst(%dma_wait3A_44 : memref<128x128xf32, #tpu.memory_space<vmem_shared>>)
      tpu.yield
    }) : () -> ()
    %add3A_18 = arith.constant 512 : i32
    %add3A_19 = arith.addi %mul3A_9, %add3A_18 : i32
    "tpu.region"() ({
      %run_scoped3A_38 = tpu.sem_alloc : memref<!tpu.dma_semaphore, #tpu.memory_space<semaphore_mem>>
      %dma_start3A = arith.constant 0 : i32
      %dma_start3A_39 = tpu.memref_slice %arg10[%add3A_19, %dma_start3A] : memref<10240x128xf32, #tpu.memory_space<vmem_shared>> -> memref<128x128xf32, #tpu.memory_space<vmem_shared>>
      %dma_start3A_40 = arith.constant 0 : i32
      %dma_start3A_41 = tpu.memref_slice %arg10[%add3A_19, %dma_start3A_40] : memref<10240x128xf32, #tpu.memory_space<vmem_shared>> -> memref<128x128xf32, #tpu.memory_space<vmem_shared>>
      tpu.enqueue_dma source(%arg8 : memref<128x128xf32, #tpu.memory_space<vmem>>) target(%dma_start3A_41 : memref<128x128xf32, #tpu.memory_space<vmem_shared>>) target_semaphore(%run_scoped3A_38 : memref<!tpu.dma_semaphore, #tpu.memory_space<semaphore_mem>>)
      %dma_wait3A = arith.constant 0 : i32
      %dma_wait3A_42 = tpu.memref_slice %arg10[%add3A_19, %dma_wait3A] : memref<10240x128xf32, #tpu.memory_space<vmem_shared>> -> memref<128x128xf32, #tpu.memory_space<vmem_shared>>
      %dma_wait3A_43 = arith.constant 0 : i32
      %dma_wait3A_44 = tpu.memref_slice %arg10[%add3A_19, %dma_wait3A_43] : memref<10240x128xf32, #tpu.memory_space<vmem_shared>> -> memref<128x128xf32, #tpu.memory_space<vmem_shared>>
      tpu.wait_dma2 semaphore(%run_scoped3A_38 : memref<!tpu.dma_semaphore, #tpu.memory_space<semaphore_mem>>) src(%arg8 : memref<128x128xf32, #tpu.memory_space<vmem>>) dst(%dma_wait3A_44 : memref<128x128xf32, #tpu.memory_space<vmem_shared>>)
      tpu.yield
    }) : () -> ()
    %barrier3A = arith.constant 0 : index
    tpu.barrier barrier_id(%barrier3A)
    %run_scoped3A = arith.constant 0 : i32
    "tpu.region"() ({
      %run_scoped3A_38 = tpu.sem_alloc : memref<!tpu.dma_semaphore, #tpu.memory_space<semaphore_mem>>
      %dma_start3A = arith.constant 0 : i32
      %dma_start3A_39 = arith.constant 0 : i32
      %dma_start3A_40 = tpu.memref_slice %arg3[%add3A, %run_scoped3A, %dma_start3A, %dma_start3A_39] : memref<32x2x48x128xi32, #tpu.memory_space<hbm>> -> memref<1x1x48x128xi32, #tpu.memory_space<hbm>>
      %dma_start3A_41 = tpu.memref_squeeze %dma_start3A_40 : memref<1x1x48x128xi32, #tpu.memory_space<hbm>> -> memref<48x128xi32, #tpu.memory_space<hbm>>
      %dma_start3A_42 = arith.constant 0 : i32
      %dma_start3A_43 = arith.constant 0 : i32
      %dma_start3A_44 = tpu.memref_slice %arg3[%add3A, %run_scoped3A, %dma_start3A_42, %dma_start3A_43] : memref<32x2x48x128xi32, #tpu.memory_space<hbm>> -> memref<1x1x48x128xi32, #tpu.memory_space<hbm>>
      %dma_start3A_45 = tpu.memref_squeeze %dma_start3A_44 : memref<1x1x48x128xi32, #tpu.memory_space<hbm>> -> memref<48x128xi32, #tpu.memory_space<hbm>>
      tpu.enqueue_dma source(%dma_start3A_45 : memref<48x128xi32, #tpu.memory_space<hbm>>) target(%arg6 : memref<48x128xi32, #tpu.memory_space<vmem>>) target_semaphore(%run_scoped3A_38 : memref<!tpu.dma_semaphore, #tpu.memory_space<semaphore_mem>>)
      %dma_wait3A = arith.constant 0 : i32
      %dma_wait3A_46 = arith.constant 0 : i32
      %dma_wait3A_47 = tpu.memref_slice %arg3[%add3A, %run_scoped3A, %dma_wait3A, %dma_wait3A_46] : memref<32x2x48x128xi32, #tpu.memory_space<hbm>> -> memref<1x1x48x128xi32, #tpu.memory_space<hbm>>
      %dma_wait3A_48 = tpu.memref_squeeze %dma_wait3A_47 : memref<1x1x48x128xi32, #tpu.memory_space<hbm>> -> memref<48x128xi32, #tpu.memory_space<hbm>>
      %dma_wait3A_49 = arith.constant 0 : i32
      %dma_wait3A_50 = arith.constant 0 : i32
      %dma_wait3A_51 = tpu.memref_slice %arg3[%add3A, %run_scoped3A, %dma_wait3A_49, %dma_wait3A_50] : memref<32x2x48x128xi32, #tpu.memory_space<hbm>> -> memref<1x1x48x128xi32, #tpu.memory_space<hbm>>
      %dma_wait3A_52 = tpu.memref_squeeze %dma_wait3A_51 : memref<1x1x48x128xi32, #tpu.memory_space<hbm>> -> memref<48x128xi32, #tpu.memory_space<hbm>>
      tpu.wait_dma2 semaphore(%run_scoped3A_38 : memref<!tpu.dma_semaphore, #tpu.memory_space<semaphore_mem>>) src(%dma_wait3A_52 : memref<48x128xi32, #tpu.memory_space<hbm>>) dst(%arg6 : memref<48x128xi32, #tpu.memory_space<vmem>>)
      tpu.yield
    }) : () -> ()
    %run_scoped3A_20 = arith.constant 0 : i32
    "tpu.region"() ({
      %run_scoped3A_38 = tpu.sem_alloc : memref<!tpu.dma_semaphore, #tpu.memory_space<semaphore_mem>>
      %dma_start3A = arith.constant 0 : i32
      %dma_start3A_39 = arith.constant 0 : i32
      %dma_start3A_40 = tpu.memref_slice %arg4[%add3A, %run_scoped3A_20, %dma_start3A, %dma_start3A_39] : memref<32x2x40x128xi32, #tpu.memory_space<hbm>> -> memref<1x1x40x128xi32, #tpu.memory_space<hbm>>
      %dma_start3A_41 = tpu.memref_squeeze %dma_start3A_40 : memref<1x1x40x128xi32, #tpu.memory_space<hbm>> -> memref<40x128xi32, #tpu.memory_space<hbm>>
      %dma_start3A_42 = arith.constant 0 : i32
      %dma_start3A_43 = arith.constant 0 : i32
      %dma_start3A_44 = tpu.memref_slice %arg4[%add3A, %run_scoped3A_20, %dma_start3A_42, %dma_start3A_43] : memref<32x2x40x128xi32, #tpu.memory_space<hbm>> -> memref<1x1x40x128xi32, #tpu.memory_space<hbm>>
      %dma_start3A_45 = tpu.memref_squeeze %dma_start3A_44 : memref<1x1x40x128xi32, #tpu.memory_space<hbm>> -> memref<40x128xi32, #tpu.memory_space<hbm>>
      tpu.enqueue_dma source(%dma_start3A_45 : memref<40x128xi32, #tpu.memory_space<hbm>>) target(%arg7 : memref<40x128xi32, #tpu.memory_space<vmem>>) target_semaphore(%run_scoped3A_38 : memref<!tpu.dma_semaphore, #tpu.memory_space<semaphore_mem>>)
      %dma_wait3A = arith.constant 0 : i32
      %dma_wait3A_46 = arith.constant 0 : i32
      %dma_wait3A_47 = tpu.memref_slice %arg4[%add3A, %run_scoped3A_20, %dma_wait3A, %dma_wait3A_46] : memref<32x2x40x128xi32, #tpu.memory_space<hbm>> -> memref<1x1x40x128xi32, #tpu.memory_space<hbm>>
      %dma_wait3A_48 = tpu.memref_squeeze %dma_wait3A_47 : memref<1x1x40x128xi32, #tpu.memory_space<hbm>> -> memref<40x128xi32, #tpu.memory_space<hbm>>
      %dma_wait3A_49 = arith.constant 0 : i32
      %dma_wait3A_50 = arith.constant 0 : i32
      %dma_wait3A_51 = tpu.memref_slice %arg4[%add3A, %run_scoped3A_20, %dma_wait3A_49, %dma_wait3A_50] : memref<32x2x40x128xi32, #tpu.memory_space<hbm>> -> memref<1x1x40x128xi32, #tpu.memory_space<hbm>>
      %dma_wait3A_52 = tpu.memref_squeeze %dma_wait3A_51 : memref<1x1x40x128xi32, #tpu.memory_space<hbm>> -> memref<40x128xi32, #tpu.memory_space<hbm>>
      tpu.wait_dma2 semaphore(%run_scoped3A_38 : memref<!tpu.dma_semaphore, #tpu.memory_space<semaphore_mem>>) src(%dma_wait3A_52 : memref<40x128xi32, #tpu.memory_space<hbm>>) dst(%arg7 : memref<40x128xi32, #tpu.memory_space<vmem>>)
      tpu.yield
    }) : () -> ()
    %scan3A_21 = arith.constant 0 : i32
    %scan3A_22 = arith.constant 0 : i32
    %scan3A_23 = arith.constant 20 : i32
    %scan3A_24 = arith.addi %scan3A_22, %scan3A_23 : i32
    %scan3A_25 = arith.constant 1 : i32
    %scan3A_26 = scf.for %scan3A_38 = %scan3A_22 to %scan3A_24 step %scan3A_25 iter_args(%scan3A_39 = %scan3A_21) -> (i32)  : i32 {
      %mul3A_40 = arith.constant 2 : i32
      %mul3A_41 = arith.muli %scan3A_38, %mul3A_40 : i32
      %add3A_42 = arith.constant 0 : i32
      %add3A_43 = arith.addi %mul3A_41, %add3A_42 : i32
      %dma_start3A = arith.constant 0 : i32
      %dma_start3A_44 = arith.constant 0 : i32
      %dma_start3A_45 = tpu.memref_slice %arg8[%dma_start3A, %dma_start3A_44] : memref<128x128xf32, #tpu.memory_space<vmem>> -> memref<64x128xf32, #tpu.memory_space<vmem>>
      %dma_start3A_46 = arith.constant 0 : i32
      %dma_start3A_47 = tpu.memref_slice %arg6[%add3A_43, %dma_start3A_46] : memref<48x128xi32, #tpu.memory_space<vmem>> -> memref<1x64xi32, #tpu.memory_space<vmem>>
      %dma_start3A_48 = tpu.memref_squeeze %dma_start3A_47 : memref<1x64xi32, #tpu.memory_space<vmem>> -> memref<64xi32, #tpu.memory_space<vmem>>
      %dma_start3A_49 = arith.constant 0 : i32
      %dma_start3A_50 = arith.constant 0 : i32
      %dma_start3A_51 = tpu.memref_slice %arg2[%dma_start3A_49, %dma_start3A_50] : memref<10240x128xf32, #tpu.memory_space<hbm>> -> memref<10240x128xf32, #tpu.memory_space<hbm>>
      tpu.enqueue_indirect_dma source(%dma_start3A_51 : memref<10240x128xf32, #tpu.memory_space<hbm>>) target(%dma_start3A_45 : memref<64x128xf32, #tpu.memory_space<vmem>>) offsets(%dma_start3A_48 : memref<64xi32, #tpu.memory_space<vmem>>) semaphore(%arg11 : memref<!tpu.dma_semaphore, #tpu.memory_space<semaphore_mem>>)
      %dma_start3A_52 = arith.constant 64 : i32
      %dma_start3A_53 = arith.constant 0 : i32
      %dma_start3A_54 = tpu.memref_slice %arg8[%dma_start3A_52, %dma_start3A_53] : memref<128x128xf32, #tpu.memory_space<vmem>> -> memref<64x128xf32, #tpu.memory_space<vmem>>
      %dma_start3A_55 = arith.constant 64 : i32
      %dma_start3A_56 = tpu.memref_slice %arg6[%add3A_43, %dma_start3A_55] : memref<48x128xi32, #tpu.memory_space<vmem>> -> memref<1x64xi32, #tpu.memory_space<vmem>>
      %dma_start3A_57 = tpu.memref_squeeze %dma_start3A_56 : memref<1x64xi32, #tpu.memory_space<vmem>> -> memref<64xi32, #tpu.memory_space<vmem>>
      %dma_start3A_58 = arith.constant 0 : i32
      %dma_start3A_59 = arith.constant 0 : i32
      %dma_start3A_60 = tpu.memref_slice %arg2[%dma_start3A_58, %dma_start3A_59] : memref<10240x128xf32, #tpu.memory_space<hbm>> -> memref<10240x128xf32, #tpu.memory_space<hbm>>
      tpu.enqueue_indirect_dma source(%dma_start3A_60 : memref<10240x128xf32, #tpu.memory_space<hbm>>) target(%dma_start3A_54 : memref<64x128xf32, #tpu.memory_space<vmem>>) offsets(%dma_start3A_57 : memref<64xi32, #tpu.memory_space<vmem>>) semaphore(%arg11 : memref<!tpu.dma_semaphore, #tpu.memory_space<semaphore_mem>>)
      %add3A_61 = arith.constant 1 : i32
      %add3A_62 = arith.addi %mul3A_41, %add3A_61 : i32
      %dma_start3A_63 = arith.constant 0 : i32
      %dma_start3A_64 = arith.constant 0 : i32
      %dma_start3A_65 = tpu.memref_slice %arg9[%dma_start3A_63, %dma_start3A_64] : memref<128x128xf32, #tpu.memory_space<vmem>> -> memref<64x128xf32, #tpu.memory_space<vmem>>
      %dma_start3A_66 = arith.constant 0 : i32
      %dma_start3A_67 = tpu.memref_slice %arg6[%add3A_62, %dma_start3A_66] : memref<48x128xi32, #tpu.memory_space<vmem>> -> memref<1x64xi32, #tpu.memory_space<vmem>>
      %dma_start3A_68 = tpu.memref_squeeze %dma_start3A_67 : memref<1x64xi32, #tpu.memory_space<vmem>> -> memref<64xi32, #tpu.memory_space<vmem>>
      %dma_start3A_69 = arith.constant 0 : i32
      %dma_start3A_70 = arith.constant 0 : i32
      %dma_start3A_71 = tpu.memref_slice %arg2[%dma_start3A_69, %dma_start3A_70] : memref<10240x128xf32, #tpu.memory_space<hbm>> -> memref<10240x128xf32, #tpu.memory_space<hbm>>
      tpu.enqueue_indirect_dma source(%dma_start3A_71 : memref<10240x128xf32, #tpu.memory_space<hbm>>) target(%dma_start3A_65 : memref<64x128xf32, #tpu.memory_space<vmem>>) offsets(%dma_start3A_68 : memref<64xi32, #tpu.memory_space<vmem>>) semaphore(%arg12 : memref<!tpu.dma_semaphore, #tpu.memory_space<semaphore_mem>>)
      %dma_start3A_72 = arith.constant 64 : i32
      %dma_start3A_73 = arith.constant 0 : i32
      %dma_start3A_74 = tpu.memref_slice %arg9[%dma_start3A_72, %dma_start3A_73] : memref<128x128xf32, #tpu.memory_space<vmem>> -> memref<64x128xf32, #tpu.memory_space<vmem>>
      %dma_start3A_75 = arith.constant 64 : i32
      %dma_start3A_76 = tpu.memref_slice %arg6[%add3A_62, %dma_start3A_75] : memref<48x128xi32, #tpu.memory_space<vmem>> -> memref<1x64xi32, #tpu.memory_space<vmem>>
      %dma_start3A_77 = tpu.memref_squeeze %dma_start3A_76 : memref<1x64xi32, #tpu.memory_space<vmem>> -> memref<64xi32, #tpu.memory_space<vmem>>
      %dma_start3A_78 = arith.constant 0 : i32
      %dma_start3A_79 = arith.constant 0 : i32
      %dma_start3A_80 = tpu.memref_slice %arg2[%dma_start3A_78, %dma_start3A_79] : memref<10240x128xf32, #tpu.memory_space<hbm>> -> memref<10240x128xf32, #tpu.memory_space<hbm>>
      tpu.enqueue_indirect_dma source(%dma_start3A_80 : memref<10240x128xf32, #tpu.memory_space<hbm>>) target(%dma_start3A_74 : memref<64x128xf32, #tpu.memory_space<vmem>>) offsets(%dma_start3A_77 : memref<64xi32, #tpu.memory_space<vmem>>) semaphore(%arg12 : memref<!tpu.dma_semaphore, #tpu.memory_space<semaphore_mem>>)
      %dma_wait3A = arith.constant 0 : i32
      %dma_wait3A_81 = arith.constant 0 : i32
      %dma_wait3A_82 = tpu.memref_slice %arg8[%dma_wait3A, %dma_wait3A_81] : memref<128x128xf32, #tpu.memory_space<vmem>> -> memref<64x128xf32, #tpu.memory_space<vmem>>
      %dma_wait3A_83 = arith.constant 0 : i32
      %dma_wait3A_84 = tpu.memref_slice %arg6[%add3A_43, %dma_wait3A_83] : memref<48x128xi32, #tpu.memory_space<vmem>> -> memref<1x64xi32, #tpu.memory_space<vmem>>
      %dma_wait3A_85 = tpu.memref_squeeze %dma_wait3A_84 : memref<1x64xi32, #tpu.memory_space<vmem>> -> memref<64xi32, #tpu.memory_space<vmem>>
      %dma_wait3A_86 = arith.constant 0 : i32
      %dma_wait3A_87 = arith.constant 0 : i32
      %dma_wait3A_88 = tpu.memref_slice %arg2[%dma_wait3A_86, %dma_wait3A_87] : memref<10240x128xf32, #tpu.memory_space<hbm>> -> memref<10240x128xf32, #tpu.memory_space<hbm>>
      tpu.wait_indirect_dma semaphore(%arg11 : memref<!tpu.dma_semaphore, #tpu.memory_space<semaphore_mem>>) src(%dma_wait3A_88 : memref<10240x128xf32, #tpu.memory_space<hbm>>) dst(%dma_wait3A_82 : memref<64x128xf32, #tpu.memory_space<vmem>>)
      %dma_wait3A_89 = arith.constant 64 : i32
      %dma_wait3A_90 = arith.constant 0 : i32
      %dma_wait3A_91 = tpu.memref_slice %arg8[%dma_wait3A_89, %dma_wait3A_90] : memref<128x128xf32, #tpu.memory_space<vmem>> -> memref<64x128xf32, #tpu.memory_space<vmem>>
      %dma_wait3A_92 = arith.constant 64 : i32
      %dma_wait3A_93 = tpu.memref_slice %arg6[%add3A_43, %dma_wait3A_92] : memref<48x128xi32, #tpu.memory_space<vmem>> -> memref<1x64xi32, #tpu.memory_space<vmem>>
      %dma_wait3A_94 = tpu.memref_squeeze %dma_wait3A_93 : memref<1x64xi32, #tpu.memory_space<vmem>> -> memref<64xi32, #tpu.memory_space<vmem>>
      %dma_wait3A_95 = arith.constant 0 : i32
      %dma_wait3A_96 = arith.constant 0 : i32
      %dma_wait3A_97 = tpu.memref_slice %arg2[%dma_wait3A_95, %dma_wait3A_96] : memref<10240x128xf32, #tpu.memory_space<hbm>> -> memref<10240x128xf32, #tpu.memory_space<hbm>>
      tpu.wait_indirect_dma semaphore(%arg11 : memref<!tpu.dma_semaphore, #tpu.memory_space<semaphore_mem>>) src(%dma_wait3A_97 : memref<10240x128xf32, #tpu.memory_space<hbm>>) dst(%dma_wait3A_91 : memref<64x128xf32, #tpu.memory_space<vmem>>)
      %add3A_98 = arith.constant 0 : i32
      %add3A_99 = arith.addi %mul3A_41, %add3A_98 : i32
      "tpu.region"() ({
        %run_scoped3A_121 = tpu.sem_alloc : memref<!tpu.dma_semaphore, #tpu.memory_space<semaphore_mem>>
        %dma_start3A_122 = arith.constant 0 : i32
        %dma_start3A_123 = tpu.memref_slice %arg7[%add3A_99, %dma_start3A_122] : memref<40x128xi32, #tpu.memory_space<vmem>> -> memref<1x128xi32, #tpu.memory_space<vmem>>
        %dma_start3A_124 = tpu.memref_squeeze %dma_start3A_123 : memref<1x128xi32, #tpu.memory_space<vmem>> -> memref<128xi32, #tpu.memory_space<vmem>>
        %dma_start3A_125 = arith.constant 0 : i32
        %dma_start3A_126 = arith.constant 0 : i32
        %dma_start3A_127 = tpu.memref_slice %arg10[%dma_start3A_125, %dma_start3A_126] : memref<10240x128xf32, #tpu.memory_space<vmem_shared>> -> memref<10240x128xf32, #tpu.memory_space<vmem_shared>>
        tpu.enqueue_indirect_dma source(%arg8 : memref<128x128xf32, #tpu.memory_space<vmem>>) target(%dma_start3A_127 : memref<10240x128xf32, #tpu.memory_space<vmem_shared>>) offsets(%dma_start3A_124 : memref<128xi32, #tpu.memory_space<vmem>>) semaphore(%run_scoped3A_121 : memref<!tpu.dma_semaphore, #tpu.memory_space<semaphore_mem>>) {add = true}
        %dma_wait3A_128 = arith.constant 0 : i32
        %dma_wait3A_129 = tpu.memref_slice %arg7[%add3A_99, %dma_wait3A_128] : memref<40x128xi32, #tpu.memory_space<vmem>> -> memref<1x128xi32, #tpu.memory_space<vmem>>
        %dma_wait3A_130 = tpu.memref_squeeze %dma_wait3A_129 : memref<1x128xi32, #tpu.memory_space<vmem>> -> memref<128xi32, #tpu.memory_space<vmem>>
        %dma_wait3A_131 = arith.constant 0 : i32
        %dma_wait3A_132 = arith.constant 0 : i32
        %dma_wait3A_133 = tpu.memref_slice %arg10[%dma_wait3A_131, %dma_wait3A_132] : memref<10240x128xf32, #tpu.memory_space<vmem_shared>> -> memref<10240x128xf32, #tpu.memory_space<vmem_shared>>
        tpu.wait_indirect_dma semaphore(%run_scoped3A_121 : memref<!tpu.dma_semaphore, #tpu.memory_space<semaphore_mem>>) src(%arg8 : memref<128x128xf32, #tpu.memory_space<vmem>>) dst(%dma_wait3A_133 : memref<10240x128xf32, #tpu.memory_space<vmem_shared>>)
        tpu.yield
      }) : () -> ()
      %dma_wait3A_100 = arith.constant 0 : i32
      %dma_wait3A_101 = arith.constant 0 : i32
      %dma_wait3A_102 = tpu.memref_slice %arg9[%dma_wait3A_100, %dma_wait3A_101] : memref<128x128xf32, #tpu.memory_space<vmem>> -> memref<64x128xf32, #tpu.memory_space<vmem>>
      %dma_wait3A_103 = arith.constant 0 : i32
      %dma_wait3A_104 = tpu.memref_slice %arg6[%add3A_62, %dma_wait3A_103] : memref<48x128xi32, #tpu.memory_space<vmem>> -> memref<1x64xi32, #tpu.memory_space<vmem>>
      %dma_wait3A_105 = tpu.memref_squeeze %dma_wait3A_104 : memref<1x64xi32, #tpu.memory_space<vmem>> -> memref<64xi32, #tpu.memory_space<vmem>>
      %dma_wait3A_106 = arith.constant 0 : i32
      %dma_wait3A_107 = arith.constant 0 : i32
      %dma_wait3A_108 = tpu.memref_slice %arg2[%dma_wait3A_106, %dma_wait3A_107] : memref<10240x128xf32, #tpu.memory_space<hbm>> -> memref<10240x128xf32, #tpu.memory_space<hbm>>
      tpu.wait_indirect_dma semaphore(%arg12 : memref<!tpu.dma_semaphore, #tpu.memory_space<semaphore_mem>>) src(%dma_wait3A_108 : memref<10240x128xf32, #tpu.memory_space<hbm>>) dst(%dma_wait3A_102 : memref<64x128xf32, #tpu.memory_space<vmem>>)
      %dma_wait3A_109 = arith.constant 64 : i32
      %dma_wait3A_110 = arith.constant 0 : i32
      %dma_wait3A_111 = tpu.memref_slice %arg9[%dma_wait3A_109, %dma_wait3A_110] : memref<128x128xf32, #tpu.memory_space<vmem>> -> memref<64x128xf32, #tpu.memory_space<vmem>>
      %dma_wait3A_112 = arith.constant 64 : i32
      %dma_wait3A_113 = tpu.memref_slice %arg6[%add3A_62, %dma_wait3A_112] : memref<48x128xi32, #tpu.memory_space<vmem>> -> memref<1x64xi32, #tpu.memory_space<vmem>>
      %dma_wait3A_114 = tpu.memref_squeeze %dma_wait3A_113 : memref<1x64xi32, #tpu.memory_space<vmem>> -> memref<64xi32, #tpu.memory_space<vmem>>
      %dma_wait3A_115 = arith.constant 0 : i32
      %dma_wait3A_116 = arith.constant 0 : i32
      %dma_wait3A_117 = tpu.memref_slice %arg2[%dma_wait3A_115, %dma_wait3A_116] : memref<10240x128xf32, #tpu.memory_space<hbm>> -> memref<10240x128xf32, #tpu.memory_space<hbm>>
      tpu.wait_indirect_dma semaphore(%arg12 : memref<!tpu.dma_semaphore, #tpu.memory_space<semaphore_mem>>) src(%dma_wait3A_117 : memref<10240x128xf32, #tpu.memory_space<hbm>>) dst(%dma_wait3A_111 : memref<64x128xf32, #tpu.memory_space<vmem>>)
      %add3A_118 = arith.constant 1 : i32
      %add3A_119 = arith.addi %mul3A_41, %add3A_118 : i32
      "tpu.region"() ({
        %run_scoped3A_121 = tpu.sem_alloc : memref<!tpu.dma_semaphore, #tpu.memory_space<semaphore_mem>>
        %dma_start3A_122 = arith.constant 0 : i32
        %dma_start3A_123 = tpu.memref_slice %arg7[%add3A_119, %dma_start3A_122] : memref<40x128xi32, #tpu.memory_space<vmem>> -> memref<1x128xi32, #tpu.memory_space<vmem>>
        %dma_start3A_124 = tpu.memref_squeeze %dma_start3A_123 : memref<1x128xi32, #tpu.memory_space<vmem>> -> memref<128xi32, #tpu.memory_space<vmem>>
        %dma_start3A_125 = arith.constant 0 : i32
        %dma_start3A_126 = arith.constant 0 : i32
        %dma_start3A_127 = tpu.memref_slice %arg10[%dma_start3A_125, %dma_start3A_126] : memref<10240x128xf32, #tpu.memory_space<vmem_shared>> -> memref<10240x128xf32, #tpu.memory_space<vmem_shared>>
        tpu.enqueue_indirect_dma source(%arg9 : memref<128x128xf32, #tpu.memory_space<vmem>>) target(%dma_start3A_127 : memref<10240x128xf32, #tpu.memory_space<vmem_shared>>) offsets(%dma_start3A_124 : memref<128xi32, #tpu.memory_space<vmem>>) semaphore(%run_scoped3A_121 : memref<!tpu.dma_semaphore, #tpu.memory_space<semaphore_mem>>) {add = true}
        %dma_wait3A_128 = arith.constant 0 : i32
        %dma_wait3A_129 = tpu.memref_slice %arg7[%add3A_119, %dma_wait3A_128] : memref<40x128xi32, #tpu.memory_space<vmem>> -> memref<1x128xi32, #tpu.memory_space<vmem>>
        %dma_wait3A_130 = tpu.memref_squeeze %dma_wait3A_129 : memref<1x128xi32, #tpu.memory_space<vmem>> -> memref<128xi32, #tpu.memory_space<vmem>>
        %dma_wait3A_131 = arith.constant 0 : i32
        %dma_wait3A_132 = arith.constant 0 : i32
        %dma_wait3A_133 = tpu.memref_slice %arg10[%dma_wait3A_131, %dma_wait3A_132] : memref<10240x128xf32, #tpu.memory_space<vmem_shared>> -> memref<10240x128xf32, #tpu.memory_space<vmem_shared>>
        tpu.wait_indirect_dma semaphore(%run_scoped3A_121 : memref<!tpu.dma_semaphore, #tpu.memory_space<semaphore_mem>>) src(%arg9 : memref<128x128xf32, #tpu.memory_space<vmem>>) dst(%dma_wait3A_133 : memref<10240x128xf32, #tpu.memory_space<vmem_shared>>)
        tpu.yield
      }) : () -> ()
      %scan3A_120 = arith.constant 0 : i32
      scf.yield %scan3A_120 : i32
    }
    %scan3A_27 = arith.constant 20 : i32
    %run_scoped3A_28 = arith.constant 1 : i32
    "tpu.region"() ({
      %run_scoped3A_38 = tpu.sem_alloc : memref<!tpu.dma_semaphore, #tpu.memory_space<semaphore_mem>>
      %dma_start3A = arith.constant 0 : i32
      %dma_start3A_39 = arith.constant 0 : i32
      %dma_start3A_40 = tpu.memref_slice %arg3[%add3A, %run_scoped3A_28, %dma_start3A, %dma_start3A_39] : memref<32x2x48x128xi32, #tpu.memory_space<hbm>> -> memref<1x1x48x128xi32, #tpu.memory_space<hbm>>
      %dma_start3A_41 = tpu.memref_squeeze %dma_start3A_40 : memref<1x1x48x128xi32, #tpu.memory_space<hbm>> -> memref<48x128xi32, #tpu.memory_space<hbm>>
      %dma_start3A_42 = arith.constant 0 : i32
      %dma_start3A_43 = arith.constant 0 : i32
      %dma_start3A_44 = tpu.memref_slice %arg3[%add3A, %run_scoped3A_28, %dma_start3A_42, %dma_start3A_43] : memref<32x2x48x128xi32, #tpu.memory_space<hbm>> -> memref<1x1x48x128xi32, #tpu.memory_space<hbm>>
      %dma_start3A_45 = tpu.memref_squeeze %dma_start3A_44 : memref<1x1x48x128xi32, #tpu.memory_space<hbm>> -> memref<48x128xi32, #tpu.memory_space<hbm>>
      tpu.enqueue_dma source(%dma_start3A_45 : memref<48x128xi32, #tpu.memory_space<hbm>>) target(%arg6 : memref<48x128xi32, #tpu.memory_space<vmem>>) target_semaphore(%run_scoped3A_38 : memref<!tpu.dma_semaphore, #tpu.memory_space<semaphore_mem>>)
      %dma_wait3A = arith.constant 0 : i32
      %dma_wait3A_46 = arith.constant 0 : i32
      %dma_wait3A_47 = tpu.memref_slice %arg3[%add3A, %run_scoped3A_28, %dma_wait3A, %dma_wait3A_46] : memref<32x2x48x128xi32, #tpu.memory_space<hbm>> -> memref<1x1x48x128xi32, #tpu.memory_space<hbm>>
      %dma_wait3A_48 = tpu.memref_squeeze %dma_wait3A_47 : memref<1x1x48x128xi32, #tpu.memory_space<hbm>> -> memref<48x128xi32, #tpu.memory_space<hbm>>
      %dma_wait3A_49 = arith.constant 0 : i32
      %dma_wait3A_50 = arith.constant 0 : i32
      %dma_wait3A_51 = tpu.memref_slice %arg3[%add3A, %run_scoped3A_28, %dma_wait3A_49, %dma_wait3A_50] : memref<32x2x48x128xi32, #tpu.memory_space<hbm>> -> memref<1x1x48x128xi32, #tpu.memory_space<hbm>>
      %dma_wait3A_52 = tpu.memref_squeeze %dma_wait3A_51 : memref<1x1x48x128xi32, #tpu.memory_space<hbm>> -> memref<48x128xi32, #tpu.memory_space<hbm>>
      tpu.wait_dma2 semaphore(%run_scoped3A_38 : memref<!tpu.dma_semaphore, #tpu.memory_space<semaphore_mem>>) src(%dma_wait3A_52 : memref<48x128xi32, #tpu.memory_space<hbm>>) dst(%arg6 : memref<48x128xi32, #tpu.memory_space<vmem>>)
      tpu.yield
    }) : () -> ()
    %run_scoped3A_29 = arith.constant 1 : i32
    "tpu.region"() ({
      %run_scoped3A_38 = tpu.sem_alloc : memref<!tpu.dma_semaphore, #tpu.memory_space<semaphore_mem>>
      %dma_start3A = arith.constant 0 : i32
      %dma_start3A_39 = arith.constant 0 : i32
      %dma_start3A_40 = tpu.memref_slice %arg4[%add3A, %run_scoped3A_29, %dma_start3A, %dma_start3A_39] : memref<32x2x40x128xi32, #tpu.memory_space<hbm>> -> memref<1x1x40x128xi32, #tpu.memory_space<hbm>>
      %dma_start3A_41 = tpu.memref_squeeze %dma_start3A_40 : memref<1x1x40x128xi32, #tpu.memory_space<hbm>> -> memref<40x128xi32, #tpu.memory_space<hbm>>
      %dma_start3A_42 = arith.constant 0 : i32
      %dma_start3A_43 = arith.constant 0 : i32
      %dma_start3A_44 = tpu.memref_slice %arg4[%add3A, %run_scoped3A_29, %dma_start3A_42, %dma_start3A_43] : memref<32x2x40x128xi32, #tpu.memory_space<hbm>> -> memref<1x1x40x128xi32, #tpu.memory_space<hbm>>
      %dma_start3A_45 = tpu.memref_squeeze %dma_start3A_44 : memref<1x1x40x128xi32, #tpu.memory_space<hbm>> -> memref<40x128xi32, #tpu.memory_space<hbm>>
      tpu.enqueue_dma source(%dma_start3A_45 : memref<40x128xi32, #tpu.memory_space<hbm>>) target(%arg7 : memref<40x128xi32, #tpu.memory_space<vmem>>) target_semaphore(%run_scoped3A_38 : memref<!tpu.dma_semaphore, #tpu.memory_space<semaphore_mem>>)
      %dma_wait3A = arith.constant 0 : i32
      %dma_wait3A_46 = arith.constant 0 : i32
      %dma_wait3A_47 = tpu.memref_slice %arg4[%add3A, %run_scoped3A_29, %dma_wait3A, %dma_wait3A_46] : memref<32x2x40x128xi32, #tpu.memory_space<hbm>> -> memref<1x1x40x128xi32, #tpu.memory_space<hbm>>
      %dma_wait3A_48 = tpu.memref_squeeze %dma_wait3A_47 : memref<1x1x40x128xi32, #tpu.memory_space<hbm>> -> memref<40x128xi32, #tpu.memory_space<hbm>>
      %dma_wait3A_49 = arith.constant 0 : i32
      %dma_wait3A_50 = arith.constant 0 : i32
      %dma_wait3A_51 = tpu.memref_slice %arg4[%add3A, %run_scoped3A_29, %dma_wait3A_49, %dma_wait3A_50] : memref<32x2x40x128xi32, #tpu.memory_space<hbm>> -> memref<1x1x40x128xi32, #tpu.memory_space<hbm>>
      %dma_wait3A_52 = tpu.memref_squeeze %dma_wait3A_51 : memref<1x1x40x128xi32, #tpu.memory_space<hbm>> -> memref<40x128xi32, #tpu.memory_space<hbm>>
      tpu.wait_dma2 semaphore(%run_scoped3A_38 : memref<!tpu.dma_semaphore, #tpu.memory_space<semaphore_mem>>) src(%dma_wait3A_52 : memref<40x128xi32, #tpu.memory_space<hbm>>) dst(%arg7 : memref<40x128xi32, #tpu.memory_space<vmem>>)
      tpu.yield
    }) : () -> ()
    %scan3A_30 = arith.constant 0 : i32
    %scan3A_31 = arith.constant 0 : i32
    %scan3A_32 = arith.constant 20 : i32
    %scan3A_33 = arith.addi %scan3A_31, %scan3A_32 : i32
    %scan3A_34 = arith.constant 1 : i32
    %scan3A_35 = scf.for %scan3A_38 = %scan3A_31 to %scan3A_33 step %scan3A_34 iter_args(%scan3A_39 = %scan3A_30) -> (i32)  : i32 {
      %mul3A_40 = arith.constant 2 : i32
      %mul3A_41 = arith.muli %scan3A_38, %mul3A_40 : i32
      %add3A_42 = arith.constant 0 : i32
      %add3A_43 = arith.addi %mul3A_41, %add3A_42 : i32
      %dma_start3A = arith.constant 0 : i32
      %dma_start3A_44 = arith.constant 0 : i32
      %dma_start3A_45 = tpu.memref_slice %arg8[%dma_start3A, %dma_start3A_44] : memref<128x128xf32, #tpu.memory_space<vmem>> -> memref<64x128xf32, #tpu.memory_space<vmem>>
      %dma_start3A_46 = arith.constant 0 : i32
      %dma_start3A_47 = tpu.memref_slice %arg6[%add3A_43, %dma_start3A_46] : memref<48x128xi32, #tpu.memory_space<vmem>> -> memref<1x64xi32, #tpu.memory_space<vmem>>
      %dma_start3A_48 = tpu.memref_squeeze %dma_start3A_47 : memref<1x64xi32, #tpu.memory_space<vmem>> -> memref<64xi32, #tpu.memory_space<vmem>>
      %dma_start3A_49 = arith.constant 0 : i32
      %dma_start3A_50 = arith.constant 0 : i32
      %dma_start3A_51 = tpu.memref_slice %arg2[%dma_start3A_49, %dma_start3A_50] : memref<10240x128xf32, #tpu.memory_space<hbm>> -> memref<10240x128xf32, #tpu.memory_space<hbm>>
      tpu.enqueue_indirect_dma source(%dma_start3A_51 : memref<10240x128xf32, #tpu.memory_space<hbm>>) target(%dma_start3A_45 : memref<64x128xf32, #tpu.memory_space<vmem>>) offsets(%dma_start3A_48 : memref<64xi32, #tpu.memory_space<vmem>>) semaphore(%arg11 : memref<!tpu.dma_semaphore, #tpu.memory_space<semaphore_mem>>)
      %dma_start3A_52 = arith.constant 64 : i32
      %dma_start3A_53 = arith.constant 0 : i32
      %dma_start3A_54 = tpu.memref_slice %arg8[%dma_start3A_52, %dma_start3A_53] : memref<128x128xf32, #tpu.memory_space<vmem>> -> memref<64x128xf32, #tpu.memory_space<vmem>>
      %dma_start3A_55 = arith.constant 64 : i32
      %dma_start3A_56 = tpu.memref_slice %arg6[%add3A_43, %dma_start3A_55] : memref<48x128xi32, #tpu.memory_space<vmem>> -> memref<1x64xi32, #tpu.memory_space<vmem>>
      %dma_start3A_57 = tpu.memref_squeeze %dma_start3A_56 : memref<1x64xi32, #tpu.memory_space<vmem>> -> memref<64xi32, #tpu.memory_space<vmem>>
      %dma_start3A_58 = arith.constant 0 : i32
      %dma_start3A_59 = arith.constant 0 : i32
      %dma_start3A_60 = tpu.memref_slice %arg2[%dma_start3A_58, %dma_start3A_59] : memref<10240x128xf32, #tpu.memory_space<hbm>> -> memref<10240x128xf32, #tpu.memory_space<hbm>>
      tpu.enqueue_indirect_dma source(%dma_start3A_60 : memref<10240x128xf32, #tpu.memory_space<hbm>>) target(%dma_start3A_54 : memref<64x128xf32, #tpu.memory_space<vmem>>) offsets(%dma_start3A_57 : memref<64xi32, #tpu.memory_space<vmem>>) semaphore(%arg11 : memref<!tpu.dma_semaphore, #tpu.memory_space<semaphore_mem>>)
      %add3A_61 = arith.constant 1 : i32
      %add3A_62 = arith.addi %mul3A_41, %add3A_61 : i32
      %dma_start3A_63 = arith.constant 0 : i32
      %dma_start3A_64 = arith.constant 0 : i32
      %dma_start3A_65 = tpu.memref_slice %arg9[%dma_start3A_63, %dma_start3A_64] : memref<128x128xf32, #tpu.memory_space<vmem>> -> memref<64x128xf32, #tpu.memory_space<vmem>>
      %dma_start3A_66 = arith.constant 0 : i32
      %dma_start3A_67 = tpu.memref_slice %arg6[%add3A_62, %dma_start3A_66] : memref<48x128xi32, #tpu.memory_space<vmem>> -> memref<1x64xi32, #tpu.memory_space<vmem>>
      %dma_start3A_68 = tpu.memref_squeeze %dma_start3A_67 : memref<1x64xi32, #tpu.memory_space<vmem>> -> memref<64xi32, #tpu.memory_space<vmem>>
      %dma_start3A_69 = arith.constant 0 : i32
      %dma_start3A_70 = arith.constant 0 : i32
      %dma_start3A_71 = tpu.memref_slice %arg2[%dma_start3A_69, %dma_start3A_70] : memref<10240x128xf32, #tpu.memory_space<hbm>> -> memref<10240x128xf32, #tpu.memory_space<hbm>>
      tpu.enqueue_indirect_dma source(%dma_start3A_71 : memref<10240x128xf32, #tpu.memory_space<hbm>>) target(%dma_start3A_65 : memref<64x128xf32, #tpu.memory_space<vmem>>) offsets(%dma_start3A_68 : memref<64xi32, #tpu.memory_space<vmem>>) semaphore(%arg12 : memref<!tpu.dma_semaphore, #tpu.memory_space<semaphore_mem>>)
      %dma_start3A_72 = arith.constant 64 : i32
      %dma_start3A_73 = arith.constant 0 : i32
      %dma_start3A_74 = tpu.memref_slice %arg9[%dma_start3A_72, %dma_start3A_73] : memref<128x128xf32, #tpu.memory_space<vmem>> -> memref<64x128xf32, #tpu.memory_space<vmem>>
      %dma_start3A_75 = arith.constant 64 : i32
      %dma_start3A_76 = tpu.memref_slice %arg6[%add3A_62, %dma_start3A_75] : memref<48x128xi32, #tpu.memory_space<vmem>> -> memref<1x64xi32, #tpu.memory_space<vmem>>
      %dma_start3A_77 = tpu.memref_squeeze %dma_start3A_76 : memref<1x64xi32, #tpu.memory_space<vmem>> -> memref<64xi32, #tpu.memory_space<vmem>>
      %dma_start3A_78 = arith.constant 0 : i32
      %dma_start3A_79 = arith.constant 0 : i32
      %dma_start3A_80 = tpu.memref_slice %arg2[%dma_start3A_78, %dma_start3A_79] : memref<10240x128xf32, #tpu.memory_space<hbm>> -> memref<10240x128xf32, #tpu.memory_space<hbm>>
      tpu.enqueue_indirect_dma source(%dma_start3A_80 : memref<10240x128xf32, #tpu.memory_space<hbm>>) target(%dma_start3A_74 : memref<64x128xf32, #tpu.memory_space<vmem>>) offsets(%dma_start3A_77 : memref<64xi32, #tpu.memory_space<vmem>>) semaphore(%arg12 : memref<!tpu.dma_semaphore, #tpu.memory_space<semaphore_mem>>)
      %dma_wait3A = arith.constant 0 : i32
      %dma_wait3A_81 = arith.constant 0 : i32
      %dma_wait3A_82 = tpu.memref_slice %arg8[%dma_wait3A, %dma_wait3A_81] : memref<128x128xf32, #tpu.memory_space<vmem>> -> memref<64x128xf32, #tpu.memory_space<vmem>>
      %dma_wait3A_83 = arith.constant 0 : i32
      %dma_wait3A_84 = tpu.memref_slice %arg6[%add3A_43, %dma_wait3A_83] : memref<48x128xi32, #tpu.memory_space<vmem>> -> memref<1x64xi32, #tpu.memory_space<vmem>>
      %dma_wait3A_85 = tpu.memref_squeeze %dma_wait3A_84 : memref<1x64xi32, #tpu.memory_space<vmem>> -> memref<64xi32, #tpu.memory_space<vmem>>
      %dma_wait3A_86 = arith.constant 0 : i32
      %dma_wait3A_87 = arith.constant 0 : i32
      %dma_wait3A_88 = tpu.memref_slice %arg2[%dma_wait3A_86, %dma_wait3A_87] : memref<10240x128xf32, #tpu.memory_space<hbm>> -> memref<10240x128xf32, #tpu.memory_space<hbm>>
      tpu.wait_indirect_dma semaphore(%arg11 : memref<!tpu.dma_semaphore, #tpu.memory_space<semaphore_mem>>) src(%dma_wait3A_88 : memref<10240x128xf32, #tpu.memory_space<hbm>>) dst(%dma_wait3A_82 : memref<64x128xf32, #tpu.memory_space<vmem>>)
      %dma_wait3A_89 = arith.constant 64 : i32
      %dma_wait3A_90 = arith.constant 0 : i32
      %dma_wait3A_91 = tpu.memref_slice %arg8[%dma_wait3A_89, %dma_wait3A_90] : memref<128x128xf32, #tpu.memory_space<vmem>> -> memref<64x128xf32, #tpu.memory_space<vmem>>
      %dma_wait3A_92 = arith.constant 64 : i32
      %dma_wait3A_93 = tpu.memref_slice %arg6[%add3A_43, %dma_wait3A_92] : memref<48x128xi32, #tpu.memory_space<vmem>> -> memref<1x64xi32, #tpu.memory_space<vmem>>
      %dma_wait3A_94 = tpu.memref_squeeze %dma_wait3A_93 : memref<1x64xi32, #tpu.memory_space<vmem>> -> memref<64xi32, #tpu.memory_space<vmem>>
      %dma_wait3A_95 = arith.constant 0 : i32
      %dma_wait3A_96 = arith.constant 0 : i32
      %dma_wait3A_97 = tpu.memref_slice %arg2[%dma_wait3A_95, %dma_wait3A_96] : memref<10240x128xf32, #tpu.memory_space<hbm>> -> memref<10240x128xf32, #tpu.memory_space<hbm>>
      tpu.wait_indirect_dma semaphore(%arg11 : memref<!tpu.dma_semaphore, #tpu.memory_space<semaphore_mem>>) src(%dma_wait3A_97 : memref<10240x128xf32, #tpu.memory_space<hbm>>) dst(%dma_wait3A_91 : memref<64x128xf32, #tpu.memory_space<vmem>>)
      %add3A_98 = arith.constant 0 : i32
      %add3A_99 = arith.addi %mul3A_41, %add3A_98 : i32
      "tpu.region"() ({
        %run_scoped3A_121 = tpu.sem_alloc : memref<!tpu.dma_semaphore, #tpu.memory_space<semaphore_mem>>
        %dma_start3A_122 = arith.constant 0 : i32
        %dma_start3A_123 = tpu.memref_slice %arg7[%add3A_99, %dma_start3A_122] : memref<40x128xi32, #tpu.memory_space<vmem>> -> memref<1x128xi32, #tpu.memory_space<vmem>>
        %dma_start3A_124 = tpu.memref_squeeze %dma_start3A_123 : memref<1x128xi32, #tpu.memory_space<vmem>> -> memref<128xi32, #tpu.memory_space<vmem>>
        %dma_start3A_125 = arith.constant 0 : i32
        %dma_start3A_126 = arith.constant 0 : i32
        %dma_start3A_127 = tpu.memref_slice %arg10[%dma_start3A_125, %dma_start3A_126] : memref<10240x128xf32, #tpu.memory_space<vmem_shared>> -> memref<10240x128xf32, #tpu.memory_space<vmem_shared>>
        tpu.enqueue_indirect_dma source(%arg8 : memref<128x128xf32, #tpu.memory_space<vmem>>) target(%dma_start3A_127 : memref<10240x128xf32, #tpu.memory_space<vmem_shared>>) offsets(%dma_start3A_124 : memref<128xi32, #tpu.memory_space<vmem>>) semaphore(%run_scoped3A_121 : memref<!tpu.dma_semaphore, #tpu.memory_space<semaphore_mem>>) {add = true}
        %dma_wait3A_128 = arith.constant 0 : i32
        %dma_wait3A_129 = tpu.memref_slice %arg7[%add3A_99, %dma_wait3A_128] : memref<40x128xi32, #tpu.memory_space<vmem>> -> memref<1x128xi32, #tpu.memory_space<vmem>>
        %dma_wait3A_130 = tpu.memref_squeeze %dma_wait3A_129 : memref<1x128xi32, #tpu.memory_space<vmem>> -> memref<128xi32, #tpu.memory_space<vmem>>
        %dma_wait3A_131 = arith.constant 0 : i32
        %dma_wait3A_132 = arith.constant 0 : i32
        %dma_wait3A_133 = tpu.memref_slice %arg10[%dma_wait3A_131, %dma_wait3A_132] : memref<10240x128xf32, #tpu.memory_space<vmem_shared>> -> memref<10240x128xf32, #tpu.memory_space<vmem_shared>>
        tpu.wait_indirect_dma semaphore(%run_scoped3A_121 : memref<!tpu.dma_semaphore, #tpu.memory_space<semaphore_mem>>) src(%arg8 : memref<128x128xf32, #tpu.memory_space<vmem>>) dst(%dma_wait3A_133 : memref<10240x128xf32, #tpu.memory_space<vmem_shared>>)
        tpu.yield
      }) : () -> ()
      %dma_wait3A_100 = arith.constant 0 : i32
      %dma_wait3A_101 = arith.constant 0 : i32
      %dma_wait3A_102 = tpu.memref_slice %arg9[%dma_wait3A_100, %dma_wait3A_101] : memref<128x128xf32, #tpu.memory_space<vmem>> -> memref<64x128xf32, #tpu.memory_space<vmem>>
      %dma_wait3A_103 = arith.constant 0 : i32
      %dma_wait3A_104 = tpu.memref_slice %arg6[%add3A_62, %dma_wait3A_103] : memref<48x128xi32, #tpu.memory_space<vmem>> -> memref<1x64xi32, #tpu.memory_space<vmem>>
      %dma_wait3A_105 = tpu.memref_squeeze %dma_wait3A_104 : memref<1x64xi32, #tpu.memory_space<vmem>> -> memref<64xi32, #tpu.memory_space<vmem>>
      %dma_wait3A_106 = arith.constant 0 : i32
      %dma_wait3A_107 = arith.constant 0 : i32
      %dma_wait3A_108 = tpu.memref_slice %arg2[%dma_wait3A_106, %dma_wait3A_107] : memref<10240x128xf32, #tpu.memory_space<hbm>> -> memref<10240x128xf32, #tpu.memory_space<hbm>>
      tpu.wait_indirect_dma semaphore(%arg12 : memref<!tpu.dma_semaphore, #tpu.memory_space<semaphore_mem>>) src(%dma_wait3A_108 : memref<10240x128xf32, #tpu.memory_space<hbm>>) dst(%dma_wait3A_102 : memref<64x128xf32, #tpu.memory_space<vmem>>)
      %dma_wait3A_109 = arith.constant 64 : i32
      %dma_wait3A_110 = arith.constant 0 : i32
      %dma_wait3A_111 = tpu.memref_slice %arg9[%dma_wait3A_109, %dma_wait3A_110] : memref<128x128xf32, #tpu.memory_space<vmem>> -> memref<64x128xf32, #tpu.memory_space<vmem>>
      %dma_wait3A_112 = arith.constant 64 : i32
      %dma_wait3A_113 = tpu.memref_slice %arg6[%add3A_62, %dma_wait3A_112] : memref<48x128xi32, #tpu.memory_space<vmem>> -> memref<1x64xi32, #tpu.memory_space<vmem>>
      %dma_wait3A_114 = tpu.memref_squeeze %dma_wait3A_113 : memref<1x64xi32, #tpu.memory_space<vmem>> -> memref<64xi32, #tpu.memory_space<vmem>>
      %dma_wait3A_115 = arith.constant 0 : i32
      %dma_wait3A_116 = arith.constant 0 : i32
      %dma_wait3A_117 = tpu.memref_slice %arg2[%dma_wait3A_115, %dma_wait3A_116] : memref<10240x128xf32, #tpu.memory_space<hbm>> -> memref<10240x128xf32, #tpu.memory_space<hbm>>
      tpu.wait_indirect_dma semaphore(%arg12 : memref<!tpu.dma_semaphore, #tpu.memory_space<semaphore_mem>>) src(%dma_wait3A_117 : memref<10240x128xf32, #tpu.memory_space<hbm>>) dst(%dma_wait3A_111 : memref<64x128xf32, #tpu.memory_space<vmem>>)
      %add3A_118 = arith.constant 1 : i32
      %add3A_119 = arith.addi %mul3A_41, %add3A_118 : i32
      "tpu.region"() ({
        %run_scoped3A_121 = tpu.sem_alloc : memref<!tpu.dma_semaphore, #tpu.memory_space<semaphore_mem>>
        %dma_start3A_122 = arith.constant 0 : i32
        %dma_start3A_123 = tpu.memref_slice %arg7[%add3A_119, %dma_start3A_122] : memref<40x128xi32, #tpu.memory_space<vmem>> -> memref<1x128xi32, #tpu.memory_space<vmem>>
        %dma_start3A_124 = tpu.memref_squeeze %dma_start3A_123 : memref<1x128xi32, #tpu.memory_space<vmem>> -> memref<128xi32, #tpu.memory_space<vmem>>
        %dma_start3A_125 = arith.constant 0 : i32
        %dma_start3A_126 = arith.constant 0 : i32
        %dma_start3A_127 = tpu.memref_slice %arg10[%dma_start3A_125, %dma_start3A_126] : memref<10240x128xf32, #tpu.memory_space<vmem_shared>> -> memref<10240x128xf32, #tpu.memory_space<vmem_shared>>
        tpu.enqueue_indirect_dma source(%arg9 : memref<128x128xf32, #tpu.memory_space<vmem>>) target(%dma_start3A_127 : memref<10240x128xf32, #tpu.memory_space<vmem_shared>>) offsets(%dma_start3A_124 : memref<128xi32, #tpu.memory_space<vmem>>) semaphore(%run_scoped3A_121 : memref<!tpu.dma_semaphore, #tpu.memory_space<semaphore_mem>>) {add = true}
        %dma_wait3A_128 = arith.constant 0 : i32
        %dma_wait3A_129 = tpu.memref_slice %arg7[%add3A_119, %dma_wait3A_128] : memref<40x128xi32, #tpu.memory_space<vmem>> -> memref<1x128xi32, #tpu.memory_space<vmem>>
        %dma_wait3A_130 = tpu.memref_squeeze %dma_wait3A_129 : memref<1x128xi32, #tpu.memory_space<vmem>> -> memref<128xi32, #tpu.memory_space<vmem>>
        %dma_wait3A_131 = arith.constant 0 : i32
        %dma_wait3A_132 = arith.constant 0 : i32
        %dma_wait3A_133 = tpu.memref_slice %arg10[%dma_wait3A_131, %dma_wait3A_132] : memref<10240x128xf32, #tpu.memory_space<vmem_shared>> -> memref<10240x128xf32, #tpu.memory_space<vmem_shared>>
        tpu.wait_indirect_dma semaphore(%run_scoped3A_121 : memref<!tpu.dma_semaphore, #tpu.memory_space<semaphore_mem>>) src(%arg9 : memref<128x128xf32, #tpu.memory_space<vmem>>) dst(%dma_wait3A_133 : memref<10240x128xf32, #tpu.memory_space<vmem_shared>>)
        tpu.yield
      }) : () -> ()
      %scan3A_120 = arith.constant 0 : i32
      scf.yield %scan3A_120 : i32
    }
    %scan3A_36 = arith.constant 20 : i32
    %barrier3A_37 = arith.constant 0 : index
    tpu.barrier barrier_id(%barrier3A_37)
    "tpu.region"() ({
      %run_scoped3A_38 = tpu.sem_alloc : memref<!tpu.dma_semaphore, #tpu.memory_space<semaphore_mem>>
      %dma_start3A = arith.constant 0 : i32
      %dma_start3A_39 = tpu.memref_slice %arg5[%arg0, %mul3A_9, %dma_start3A] : memref<2x10240x128xf32, #tpu.memory_space<hbm>> -> memref<1x640x128xf32, #tpu.memory_space<hbm>>
      %dma_start3A_40 = tpu.memref_squeeze %dma_start3A_39 : memref<1x640x128xf32, #tpu.memory_space<hbm>> -> memref<640x128xf32, #tpu.memory_space<hbm>>
      %dma_start3A_41 = arith.constant 0 : i32
      %dma_start3A_42 = tpu.memref_slice %arg10[%mul3A_9, %dma_start3A_41] : memref<10240x128xf32, #tpu.memory_space<vmem_shared>> -> memref<640x128xf32, #tpu.memory_space<vmem_shared>>
      tpu.enqueue_dma source(%dma_start3A_42 : memref<640x128xf32, #tpu.memory_space<vmem_shared>>) target(%dma_start3A_40 : memref<640x128xf32, #tpu.memory_space<hbm>>) target_semaphore(%run_scoped3A_38 : memref<!tpu.dma_semaphore, #tpu.memory_space<semaphore_mem>>)
      %dma_wait3A = arith.constant 0 : i32
      %dma_wait3A_43 = tpu.memref_slice %arg5[%arg0, %mul3A_9, %dma_wait3A] : memref<2x10240x128xf32, #tpu.memory_space<hbm>> -> memref<1x640x128xf32, #tpu.memory_space<hbm>>
      %dma_wait3A_44 = tpu.memref_squeeze %dma_wait3A_43 : memref<1x640x128xf32, #tpu.memory_space<hbm>> -> memref<640x128xf32, #tpu.memory_space<hbm>>
      %dma_wait3A_45 = arith.constant 0 : i32
      %dma_wait3A_46 = tpu.memref_slice %arg10[%mul3A_9, %dma_wait3A_45] : memref<10240x128xf32, #tpu.memory_space<vmem_shared>> -> memref<640x128xf32, #tpu.memory_space<vmem_shared>>
      tpu.wait_dma2 semaphore(%run_scoped3A_38 : memref<!tpu.dma_semaphore, #tpu.memory_space<semaphore_mem>>) src(%dma_wait3A_46 : memref<640x128xf32, #tpu.memory_space<vmem_shared>>) dst(%dma_wait3A_44 : memref<640x128xf32, #tpu.memory_space<hbm>>)
      tpu.yield
    }) : () -> ()
    return
  }
}

#map = affine_map<(d0, d1) -> (0, 0)>
#map1 = affine_map<(d0, d1) -> (0, 0, 0, 0)>
#map2 = affine_map<(d0, d1) -> (0, 0, 0)>
module attributes {stable_mosaic.version = 14 : i64} {
  func.func @_edge_kernel(%arg0: i32, %arg1: i32, %arg2: memref<10240x128xf32, #tpu.memory_space<hbm>>, %arg3: memref<32x2x48x128xi32, #tpu.memory_space<hbm>>, %arg4: memref<32x2x40x128xi32, #tpu.memory_space<hbm>>, %arg5: memref<2x10240x128xf32, #tpu.memory_space<hbm>>, %arg6: memref<48x128xi32, #tpu.memory_space<vmem>>, %arg7: memref<40x128xi32, #tpu.memory_space<vmem>>, %arg8: memref<128x128xf32, #tpu.memory_space<vmem>>, %arg9: memref<128x128xf32, #tpu.memory_space<vmem>>, %arg10: memref<10240x128xf32, #tpu.memory_space<vmem_shared>>, %arg11: memref<!tpu.dma_semaphore, #tpu.memory_space<semaphore_mem>>, %arg12: memref<!tpu.dma_semaphore, #tpu.memory_space<semaphore_mem>>, %arg13: memref<!tpu.dma_semaphore, #tpu.memory_space<semaphore_mem>>, %arg14: memref<!tpu.dma_semaphore, #tpu.memory_space<semaphore_mem>>) attributes {dimension_semantics = [#tpu.dimension_semantics<core_parallel>, #tpu.dimension_semantics<subcore_parallel>], iteration_bounds = array<i64: 2, 16>, scalar_prefetch = 0 : i64, scratch_operands = 9 : i64, tpu.core_type = #tpu.core_type<sc_vector_subcore>, window_params = [{transform_indices = #map}, {transform_indices = #map1}, {transform_indices = #map1}, {transform_indices = #map2}]} {
    %mul3A = arith.constant 16 : i32
    %mul3A_0 = arith.muli %arg0, %mul3A : i32
    %add3A = arith.addi %mul3A_0, %arg1 : i32
    %broadcast_in_dim3A = arith.constant 0.000000e+00 : f32
    %broadcast_in_dim3A_1 = vector.broadcast %broadcast_in_dim3A : f32 to vector<16xf32>
    %scan3A = arith.constant 0 : i32
    %scan3A_2 = arith.constant 0 : i32
    %scan3A_3 = arith.constant 128 : i32
    %scan3A_4 = arith.addi %scan3A_2, %scan3A_3 : i32
    %scan3A_5 = arith.constant 1 : i32
    %scan3A_6 = scf.for %scan3A_38 = %scan3A_2 to %scan3A_4 step %scan3A_5 iter_args(%scan3A_39 = %scan3A) -> (i32)  : i32 {
      %swap3A = arith.index_cast %scan3A_38 : i32 to index
      %swap3A_40 = arith.constant 0 : index
      %swap3A_41 = tpu.vector_load %arg8[%swap3A, %swap3A_40] {strides = array<i32>} : memref<128x128xf32, #tpu.memory_space<vmem>>, vector<1x16xf32>,
      %swap3A_42 = vector.shape_cast %swap3A_41 : vector<1x16xf32> to vector<16xf32>
      %swap3A_43 = vector.shape_cast %broadcast_in_dim3A_1 : vector<16xf32> to vector<1x16xf32>
      tpu.vector_store %arg8[%swap3A, %swap3A_40], %swap3A_43 {strides = array<i32>} : memref<128x128xf32, #tpu.memory_space<vmem>>, vector<1x16xf32>,
      %swap3A_44 = arith.index_cast %scan3A_38 : i32 to index
      %swap3A_45 = arith.constant 16 : index
      %swap3A_46 = tpu.vector_load %arg8[%swap3A_44, %swap3A_45] {strides = array<i32>} : memref<128x128xf32, #tpu.memory_space<vmem>>, vector<1x16xf32>,
      %swap3A_47 = vector.shape_cast %swap3A_46 : vector<1x16xf32> to vector<16xf32>
      %swap3A_48 = vector.shape_cast %broadcast_in_dim3A_1 : vector<16xf32> to vector<1x16xf32>
      tpu.vector_store %arg8[%swap3A_44, %swap3A_45], %swap3A_48 {strides = array<i32>} : memref<128x128xf32, #tpu.memory_space<vmem>>, vector<1x16xf32>,
      %swap3A_49 = arith.index_cast %scan3A_38 : i32 to index
      %swap3A_50 = arith.constant 32 : index
      %swap3A_51 = tpu.vector_load %arg8[%swap3A_49, %swap3A_50] {strides = array<i32>} : memref<128x128xf32, #tpu.memory_space<vmem>>, vector<1x16xf32>,
      %swap3A_52 = vector.shape_cast %swap3A_51 : vector<1x16xf32> to vector<16xf32>
      %swap3A_53 = vector.shape_cast %broadcast_in_dim3A_1 : vector<16xf32> to vector<1x16xf32>
      tpu.vector_store %arg8[%swap3A_49, %swap3A_50], %swap3A_53 {strides = array<i32>} : memref<128x128xf32, #tpu.memory_space<vmem>>, vector<1x16xf32>,
      %swap3A_54 = arith.index_cast %scan3A_38 : i32 to index
      %swap3A_55 = arith.constant 48 : index
      %swap3A_56 = tpu.vector_load %arg8[%swap3A_54, %swap3A_55] {strides = array<i32>} : memref<128x128xf32, #tpu.memory_space<vmem>>, vector<1x16xf32>,
      %swap3A_57 = vector.shape_cast %swap3A_56 : vector<1x16xf32> to vector<16xf32>
      %swap3A_58 = vector.shape_cast %broadcast_in_dim3A_1 : vector<16xf32> to vector<1x16xf32>
      tpu.vector_store %arg8[%swap3A_54, %swap3A_55], %swap3A_58 {strides = array<i32>} : memref<128x128xf32, #tpu.memory_space<vmem>>, vector<1x16xf32>,
      %swap3A_59 = arith.index_cast %scan3A_38 : i32 to index
      %swap3A_60 = arith.constant 64 : index
      %swap3A_61 = tpu.vector_load %arg8[%swap3A_59, %swap3A_60] {strides = array<i32>} : memref<128x128xf32, #tpu.memory_space<vmem>>, vector<1x16xf32>,
      %swap3A_62 = vector.shape_cast %swap3A_61 : vector<1x16xf32> to vector<16xf32>
      %swap3A_63 = vector.shape_cast %broadcast_in_dim3A_1 : vector<16xf32> to vector<1x16xf32>
      tpu.vector_store %arg8[%swap3A_59, %swap3A_60], %swap3A_63 {strides = array<i32>} : memref<128x128xf32, #tpu.memory_space<vmem>>, vector<1x16xf32>,
      %swap3A_64 = arith.index_cast %scan3A_38 : i32 to index
      %swap3A_65 = arith.constant 80 : index
      %swap3A_66 = tpu.vector_load %arg8[%swap3A_64, %swap3A_65] {strides = array<i32>} : memref<128x128xf32, #tpu.memory_space<vmem>>, vector<1x16xf32>,
      %swap3A_67 = vector.shape_cast %swap3A_66 : vector<1x16xf32> to vector<16xf32>
      %swap3A_68 = vector.shape_cast %broadcast_in_dim3A_1 : vector<16xf32> to vector<1x16xf32>
      tpu.vector_store %arg8[%swap3A_64, %swap3A_65], %swap3A_68 {strides = array<i32>} : memref<128x128xf32, #tpu.memory_space<vmem>>, vector<1x16xf32>,
      %swap3A_69 = arith.index_cast %scan3A_38 : i32 to index
      %swap3A_70 = arith.constant 96 : index
      %swap3A_71 = tpu.vector_load %arg8[%swap3A_69, %swap3A_70] {strides = array<i32>} : memref<128x128xf32, #tpu.memory_space<vmem>>, vector<1x16xf32>,
      %swap3A_72 = vector.shape_cast %swap3A_71 : vector<1x16xf32> to vector<16xf32>
      %swap3A_73 = vector.shape_cast %broadcast_in_dim3A_1 : vector<16xf32> to vector<1x16xf32>
      tpu.vector_store %arg8[%swap3A_69, %swap3A_70], %swap3A_73 {strides = array<i32>} : memref<128x128xf32, #tpu.memory_space<vmem>>, vector<1x16xf32>,
      %swap3A_74 = arith.index_cast %scan3A_38 : i32 to index
      %swap3A_75 = arith.constant 112 : index
      %swap3A_76 = tpu.vector_load %arg8[%swap3A_74, %swap3A_75] {strides = array<i32>} : memref<128x128xf32, #tpu.memory_space<vmem>>, vector<1x16xf32>,
      %swap3A_77 = vector.shape_cast %swap3A_76 : vector<1x16xf32> to vector<16xf32>
      %swap3A_78 = vector.shape_cast %broadcast_in_dim3A_1 : vector<16xf32> to vector<1x16xf32>
      tpu.vector_store %arg8[%swap3A_74, %swap3A_75], %swap3A_78 {strides = array<i32>} : memref<128x128xf32, #tpu.memory_space<vmem>>, vector<1x16xf32>,
      %scan3A_79 = arith.constant 0 : i32
      scf.yield %scan3A_79 : i32
    }
    %scan3A_7 = arith.constant 128 : i32
    %mul3A_8 = arith.constant 640 : i32
    %mul3A_9 = arith.muli %arg1, %mul3A_8 : i32
    %add3A_10 = arith.constant 0 : i32
    %add3A_11 = arith.addi %mul3A_9, %add3A_10 : i32
    "tpu.region"() ({
      %run_scoped3A_38 = tpu.sem_alloc : memref<!tpu.dma_semaphore, #tpu.memory_space<semaphore_mem>>
      %dma_start3A = arith.constant 0 : i32
      %dma_start3A_39 = tpu.memref_slice %arg10[%add3A_11, %dma_start3A] : memref<10240x128xf32, #tpu.memory_space<vmem_shared>> -> memref<128x128xf32, #tpu.memory_space<vmem_shared>>
      %dma_start3A_40 = arith.constant 0 : i32
      %dma_start3A_41 = tpu.memref_slice %arg10[%add3A_11, %dma_start3A_40] : memref<10240x128xf32, #tpu.memory_space<vmem_shared>> -> memref<128x128xf32, #tpu.memory_space<vmem_shared>>
      tpu.enqueue_dma source(%arg8 : memref<128x128xf32, #tpu.memory_space<vmem>>) target(%dma_start3A_41 : memref<128x128xf32, #tpu.memory_space<vmem_shared>>) target_semaphore(%run_scoped3A_38 : memref<!tpu.dma_semaphore, #tpu.memory_space<semaphore_mem>>)
      %dma_wait3A = arith.constant 0 : i32
      %dma_wait3A_42 = tpu.memref_slice %arg10[%add3A_11, %dma_wait3A] : memref<10240x128xf32, #tpu.memory_space<vmem_shared>> -> memref<128x128xf32, #tpu.memory_space<vmem_shared>>
      %dma_wait3A_43 = arith.constant 0 : i32
      %dma_wait3A_44 = tpu.memref_slice %arg10[%add3A_11, %dma_wait3A_43] : memref<10240x128xf32, #tpu.memory_space<vmem_shared>> -> memref<128x128xf32, #tpu.memory_space<vmem_shared>>
      tpu.wait_dma2 semaphore(%run_scoped3A_38 : memref<!tpu.dma_semaphore, #tpu.memory_space<semaphore_mem>>) src(%arg8 : memref<128x128xf32, #tpu.memory_space<vmem>>) dst(%dma_wait3A_44 : memref<128x128xf32, #tpu.memory_space<vmem_shared>>)
      tpu.yield
    }) : () -> ()
    %add3A_12 = arith.constant 128 : i32
    %add3A_13 = arith.addi %mul3A_9, %add3A_12 : i32
    "tpu.region"() ({
      %run_scoped3A_38 = tpu.sem_alloc : memref<!tpu.dma_semaphore, #tpu.memory_space<semaphore_mem>>
      %dma_start3A = arith.constant 0 : i32
      %dma_start3A_39 = tpu.memref_slice %arg10[%add3A_13, %dma_start3A] : memref<10240x128xf32, #tpu.memory_space<vmem_shared>> -> memref<128x128xf32, #tpu.memory_space<vmem_shared>>
      %dma_start3A_40 = arith.constant 0 : i32
      %dma_start3A_41 = tpu.memref_slice %arg10[%add3A_13, %dma_start3A_40] : memref<10240x128xf32, #tpu.memory_space<vmem_shared>> -> memref<128x128xf32, #tpu.memory_space<vmem_shared>>
      tpu.enqueue_dma source(%arg8 : memref<128x128xf32, #tpu.memory_space<vmem>>) target(%dma_start3A_41 : memref<128x128xf32, #tpu.memory_space<vmem_shared>>) target_semaphore(%run_scoped3A_38 : memref<!tpu.dma_semaphore, #tpu.memory_space<semaphore_mem>>)
      %dma_wait3A = arith.constant 0 : i32
      %dma_wait3A_42 = tpu.memref_slice %arg10[%add3A_13, %dma_wait3A] : memref<10240x128xf32, #tpu.memory_space<vmem_shared>> -> memref<128x128xf32, #tpu.memory_space<vmem_shared>>
      %dma_wait3A_43 = arith.constant 0 : i32
      %dma_wait3A_44 = tpu.memref_slice %arg10[%add3A_13, %dma_wait3A_43] : memref<10240x128xf32, #tpu.memory_space<vmem_shared>> -> memref<128x128xf32, #tpu.memory_space<vmem_shared>>
      tpu.wait_dma2 semaphore(%run_scoped3A_38 : memref<!tpu.dma_semaphore, #tpu.memory_space<semaphore_mem>>) src(%arg8 : memref<128x128xf32, #tpu.memory_space<vmem>>) dst(%dma_wait3A_44 : memref<128x128xf32, #tpu.memory_space<vmem_shared>>)
      tpu.yield
    }) : () -> ()
    %add3A_14 = arith.constant 256 : i32
    %add3A_15 = arith.addi %mul3A_9, %add3A_14 : i32
    "tpu.region"() ({
      %run_scoped3A_38 = tpu.sem_alloc : memref<!tpu.dma_semaphore, #tpu.memory_space<semaphore_mem>>
      %dma_start3A = arith.constant 0 : i32
      %dma_start3A_39 = tpu.memref_slice %arg10[%add3A_15, %dma_start3A] : memref<10240x128xf32, #tpu.memory_space<vmem_shared>> -> memref<128x128xf32, #tpu.memory_space<vmem_shared>>
      %dma_start3A_40 = arith.constant 0 : i32
      %dma_start3A_41 = tpu.memref_slice %arg10[%add3A_15, %dma_start3A_40] : memref<10240x128xf32, #tpu.memory_space<vmem_shared>> -> memref<128x128xf32, #tpu.memory_space<vmem_shared>>
      tpu.enqueue_dma source(%arg8 : memref<128x128xf32, #tpu.memory_space<vmem>>) target(%dma_start3A_41 : memref<128x128xf32, #tpu.memory_space<vmem_shared>>) target_semaphore(%run_scoped3A_38 : memref<!tpu.dma_semaphore, #tpu.memory_space<semaphore_mem>>)
      %dma_wait3A = arith.constant 0 : i32
      %dma_wait3A_42 = tpu.memref_slice %arg10[%add3A_15, %dma_wait3A] : memref<10240x128xf32, #tpu.memory_space<vmem_shared>> -> memref<128x128xf32, #tpu.memory_space<vmem_shared>>
      %dma_wait3A_43 = arith.constant 0 : i32
      %dma_wait3A_44 = tpu.memref_slice %arg10[%add3A_15, %dma_wait3A_43] : memref<10240x128xf32, #tpu.memory_space<vmem_shared>> -> memref<128x128xf32, #tpu.memory_space<vmem_shared>>
      tpu.wait_dma2 semaphore(%run_scoped3A_38 : memref<!tpu.dma_semaphore, #tpu.memory_space<semaphore_mem>>) src(%arg8 : memref<128x128xf32, #tpu.memory_space<vmem>>) dst(%dma_wait3A_44 : memref<128x128xf32, #tpu.memory_space<vmem_shared>>)
      tpu.yield
    }) : () -> ()
    %add3A_16 = arith.constant 384 : i32
    %add3A_17 = arith.addi %mul3A_9, %add3A_16 : i32
    "tpu.region"() ({
      %run_scoped3A_38 = tpu.sem_alloc : memref<!tpu.dma_semaphore, #tpu.memory_space<semaphore_mem>>
      %dma_start3A = arith.constant 0 : i32
      %dma_start3A_39 = tpu.memref_slice %arg10[%add3A_17, %dma_start3A] : memref<10240x128xf32, #tpu.memory_space<vmem_shared>> -> memref<128x128xf32, #tpu.memory_space<vmem_shared>>
      %dma_start3A_40 = arith.constant 0 : i32
      %dma_start3A_41 = tpu.memref_slice %arg10[%add3A_17, %dma_start3A_40] : memref<10240x128xf32, #tpu.memory_space<vmem_shared>> -> memref<128x128xf32, #tpu.memory_space<vmem_shared>>
      tpu.enqueue_dma source(%arg8 : memref<128x128xf32, #tpu.memory_space<vmem>>) target(%dma_start3A_41 : memref<128x128xf32, #tpu.memory_space<vmem_shared>>) target_semaphore(%run_scoped3A_38 : memref<!tpu.dma_semaphore, #tpu.memory_space<semaphore_mem>>)
      %dma_wait3A = arith.constant 0 : i32
      %dma_wait3A_42 = tpu.memref_slice %arg10[%add3A_17, %dma_wait3A] : memref<10240x128xf32, #tpu.memory_space<vmem_shared>> -> memref<128x128xf32, #tpu.memory_space<vmem_shared>>
      %dma_wait3A_43 = arith.constant 0 : i32
      %dma_wait3A_44 = tpu.memref_slice %arg10[%add3A_17, %dma_wait3A_43] : memref<10240x128xf32, #tpu.memory_space<vmem_shared>> -> memref<128x128xf32, #tpu.memory_space<vmem_shared>>
      tpu.wait_dma2 semaphore(%run_scoped3A_38 : memref<!tpu.dma_semaphore, #tpu.memory_space<semaphore_mem>>) src(%arg8 : memref<128x128xf32, #tpu.memory_space<vmem>>) dst(%dma_wait3A_44 : memref<128x128xf32, #tpu.memory_space<vmem_shared>>)
      tpu.yield
    }) : () -> ()
    %add3A_18 = arith.constant 512 : i32
    %add3A_19 = arith.addi %mul3A_9, %add3A_18 : i32
    "tpu.region"() ({
      %run_scoped3A_38 = tpu.sem_alloc : memref<!tpu.dma_semaphore, #tpu.memory_space<semaphore_mem>>
      %dma_start3A = arith.constant 0 : i32
      %dma_start3A_39 = tpu.memref_slice %arg10[%add3A_19, %dma_start3A] : memref<10240x128xf32, #tpu.memory_space<vmem_shared>> -> memref<128x128xf32, #tpu.memory_space<vmem_shared>>
      %dma_start3A_40 = arith.constant 0 : i32
      %dma_start3A_41 = tpu.memref_slice %arg10[%add3A_19, %dma_start3A_40] : memref<10240x128xf32, #tpu.memory_space<vmem_shared>> -> memref<128x128xf32, #tpu.memory_space<vmem_shared>>
      tpu.enqueue_dma source(%arg8 : memref<128x128xf32, #tpu.memory_space<vmem>>) target(%dma_start3A_41 : memref<128x128xf32, #tpu.memory_space<vmem_shared>>) target_semaphore(%run_scoped3A_38 : memref<!tpu.dma_semaphore, #tpu.memory_space<semaphore_mem>>)
      %dma_wait3A = arith.constant 0 : i32
      %dma_wait3A_42 = tpu.memref_slice %arg10[%add3A_19, %dma_wait3A] : memref<10240x128xf32, #tpu.memory_space<vmem_shared>> -> memref<128x128xf32, #tpu.memory_space<vmem_shared>>
      %dma_wait3A_43 = arith.constant 0 : i32
      %dma_wait3A_44 = tpu.memref_slice %arg10[%add3A_19, %dma_wait3A_43] : memref<10240x128xf32, #tpu.memory_space<vmem_shared>> -> memref<128x128xf32, #tpu.memory_space<vmem_shared>>
      tpu.wait_dma2 semaphore(%run_scoped3A_38 : memref<!tpu.dma_semaphore, #tpu.memory_space<semaphore_mem>>) src(%arg8 : memref<128x128xf32, #tpu.memory_space<vmem>>) dst(%dma_wait3A_44 : memref<128x128xf32, #tpu.memory_space<vmem_shared>>)
      tpu.yield
    }) : () -> ()
    %barrier3A = arith.constant 0 : index
    tpu.barrier barrier_id(%barrier3A)
    %run_scoped3A = arith.constant 0 : i32
    "tpu.region"() ({
      %run_scoped3A_38 = tpu.sem_alloc : memref<!tpu.dma_semaphore, #tpu.memory_space<semaphore_mem>>
      %dma_start3A = arith.constant 0 : i32
      %dma_start3A_39 = arith.constant 0 : i32
      %dma_start3A_40 = tpu.memref_slice %arg3[%add3A, %run_scoped3A, %dma_start3A, %dma_start3A_39] : memref<32x2x48x128xi32, #tpu.memory_space<hbm>> -> memref<1x1x48x128xi32, #tpu.memory_space<hbm>>
      %dma_start3A_41 = tpu.memref_squeeze %dma_start3A_40 : memref<1x1x48x128xi32, #tpu.memory_space<hbm>> -> memref<48x128xi32, #tpu.memory_space<hbm>>
      %dma_start3A_42 = arith.constant 0 : i32
      %dma_start3A_43 = arith.constant 0 : i32
      %dma_start3A_44 = tpu.memref_slice %arg3[%add3A, %run_scoped3A, %dma_start3A_42, %dma_start3A_43] : memref<32x2x48x128xi32, #tpu.memory_space<hbm>> -> memref<1x1x48x128xi32, #tpu.memory_space<hbm>>
      %dma_start3A_45 = tpu.memref_squeeze %dma_start3A_44 : memref<1x1x48x128xi32, #tpu.memory_space<hbm>> -> memref<48x128xi32, #tpu.memory_space<hbm>>
      tpu.enqueue_dma source(%dma_start3A_45 : memref<48x128xi32, #tpu.memory_space<hbm>>) target(%arg6 : memref<48x128xi32, #tpu.memory_space<vmem>>) target_semaphore(%run_scoped3A_38 : memref<!tpu.dma_semaphore, #tpu.memory_space<semaphore_mem>>)
      %dma_wait3A = arith.constant 0 : i32
      %dma_wait3A_46 = arith.constant 0 : i32
      %dma_wait3A_47 = tpu.memref_slice %arg3[%add3A, %run_scoped3A, %dma_wait3A, %dma_wait3A_46] : memref<32x2x48x128xi32, #tpu.memory_space<hbm>> -> memref<1x1x48x128xi32, #tpu.memory_space<hbm>>
      %dma_wait3A_48 = tpu.memref_squeeze %dma_wait3A_47 : memref<1x1x48x128xi32, #tpu.memory_space<hbm>> -> memref<48x128xi32, #tpu.memory_space<hbm>>
      %dma_wait3A_49 = arith.constant 0 : i32
      %dma_wait3A_50 = arith.constant 0 : i32
      %dma_wait3A_51 = tpu.memref_slice %arg3[%add3A, %run_scoped3A, %dma_wait3A_49, %dma_wait3A_50] : memref<32x2x48x128xi32, #tpu.memory_space<hbm>> -> memref<1x1x48x128xi32, #tpu.memory_space<hbm>>
      %dma_wait3A_52 = tpu.memref_squeeze %dma_wait3A_51 : memref<1x1x48x128xi32, #tpu.memory_space<hbm>> -> memref<48x128xi32, #tpu.memory_space<hbm>>
      tpu.wait_dma2 semaphore(%run_scoped3A_38 : memref<!tpu.dma_semaphore, #tpu.memory_space<semaphore_mem>>) src(%dma_wait3A_52 : memref<48x128xi32, #tpu.memory_space<hbm>>) dst(%arg6 : memref<48x128xi32, #tpu.memory_space<vmem>>)
      tpu.yield
    }) : () -> ()
    %run_scoped3A_20 = arith.constant 0 : i32
    "tpu.region"() ({
      %run_scoped3A_38 = tpu.sem_alloc : memref<!tpu.dma_semaphore, #tpu.memory_space<semaphore_mem>>
      %dma_start3A = arith.constant 0 : i32
      %dma_start3A_39 = arith.constant 0 : i32
      %dma_start3A_40 = tpu.memref_slice %arg4[%add3A, %run_scoped3A_20, %dma_start3A, %dma_start3A_39] : memref<32x2x40x128xi32, #tpu.memory_space<hbm>> -> memref<1x1x40x128xi32, #tpu.memory_space<hbm>>
      %dma_start3A_41 = tpu.memref_squeeze %dma_start3A_40 : memref<1x1x40x128xi32, #tpu.memory_space<hbm>> -> memref<40x128xi32, #tpu.memory_space<hbm>>
      %dma_start3A_42 = arith.constant 0 : i32
      %dma_start3A_43 = arith.constant 0 : i32
      %dma_start3A_44 = tpu.memref_slice %arg4[%add3A, %run_scoped3A_20, %dma_start3A_42, %dma_start3A_43] : memref<32x2x40x128xi32, #tpu.memory_space<hbm>> -> memref<1x1x40x128xi32, #tpu.memory_space<hbm>>
      %dma_start3A_45 = tpu.memref_squeeze %dma_start3A_44 : memref<1x1x40x128xi32, #tpu.memory_space<hbm>> -> memref<40x128xi32, #tpu.memory_space<hbm>>
      tpu.enqueue_dma source(%dma_start3A_45 : memref<40x128xi32, #tpu.memory_space<hbm>>) target(%arg7 : memref<40x128xi32, #tpu.memory_space<vmem>>) target_semaphore(%run_scoped3A_38 : memref<!tpu.dma_semaphore, #tpu.memory_space<semaphore_mem>>)
      %dma_wait3A = arith.constant 0 : i32
      %dma_wait3A_46 = arith.constant 0 : i32
      %dma_wait3A_47 = tpu.memref_slice %arg4[%add3A, %run_scoped3A_20, %dma_wait3A, %dma_wait3A_46] : memref<32x2x40x128xi32, #tpu.memory_space<hbm>> -> memref<1x1x40x128xi32, #tpu.memory_space<hbm>>
      %dma_wait3A_48 = tpu.memref_squeeze %dma_wait3A_47 : memref<1x1x40x128xi32, #tpu.memory_space<hbm>> -> memref<40x128xi32, #tpu.memory_space<hbm>>
      %dma_wait3A_49 = arith.constant 0 : i32
      %dma_wait3A_50 = arith.constant 0 : i32
      %dma_wait3A_51 = tpu.memref_slice %arg4[%add3A, %run_scoped3A_20, %dma_wait3A_49, %dma_wait3A_50] : memref<32x2x40x128xi32, #tpu.memory_space<hbm>> -> memref<1x1x40x128xi32, #tpu.memory_space<hbm>>
      %dma_wait3A_52 = tpu.memref_squeeze %dma_wait3A_51 : memref<1x1x40x128xi32, #tpu.memory_space<hbm>> -> memref<40x128xi32, #tpu.memory_space<hbm>>
      tpu.wait_dma2 semaphore(%run_scoped3A_38 : memref<!tpu.dma_semaphore, #tpu.memory_space<semaphore_mem>>) src(%dma_wait3A_52 : memref<40x128xi32, #tpu.memory_space<hbm>>) dst(%arg7 : memref<40x128xi32, #tpu.memory_space<vmem>>)
      tpu.yield
    }) : () -> ()
    %scan3A_21 = arith.constant 0 : i32
    %scan3A_22 = arith.constant 0 : i32
    %scan3A_23 = arith.constant 20 : i32
    %scan3A_24 = arith.addi %scan3A_22, %scan3A_23 : i32
    %scan3A_25 = arith.constant 1 : i32
    %scan3A_26 = scf.for %scan3A_38 = %scan3A_22 to %scan3A_24 step %scan3A_25 iter_args(%scan3A_39 = %scan3A_21) -> (i32)  : i32 {
      %mul3A_40 = arith.constant 2 : i32
      %mul3A_41 = arith.muli %scan3A_38, %mul3A_40 : i32
      %add3A_42 = arith.constant 0 : i32
      %add3A_43 = arith.addi %mul3A_41, %add3A_42 : i32
      %dma_start3A = arith.constant 0 : i32
      %dma_start3A_44 = arith.constant 0 : i32
      %dma_start3A_45 = tpu.memref_slice %arg8[%dma_start3A, %dma_start3A_44] : memref<128x128xf32, #tpu.memory_space<vmem>> -> memref<64x128xf32, #tpu.memory_space<vmem>>
      %dma_start3A_46 = arith.constant 0 : i32
      %dma_start3A_47 = tpu.memref_slice %arg6[%add3A_43, %dma_start3A_46] : memref<48x128xi32, #tpu.memory_space<vmem>> -> memref<1x64xi32, #tpu.memory_space<vmem>>
      %dma_start3A_48 = tpu.memref_squeeze %dma_start3A_47 : memref<1x64xi32, #tpu.memory_space<vmem>> -> memref<64xi32, #tpu.memory_space<vmem>>
      %dma_start3A_49 = arith.constant 0 : i32
      %dma_start3A_50 = arith.constant 0 : i32
      %dma_start3A_51 = tpu.memref_slice %arg2[%dma_start3A_49, %dma_start3A_50] : memref<10240x128xf32, #tpu.memory_space<hbm>> -> memref<10240x128xf32, #tpu.memory_space<hbm>>
      tpu.enqueue_indirect_dma source(%dma_start3A_51 : memref<10240x128xf32, #tpu.memory_space<hbm>>) target(%dma_start3A_45 : memref<64x128xf32, #tpu.memory_space<vmem>>) offsets(%dma_start3A_48 : memref<64xi32, #tpu.memory_space<vmem>>) semaphore(%arg11 : memref<!tpu.dma_semaphore, #tpu.memory_space<semaphore_mem>>)
      %dma_start3A_52 = arith.constant 64 : i32
      %dma_start3A_53 = arith.constant 0 : i32
      %dma_start3A_54 = tpu.memref_slice %arg8[%dma_start3A_52, %dma_start3A_53] : memref<128x128xf32, #tpu.memory_space<vmem>> -> memref<64x128xf32, #tpu.memory_space<vmem>>
      %dma_start3A_55 = arith.constant 64 : i32
      %dma_start3A_56 = tpu.memref_slice %arg6[%add3A_43, %dma_start3A_55] : memref<48x128xi32, #tpu.memory_space<vmem>> -> memref<1x64xi32, #tpu.memory_space<vmem>>
      %dma_start3A_57 = tpu.memref_squeeze %dma_start3A_56 : memref<1x64xi32, #tpu.memory_space<vmem>> -> memref<64xi32, #tpu.memory_space<vmem>>
      %dma_start3A_58 = arith.constant 0 : i32
      %dma_start3A_59 = arith.constant 0 : i32
      %dma_start3A_60 = tpu.memref_slice %arg2[%dma_start3A_58, %dma_start3A_59] : memref<10240x128xf32, #tpu.memory_space<hbm>> -> memref<10240x128xf32, #tpu.memory_space<hbm>>
      tpu.enqueue_indirect_dma source(%dma_start3A_60 : memref<10240x128xf32, #tpu.memory_space<hbm>>) target(%dma_start3A_54 : memref<64x128xf32, #tpu.memory_space<vmem>>) offsets(%dma_start3A_57 : memref<64xi32, #tpu.memory_space<vmem>>) semaphore(%arg11 : memref<!tpu.dma_semaphore, #tpu.memory_space<semaphore_mem>>)
      %add3A_61 = arith.constant 1 : i32
      %add3A_62 = arith.addi %mul3A_41, %add3A_61 : i32
      %dma_start3A_63 = arith.constant 0 : i32
      %dma_start3A_64 = arith.constant 0 : i32
      %dma_start3A_65 = tpu.memref_slice %arg9[%dma_start3A_63, %dma_start3A_64] : memref<128x128xf32, #tpu.memory_space<vmem>> -> memref<64x128xf32, #tpu.memory_space<vmem>>
      %dma_start3A_66 = arith.constant 0 : i32
      %dma_start3A_67 = tpu.memref_slice %arg6[%add3A_62, %dma_start3A_66] : memref<48x128xi32, #tpu.memory_space<vmem>> -> memref<1x64xi32, #tpu.memory_space<vmem>>
      %dma_start3A_68 = tpu.memref_squeeze %dma_start3A_67 : memref<1x64xi32, #tpu.memory_space<vmem>> -> memref<64xi32, #tpu.memory_space<vmem>>
      %dma_start3A_69 = arith.constant 0 : i32
      %dma_start3A_70 = arith.constant 0 : i32
      %dma_start3A_71 = tpu.memref_slice %arg2[%dma_start3A_69, %dma_start3A_70] : memref<10240x128xf32, #tpu.memory_space<hbm>> -> memref<10240x128xf32, #tpu.memory_space<hbm>>
      tpu.enqueue_indirect_dma source(%dma_start3A_71 : memref<10240x128xf32, #tpu.memory_space<hbm>>) target(%dma_start3A_65 : memref<64x128xf32, #tpu.memory_space<vmem>>) offsets(%dma_start3A_68 : memref<64xi32, #tpu.memory_space<vmem>>) semaphore(%arg12 : memref<!tpu.dma_semaphore, #tpu.memory_space<semaphore_mem>>)
      %dma_start3A_72 = arith.constant 64 : i32
      %dma_start3A_73 = arith.constant 0 : i32
      %dma_start3A_74 = tpu.memref_slice %arg9[%dma_start3A_72, %dma_start3A_73] : memref<128x128xf32, #tpu.memory_space<vmem>> -> memref<64x128xf32, #tpu.memory_space<vmem>>
      %dma_start3A_75 = arith.constant 64 : i32
      %dma_start3A_76 = tpu.memref_slice %arg6[%add3A_62, %dma_start3A_75] : memref<48x128xi32, #tpu.memory_space<vmem>> -> memref<1x64xi32, #tpu.memory_space<vmem>>
      %dma_start3A_77 = tpu.memref_squeeze %dma_start3A_76 : memref<1x64xi32, #tpu.memory_space<vmem>> -> memref<64xi32, #tpu.memory_space<vmem>>
      %dma_start3A_78 = arith.constant 0 : i32
      %dma_start3A_79 = arith.constant 0 : i32
      %dma_start3A_80 = tpu.memref_slice %arg2[%dma_start3A_78, %dma_start3A_79] : memref<10240x128xf32, #tpu.memory_space<hbm>> -> memref<10240x128xf32, #tpu.memory_space<hbm>>
      tpu.enqueue_indirect_dma source(%dma_start3A_80 : memref<10240x128xf32, #tpu.memory_space<hbm>>) target(%dma_start3A_74 : memref<64x128xf32, #tpu.memory_space<vmem>>) offsets(%dma_start3A_77 : memref<64xi32, #tpu.memory_space<vmem>>) semaphore(%arg12 : memref<!tpu.dma_semaphore, #tpu.memory_space<semaphore_mem>>)
      %dma_wait3A = arith.constant 0 : i32
      %dma_wait3A_81 = arith.constant 0 : i32
      %dma_wait3A_82 = tpu.memref_slice %arg8[%dma_wait3A, %dma_wait3A_81] : memref<128x128xf32, #tpu.memory_space<vmem>> -> memref<64x128xf32, #tpu.memory_space<vmem>>
      %dma_wait3A_83 = arith.constant 0 : i32
      %dma_wait3A_84 = tpu.memref_slice %arg6[%add3A_43, %dma_wait3A_83] : memref<48x128xi32, #tpu.memory_space<vmem>> -> memref<1x64xi32, #tpu.memory_space<vmem>>
      %dma_wait3A_85 = tpu.memref_squeeze %dma_wait3A_84 : memref<1x64xi32, #tpu.memory_space<vmem>> -> memref<64xi32, #tpu.memory_space<vmem>>
      %dma_wait3A_86 = arith.constant 0 : i32
      %dma_wait3A_87 = arith.constant 0 : i32
      %dma_wait3A_88 = tpu.memref_slice %arg2[%dma_wait3A_86, %dma_wait3A_87] : memref<10240x128xf32, #tpu.memory_space<hbm>> -> memref<10240x128xf32, #tpu.memory_space<hbm>>
      tpu.wait_indirect_dma semaphore(%arg11 : memref<!tpu.dma_semaphore, #tpu.memory_space<semaphore_mem>>) src(%dma_wait3A_88 : memref<10240x128xf32, #tpu.memory_space<hbm>>) dst(%dma_wait3A_82 : memref<64x128xf32, #tpu.memory_space<vmem>>)
      %dma_wait3A_89 = arith.constant 64 : i32
      %dma_wait3A_90 = arith.constant 0 : i32
      %dma_wait3A_91 = tpu.memref_slice %arg8[%dma_wait3A_89, %dma_wait3A_90] : memref<128x128xf32, #tpu.memory_space<vmem>> -> memref<64x128xf32, #tpu.memory_space<vmem>>
      %dma_wait3A_92 = arith.constant 64 : i32
      %dma_wait3A_93 = tpu.memref_slice %arg6[%add3A_43, %dma_wait3A_92] : memref<48x128xi32, #tpu.memory_space<vmem>> -> memref<1x64xi32, #tpu.memory_space<vmem>>
      %dma_wait3A_94 = tpu.memref_squeeze %dma_wait3A_93 : memref<1x64xi32, #tpu.memory_space<vmem>> -> memref<64xi32, #tpu.memory_space<vmem>>
      %dma_wait3A_95 = arith.constant 0 : i32
      %dma_wait3A_96 = arith.constant 0 : i32
      %dma_wait3A_97 = tpu.memref_slice %arg2[%dma_wait3A_95, %dma_wait3A_96] : memref<10240x128xf32, #tpu.memory_space<hbm>> -> memref<10240x128xf32, #tpu.memory_space<hbm>>
      tpu.wait_indirect_dma semaphore(%arg11 : memref<!tpu.dma_semaphore, #tpu.memory_space<semaphore_mem>>) src(%dma_wait3A_97 : memref<10240x128xf32, #tpu.memory_space<hbm>>) dst(%dma_wait3A_91 : memref<64x128xf32, #tpu.memory_space<vmem>>)
      %add3A_98 = arith.constant 0 : i32
      %add3A_99 = arith.addi %mul3A_41, %add3A_98 : i32
      "tpu.region"() ({
        %run_scoped3A_121 = tpu.sem_alloc : memref<!tpu.dma_semaphore, #tpu.memory_space<semaphore_mem>>
        %dma_start3A_122 = arith.constant 0 : i32
        %dma_start3A_123 = tpu.memref_slice %arg7[%add3A_99, %dma_start3A_122] : memref<40x128xi32, #tpu.memory_space<vmem>> -> memref<1x128xi32, #tpu.memory_space<vmem>>
        %dma_start3A_124 = tpu.memref_squeeze %dma_start3A_123 : memref<1x128xi32, #tpu.memory_space<vmem>> -> memref<128xi32, #tpu.memory_space<vmem>>
        %dma_start3A_125 = arith.constant 0 : i32
        %dma_start3A_126 = arith.constant 0 : i32
        %dma_start3A_127 = tpu.memref_slice %arg10[%dma_start3A_125, %dma_start3A_126] : memref<10240x128xf32, #tpu.memory_space<vmem_shared>> -> memref<10240x128xf32, #tpu.memory_space<vmem_shared>>
        tpu.enqueue_indirect_dma source(%arg8 : memref<128x128xf32, #tpu.memory_space<vmem>>) target(%dma_start3A_127 : memref<10240x128xf32, #tpu.memory_space<vmem_shared>>) offsets(%dma_start3A_124 : memref<128xi32, #tpu.memory_space<vmem>>) semaphore(%run_scoped3A_121 : memref<!tpu.dma_semaphore, #tpu.memory_space<semaphore_mem>>) {add = true}
        %dma_wait3A_128 = arith.constant 0 : i32
        %dma_wait3A_129 = tpu.memref_slice %arg7[%add3A_99, %dma_wait3A_128] : memref<40x128xi32, #tpu.memory_space<vmem>> -> memref<1x128xi32, #tpu.memory_space<vmem>>
        %dma_wait3A_130 = tpu.memref_squeeze %dma_wait3A_129 : memref<1x128xi32, #tpu.memory_space<vmem>> -> memref<128xi32, #tpu.memory_space<vmem>>
        %dma_wait3A_131 = arith.constant 0 : i32
        %dma_wait3A_132 = arith.constant 0 : i32
        %dma_wait3A_133 = tpu.memref_slice %arg10[%dma_wait3A_131, %dma_wait3A_132] : memref<10240x128xf32, #tpu.memory_space<vmem_shared>> -> memref<10240x128xf32, #tpu.memory_space<vmem_shared>>
        tpu.wait_indirect_dma semaphore(%run_scoped3A_121 : memref<!tpu.dma_semaphore, #tpu.memory_space<semaphore_mem>>) src(%arg8 : memref<128x128xf32, #tpu.memory_space<vmem>>) dst(%dma_wait3A_133 : memref<10240x128xf32, #tpu.memory_space<vmem_shared>>)
        tpu.yield
      }) : () -> ()
      %dma_wait3A_100 = arith.constant 0 : i32
      %dma_wait3A_101 = arith.constant 0 : i32
      %dma_wait3A_102 = tpu.memref_slice %arg9[%dma_wait3A_100, %dma_wait3A_101] : memref<128x128xf32, #tpu.memory_space<vmem>> -> memref<64x128xf32, #tpu.memory_space<vmem>>
      %dma_wait3A_103 = arith.constant 0 : i32
      %dma_wait3A_104 = tpu.memref_slice %arg6[%add3A_62, %dma_wait3A_103] : memref<48x128xi32, #tpu.memory_space<vmem>> -> memref<1x64xi32, #tpu.memory_space<vmem>>
      %dma_wait3A_105 = tpu.memref_squeeze %dma_wait3A_104 : memref<1x64xi32, #tpu.memory_space<vmem>> -> memref<64xi32, #tpu.memory_space<vmem>>
      %dma_wait3A_106 = arith.constant 0 : i32
      %dma_wait3A_107 = arith.constant 0 : i32
      %dma_wait3A_108 = tpu.memref_slice %arg2[%dma_wait3A_106, %dma_wait3A_107] : memref<10240x128xf32, #tpu.memory_space<hbm>> -> memref<10240x128xf32, #tpu.memory_space<hbm>>
      tpu.wait_indirect_dma semaphore(%arg12 : memref<!tpu.dma_semaphore, #tpu.memory_space<semaphore_mem>>) src(%dma_wait3A_108 : memref<10240x128xf32, #tpu.memory_space<hbm>>) dst(%dma_wait3A_102 : memref<64x128xf32, #tpu.memory_space<vmem>>)
      %dma_wait3A_109 = arith.constant 64 : i32
      %dma_wait3A_110 = arith.constant 0 : i32
      %dma_wait3A_111 = tpu.memref_slice %arg9[%dma_wait3A_109, %dma_wait3A_110] : memref<128x128xf32, #tpu.memory_space<vmem>> -> memref<64x128xf32, #tpu.memory_space<vmem>>
      %dma_wait3A_112 = arith.constant 64 : i32
      %dma_wait3A_113 = tpu.memref_slice %arg6[%add3A_62, %dma_wait3A_112] : memref<48x128xi32, #tpu.memory_space<vmem>> -> memref<1x64xi32, #tpu.memory_space<vmem>>
      %dma_wait3A_114 = tpu.memref_squeeze %dma_wait3A_113 : memref<1x64xi32, #tpu.memory_space<vmem>> -> memref<64xi32, #tpu.memory_space<vmem>>
      %dma_wait3A_115 = arith.constant 0 : i32
      %dma_wait3A_116 = arith.constant 0 : i32
      %dma_wait3A_117 = tpu.memref_slice %arg2[%dma_wait3A_115, %dma_wait3A_116] : memref<10240x128xf32, #tpu.memory_space<hbm>> -> memref<10240x128xf32, #tpu.memory_space<hbm>>
      tpu.wait_indirect_dma semaphore(%arg12 : memref<!tpu.dma_semaphore, #tpu.memory_space<semaphore_mem>>) src(%dma_wait3A_117 : memref<10240x128xf32, #tpu.memory_space<hbm>>) dst(%dma_wait3A_111 : memref<64x128xf32, #tpu.memory_space<vmem>>)
      %add3A_118 = arith.constant 1 : i32
      %add3A_119 = arith.addi %mul3A_41, %add3A_118 : i32
      "tpu.region"() ({
        %run_scoped3A_121 = tpu.sem_alloc : memref<!tpu.dma_semaphore, #tpu.memory_space<semaphore_mem>>
        %dma_start3A_122 = arith.constant 0 : i32
        %dma_start3A_123 = tpu.memref_slice %arg7[%add3A_119, %dma_start3A_122] : memref<40x128xi32, #tpu.memory_space<vmem>> -> memref<1x128xi32, #tpu.memory_space<vmem>>
        %dma_start3A_124 = tpu.memref_squeeze %dma_start3A_123 : memref<1x128xi32, #tpu.memory_space<vmem>> -> memref<128xi32, #tpu.memory_space<vmem>>
        %dma_start3A_125 = arith.constant 0 : i32
        %dma_start3A_126 = arith.constant 0 : i32
        %dma_start3A_127 = tpu.memref_slice %arg10[%dma_start3A_125, %dma_start3A_126] : memref<10240x128xf32, #tpu.memory_space<vmem_shared>> -> memref<10240x128xf32, #tpu.memory_space<vmem_shared>>
        tpu.enqueue_indirect_dma source(%arg9 : memref<128x128xf32, #tpu.memory_space<vmem>>) target(%dma_start3A_127 : memref<10240x128xf32, #tpu.memory_space<vmem_shared>>) offsets(%dma_start3A_124 : memref<128xi32, #tpu.memory_space<vmem>>) semaphore(%run_scoped3A_121 : memref<!tpu.dma_semaphore, #tpu.memory_space<semaphore_mem>>) {add = true}
        %dma_wait3A_128 = arith.constant 0 : i32
        %dma_wait3A_129 = tpu.memref_slice %arg7[%add3A_119, %dma_wait3A_128] : memref<40x128xi32, #tpu.memory_space<vmem>> -> memref<1x128xi32, #tpu.memory_space<vmem>>
        %dma_wait3A_130 = tpu.memref_squeeze %dma_wait3A_129 : memref<1x128xi32, #tpu.memory_space<vmem>> -> memref<128xi32, #tpu.memory_space<vmem>>
        %dma_wait3A_131 = arith.constant 0 : i32
        %dma_wait3A_132 = arith.constant 0 : i32
        %dma_wait3A_133 = tpu.memref_slice %arg10[%dma_wait3A_131, %dma_wait3A_132] : memref<10240x128xf32, #tpu.memory_space<vmem_shared>> -> memref<10240x128xf32, #tpu.memory_space<vmem_shared>>
        tpu.wait_indirect_dma semaphore(%run_scoped3A_121 : memref<!tpu.dma_semaphore, #tpu.memory_space<semaphore_mem>>) src(%arg9 : memref<128x128xf32, #tpu.memory_space<vmem>>) dst(%dma_wait3A_133 : memref<10240x128xf32, #tpu.memory_space<vmem_shared>>)
        tpu.yield
      }) : () -> ()
      %scan3A_120 = arith.constant 0 : i32
      scf.yield %scan3A_120 : i32
    }
    %scan3A_27 = arith.constant 20 : i32
    %run_scoped3A_28 = arith.constant 1 : i32
    "tpu.region"() ({
      %run_scoped3A_38 = tpu.sem_alloc : memref<!tpu.dma_semaphore, #tpu.memory_space<semaphore_mem>>
      %dma_start3A = arith.constant 0 : i32
      %dma_start3A_39 = arith.constant 0 : i32
      %dma_start3A_40 = tpu.memref_slice %arg3[%add3A, %run_scoped3A_28, %dma_start3A, %dma_start3A_39] : memref<32x2x48x128xi32, #tpu.memory_space<hbm>> -> memref<1x1x48x128xi32, #tpu.memory_space<hbm>>
      %dma_start3A_41 = tpu.memref_squeeze %dma_start3A_40 : memref<1x1x48x128xi32, #tpu.memory_space<hbm>> -> memref<48x128xi32, #tpu.memory_space<hbm>>
      %dma_start3A_42 = arith.constant 0 : i32
      %dma_start3A_43 = arith.constant 0 : i32
      %dma_start3A_44 = tpu.memref_slice %arg3[%add3A, %run_scoped3A_28, %dma_start3A_42, %dma_start3A_43] : memref<32x2x48x128xi32, #tpu.memory_space<hbm>> -> memref<1x1x48x128xi32, #tpu.memory_space<hbm>>
      %dma_start3A_45 = tpu.memref_squeeze %dma_start3A_44 : memref<1x1x48x128xi32, #tpu.memory_space<hbm>> -> memref<48x128xi32, #tpu.memory_space<hbm>>
      tpu.enqueue_dma source(%dma_start3A_45 : memref<48x128xi32, #tpu.memory_space<hbm>>) target(%arg6 : memref<48x128xi32, #tpu.memory_space<vmem>>) target_semaphore(%run_scoped3A_38 : memref<!tpu.dma_semaphore, #tpu.memory_space<semaphore_mem>>)
      %dma_wait3A = arith.constant 0 : i32
      %dma_wait3A_46 = arith.constant 0 : i32
      %dma_wait3A_47 = tpu.memref_slice %arg3[%add3A, %run_scoped3A_28, %dma_wait3A, %dma_wait3A_46] : memref<32x2x48x128xi32, #tpu.memory_space<hbm>> -> memref<1x1x48x128xi32, #tpu.memory_space<hbm>>
      %dma_wait3A_48 = tpu.memref_squeeze %dma_wait3A_47 : memref<1x1x48x128xi32, #tpu.memory_space<hbm>> -> memref<48x128xi32, #tpu.memory_space<hbm>>
      %dma_wait3A_49 = arith.constant 0 : i32
      %dma_wait3A_50 = arith.constant 0 : i32
      %dma_wait3A_51 = tpu.memref_slice %arg3[%add3A, %run_scoped3A_28, %dma_wait3A_49, %dma_wait3A_50] : memref<32x2x48x128xi32, #tpu.memory_space<hbm>> -> memref<1x1x48x128xi32, #tpu.memory_space<hbm>>
      %dma_wait3A_52 = tpu.memref_squeeze %dma_wait3A_51 : memref<1x1x48x128xi32, #tpu.memory_space<hbm>> -> memref<48x128xi32, #tpu.memory_space<hbm>>
      tpu.wait_dma2 semaphore(%run_scoped3A_38 : memref<!tpu.dma_semaphore, #tpu.memory_space<semaphore_mem>>) src(%dma_wait3A_52 : memref<48x128xi32, #tpu.memory_space<hbm>>) dst(%arg6 : memref<48x128xi32, #tpu.memory_space<vmem>>)
      tpu.yield
    }) : () -> ()
    %run_scoped3A_29 = arith.constant 1 : i32
    "tpu.region"() ({
      %run_scoped3A_38 = tpu.sem_alloc : memref<!tpu.dma_semaphore, #tpu.memory_space<semaphore_mem>>
      %dma_start3A = arith.constant 0 : i32
      %dma_start3A_39 = arith.constant 0 : i32
      %dma_start3A_40 = tpu.memref_slice %arg4[%add3A, %run_scoped3A_29, %dma_start3A, %dma_start3A_39] : memref<32x2x40x128xi32, #tpu.memory_space<hbm>> -> memref<1x1x40x128xi32, #tpu.memory_space<hbm>>
      %dma_start3A_41 = tpu.memref_squeeze %dma_start3A_40 : memref<1x1x40x128xi32, #tpu.memory_space<hbm>> -> memref<40x128xi32, #tpu.memory_space<hbm>>
      %dma_start3A_42 = arith.constant 0 : i32
      %dma_start3A_43 = arith.constant 0 : i32
      %dma_start3A_44 = tpu.memref_slice %arg4[%add3A, %run_scoped3A_29, %dma_start3A_42, %dma_start3A_43] : memref<32x2x40x128xi32, #tpu.memory_space<hbm>> -> memref<1x1x40x128xi32, #tpu.memory_space<hbm>>
      %dma_start3A_45 = tpu.memref_squeeze %dma_start3A_44 : memref<1x1x40x128xi32, #tpu.memory_space<hbm>> -> memref<40x128xi32, #tpu.memory_space<hbm>>
      tpu.enqueue_dma source(%dma_start3A_45 : memref<40x128xi32, #tpu.memory_space<hbm>>) target(%arg7 : memref<40x128xi32, #tpu.memory_space<vmem>>) target_semaphore(%run_scoped3A_38 : memref<!tpu.dma_semaphore, #tpu.memory_space<semaphore_mem>>)
      %dma_wait3A = arith.constant 0 : i32
      %dma_wait3A_46 = arith.constant 0 : i32
      %dma_wait3A_47 = tpu.memref_slice %arg4[%add3A, %run_scoped3A_29, %dma_wait3A, %dma_wait3A_46] : memref<32x2x40x128xi32, #tpu.memory_space<hbm>> -> memref<1x1x40x128xi32, #tpu.memory_space<hbm>>
      %dma_wait3A_48 = tpu.memref_squeeze %dma_wait3A_47 : memref<1x1x40x128xi32, #tpu.memory_space<hbm>> -> memref<40x128xi32, #tpu.memory_space<hbm>>
      %dma_wait3A_49 = arith.constant 0 : i32
      %dma_wait3A_50 = arith.constant 0 : i32
      %dma_wait3A_51 = tpu.memref_slice %arg4[%add3A, %run_scoped3A_29, %dma_wait3A_49, %dma_wait3A_50] : memref<32x2x40x128xi32, #tpu.memory_space<hbm>> -> memref<1x1x40x128xi32, #tpu.memory_space<hbm>>
      %dma_wait3A_52 = tpu.memref_squeeze %dma_wait3A_51 : memref<1x1x40x128xi32, #tpu.memory_space<hbm>> -> memref<40x128xi32, #tpu.memory_space<hbm>>
      tpu.wait_dma2 semaphore(%run_scoped3A_38 : memref<!tpu.dma_semaphore, #tpu.memory_space<semaphore_mem>>) src(%dma_wait3A_52 : memref<40x128xi32, #tpu.memory_space<hbm>>) dst(%arg7 : memref<40x128xi32, #tpu.memory_space<vmem>>)
      tpu.yield
    }) : () -> ()
    %scan3A_30 = arith.constant 0 : i32
    %scan3A_31 = arith.constant 0 : i32
    %scan3A_32 = arith.constant 20 : i32
    %scan3A_33 = arith.addi %scan3A_31, %scan3A_32 : i32
    %scan3A_34 = arith.constant 1 : i32
    %scan3A_35 = scf.for %scan3A_38 = %scan3A_31 to %scan3A_33 step %scan3A_34 iter_args(%scan3A_39 = %scan3A_30) -> (i32)  : i32 {
      %mul3A_40 = arith.constant 2 : i32
      %mul3A_41 = arith.muli %scan3A_38, %mul3A_40 : i32
      %add3A_42 = arith.constant 0 : i32
      %add3A_43 = arith.addi %mul3A_41, %add3A_42 : i32
      %dma_start3A = arith.constant 0 : i32
      %dma_start3A_44 = arith.constant 0 : i32
      %dma_start3A_45 = tpu.memref_slice %arg8[%dma_start3A, %dma_start3A_44] : memref<128x128xf32, #tpu.memory_space<vmem>> -> memref<64x128xf32, #tpu.memory_space<vmem>>
      %dma_start3A_46 = arith.constant 0 : i32
      %dma_start3A_47 = tpu.memref_slice %arg6[%add3A_43, %dma_start3A_46] : memref<48x128xi32, #tpu.memory_space<vmem>> -> memref<1x64xi32, #tpu.memory_space<vmem>>
      %dma_start3A_48 = tpu.memref_squeeze %dma_start3A_47 : memref<1x64xi32, #tpu.memory_space<vmem>> -> memref<64xi32, #tpu.memory_space<vmem>>
      %dma_start3A_49 = arith.constant 0 : i32
      %dma_start3A_50 = arith.constant 0 : i32
      %dma_start3A_51 = tpu.memref_slice %arg2[%dma_start3A_49, %dma_start3A_50] : memref<10240x128xf32, #tpu.memory_space<hbm>> -> memref<10240x128xf32, #tpu.memory_space<hbm>>
      tpu.enqueue_indirect_dma source(%dma_start3A_51 : memref<10240x128xf32, #tpu.memory_space<hbm>>) target(%dma_start3A_45 : memref<64x128xf32, #tpu.memory_space<vmem>>) offsets(%dma_start3A_48 : memref<64xi32, #tpu.memory_space<vmem>>) semaphore(%arg11 : memref<!tpu.dma_semaphore, #tpu.memory_space<semaphore_mem>>)
      %dma_start3A_52 = arith.constant 64 : i32
      %dma_start3A_53 = arith.constant 0 : i32
      %dma_start3A_54 = tpu.memref_slice %arg8[%dma_start3A_52, %dma_start3A_53] : memref<128x128xf32, #tpu.memory_space<vmem>> -> memref<64x128xf32, #tpu.memory_space<vmem>>
      %dma_start3A_55 = arith.constant 64 : i32
      %dma_start3A_56 = tpu.memref_slice %arg6[%add3A_43, %dma_start3A_55] : memref<48x128xi32, #tpu.memory_space<vmem>> -> memref<1x64xi32, #tpu.memory_space<vmem>>
      %dma_start3A_57 = tpu.memref_squeeze %dma_start3A_56 : memref<1x64xi32, #tpu.memory_space<vmem>> -> memref<64xi32, #tpu.memory_space<vmem>>
      %dma_start3A_58 = arith.constant 0 : i32
      %dma_start3A_59 = arith.constant 0 : i32
      %dma_start3A_60 = tpu.memref_slice %arg2[%dma_start3A_58, %dma_start3A_59] : memref<10240x128xf32, #tpu.memory_space<hbm>> -> memref<10240x128xf32, #tpu.memory_space<hbm>>
      tpu.enqueue_indirect_dma source(%dma_start3A_60 : memref<10240x128xf32, #tpu.memory_space<hbm>>) target(%dma_start3A_54 : memref<64x128xf32, #tpu.memory_space<vmem>>) offsets(%dma_start3A_57 : memref<64xi32, #tpu.memory_space<vmem>>) semaphore(%arg11 : memref<!tpu.dma_semaphore, #tpu.memory_space<semaphore_mem>>)
      %add3A_61 = arith.constant 1 : i32
      %add3A_62 = arith.addi %mul3A_41, %add3A_61 : i32
      %dma_start3A_63 = arith.constant 0 : i32
      %dma_start3A_64 = arith.constant 0 : i32
      %dma_start3A_65 = tpu.memref_slice %arg9[%dma_start3A_63, %dma_start3A_64] : memref<128x128xf32, #tpu.memory_space<vmem>> -> memref<64x128xf32, #tpu.memory_space<vmem>>
      %dma_start3A_66 = arith.constant 0 : i32
      %dma_start3A_67 = tpu.memref_slice %arg6[%add3A_62, %dma_start3A_66] : memref<48x128xi32, #tpu.memory_space<vmem>> -> memref<1x64xi32, #tpu.memory_space<vmem>>
      %dma_start3A_68 = tpu.memref_squeeze %dma_start3A_67 : memref<1x64xi32, #tpu.memory_space<vmem>> -> memref<64xi32, #tpu.memory_space<vmem>>
      %dma_start3A_69 = arith.constant 0 : i32
      %dma_start3A_70 = arith.constant 0 : i32
      %dma_start3A_71 = tpu.memref_slice %arg2[%dma_start3A_69, %dma_start3A_70] : memref<10240x128xf32, #tpu.memory_space<hbm>> -> memref<10240x128xf32, #tpu.memory_space<hbm>>
      tpu.enqueue_indirect_dma source(%dma_start3A_71 : memref<10240x128xf32, #tpu.memory_space<hbm>>) target(%dma_start3A_65 : memref<64x128xf32, #tpu.memory_space<vmem>>) offsets(%dma_start3A_68 : memref<64xi32, #tpu.memory_space<vmem>>) semaphore(%arg12 : memref<!tpu.dma_semaphore, #tpu.memory_space<semaphore_mem>>)
      %dma_start3A_72 = arith.constant 64 : i32
      %dma_start3A_73 = arith.constant 0 : i32
      %dma_start3A_74 = tpu.memref_slice %arg9[%dma_start3A_72, %dma_start3A_73] : memref<128x128xf32, #tpu.memory_space<vmem>> -> memref<64x128xf32, #tpu.memory_space<vmem>>
      %dma_start3A_75 = arith.constant 64 : i32
      %dma_start3A_76 = tpu.memref_slice %arg6[%add3A_62, %dma_start3A_75] : memref<48x128xi32, #tpu.memory_space<vmem>> -> memref<1x64xi32, #tpu.memory_space<vmem>>
      %dma_start3A_77 = tpu.memref_squeeze %dma_start3A_76 : memref<1x64xi32, #tpu.memory_space<vmem>> -> memref<64xi32, #tpu.memory_space<vmem>>
      %dma_start3A_78 = arith.constant 0 : i32
      %dma_start3A_79 = arith.constant 0 : i32
      %dma_start3A_80 = tpu.memref_slice %arg2[%dma_start3A_78, %dma_start3A_79] : memref<10240x128xf32, #tpu.memory_space<hbm>> -> memref<10240x128xf32, #tpu.memory_space<hbm>>
      tpu.enqueue_indirect_dma source(%dma_start3A_80 : memref<10240x128xf32, #tpu.memory_space<hbm>>) target(%dma_start3A_74 : memref<64x128xf32, #tpu.memory_space<vmem>>) offsets(%dma_start3A_77 : memref<64xi32, #tpu.memory_space<vmem>>) semaphore(%arg12 : memref<!tpu.dma_semaphore, #tpu.memory_space<semaphore_mem>>)
      %dma_wait3A = arith.constant 0 : i32
      %dma_wait3A_81 = arith.constant 0 : i32
      %dma_wait3A_82 = tpu.memref_slice %arg8[%dma_wait3A, %dma_wait3A_81] : memref<128x128xf32, #tpu.memory_space<vmem>> -> memref<64x128xf32, #tpu.memory_space<vmem>>
      %dma_wait3A_83 = arith.constant 0 : i32
      %dma_wait3A_84 = tpu.memref_slice %arg6[%add3A_43, %dma_wait3A_83] : memref<48x128xi32, #tpu.memory_space<vmem>> -> memref<1x64xi32, #tpu.memory_space<vmem>>
      %dma_wait3A_85 = tpu.memref_squeeze %dma_wait3A_84 : memref<1x64xi32, #tpu.memory_space<vmem>> -> memref<64xi32, #tpu.memory_space<vmem>>
      %dma_wait3A_86 = arith.constant 0 : i32
      %dma_wait3A_87 = arith.constant 0 : i32
      %dma_wait3A_88 = tpu.memref_slice %arg2[%dma_wait3A_86, %dma_wait3A_87] : memref<10240x128xf32, #tpu.memory_space<hbm>> -> memref<10240x128xf32, #tpu.memory_space<hbm>>
      tpu.wait_indirect_dma semaphore(%arg11 : memref<!tpu.dma_semaphore, #tpu.memory_space<semaphore_mem>>) src(%dma_wait3A_88 : memref<10240x128xf32, #tpu.memory_space<hbm>>) dst(%dma_wait3A_82 : memref<64x128xf32, #tpu.memory_space<vmem>>)
      %dma_wait3A_89 = arith.constant 64 : i32
      %dma_wait3A_90 = arith.constant 0 : i32
      %dma_wait3A_91 = tpu.memref_slice %arg8[%dma_wait3A_89, %dma_wait3A_90] : memref<128x128xf32, #tpu.memory_space<vmem>> -> memref<64x128xf32, #tpu.memory_space<vmem>>
      %dma_wait3A_92 = arith.constant 64 : i32
      %dma_wait3A_93 = tpu.memref_slice %arg6[%add3A_43, %dma_wait3A_92] : memref<48x128xi32, #tpu.memory_space<vmem>> -> memref<1x64xi32, #tpu.memory_space<vmem>>
      %dma_wait3A_94 = tpu.memref_squeeze %dma_wait3A_93 : memref<1x64xi32, #tpu.memory_space<vmem>> -> memref<64xi32, #tpu.memory_space<vmem>>
      %dma_wait3A_95 = arith.constant 0 : i32
      %dma_wait3A_96 = arith.constant 0 : i32
      %dma_wait3A_97 = tpu.memref_slice %arg2[%dma_wait3A_95, %dma_wait3A_96] : memref<10240x128xf32, #tpu.memory_space<hbm>> -> memref<10240x128xf32, #tpu.memory_space<hbm>>
      tpu.wait_indirect_dma semaphore(%arg11 : memref<!tpu.dma_semaphore, #tpu.memory_space<semaphore_mem>>) src(%dma_wait3A_97 : memref<10240x128xf32, #tpu.memory_space<hbm>>) dst(%dma_wait3A_91 : memref<64x128xf32, #tpu.memory_space<vmem>>)
      %add3A_98 = arith.constant 0 : i32
      %add3A_99 = arith.addi %mul3A_41, %add3A_98 : i32
      "tpu.region"() ({
        %run_scoped3A_121 = tpu.sem_alloc : memref<!tpu.dma_semaphore, #tpu.memory_space<semaphore_mem>>
        %dma_start3A_122 = arith.constant 0 : i32
        %dma_start3A_123 = tpu.memref_slice %arg7[%add3A_99, %dma_start3A_122] : memref<40x128xi32, #tpu.memory_space<vmem>> -> memref<1x128xi32, #tpu.memory_space<vmem>>
        %dma_start3A_124 = tpu.memref_squeeze %dma_start3A_123 : memref<1x128xi32, #tpu.memory_space<vmem>> -> memref<128xi32, #tpu.memory_space<vmem>>
        %dma_start3A_125 = arith.constant 0 : i32
        %dma_start3A_126 = arith.constant 0 : i32
        %dma_start3A_127 = tpu.memref_slice %arg10[%dma_start3A_125, %dma_start3A_126] : memref<10240x128xf32, #tpu.memory_space<vmem_shared>> -> memref<10240x128xf32, #tpu.memory_space<vmem_shared>>
        tpu.enqueue_indirect_dma source(%arg8 : memref<128x128xf32, #tpu.memory_space<vmem>>) target(%dma_start3A_127 : memref<10240x128xf32, #tpu.memory_space<vmem_shared>>) offsets(%dma_start3A_124 : memref<128xi32, #tpu.memory_space<vmem>>) semaphore(%run_scoped3A_121 : memref<!tpu.dma_semaphore, #tpu.memory_space<semaphore_mem>>) {add = true}
        %dma_wait3A_128 = arith.constant 0 : i32
        %dma_wait3A_129 = tpu.memref_slice %arg7[%add3A_99, %dma_wait3A_128] : memref<40x128xi32, #tpu.memory_space<vmem>> -> memref<1x128xi32, #tpu.memory_space<vmem>>
        %dma_wait3A_130 = tpu.memref_squeeze %dma_wait3A_129 : memref<1x128xi32, #tpu.memory_space<vmem>> -> memref<128xi32, #tpu.memory_space<vmem>>
        %dma_wait3A_131 = arith.constant 0 : i32
        %dma_wait3A_132 = arith.constant 0 : i32
        %dma_wait3A_133 = tpu.memref_slice %arg10[%dma_wait3A_131, %dma_wait3A_132] : memref<10240x128xf32, #tpu.memory_space<vmem_shared>> -> memref<10240x128xf32, #tpu.memory_space<vmem_shared>>
        tpu.wait_indirect_dma semaphore(%run_scoped3A_121 : memref<!tpu.dma_semaphore, #tpu.memory_space<semaphore_mem>>) src(%arg8 : memref<128x128xf32, #tpu.memory_space<vmem>>) dst(%dma_wait3A_133 : memref<10240x128xf32, #tpu.memory_space<vmem_shared>>)
        tpu.yield
      }) : () -> ()
      %dma_wait3A_100 = arith.constant 0 : i32
      %dma_wait3A_101 = arith.constant 0 : i32
      %dma_wait3A_102 = tpu.memref_slice %arg9[%dma_wait3A_100, %dma_wait3A_101] : memref<128x128xf32, #tpu.memory_space<vmem>> -> memref<64x128xf32, #tpu.memory_space<vmem>>
      %dma_wait3A_103 = arith.constant 0 : i32
      %dma_wait3A_104 = tpu.memref_slice %arg6[%add3A_62, %dma_wait3A_103] : memref<48x128xi32, #tpu.memory_space<vmem>> -> memref<1x64xi32, #tpu.memory_space<vmem>>
      %dma_wait3A_105 = tpu.memref_squeeze %dma_wait3A_104 : memref<1x64xi32, #tpu.memory_space<vmem>> -> memref<64xi32, #tpu.memory_space<vmem>>
      %dma_wait3A_106 = arith.constant 0 : i32
      %dma_wait3A_107 = arith.constant 0 : i32
      %dma_wait3A_108 = tpu.memref_slice %arg2[%dma_wait3A_106, %dma_wait3A_107] : memref<10240x128xf32, #tpu.memory_space<hbm>> -> memref<10240x128xf32, #tpu.memory_space<hbm>>
      tpu.wait_indirect_dma semaphore(%arg12 : memref<!tpu.dma_semaphore, #tpu.memory_space<semaphore_mem>>) src(%dma_wait3A_108 : memref<10240x128xf32, #tpu.memory_space<hbm>>) dst(%dma_wait3A_102 : memref<64x128xf32, #tpu.memory_space<vmem>>)
      %dma_wait3A_109 = arith.constant 64 : i32
      %dma_wait3A_110 = arith.constant 0 : i32
      %dma_wait3A_111 = tpu.memref_slice %arg9[%dma_wait3A_109, %dma_wait3A_110] : memref<128x128xf32, #tpu.memory_space<vmem>> -> memref<64x128xf32, #tpu.memory_space<vmem>>
      %dma_wait3A_112 = arith.constant 64 : i32
      %dma_wait3A_113 = tpu.memref_slice %arg6[%add3A_62, %dma_wait3A_112] : memref<48x128xi32, #tpu.memory_space<vmem>> -> memref<1x64xi32, #tpu.memory_space<vmem>>
      %dma_wait3A_114 = tpu.memref_squeeze %dma_wait3A_113 : memref<1x64xi32, #tpu.memory_space<vmem>> -> memref<64xi32, #tpu.memory_space<vmem>>
      %dma_wait3A_115 = arith.constant 0 : i32
      %dma_wait3A_116 = arith.constant 0 : i32
      %dma_wait3A_117 = tpu.memref_slice %arg2[%dma_wait3A_115, %dma_wait3A_116] : memref<10240x128xf32, #tpu.memory_space<hbm>> -> memref<10240x128xf32, #tpu.memory_space<hbm>>
      tpu.wait_indirect_dma semaphore(%arg12 : memref<!tpu.dma_semaphore, #tpu.memory_space<semaphore_mem>>) src(%dma_wait3A_117 : memref<10240x128xf32, #tpu.memory_space<hbm>>) dst(%dma_wait3A_111 : memref<64x128xf32, #tpu.memory_space<vmem>>)
      %add3A_118 = arith.constant 1 : i32
      %add3A_119 = arith.addi %mul3A_41, %add3A_118 : i32
      "tpu.region"() ({
        %run_scoped3A_121 = tpu.sem_alloc : memref<!tpu.dma_semaphore, #tpu.memory_space<semaphore_mem>>
        %dma_start3A_122 = arith.constant 0 : i32
        %dma_start3A_123 = tpu.memref_slice %arg7[%add3A_119, %dma_start3A_122] : memref<40x128xi32, #tpu.memory_space<vmem>> -> memref<1x128xi32, #tpu.memory_space<vmem>>
        %dma_start3A_124 = tpu.memref_squeeze %dma_start3A_123 : memref<1x128xi32, #tpu.memory_space<vmem>> -> memref<128xi32, #tpu.memory_space<vmem>>
        %dma_start3A_125 = arith.constant 0 : i32
        %dma_start3A_126 = arith.constant 0 : i32
        %dma_start3A_127 = tpu.memref_slice %arg10[%dma_start3A_125, %dma_start3A_126] : memref<10240x128xf32, #tpu.memory_space<vmem_shared>> -> memref<10240x128xf32, #tpu.memory_space<vmem_shared>>
        tpu.enqueue_indirect_dma source(%arg9 : memref<128x128xf32, #tpu.memory_space<vmem>>) target(%dma_start3A_127 : memref<10240x128xf32, #tpu.memory_space<vmem_shared>>) offsets(%dma_start3A_124 : memref<128xi32, #tpu.memory_space<vmem>>) semaphore(%run_scoped3A_121 : memref<!tpu.dma_semaphore, #tpu.memory_space<semaphore_mem>>) {add = true}
        %dma_wait3A_128 = arith.constant 0 : i32
        %dma_wait3A_129 = tpu.memref_slice %arg7[%add3A_119, %dma_wait3A_128] : memref<40x128xi32, #tpu.memory_space<vmem>> -> memref<1x128xi32, #tpu.memory_space<vmem>>
        %dma_wait3A_130 = tpu.memref_squeeze %dma_wait3A_129 : memref<1x128xi32, #tpu.memory_space<vmem>> -> memref<128xi32, #tpu.memory_space<vmem>>
        %dma_wait3A_131 = arith.constant 0 : i32
        %dma_wait3A_132 = arith.constant 0 : i32
        %dma_wait3A_133 = tpu.memref_slice %arg10[%dma_wait3A_131, %dma_wait3A_132] : memref<10240x128xf32, #tpu.memory_space<vmem_shared>> -> memref<10240x128xf32, #tpu.memory_space<vmem_shared>>
        tpu.wait_indirect_dma semaphore(%run_scoped3A_121 : memref<!tpu.dma_semaphore, #tpu.memory_space<semaphore_mem>>) src(%arg9 : memref<128x128xf32, #tpu.memory_space<vmem>>) dst(%dma_wait3A_133 : memref<10240x128xf32, #tpu.memory_space<vmem_shared>>)
        tpu.yield
      }) : () -> ()
      %scan3A_120 = arith.constant 0 : i32
      scf.yield %scan3A_120 : i32
    }
    %scan3A_36 = arith.constant 20 : i32
    %barrier3A_37 = arith.constant 0 : index
    tpu.barrier barrier_id(%barrier3A_37)
    "tpu.region"() ({
      %run_scoped3A_38 = tpu.sem_alloc : memref<!tpu.dma_semaphore, #tpu.memory_space<semaphore_mem>>
      %dma_start3A = arith.constant 0 : i32
      %dma_start3A_39 = tpu.memref_slice %arg5[%arg0, %mul3A_9, %dma_start3A] : memref<2x10240x128xf32, #tpu.memory_space<hbm>> -> memref<1x640x128xf32, #tpu.memory_space<hbm>>
      %dma_start3A_40 = tpu.memref_squeeze %dma_start3A_39 : memref<1x640x128xf32, #tpu.memory_space<hbm>> -> memref<640x128xf32, #tpu.memory_space<hbm>>
      %dma_start3A_41 = arith.constant 0 : i32
      %dma_start3A_42 = tpu.memref_slice %arg10[%mul3A_9, %dma_start3A_41] : memref<10240x128xf32, #tpu.memory_space<vmem_shared>> -> memref<640x128xf32, #tpu.memory_space<vmem_shared>>
      tpu.enqueue_dma source(%dma_start3A_42 : memref<640x128xf32, #tpu.memory_space<vmem_shared>>) target(%dma_start3A_40 : memref<640x128xf32, #tpu.memory_space<hbm>>) target_semaphore(%run_scoped3A_38 : memref<!tpu.dma_semaphore, #tpu.memory_space<semaphore_mem>>)
      %dma_wait3A = arith.constant 0 : i32
      %dma_wait3A_43 = tpu.memref_slice %arg5[%arg0, %mul3A_9, %dma_wait3A] : memref<2x10240x128xf32, #tpu.memory_space<hbm>> -> memref<1x640x128xf32, #tpu.memory_space<hbm>>
      %dma_wait3A_44 = tpu.memref_squeeze %dma_wait3A_43 : memref<1x640x128xf32, #tpu.memory_space<hbm>> -> memref<640x128xf32, #tpu.memory_space<hbm>>
      %dma_wait3A_45 = arith.constant 0 : i32
      %dma_wait3A_46 = tpu.memref_slice %arg10[%mul3A_9, %dma_wait3A_45] : memref<10240x128xf32, #tpu.memory_space<vmem_shared>> -> memref<640x128xf32, #tpu.memory_space<vmem_shared>>
      tpu.wait_dma2 semaphore(%run_scoped3A_38 : memref<!tpu.dma_semaphore, #tpu.memory_space<semaphore_mem>>) src(%dma_wait3A_46 : memref<640x128xf32, #tpu.memory_space<vmem_shared>>) dst(%dma_wait3A_44 : memref<640x128xf32, #tpu.memory_space<hbm>>)
      tpu.yield
    }) : () -> ()
    return
  }
}

module attributes {stable_mosaic.version = 14 : i64} {
  func.func @_tc_first_body(%arg0: i32, %arg1: memref<1024x128xf32, #tpu.memory_space<vmem>>, %arg2: memref<128x128xf32, #tpu.memory_space<vmem>>, %arg3: memref<1024x16xf32, #tpu.memory_space<vmem>>, %arg4: memref<1024x16xf32, #tpu.memory_space<vmem>>, %arg5: memref<1024x128xf32, #tpu.memory_space<vmem>>) attributes {dimension_semantics = [#tpu.dimension_semantics<arbitrary>], iteration_bounds = array<i64: 10>, scalar_prefetch = 0 : i64, scratch_operands = 0 : i64, tpu.core_type = #tpu.core_type<tc>, window_params = [{transform_indices = @transform_0, window_bounds = array<i64: 1024, 128>}, {pipeline_mode = #tpu.pipeline_mode<synchronous>, transform_indices = @transform_1, window_bounds = array<i64: 128, 128>}, {transform_indices = @transform_2, window_bounds = array<i64: 1024, 16>}, {transform_indices = @transform_3, window_bounds = array<i64: 1024, 16>}, {transform_indices = @transform_4, window_bounds = array<i64: 1024, 128>}]} {
    %get3A = arith.constant 0 : index
    %get3A_0 = arith.constant 0 : index
    %get3A_1 = vector.load %arg3[%get3A, %get3A_0] : memref<1024x16xf32, #tpu.memory_space<vmem>>, vector<1024x1xf32>
    %get3A_2 = vector.shape_cast %get3A_1 : vector<1024x1xf32> to vector<1024xf32>
    %get3A_3 = arith.constant 0 : index
    %get3A_4 = arith.constant 0 : index
    %get3A_5 = vector.load %arg4[%get3A_3, %get3A_4] : memref<1024x16xf32, #tpu.memory_space<vmem>>, vector<1024x1xf32>
    %get3A_6 = vector.shape_cast %get3A_5 : vector<1024x1xf32> to vector<1024xf32>
    %add3A = arith.addf %get3A_2, %get3A_6 : vector<1024xf32>
    %add3A_7 = arith.constant 1.000000e+00 : f32
    %add3A_8 = vector.broadcast %add3A_7 : f32 to vector<1024xf32>
    %add3A_9 = arith.addf %add3A, %add3A_8 : vector<1024xf32>
    %sqrt3A = math.sqrt %add3A_9 : vector<1024xf32>
    %div3A = arith.constant 1.000000e+00 : f32
    %div3A_10 = vector.broadcast %div3A : f32 to vector<1024xf32>
    %div3A_11 = arith.divf %div3A_10, %sqrt3A : vector<1024xf32>
    %get3A_12 = arith.constant 0 : index
    %get3A_13 = arith.constant 0 : index
    %get3A_14 = vector.load %arg1[%get3A_12, %get3A_13] : memref<1024x128xf32, #tpu.memory_space<vmem>>, vector<1024x128xf32>
    %get3A_15 = arith.constant 0 : index
    %get3A_16 = arith.constant 0 : index
    %get3A_17 = vector.load %arg2[%get3A_15, %get3A_16] : memref<128x128xf32, #tpu.memory_space<vmem>>, vector<128x128xf32>
    %dot_general3A = arith.constant dense<0.000000e+00> : vector<1024x128xf32>
    %dot_general3A_18 = tpu.matmul %get3A_14, %get3A_17, %dot_general3A {dimension_numbers = #tpu.dot_dimension_numbers<[1], [0], [0], [1], [0, 0, 1, 1], [], []>, transpose_lhs_hint = false} : vector<1024x128xf32>, vector<128x128xf32>, vector<1024x128xf32> -> vector<1024x128xf32>
    %broadcast_in_dim3A = vector.shape_cast %div3A_11 : vector<1024xf32> to vector<1024x1xf32>
    %mul3A = vector.broadcast %broadcast_in_dim3A : vector<1024x1xf32> to vector<1024x128xf32>
    %mul3A_19 = arith.mulf %dot_general3A_18, %mul3A : vector<1024x128xf32>
    %swap3A = arith.constant 0 : index
    %swap3A_20 = arith.constant 0 : index
    %swap3A_21 = vector.load %arg5[%swap3A, %swap3A_20] : memref<1024x128xf32, #tpu.memory_space<vmem>>, vector<1024x128xf32>
    tpu.vector_store %arg5[%swap3A, %swap3A_20], %mul3A_19 {strides = array<i32>} : memref<1024x128xf32, #tpu.memory_space<vmem>>, vector<1024x128xf32>,
    return
  }
  func.func @transform_0(%arg0: i32) -> (i32, i32) {
    %c0_i32 = arith.constant 0 : i32
    %c0_i32_0 = arith.constant 0 : i32
    return %arg0, %c0_i32 : i32, i32
  }
  func.func @transform_1(%arg0: i32) -> (i32, i32) {
    %c0_i32 = arith.constant 0 : i32
    %c0_i32_0 = arith.constant 0 : i32
    %c0_i32_1 = arith.constant 0 : i32
    return %c0_i32, %c0_i32_0 : i32, i32
  }
  func.func @transform_2(%arg0: i32) -> (i32, i32) {
    %c0_i32 = arith.constant 0 : i32
    %c0_i32_0 = arith.constant 0 : i32
    return %arg0, %c0_i32 : i32, i32
  }
  func.func @transform_3(%arg0: i32) -> (i32, i32) {
    %c0_i32 = arith.constant 0 : i32
    %c0_i32_0 = arith.constant 0 : i32
    return %arg0, %c0_i32 : i32, i32
  }
  func.func @transform_4(%arg0: i32) -> (i32, i32) {
    %c0_i32 = arith.constant 0 : i32
    %c0_i32_0 = arith.constant 0 : i32
    return %arg0, %c0_i32 : i32, i32
  }
}

module attributes {stable_mosaic.version = 14 : i64} {
  func.func @_tc_mid_body(%arg0: i32, %arg1: memref<1024x128xf32, #tpu.memory_space<vmem>>, %arg2: memref<1024x128xf32, #tpu.memory_space<vmem>>, %arg3: memref<1024x128xf32, #tpu.memory_space<vmem>>, %arg4: memref<1024x16xf32, #tpu.memory_space<vmem>>, %arg5: memref<1024x16xf32, #tpu.memory_space<vmem>>, %arg6: memref<128x128xf32, #tpu.memory_space<vmem>>, %arg7: memref<1x128xf32, #tpu.memory_space<vmem>>, %arg8: memref<1x128xf32, #tpu.memory_space<vmem>>, %arg9: memref<1024x128xf32, #tpu.memory_space<vmem>>) attributes {dimension_semantics = [#tpu.dimension_semantics<arbitrary>], iteration_bounds = array<i64: 10>, scalar_prefetch = 0 : i64, scratch_operands = 0 : i64, tpu.core_type = #tpu.core_type<tc>, window_params = [{transform_indices = @transform_0, window_bounds = array<i64: 1024, 128>}, {transform_indices = @transform_1, window_bounds = array<i64: 1024, 128>}, {transform_indices = @transform_2, window_bounds = array<i64: 1024, 128>}, {transform_indices = @transform_3, window_bounds = array<i64: 1024, 16>}, {transform_indices = @transform_4, window_bounds = array<i64: 1024, 16>}, {pipeline_mode = #tpu.pipeline_mode<synchronous>, transform_indices = @transform_5, window_bounds = array<i64: 128, 128>}, {pipeline_mode = #tpu.pipeline_mode<synchronous>, transform_indices = @transform_6, window_bounds = array<i64: 1, 128>}, {pipeline_mode = #tpu.pipeline_mode<synchronous>, transform_indices = @transform_7, window_bounds = array<i64: 1, 128>}, {transform_indices = @transform_8, window_bounds = array<i64: 1024, 128>}]} {
    %get3A = arith.constant 0 : index
    %get3A_0 = arith.constant 0 : index
    %get3A_1 = vector.load %arg4[%get3A, %get3A_0] : memref<1024x16xf32, #tpu.memory_space<vmem>>, vector<1024x1xf32>
    %get3A_2 = vector.shape_cast %get3A_1 : vector<1024x1xf32> to vector<1024xf32>
    %get3A_3 = arith.constant 0 : index
    %get3A_4 = arith.constant 0 : index
    %get3A_5 = vector.load %arg5[%get3A_3, %get3A_4] : memref<1024x16xf32, #tpu.memory_space<vmem>>, vector<1024x1xf32>
    %get3A_6 = vector.shape_cast %get3A_5 : vector<1024x1xf32> to vector<1024xf32>
    %add3A = arith.addf %get3A_2, %get3A_6 : vector<1024xf32>
    %add3A_7 = arith.constant 1.000000e+00 : f32
    %add3A_8 = vector.broadcast %add3A_7 : f32 to vector<1024xf32>
    %add3A_9 = arith.addf %add3A, %add3A_8 : vector<1024xf32>
    %sqrt3A = math.sqrt %add3A_9 : vector<1024xf32>
    %div3A = arith.constant 1.000000e+00 : f32
    %div3A_10 = vector.broadcast %div3A : f32 to vector<1024xf32>
    %div3A_11 = arith.divf %div3A_10, %sqrt3A : vector<1024xf32>
    %get3A_12 = arith.constant 0 : index
    %get3A_13 = arith.constant 0 : index
    %get3A_14 = vector.load %arg1[%get3A_12, %get3A_13] : memref<1024x128xf32, #tpu.memory_space<vmem>>, vector<1024x128xf32>
    %get3A_15 = arith.constant 0 : index
    %get3A_16 = arith.constant 0 : index
    %get3A_17 = vector.load %arg2[%get3A_15, %get3A_16] : memref<1024x128xf32, #tpu.memory_space<vmem>>, vector<1024x128xf32>
    %add3A_18 = arith.addf %get3A_14, %get3A_17 : vector<1024x128xf32>
    %get3A_19 = arith.constant 0 : index
    %get3A_20 = arith.constant 0 : index
    %get3A_21 = vector.load %arg3[%get3A_19, %get3A_20] : memref<1024x128xf32, #tpu.memory_space<vmem>>, vector<1024x128xf32>
    %add3A_22 = arith.addf %add3A_18, %get3A_21 : vector<1024x128xf32>
    %broadcast_in_dim3A = vector.shape_cast %div3A_11 : vector<1024xf32> to vector<1024x1xf32>
    %mul3A = vector.broadcast %broadcast_in_dim3A : vector<1024x1xf32> to vector<1024x128xf32>
    %mul3A_23 = arith.mulf %add3A_22, %mul3A : vector<1024x128xf32>
    %get3A_24 = arith.constant 0 : index
    %get3A_25 = arith.constant 0 : index
    %get3A_26 = vector.load %arg7[%get3A_24, %get3A_25] : memref<1x128xf32, #tpu.memory_space<vmem>>, vector<1x128xf32>
    %mul3A_27 = vector.broadcast %get3A_26 : vector<1x128xf32> to vector<1024x128xf32>
    %mul3A_28 = arith.mulf %mul3A_23, %mul3A_27 : vector<1024x128xf32>
    %get3A_29 = arith.constant 0 : index
    %get3A_30 = arith.constant 0 : index
    %get3A_31 = vector.load %arg8[%get3A_29, %get3A_30] : memref<1x128xf32, #tpu.memory_space<vmem>>, vector<1x128xf32>
    %add3A_32 = vector.broadcast %get3A_31 : vector<1x128xf32> to vector<1024x128xf32>
    %add3A_33 = arith.addf %mul3A_28, %add3A_32 : vector<1024x128xf32>
    %max3A = arith.constant 0.000000e+00 : f32
    %max3A_34 = vector.broadcast %max3A : f32 to vector<1024x128xf32>
    %max3A_35 = arith.maximumf %add3A_33, %max3A_34 : vector<1024x128xf32>
    %get3A_36 = arith.constant 0 : index
    %get3A_37 = arith.constant 0 : index
    %get3A_38 = vector.load %arg6[%get3A_36, %get3A_37] : memref<128x128xf32, #tpu.memory_space<vmem>>, vector<128x128xf32>
    %dot_general3A = arith.constant dense<0.000000e+00> : vector<1024x128xf32>
    %dot_general3A_39 = tpu.matmul %max3A_35, %get3A_38, %dot_general3A {dimension_numbers = #tpu.dot_dimension_numbers<[1], [0], [0], [1], [0, 0, 1, 1], [], []>, transpose_lhs_hint = false} : vector<1024x128xf32>, vector<128x128xf32>, vector<1024x128xf32> -> vector<1024x128xf32>
    %broadcast_in_dim3A_40 = vector.shape_cast %div3A_11 : vector<1024xf32> to vector<1024x1xf32>
    %mul3A_41 = vector.broadcast %broadcast_in_dim3A_40 : vector<1024x1xf32> to vector<1024x128xf32>
    %mul3A_42 = arith.mulf %dot_general3A_39, %mul3A_41 : vector<1024x128xf32>
    %swap3A = arith.constant 0 : index
    %swap3A_43 = arith.constant 0 : index
    %swap3A_44 = vector.load %arg9[%swap3A, %swap3A_43] : memref<1024x128xf32, #tpu.memory_space<vmem>>, vector<1024x128xf32>
    tpu.vector_store %arg9[%swap3A, %swap3A_43], %mul3A_42 {strides = array<i32>} : memref<1024x128xf32, #tpu.memory_space<vmem>>, vector<1024x128xf32>,
    return
  }
  func.func @transform_0(%arg0: i32) -> (i32, i32) {
    %c0_i32 = arith.constant 0 : i32
    %c0_i32_0 = arith.constant 0 : i32
    return %arg0, %c0_i32 : i32, i32
  }
  func.func @transform_1(%arg0: i32) -> (i32, i32) {
    %c0_i32 = arith.constant 0 : i32
    %c0_i32_0 = arith.constant 0 : i32
    return %arg0, %c0_i32 : i32, i32
  }
  func.func @transform_2(%arg0: i32) -> (i32, i32) {
    %c0_i32 = arith.constant 0 : i32
    %c0_i32_0 = arith.constant 0 : i32
    return %arg0, %c0_i32 : i32, i32
  }
  func.func @transform_3(%arg0: i32) -> (i32, i32) {
    %c0_i32 = arith.constant 0 : i32
    %c0_i32_0 = arith.constant 0 : i32
    return %arg0, %c0_i32 : i32, i32
  }
  func.func @transform_4(%arg0: i32) -> (i32, i32) {
    %c0_i32 = arith.constant 0 : i32
    %c0_i32_0 = arith.constant 0 : i32
    return %arg0, %c0_i32 : i32, i32
  }
  func.func @transform_5(%arg0: i32) -> (i32, i32) {
    %c0_i32 = arith.constant 0 : i32
    %c0_i32_0 = arith.constant 0 : i32
    %c0_i32_1 = arith.constant 0 : i32
    return %c0_i32, %c0_i32_0 : i32, i32
  }
  func.func @transform_6(%arg0: i32) -> (i32, i32) {
    %c0_i32 = arith.constant 0 : i32
    %c0_i32_0 = arith.constant 0 : i32
    %c0_i32_1 = arith.constant 0 : i32
    return %c0_i32, %c0_i32_0 : i32, i32
  }
  func.func @transform_7(%arg0: i32) -> (i32, i32) {
    %c0_i32 = arith.constant 0 : i32
    %c0_i32_0 = arith.constant 0 : i32
    %c0_i32_1 = arith.constant 0 : i32
    return %c0_i32, %c0_i32_0 : i32, i32
  }
  func.func @transform_8(%arg0: i32) -> (i32, i32) {
    %c0_i32 = arith.constant 0 : i32
    %c0_i32_0 = arith.constant 0 : i32
    return %arg0, %c0_i32 : i32, i32
  }
}

module attributes {stable_mosaic.version = 14 : i64} {
  func.func @_tc_last_body(%arg0: i32, %arg1: memref<1024x128xf32, #tpu.memory_space<vmem>>, %arg2: memref<1024x128xf32, #tpu.memory_space<vmem>>, %arg3: memref<1024x128xf32, #tpu.memory_space<vmem>>, %arg4: memref<1024x16xf32, #tpu.memory_space<vmem>>, %arg5: memref<1024x16xf32, #tpu.memory_space<vmem>>, %arg6: memref<1x64xf32, #tpu.memory_space<vmem>>, %arg7: memref<1024x64xf32, #tpu.memory_space<vmem>>) attributes {dimension_semantics = [#tpu.dimension_semantics<arbitrary>], iteration_bounds = array<i64: 10>, scalar_prefetch = 0 : i64, scratch_operands = 0 : i64, tpu.core_type = #tpu.core_type<tc>, window_params = [{transform_indices = @transform_0, window_bounds = array<i64: 1024, 128>}, {transform_indices = @transform_1, window_bounds = array<i64: 1024, 128>}, {transform_indices = @transform_2, window_bounds = array<i64: 1024, 128>}, {transform_indices = @transform_3, window_bounds = array<i64: 1024, 16>}, {transform_indices = @transform_4, window_bounds = array<i64: 1024, 16>}, {pipeline_mode = #tpu.pipeline_mode<synchronous>, transform_indices = @transform_5, window_bounds = array<i64: 1, 64>}, {transform_indices = @transform_6, window_bounds = array<i64: 1024, 64>}]} {
    %get3A = arith.constant 0 : index
    %get3A_0 = arith.constant 0 : index
    %get3A_1 = vector.load %arg4[%get3A, %get3A_0] : memref<1024x16xf32, #tpu.memory_space<vmem>>, vector<1024x1xf32>
    %get3A_2 = vector.shape_cast %get3A_1 : vector<1024x1xf32> to vector<1024xf32>
    %get3A_3 = arith.constant 0 : index
    %get3A_4 = arith.constant 0 : index
    %get3A_5 = vector.load %arg5[%get3A_3, %get3A_4] : memref<1024x16xf32, #tpu.memory_space<vmem>>, vector<1024x1xf32>
    %get3A_6 = vector.shape_cast %get3A_5 : vector<1024x1xf32> to vector<1024xf32>
    %add3A = arith.addf %get3A_2, %get3A_6 : vector<1024xf32>
    %add3A_7 = arith.constant 1.000000e+00 : f32
    %add3A_8 = vector.broadcast %add3A_7 : f32 to vector<1024xf32>
    %add3A_9 = arith.addf %add3A, %add3A_8 : vector<1024xf32>
    %sqrt3A = math.sqrt %add3A_9 : vector<1024xf32>
    %div3A = arith.constant 1.000000e+00 : f32
    %div3A_10 = vector.broadcast %div3A : f32 to vector<1024xf32>
    %div3A_11 = arith.divf %div3A_10, %sqrt3A : vector<1024xf32>
    %get3A_12 = arith.constant 0 : index
    %get3A_13 = arith.constant 0 : index
    %get3A_14 = vector.load %arg1[%get3A_12, %get3A_13] : memref<1024x128xf32, #tpu.memory_space<vmem>>, vector<1024x128xf32>
    %get3A_15 = arith.constant 0 : index
    %get3A_16 = arith.constant 0 : index
    %get3A_17 = vector.load %arg2[%get3A_15, %get3A_16] : memref<1024x128xf32, #tpu.memory_space<vmem>>, vector<1024x128xf32>
    %add3A_18 = arith.addf %get3A_14, %get3A_17 : vector<1024x128xf32>
    %get3A_19 = arith.constant 0 : index
    %get3A_20 = arith.constant 0 : index
    %get3A_21 = vector.load %arg3[%get3A_19, %get3A_20] : memref<1024x128xf32, #tpu.memory_space<vmem>>, vector<1024x128xf32>
    %add3A_22 = arith.addf %add3A_18, %get3A_21 : vector<1024x128xf32>
    %broadcast_in_dim3A = vector.shape_cast %div3A_11 : vector<1024xf32> to vector<1024x1xf32>
    %mul3A = vector.broadcast %broadcast_in_dim3A : vector<1024x1xf32> to vector<1024x128xf32>
    %mul3A_23 = arith.mulf %add3A_22, %mul3A : vector<1024x128xf32>
    %slice3A = vector.extract_strided_slice %mul3A_23 {offsets = [0, 0], sizes = [1024, 64], strides = [1, 1]} : vector<1024x128xf32> to vector<1024x64xf32>
    %get3A_24 = arith.constant 0 : index
    %get3A_25 = arith.constant 0 : index
    %get3A_26 = vector.load %arg6[%get3A_24, %get3A_25] : memref<1x64xf32, #tpu.memory_space<vmem>>, vector<1x64xf32>
    %add3A_27 = vector.broadcast %get3A_26 : vector<1x64xf32> to vector<1024x64xf32>
    %add3A_28 = arith.addf %slice3A, %add3A_27 : vector<1024x64xf32>
    %reduce_max3A = arith.constant dense<0xFF800000> : vector<1024xf32>
    %reduce_max3A_29 = vector.multi_reduction <maximumf>, %add3A_28, %reduce_max3A [1] : vector<1024x64xf32> to vector<1024xf32>
    %broadcast_in_dim3A_30 = vector.shape_cast %reduce_max3A_29 : vector<1024xf32> to vector<1024x1xf32>
    %sub3A = vector.broadcast %broadcast_in_dim3A_30 : vector<1024x1xf32> to vector<1024x64xf32>
    %sub3A_31 = arith.subf %add3A_28, %sub3A : vector<1024x64xf32>
    %exp3A = math.exp %sub3A_31 : vector<1024x64xf32>
    %reduce_sum3A = arith.constant dense<0.000000e+00> : vector<1024xf32>
    %reduce_sum3A_32 = vector.multi_reduction <add>, %exp3A, %reduce_sum3A [1] : vector<1024x64xf32> to vector<1024xf32>
    %broadcast_in_dim3A_33 = vector.shape_cast %reduce_sum3A_32 : vector<1024xf32> to vector<1024x1xf32>
    %log3A = math.log %broadcast_in_dim3A_33 : vector<1024x1xf32>
    %sub3A_34 = vector.broadcast %log3A : vector<1024x1xf32> to vector<1024x64xf32>
    %sub3A_35 = arith.subf %sub3A_31, %sub3A_34 : vector<1024x64xf32>
    %swap3A = arith.constant 0 : index
    %swap3A_36 = arith.constant 0 : index
    %swap3A_37 = vector.load %arg7[%swap3A, %swap3A_36] : memref<1024x64xf32, #tpu.memory_space<vmem>>, vector<1024x64xf32>
    tpu.vector_store %arg7[%swap3A, %swap3A_36], %sub3A_35 {strides = array<i32>} : memref<1024x64xf32, #tpu.memory_space<vmem>>, vector<1024x64xf32>,
    return
  }
  func.func @transform_0(%arg0: i32) -> (i32, i32) {
    %c0_i32 = arith.constant 0 : i32
    %c0_i32_0 = arith.constant 0 : i32
    return %arg0, %c0_i32 : i32, i32
  }
  func.func @transform_1(%arg0: i32) -> (i32, i32) {
    %c0_i32 = arith.constant 0 : i32
    %c0_i32_0 = arith.constant 0 : i32
    return %arg0, %c0_i32 : i32, i32
  }
  func.func @transform_2(%arg0: i32) -> (i32, i32) {
    %c0_i32 = arith.constant 0 : i32
    %c0_i32_0 = arith.constant 0 : i32
    return %arg0, %c0_i32 : i32, i32
  }
  func.func @transform_3(%arg0: i32) -> (i32, i32) {
    %c0_i32 = arith.constant 0 : i32
    %c0_i32_0 = arith.constant 0 : i32
    return %arg0, %c0_i32 : i32, i32
  }
  func.func @transform_4(%arg0: i32) -> (i32, i32) {
    %c0_i32 = arith.constant 0 : i32
    %c0_i32_0 = arith.constant 0 : i32
    return %arg0, %c0_i32 : i32, i32
  }
  func.func @transform_5(%arg0: i32) -> (i32, i32) {
    %c0_i32 = arith.constant 0 : i32
    %c0_i32_0 = arith.constant 0 : i32
    %c0_i32_1 = arith.constant 0 : i32
    return %c0_i32, %c0_i32_0 : i32, i32
  }
  func.func @transform_6(%arg0: i32) -> (i32, i32) {
    %c0_i32 = arith.constant 0 : i32
    %c0_i32_0 = arith.constant 0 : i32
    return %arg0, %c0_i32 : i32, i32
  }
}

</mosaic_0001>

<sc_bundles>
// kernel: kernel.10.cloned.1.call-start
scs
__scs_entry_jumppad:
0x0: {  	(pc) =	sbr.rel $0x88, $3  }
0x1: {  	(tag) =	ssettag $0x0;
	lr =	simm.s32 $0x1  }
0x2: {  	[smem:$0x3F95] =	sst lr;
	_ =	strace $0xD0000000  }
0x3: {  	_ = 	snop  }
0x4: {  	_ = 	snop  }
0x5: {  	_ = 	snop  }
0x6: {  	_ = 	snop  }
0x7: {  	_ = 	snop  }
__scs_overlays_trampoline_lowered:
0x8: {  	[smem:$0x3FA4] =	sst s0  }
0x9: {  	[smem:$0x3FA5] =	sst s1  }
0xa: {  	[smem:$0x3FA6] =	sst s2  }
0xb: {  	[smem:$0x3FA7] =	sst s3  }
0xc: {  	[smem:$0x3FA8] =	sst s4  }
0xd: {  	[smem:$0x3FA9] =	sst s5  }
0xe: {  	[smem:$0x3FAA] =	sst s6  }
0xf: {  	[smem:$0x3FAB] =	sst s7  }
0x10: {  	[smem:$0x3FAC] =	sst s8  }
0x11: {  	[smem:$0x3FAD] =	sst s9;
	s0 =	simm.s32 @!p0 $0x0  }
0x12: {  	s1 =	sld [smem:$0x3F93];
	s0 =	simm.s32 @p0 $0x1  }
0x13: {  	[smem:$0x3FAE] =	sst s0;
	s0 =	simm.s32 @!p1 $0x0  }
0x14: {  	s2 =	sld [smem:$0x3F92];
	s0 =	simm.s32 @p1 $0x1  }
0x15: {  	[smem:$0x3FAF] =	sst s0;
	s0 =	simm.s32 @!p2 $0x0  }
0x16: {  	s3 =	sld [smem:$0x3FDB];
	s0 =	simm.s32 @p2 $0x1  }
0x17: {  	s4 =	simm.s32 $0x1BF5;
	[smem:$0x3FB1] =	sst s0  }
0x18: {  	s0 =	sld [smem:$0x3F94];
	_ =	swait.ge [sflag:s4], $0x0  }
0x19: {  	s7 =	sld [smem:$0x3F95]  }
0x1a: {  	s8 =	sadd.s32 $0xFFFFE003, lr  }
0x1b: {  	s9 =	sadd.s32 $0xFFFFFEF7, lr;
	s5 =	simm.s32 $0xFFFFFFFF;
	p2 =	slt.u32 s8, $0xFFFFF086  }
0x1c: {  	p1 =	slt.u32 s9, $0xF7A;
	s5 =	simm.s32 @!p2 $0x0  }
0x1d: {  	s5 =	simm.s32 @p1 $0x1;
	p0 =	seq.s32 s7, s2  }
0x1e: {  	s7 =	smul.u32 @!p0 $0xF7A, s2;
	p2 =	seq.s32 @!p0 s5, $0x0  }
0x1f: {  	s9 =	smul.u32 $0xF7A, s1;
	s8 =	simm.s32 @!p0 $0x1BF5;
	p2 =	por !p2, p0  }
0x20: {  	[sflag:s8] =	ssyncset.s32 @!p0 $0xFFFFF086;
	s6 =	sadd.s32 @!p0 s3, s7;
	s7 =	simm.s32 @!p0 $0x108  }
0x21: {  	s3 =	sadd.s32 s3, s9;
	s6 =	sadd.s32 @!p0 $0x88, s6;
	s7 =	simm.s32 @p2 $0x1082  }
0x22: {  	[simem:s7], [sflag:s8] =	dma.local @!p0 [hbm:s6], $0xF7A  }
0x23: {  	s9 =	sor.u32 $0xD0000000, s2;
	s6 =	simm.s32 $0x108;
	_ =	swait.ge @!p0 [sflag:s8], $0x0  }
0x24: {  	s3 =	sadd.s32 $0x88, s3;
	s6 =	simm.s32 @!p1 $0x1082;
	[sflag:s4] =	ssyncset.s32 $0xFFFFF086  }
0x25: {  	[simem:s6], [sflag:s4] =	dma.local [hbm:s3], $0xF7A  }
0x26: {  	[smem:$0x3F95] =	sst s1;
	(tag) =	ssettag s2;
	_ =	strace s9  }
0x27: {  	s1 =	sld [smem:$0x3FA5]  }
0x28: {  	s2 =	sld [smem:$0x3FA6]  }
0x29: {  	s4 =	sld [smem:$0x3FA8]  }
0x2a: {  	p0 =	seq.s32 s5, $0x0;
	s5 =	sld [smem:$0x3FA9]  }
0x2b: {  	s6 =	sld [smem:$0x3FAA]  }
0x2c: {  	s7 =	sld [smem:$0x3FAB]  }
0x2d: {  	s3 =	simm.s32 $0x108;
	s8 =	sld [smem:$0x3FAC]  }
0x2e: {  	s3 =	simm.s32 @!p0 $0x1082;
	s9 =	sld [smem:$0x3FAD]  }
0x2f: {  	lr =	sadd.s32 s0, s3;
	s0 =	sld [smem:$0x3FA4]  }
0x30: {  	s3 =	sld [smem:$0x3FA7]  }
0x31: {  	[smem:$0x3FB0] =	sst s10  }
0x32: {  	s10 =	sld [smem:$0x3FAE];
	_ =	sdelay $0x3  }
0x33: {  	p0 =	seq.s32 s10, $0x1;
	s10 =	sld [smem:$0x3FB0];
	_ =	sdelay $0x3  }
0x34: {  	[smem:$0x3FB0] =	sst s10  }
0x35: {  	s10 =	sld [smem:$0x3FAF];
	_ =	sdelay $0x3  }
0x36: {  	p1 =	seq.s32 s10, $0x1;
	s10 =	sld [smem:$0x3FB0];
	_ =	sdelay $0x3  }
0x37: {  	[smem:$0x3FB0] =	sst s10  }
0x38: {  	s10 =	sld [smem:$0x3FB1]  }
0x39: {  	_ = 	snop;
	(pc) =	sbr.ind lr, $3  }
0x3a: {  	_ = 	snop  }
0x3b: {  	_ = 	snop  }
0x3c: {  	p2 =	seq.s32 s10, $0x1;
	s10 =	sld [smem:$0x3FB0]  }
0x3d: {  	_ =	shalt  }
0x3e: {  	_ =	shalt  }
0x3f: {  	_ =	shalt  }
0x40: {  	_ =	shalt  }
0x41: {  	_ =	shalt  }
0x42: {  	_ =	shalt  }
0x43: {  	_ =	shalt  }
0x44: {  	_ =	shalt  }
0x45: {  	_ =	shalt  }
0x46: {  	_ =	shalt  }
0x47: {  	_ =	shalt  }
0x48: {  	_ =	shalt  }
0x49: {  	_ =	shalt  }
0x4a: {  	_ =	shalt  }
0x4b: {  	_ =	shalt  }
0x4c: {  	_ =	shalt  }
0x4d: {  	_ =	shalt  }
0x4e: {  	_ =	shalt  }
0x4f: {  	_ =	shalt  }
0x50: {  	_ =	shalt  }
0x51: {  	_ =	shalt  }
0x52: {  	_ =	shalt  }
0x53: {  	_ =	shalt  }
0x54: {  	_ =	shalt  }
0x55: {  	_ =	shalt  }
0x56: {  	_ =	shalt  }
0x57: {  	_ =	shalt  }
0x58: {  	_ =	shalt  }
0x59: {  	_ =	shalt  }
0x5a: {  	_ =	shalt  }
0x5b: {  	_ =	shalt  }
0x5c: {  	_ =	shalt  }
0x5d: {  	_ =	shalt  }
0x5e: {  	_ =	shalt  }
0x5f: {  	_ =	shalt  }
0x60: {  	_ =	shalt  }
0x61: {  	_ =	shalt  }
0x62: {  	_ =	shalt  }
0x63: {  	_ =	shalt  }
0x64: {  	_ =	shalt  }
0x65: {  	_ =	shalt  }
0x66: {  	_ =	shalt  }
0x67: {  	_ =	shalt  }
0x68: {  	_ =	shalt  }
0x69: {  	_ =	shalt  }
0x6a: {  	_ =	shalt  }
0x6b: {  	_ =	shalt  }
0x6c: {  	_ =	shalt  }
0x6d: {  	_ =	shalt  }
0x6e: {  	_ =	shalt  }
0x6f: {  	_ =	shalt  }
0x70: {  	_ =	shalt  }
0x71: {  	_ =	shalt  }
0x72: {  	_ =	shalt  }
0x73: {  	_ =	shalt  }
0x74: {  	_ =	shalt  }
0x75: {  	_ =	shalt  }
0x76: {  	_ =	shalt  }
0x77: {  	_ =	shalt  }
0x78: {  	_ =	shalt  }
0x79: {  	_ =	shalt  }
0x7a: {  	_ =	shalt  }
0x7b: {  	_ =	shalt  }
0x7c: {  	_ =	shalt  }
0x7d: {  	_ =	shalt  }
0x7e: {  	_ =	shalt  }
0x7f: {  	_ =	shalt  }
0x80: {  	_ =	shalt  }
0x81: {  	_ =	shalt  }
0x82: {  	_ =	shalt  }
0x83: {  	_ =	shalt  }
0x84: {  	_ =	shalt  }
0x85: {  	_ =	shalt  }
0x86: {  	_ =	shalt  }
0x87: {  	_ =	shalt  }
.Lfunc_end0:
.L_simem_size_0:
called_computation_lowered:
.L_overlay_start_0:
0x88: {  	s2 =	sld [smem:$0x3FD9]  }
0x89: {  	s3 =	sld [smem:$0x3FFE];
	_ =	sdelay $0x1  }
0x8a: {  	s1 =	srdreg.scid  }
0x8b: {  	s0 =	sand.u32 $0x1, s1  }
0x8c: {  	s16 =	sshll.u32 s0, $0xA;
	s2 =	sadd.s32 s3, s2  }
0x8d: {  	s2 =	sadd.s32 s2, s16  }
0x8e: {  	[smem:$0x3FBC] =	sst s2  }
0x8f: {  	_ = 	snop  }
0x90: {  	(tm) =	ssettm $0x1  }
0x91: {  	s17 =	sld [smem:$0x3FFB];
	_ =	sdelay $0x3  }
0x92: {  	_ =	strace s17  }
0x93: {  	s2 =	sld [smem:$0x3FFC];
	_ =	sdelay $0x3  }
0x94: {  	_ =	strace s2  }
0x95: {  	s2 =	sld [smem:$0x3FFD];
	_ =	sdelay $0x3  }
0x96: {  	_ =	strace s2  }
0x97: {  	_ =	strace $0x8FFFFFFF  }
0x98: {  	s18 =	sld [smem:$0x3FDB];
	_ =	sdelay $0x1  }
0x99: {  	s19 =	simm.s32 $_scs_section_size  }
0x9a: {  	s4 =	simm.s32 $_size__tile_overlayer_lowered;
	s5 =	simm.s32 $_tile_overlayer_lowered  }
0x9b: {  	s22 =	simm.s32 $0x1BFF;
	s21 =	sshll.u32 s5, $0x1;
	s2 =	sadd.s32 s19, s18  }
0x9c: {  	s6 =	simm.s32 $0x0;
	s20 =	sshll.u32 s4, $0x1;
	s4 =	sadd.s32 s21, s2  }
0x9d: {  	[timem:s6], [sflag:s22] =	dma.local [hbm:s4], s20  }
0x9e: {  	_ =	swait.ge [sflag:s22], s20  }
0x9f: {  	s3 =	ssub.s32 $0x0, s20;
	[sflag:s22] =	ssyncset.done $0x0  }
0xa0: {  	[sflag:s22] =	ssyncadd.s32 s3;
	_ =	sdelay $0x1  }
0xa1: {  	s23 =	simm.s32 $0x1B8B  }
0xa2: {  	_ =	swait.ge [sflag:s23], $0x1  }
0xa3: {  	[sflag:s23] =	ssyncset.done $0x0  }
0xa4: {  	s25 =	simm.s32 $0x1B8E;
	s24 =	sld [smem:$0x3FFE];
	[sflag:s23] =	ssyncadd.s32 $0xFFFFFFFF  }
0xa5: {  	s26 =	simm.s32 $execute0_lowered;
	[smem:$0x3FD2] =	sst s25  }
0xa6: {  	s4 =	sshll.u32 s26, $0x1;
	_ =	strace $0x80000046;
	[dreg:$0x1] =	wrdreg $0xFFFFFFFF  }
0xa7: {  	s28 =	simm.s32 $_size_execute0_lowered;
	s2 =	sadd.s32 s2, s4;
	[dreg:$0x0] =	wrdreg $0x0  }
0xa8: {  	s4 =	sshll.u32 s28, $0x1;
	[dreg:$0x2] =	wrdreg s2  }
0xa9: {  	[dreg:$0x3] =	wrdreg s4  }
0xaa: {  	[dreg:$0x4] =	wrdreg $0xC0  }
0xab: {  	_ =	task [dreg:s6], $0x5FFFF  }
0xac: {  	[dreg:$0x1] =	wrdreg $0xFFFFFFFF  }
0xad: {  	[dreg:$0x0] =	wrdreg $0x60  }
0xae: {  	[dreg:$0x2] =	wrdreg s24  }
0xaf: {  	[dreg:$0x3] =	wrdreg $0x54000  }
0xb0: {  	[dreg:$0x4] =	wrdreg $0x9  }
0xb1: {  	_ =	task.clear_ibuf [dreg:s6], $0x5FFFF;
	_ =	strace $0x90000046  }
0xb2: {  	s29 =	simm.s32 $0x9;
	_ =	strace $0x80000048  }
0xb3: {  	_ =	swait.ge [sflag:s29], $0x1  }
0xb4: {  	[sflag:s29] =	ssyncadd.s32 $0xFFFFFFFF  }
0xb5: {  	_ =	strace $0x90000048  }
0xb6: {  	_ =	sfence  }
0xb7: {  	s30 =	sld [smem:$0x0];
	_ =	sdelay $0x2  }
0xb8: {  	s31 =	sshll.u32 s1, $0xD;
	s1 =	sshrl.u32 s1, $0x2  }
0xb9: {  	s3 =	sand.u32 $0x4000, s31;
	s1 =	sadd.s32 s1, s30  }
0xba: {  	s0 =	sor.u32 s3, s0;
	s1 =	sshll.u32 s1, $0x11  }
0xbb: {  	s0 =	sor.u32 s1, s0  }
0xbc: {  	s0 =	sadd.s32 $0x8F2B, s0  }
0xbd: {  	[sflag:s0] =	ssyncadd.remote.s32 $0x1  }
0xbe: {  	_ =	sfence.sel $0xFFFF  }
0xbf: {  	[dreg:$0x0] =	wrdreg $0xFFFFFFFF;
	(pc) =	sbr.abs _section_cstart, $3  }
0xc0: {  	[dreg:$0x1] =	wrdreg $0xFFFFFFFF  }
0xc1: {  	_ =	task.clear_ibuf [dreg:s6], $0x2FFFF;
	_ =	strace $0x9FFFFFFF  }
0xc2: {  	(tm) =	ssettm $0x7FFFFFFF  }
0xc3: {  	_ =	shalt  }
tec
execute0_lowered:
.L_overlay_start_1:
0x0: {  	(tag) =	ssettag $0x1  }
0x1: {  	s0 =	srdreg.scid;
	s4 =	rddreg [dreg:$0x0]  }
0x2: {  	s7 =	stileid.u32;
	s2 =	rddreg [dreg:$0x1]  }
0x3: {  	s3 =	simm.s32 $0x0;
	s13 =	simm.s32 $0x1400;
	s14 =	simm.s32 $0x2  }
0x4: {  	s15 =	simm.s32 $0x80;
	s8 =	simm.s32 $0x280;
	s16 =	simm.s32 $0x300  }
0x5: {  	s9 =	simm.s32 $0x380;
	s17 =	simm.s32 $0x400;
	s10 =	simm.s32 $0x480  }
0x6: {  	s18 =	simm.s32 $0x500;
	s11 =	simm.s32 $0x580;
	s19 =	simm.s32 $0x600  }
0x7: {  	s12 =	simm.s32 $0x680;
	s28 =	simm.s32 $0xA00;
	s29 =	simm.s32 $0xA80  }
0x8: {  	s30 =	simm.s32 $0xB00;
	s31 =	simm.s32 $0xB80;
	s0 =	sand.u32 $0x1, s0  }
0x9: {  	[smem:$0x7FF] =	sst s3;
	s6 =	smul.u32 $0x14000, s7;
	s1 =	sshll.u32 s0, $0x4  }
0xa: {  	s5 =	smul.u32 $0x140000, s0;
	_ =	strace $0x80000047;
	s0 =	ssub.s32 $0x2, s0  }
0xb: {  	s1 =	sor.u32 s7, s1;
	s7 =	smul.u32 $0x50000, s7;
	s20 =	sshrl.u32 s0, $0x1  }
0xc: {  	s1 =	smul.u32 $0x2800, s1;
	s5 =	sadd.s32 s6, s5;
	s0 =	ssub.s32 s0, s20  }
0xd: {  	s20 =	simm.s32 $0x700;
	s7 =	sshrl.u32 s7, $0x2;
	s0 =	smax.u32 s0, $0x1  }
0xe: {  	s5 =	sshrl.u32 s5, $0x3;
	s3 =	sadd.s32 s7, s2;
	[dreg:$0xa] =	wrdreg s0  }
0xf: {  	s1 =	sshrl.u32 s1, $0x3;
	s21 =	sadd.s32 $0x4000, s3;
	[dreg:$0xb] =	wrdreg s3  }
0x10: {  	s5 =	sadd.s32 s5, s4;
	s22 =	sadd.s32 $0x8000, s3;
	[dreg:$0x3] =	wrdreg s21  }
0x11: {  	s7 =	simm.s32 $0x200;
	s23 =	sadd.s32 $0xC000, s3;
	[dreg:$0x4] =	wrdreg s22  }
0x12: {  	s1 =	sadd.s32 s1, s4;
	s24 =	sadd.s32 $0x10000, s3;
	[dreg:$0x5] =	wrdreg s23  }
0x13: {  	s26 =	sadd.s32 $0xE600, s5;
	s4 =	simm.s32 $0x0;
	[dreg:$0x6] =	wrdreg s24  }
0x14: {  	s25 =	sadd.s32 $0x4600, s1;
	s1 =	sadd.s32 $0x4880, s1;
	[dreg:$0x9] =	wrdreg s26  }
0x15: {  	s22 =	simm.s32 $0x1;
	s21 =	simm.s32 $0x780;
	s23 =	simm.s32 $0x800  }
0x16: {  	s24 =	simm.s32 $0x880;
	s26 =	simm.s32 $0x980;
	[dreg:$0x7] =	wrdreg s25  }
0x17: {  	v0 =	vimm.f32 $0.0e+00;
	v1 =	vimm.f32 $1.000000000e+00;
	[dreg:$0x8] =	wrdreg s1;
	s1 =	simm.s32 $0x0;
	s25 =	simm.s32 $0x900  }
.LBB2_1:
0x18: {  	s0 =	simm.s32 $0x0;
	s5 =	simm.s32 $0x200  }
.LBB2_2:
0x19: {  	p0 =	sne.s32 s5, $0xFE00;
	[tilespmem:s0+$0x1470] =	vst v0  }
0x1a: {  	[tilespmem:s0+$0x1400] =	vst v0  }
0x1b: {  	[tilespmem:s0+$0x1410] =	vst v0  }
.Ltmp0:
0x1c: {  	[tilespmem:s0+$0x1420] =	vst v0;
	(pc) =	sbr.rel @p0 .LBB2_2-.Ltmp0, $4  }
0x1d: {  	[tilespmem:s0+$0x1430] =	vst v0  }
0x1e: {  	[tilespmem:s0+$0x1440] =	vst v0  }
0x1f: {  	[tilespmem:s0+$0x1450] =	vst v0  }
0x20: {  	[tilespmem:s0+$0x1460] =	vst v0;
	s0 =	sshra.s32 s5, $0x2;
	s5 =	sadd.s32 $0x200, s5  }
0x21: {  	[tilespmem:s0+$0x1470] =	vst v0  }
0x22: {  	[tilespmem:s0+$0x1400] =	vst v0  }
0x23: {  	[tilespmem:s0+$0x1410] =	vst v0  }
0x24: {  	[tilespmem:s0+$0x1420] =	vst v0  }
0x25: {  	[tilespmem:s0+$0x1430] =	vst v0  }
0x26: {  	[tilespmem:s0+$0x1440] =	vst v0  }
0x27: {  	[tilespmem:s0+$0x1450] =	vst v0  }
0x28: {  	[tilespmem:s0+$0x1460] =	vst v0  }
0x29: {  	[spmem:s3] =	stream.linear.scatter [tilespmem:s13], [sflag:$0x2], $0x4000, $0x38;
	[tilespmem:$0x19400] =	vst v63  }
0x2a: {  	_ =	swait.ge [sflag:s14], $0x4000  }
0x2b: {  	[sflag:s14] =	ssyncset.done $0x0  }
0x2c: {  	s6 =	rddreg [dreg:$0x3];
	[sflag:s14] =	ssyncadd.s32 $0xFFFFC000  }
0x2d: {  	[spmem:s6] =	stream.linear.scatter [tilespmem:s13], [sflag:$0x2], $0x4000, $0x38;
	[tilespmem:$0x19400] =	vst v63  }
0x2e: {  	_ =	swait.ge [sflag:s14], $0x4000  }
0x2f: {  	[sflag:s14] =	ssyncset.done $0x0  }
0x30: {  	s3 =	rddreg [dreg:$0x4];
	[sflag:s14] =	ssyncadd.s32 $0xFFFFC000  }
0x31: {  	[spmem:s3] =	stream.linear.scatter [tilespmem:s13], [sflag:$0x2], $0x4000, $0x38;
	[tilespmem:$0x19400] =	vst v63  }
0x32: {  	_ =	swait.ge [sflag:s14], $0x4000  }
0x33: {  	[sflag:s14] =	ssyncset.done $0x0  }
0x34: {  	s5 =	rddreg [dreg:$0x5];
	[sflag:s14] =	ssyncadd.s32 $0xFFFFC000  }
0x35: {  	[spmem:s5] =	stream.linear.scatter [tilespmem:s13], [sflag:$0x2], $0x4000, $0x38;
	[tilespmem:$0x19400] =	vst v63  }
0x36: {  	_ =	swait.ge [sflag:s14], $0x4000  }
0x37: {  	[sflag:s14] =	ssyncset.done $0x0  }
0x38: {  	s6 =	rddreg [dreg:$0x6];
	[sflag:s14] =	ssyncadd.s32 $0xFFFFC000  }
0x39: {  	[spmem:s6] =	stream.linear.scatter [tilespmem:s13], [sflag:$0x2], $0x4000, $0x38;
	[tilespmem:$0x19400] =	vst v63  }
0x3a: {  	_ =	swait.ge [sflag:s14], $0x4000  }
0x3b: {  	[sflag:s14] =	ssyncset.done $0x0  }
0x3c: {  	s0 =	simm.s32 $0x0;
	s5 =	simm.s32 $0x200;
	[sflag:s14] =	ssyncadd.s32 $0xFFFFC000  }
.LBB2_4:
0x3d: {  	p0 =	sne.s32 s5, $0xFE00;
	[tilespmem:s0+$0x1470] =	vst v1  }
0x3e: {  	[tilespmem:s0+$0x1400] =	vst v1  }
0x3f: {  	[tilespmem:s0+$0x1410] =	vst v1  }
.Ltmp1:
0x40: {  	[tilespmem:s0+$0x1420] =	vst v1;
	(pc) =	sbr.rel @p0 .LBB2_4-.Ltmp1, $4  }
0x41: {  	[tilespmem:s0+$0x1430] =	vst v1  }
0x42: {  	[tilespmem:s0+$0x1440] =	vst v1  }
0x43: {  	[tilespmem:s0+$0x1450] =	vst v1  }
0x44: {  	[tilespmem:s0+$0x1460] =	vst v1;
	s0 =	sshra.s32 s5, $0x2;
	s5 =	sadd.s32 $0x200, s5  }
0x45: {  	[tilespmem:s0+$0x1470] =	vst v1  }
0x46: {  	[tilespmem:s0+$0x1400] =	vst v1  }
0x47: {  	[tilespmem:s0+$0x1410] =	vst v1  }
0x48: {  	[tilespmem:s0+$0x1420] =	vst v1  }
0x49: {  	[tilespmem:s0+$0x1430] =	vst v1  }
0x4a: {  	[tilespmem:s0+$0x1440] =	vst v1  }
0x4b: {  	[tilespmem:s0+$0x1450] =	vst v1  }
0x4c: {  	[tilespmem:s0+$0x1460] =	vst v1  }
0x4d: {  	[bflag:$0x0] =	sbarrier.arrive $0xFFFF  }
0x4e: {  	s3 =	rddreg [dreg:$0x7]  }
0x4f: {  	[tilespmem:s4], [sflag:$0x2] =	stream.linear.gather [hbm4b:s3+s4], $0x1400, $0x38;
	[tilespmem:$0x19400] =	vst v63  }
0x50: {  	_ =	swait.ge [sflag:s14], $0x1400  }
0x51: {  	[sflag:s14] =	ssyncset.done $0x0  }
0x52: {  	[sflag:s14] =	ssyncadd.s32 $0xFFFFEC00  }
0x53: {  	[spmem:s2] =	stream.indirect.scatter.add.f32 [tilespmem:s13], [sflag:$0x1], $0x80, s4, s15, $0xb8;
	[tilespmem:$0x19400] =	vst v63  }
0x54: {  	_ = 	snop  }
0x55: {  	[spmem:s2] =	stream.indirect.scatter.add.f32 [tilespmem:s13], [sflag:$0x1], $0x80, s15, s15, $0xb8;
	[tilespmem:$0x19400] =	vst v63  }
0x56: {  	s5 =	simm.s32 $0x100  }
0x57: {  	[spmem:s2] =	stream.indirect.scatter.add.f32 [tilespmem:s13], [sflag:$0x1], $0x80, s5, s15, $0xb8;
	[tilespmem:$0x19400] =	vst v63  }
0x58: {  	s6 =	simm.s32 $0x180  }
0x59: {  	[spmem:s2] =	stream.indirect.scatter.add.f32 [tilespmem:s13], [sflag:$0x1], $0x80, s6, s15, $0xb8;
	[tilespmem:$0x19400] =	vst v63  }
0x5a: {  	_ = 	snop  }
0x5b: {  	[spmem:s2] =	stream.indirect.scatter.add.f32 [tilespmem:s13], [sflag:$0x1], $0x80, s7, s15, $0xb8;
	[tilespmem:$0x19400] =	vst v63  }
0x5c: {  	_ = 	snop  }
0x5d: {  	[spmem:s2] =	stream.indirect.scatter.add.f32 [tilespmem:s13], [sflag:$0x1], $0x80, s8, s15, $0xb8;
	[tilespmem:$0x19400] =	vst v63  }
0x5e: {  	_ = 	snop  }
0x5f: {  	[spmem:s2] =	stream.indirect.scatter.add.f32 [tilespmem:s13], [sflag:$0x1], $0x80, s16, s15, $0xb8;
	[tilespmem:$0x19400] =	vst v63  }
0x60: {  	_ = 	snop  }
0x61: {  	[spmem:s2] =	stream.indirect.scatter.add.f32 [tilespmem:s13], [sflag:$0x1], $0x80, s9, s15, $0xb8;
	[tilespmem:$0x19400] =	vst v63  }
0x62: {  	_ =	swait.ge [sflag:s22], $0x4000  }
0x63: {  	[sflag:s22] =	ssyncset.done $0x0  }
0x64: {  	[sflag:s22] =	ssyncadd.s32 $0xFFFFC000  }
0x65: {  	_ =	swait.ge [sflag:s22], $0x4000  }
0x66: {  	[sflag:s22] =	ssyncset.done $0x0  }
0x67: {  	[sflag:s22] =	ssyncadd.s32 $0xFFFFC000  }
0x68: {  	_ =	swait.ge [sflag:s22], $0x4000  }
0x69: {  	[sflag:s22] =	ssyncset.done $0x0  }
0x6a: {  	[sflag:s22] =	ssyncadd.s32 $0xFFFFC000  }
0x6b: {  	_ =	swait.ge [sflag:s22], $0x4000  }
0x6c: {  	[sflag:s22] =	ssyncset.done $0x0  }
0x6d: {  	[sflag:s22] =	ssyncadd.s32 $0xFFFFC000  }
0x6e: {  	_ =	swait.ge [sflag:s22], $0x4000  }
0x6f: {  	[sflag:s22] =	ssyncset.done $0x0  }
0x70: {  	[sflag:s22] =	ssyncadd.s32 $0xFFFFC000  }
0x71: {  	_ =	swait.ge [sflag:s22], $0x4000  }
0x72: {  	[sflag:s22] =	ssyncset.done $0x0  }
0x73: {  	[sflag:s22] =	ssyncadd.s32 $0xFFFFC000  }
0x74: {  	_ =	swait.ge [sflag:s22], $0x4000  }
0x75: {  	[sflag:s22] =	ssyncset.done $0x0  }
0x76: {  	[sflag:s22] =	ssyncadd.s32 $0xFFFFC000  }
0x77: {  	_ =	swait.ge [sflag:s22], $0x4000  }
0x78: {  	[sflag:s22] =	ssyncset.done $0x0  }
0x79: {  	[sflag:s22] =	ssyncadd.s32 $0xFFFFC000  }
0x7a: {  	[spmem:s2] =	stream.indirect.scatter.add.f32 [tilespmem:s13], [sflag:$0x1], $0x80, s17, s15, $0xb8;
	[tilespmem:$0x19400] =	vst v63  }
0x7b: {  	_ = 	snop  }
0x7c: {  	[spmem:s2] =	stream.indirect.scatter.add.f32 [tilespmem:s13], [sflag:$0x1], $0x80, s10, s15, $0xb8;
	[tilespmem:$0x19400] =	vst v63  }
0x7d: {  	_ = 	snop  }
0x7e: {  	[spmem:s2] =	stream.indirect.scatter.add.f32 [tilespmem:s13], [sflag:$0x1], $0x80, s18, s15, $0xb8;
	[tilespmem:$0x19400] =	vst v63  }
0x7f: {  	_ = 	snop  }
0x80: {  	[spmem:s2] =	stream.indirect.scatter.add.f32 [tilespmem:s13], [sflag:$0x1], $0x80, s11, s15, $0xb8;
	[tilespmem:$0x19400] =	vst v63  }
0x81: {  	_ = 	snop  }
0x82: {  	[spmem:s2] =	stream.indirect.scatter.add.f32 [tilespmem:s13], [sflag:$0x1], $0x80, s19, s15, $0xb8;
	[tilespmem:$0x19400] =	vst v63  }
0x83: {  	_ = 	snop  }
0x84: {  	[spmem:s2] =	stream.indirect.scatter.add.f32 [tilespmem:s13], [sflag:$0x1], $0x80, s12, s15, $0xb8;
	[tilespmem:$0x19400] =	vst v63  }
0x85: {  	_ = 	snop  }
0x86: {  	[spmem:s2] =	stream.indirect.scatter.add.f32 [tilespmem:s13], [sflag:$0x1], $0x80, s20, s15, $0xb8;
	[tilespmem:$0x19400] =	vst v63  }
0x87: {  	_ = 	snop  }
0x88: {  	[spmem:s2] =	stream.indirect.scatter.add.f32 [tilespmem:s13], [sflag:$0x1], $0x80, s21, s15, $0xb8;
	[tilespmem:$0x19400] =	vst v63  }
0x89: {  	_ =	swait.ge [sflag:s22], $0x4000  }
0x8a: {  	[sflag:s22] =	ssyncset.done $0x0  }
0x8b: {  	[sflag:s22] =	ssyncadd.s32 $0xFFFFC000  }
0x8c: {  	_ =	swait.ge [sflag:s22], $0x4000  }
0x8d: {  	[sflag:s22] =	ssyncset.done $0x0  }
0x8e: {  	[sflag:s22] =	ssyncadd.s32 $0xFFFFC000  }
0x8f: {  	_ =	swait.ge [sflag:s22], $0x4000  }
0x90: {  	[sflag:s22] =	ssyncset.done $0x0  }
0x91: {  	[sflag:s22] =	ssyncadd.s32 $0xFFFFC000  }
0x92: {  	_ =	swait.ge [sflag:s22], $0x4000  }
0x93: {  	[sflag:s22] =	ssyncset.done $0x0  }
0x94: {  	[sflag:s22] =	ssyncadd.s32 $0xFFFFC000  }
0x95: {  	_ =	swait.ge [sflag:s22], $0x4000  }
0x96: {  	[sflag:s22] =	ssyncset.done $0x0  }
0x97: {  	[sflag:s22] =	ssyncadd.s32 $0xFFFFC000  }
0x98: {  	_ =	swait.ge [sflag:s22], $0x4000  }
0x99: {  	[sflag:s22] =	ssyncset.done $0x0  }
0x9a: {  	[sflag:s22] =	ssyncadd.s32 $0xFFFFC000  }
0x9b: {  	_ =	swait.ge [sflag:s22], $0x4000  }
0x9c: {  	[sflag:s22] =	ssyncset.done $0x0  }
0x9d: {  	[sflag:s22] =	ssyncadd.s32 $0xFFFFC000  }
0x9e: {  	_ =	swait.ge [sflag:s22], $0x4000  }
0x9f: {  	[sflag:s22] =	ssyncset.done $0x0  }
0xa0: {  	[sflag:s22] =	ssyncadd.s32 $0xFFFFC000  }
0xa1: {  	[spmem:s2] =	stream.indirect.scatter.add.f32 [tilespmem:s13], [sflag:$0x1], $0x80, s23, s15, $0xb8;
	[tilespmem:$0x19400] =	vst v63  }
0xa2: {  	_ = 	snop  }
0xa3: {  	[spmem:s2] =	stream.indirect.scatter.add.f32 [tilespmem:s13], [sflag:$0x1], $0x80, s24, s15, $0xb8;
	[tilespmem:$0x19400] =	vst v63  }
0xa4: {  	_ = 	snop  }
0xa5: {  	[spmem:s2] =	stream.indirect.scatter.add.f32 [tilespmem:s13], [sflag:$0x1], $0x80, s25, s15, $0xb8;
	[tilespmem:$0x19400] =	vst v63  }
0xa6: {  	_ = 	snop  }
0xa7: {  	[spmem:s2] =	stream.indirect.scatter.add.f32 [tilespmem:s13], [sflag:$0x1], $0x80, s26, s15, $0xb8;
	[tilespmem:$0x19400] =	vst v63  }
0xa8: {  	_ = 	snop  }
0xa9: {  	[spmem:s2] =	stream.indirect.scatter.add.f32 [tilespmem:s13], [sflag:$0x1], $0x80, s28, s15, $0xb8;
	[tilespmem:$0x19400] =	vst v63  }
0xaa: {  	_ = 	snop  }
0xab: {  	[spmem:s2] =	stream.indirect.scatter.add.f32 [tilespmem:s13], [sflag:$0x1], $0x80, s29, s15, $0xb8;
	[tilespmem:$0x19400] =	vst v63  }
0xac: {  	_ = 	snop  }
0xad: {  	[spmem:s2] =	stream.indirect.scatter.add.f32 [tilespmem:s13], [sflag:$0x1], $0x80, s30, s15, $0xb8;
	[tilespmem:$0x19400] =	vst v63  }
0xae: {  	_ = 	snop  }
0xaf: {  	[spmem:s2] =	stream.indirect.scatter.add.f32 [tilespmem:s13], [sflag:$0x1], $0x80, s31, s15, $0xb8;
	[tilespmem:$0x19400] =	vst v63  }
0xb0: {  	_ =	swait.ge [sflag:s22], $0x4000  }
0xb1: {  	[sflag:s22] =	ssyncset.done $0x0  }
0xb2: {  	[sflag:s22] =	ssyncadd.s32 $0xFFFFC000  }
0xb3: {  	_ =	swait.ge [sflag:s22], $0x4000  }
0xb4: {  	[sflag:s22] =	ssyncset.done $0x0  }
0xb5: {  	[sflag:s22] =	ssyncadd.s32 $0xFFFFC000  }
0xb6: {  	_ =	swait.ge [sflag:s22], $0x4000  }
0xb7: {  	[sflag:s22] =	ssyncset.done $0x0  }
0xb8: {  	[sflag:s22] =	ssyncadd.s32 $0xFFFFC000  }
0xb9: {  	_ =	swait.ge [sflag:s22], $0x4000  }
0xba: {  	[sflag:s22] =	ssyncset.done $0x0  }
0xbb: {  	[sflag:s22] =	ssyncadd.s32 $0xFFFFC000  }
0xbc: {  	_ =	swait.ge [sflag:s22], $0x4000  }
0xbd: {  	[sflag:s22] =	ssyncset.done $0x0  }
0xbe: {  	[sflag:s22] =	ssyncadd.s32 $0xFFFFC000  }
0xbf: {  	_ =	swait.ge [sflag:s22], $0x4000  }
0xc0: {  	[sflag:s22] =	ssyncset.done $0x0  }
0xc1: {  	[sflag:s22] =	ssyncadd.s32 $0xFFFFC000  }
0xc2: {  	_ =	swait.ge [sflag:s22], $0x4000  }
0xc3: {  	[sflag:s22] =	ssyncset.done $0x0  }
0xc4: {  	[sflag:s22] =	ssyncadd.s32 $0xFFFFC000  }
0xc5: {  	_ =	swait.ge [sflag:s22], $0x4000  }
0xc6: {  	[sflag:s22] =	ssyncset.done $0x0  }
0xc7: {  	s3 =	simm.s32 $0xC00;
	[sflag:s22] =	ssyncadd.s32 $0xFFFFC000  }
0xc8: {  	[spmem:s2] =	stream.indirect.scatter.add.f32 [tilespmem:s13], [sflag:$0x1], $0x80, s3, s15, $0xb8;
	[tilespmem:$0x19400] =	vst v63  }
0xc9: {  	s0 =	simm.s32 $0xC80  }
0xca: {  	[spmem:s2] =	stream.indirect.scatter.add.f32 [tilespmem:s13], [sflag:$0x1], $0x80, s0, s15, $0xb8;
	[tilespmem:$0x19400] =	vst v63  }
0xcb: {  	s0 =	simm.s32 $0xD00  }
0xcc: {  	[spmem:s2] =	stream.indirect.scatter.add.f32 [tilespmem:s13], [sflag:$0x1], $0x80, s0, s15, $0xb8;
	[tilespmem:$0x19400] =	vst v63  }
0xcd: {  	s0 =	simm.s32 $0xD80  }
0xce: {  	[spmem:s2] =	stream.indirect.scatter.add.f32 [tilespmem:s13], [sflag:$0x1], $0x80, s0, s15, $0xb8;
	[tilespmem:$0x19400] =	vst v63  }
0xcf: {  	s0 =	simm.s32 $0xE00  }
0xd0: {  	[spmem:s2] =	stream.indirect.scatter.add.f32 [tilespmem:s13], [sflag:$0x1], $0x80, s0, s15, $0xb8;
	[tilespmem:$0x19400] =	vst v63  }
0xd1: {  	s0 =	simm.s32 $0xE80  }
0xd2: {  	[spmem:s2] =	stream.indirect.scatter.add.f32 [tilespmem:s13], [sflag:$0x1], $0x80, s0, s15, $0xb8;
	[tilespmem:$0x19400] =	vst v63  }
0xd3: {  	s0 =	simm.s32 $0xF00  }
0xd4: {  	[spmem:s2] =	stream.indirect.scatter.add.f32 [tilespmem:s13], [sflag:$0x1], $0x80, s0, s15, $0xb8;
	[tilespmem:$0x19400] =	vst v63  }
0xd5: {  	s0 =	simm.s32 $0xF80  }
0xd6: {  	[spmem:s2] =	stream.indirect.scatter.add.f32 [tilespmem:s13], [sflag:$0x1], $0x80, s0, s15, $0xb8;
	[tilespmem:$0x19400] =	vst v63  }
0xd7: {  	_ =	swait.ge [sflag:s22], $0x4000  }
0xd8: {  	[sflag:s22] =	ssyncset.done $0x0  }
0xd9: {  	[sflag:s22] =	ssyncadd.s32 $0xFFFFC000  }
0xda: {  	_ =	swait.ge [sflag:s22], $0x4000  }
0xdb: {  	[sflag:s22] =	ssyncset.done $0x0  }
0xdc: {  	[sflag:s22] =	ssyncadd.s32 $0xFFFFC000  }
0xdd: {  	_ =	swait.ge [sflag:s22], $0x4000  }
0xde: {  	[sflag:s22] =	ssyncset.done $0x0  }
0xdf: {  	[sflag:s22] =	ssyncadd.s32 $0xFFFFC000  }
0xe0: {  	_ =	swait.ge [sflag:s22], $0x4000  }
0xe1: {  	[sflag:s22] =	ssyncset.done $0x0  }
0xe2: {  	[sflag:s22] =	ssyncadd.s32 $0xFFFFC000  }
0xe3: {  	_ =	swait.ge [sflag:s22], $0x4000  }
0xe4: {  	[sflag:s22] =	ssyncset.done $0x0  }
0xe5: {  	[sflag:s22] =	ssyncadd.s32 $0xFFFFC000  }
0xe6: {  	_ =	swait.ge [sflag:s22], $0x4000  }
0xe7: {  	[sflag:s22] =	ssyncset.done $0x0  }
0xe8: {  	[sflag:s22] =	ssyncadd.s32 $0xFFFFC000  }
0xe9: {  	_ =	swait.ge [sflag:s22], $0x4000  }
0xea: {  	[sflag:s22] =	ssyncset.done $0x0  }
0xeb: {  	[sflag:s22] =	ssyncadd.s32 $0xFFFFC000  }
0xec: {  	_ =	swait.ge [sflag:s22], $0x4000  }
0xed: {  	[sflag:s22] =	ssyncset.done $0x0  }
0xee: {  	s0 =	simm.s32 $0x1000;
	[sflag:s22] =	ssyncadd.s32 $0xFFFFC000  }
0xef: {  	[spmem:s2] =	stream.indirect.scatter.add.f32 [tilespmem:s13], [sflag:$0x1], $0x80, s0, s15, $0xb8;
	[tilespmem:$0x19400] =	vst v63  }
0xf0: {  	s0 =	simm.s32 $0x1080  }
0xf1: {  	[spmem:s2] =	stream.indirect.scatter.add.f32 [tilespmem:s13], [sflag:$0x1], $0x80, s0, s15, $0xb8;
	[tilespmem:$0x19400] =	vst v63  }
0xf2: {  	s0 =	simm.s32 $0x1100  }
0xf3: {  	[spmem:s2] =	stream.indirect.scatter.add.f32 [tilespmem:s13], [sflag:$0x1], $0x80, s0, s15, $0xb8;
	[tilespmem:$0x19400] =	vst v63  }
0xf4: {  	s0 =	simm.s32 $0x1180  }
0xf5: {  	[spmem:s2] =	stream.indirect.scatter.add.f32 [tilespmem:s13], [sflag:$0x1], $0x80, s0, s15, $0xb8;
	[tilespmem:$0x19400] =	vst v63  }
0xf6: {  	s0 =	simm.s32 $0x1200  }
0xf7: {  	[spmem:s2] =	stream.indirect.scatter.add.f32 [tilespmem:s13], [sflag:$0x1], $0x80, s0, s15, $0xb8;
	[tilespmem:$0x19400] =	vst v63  }
0xf8: {  	s0 =	simm.s32 $0x1280  }
0xf9: {  	[spmem:s2] =	stream.indirect.scatter.add.f32 [tilespmem:s13], [sflag:$0x1], $0x80, s0, s15, $0xb8;
	[tilespmem:$0x19400] =	vst v63  }
0xfa: {  	s0 =	simm.s32 $0x1300  }
0xfb: {  	[spmem:s2] =	stream.indirect.scatter.add.f32 [tilespmem:s13], [sflag:$0x1], $0x80, s0, s15, $0xb8;
	[tilespmem:$0x19400] =	vst v63  }
0xfc: {  	s0 =	simm.s32 $0x1380  }
0xfd: {  	[spmem:s2] =	stream.indirect.scatter.add.f32 [tilespmem:s13], [sflag:$0x1], $0x80, s0, s15, $0xb8;
	[tilespmem:$0x19400] =	vst v63  }
0xfe: {  	_ =	swait.ge [sflag:s22], $0x4000  }
0xff: {  	[sflag:s22] =	ssyncset.done $0x0  }
0x100: {  	[sflag:s22] =	ssyncadd.s32 $0xFFFFC000  }
0x101: {  	_ =	swait.ge [sflag:s22], $0x4000  }
0x102: {  	[sflag:s22] =	ssyncset.done $0x0  }
0x103: {  	[sflag:s22] =	ssyncadd.s32 $0xFFFFC000  }
0x104: {  	_ =	swait.ge [sflag:s22], $0x4000  }
0x105: {  	[sflag:s22] =	ssyncset.done $0x0  }
0x106: {  	[sflag:s22] =	ssyncadd.s32 $0xFFFFC000  }
0x107: {  	_ =	swait.ge [sflag:s22], $0x4000  }
0x108: {  	[sflag:s22] =	ssyncset.done $0x0  }
0x109: {  	[sflag:s22] =	ssyncadd.s32 $0xFFFFC000  }
0x10a: {  	_ =	swait.ge [sflag:s22], $0x4000  }
0x10b: {  	[sflag:s22] =	ssyncset.done $0x0  }
0x10c: {  	[sflag:s22] =	ssyncadd.s32 $0xFFFFC000  }
0x10d: {  	_ =	swait.ge [sflag:s22], $0x4000  }
0x10e: {  	[sflag:s22] =	ssyncset.done $0x0  }
0x10f: {  	[sflag:s22] =	ssyncadd.s32 $0xFFFFC000  }
0x110: {  	_ =	swait.ge [sflag:s22], $0x4000  }
0x111: {  	[sflag:s22] =	ssyncset.done $0x0  }
0x112: {  	[sflag:s22] =	ssyncadd.s32 $0xFFFFC000  }
0x113: {  	_ =	swait.ge [sflag:s22], $0x4000  }
0x114: {  	[sflag:s22] =	ssyncset.done $0x0  }
0x115: {  	s0 =	rddreg [dreg:$0x8];
	[sflag:s22] =	ssyncadd.s32 $0xFFFFC000  }
0x116: {  	[tilespmem:s4], [sflag:$0x2] =	stream.linear.gather [hbm4b:s0+s4], $0x1400, $0x38;
	[tilespmem:$0x19400] =	vst v63  }
0x117: {  	_ =	swait.ge [sflag:s14], $0x1400  }
0x118: {  	[sflag:s14] =	ssyncset.done $0x0  }
0x119: {  	[sflag:s14] =	ssyncadd.s32 $0xFFFFEC00  }
0x11a: {  	[spmem:s2] =	stream.indirect.scatter.add.f32 [tilespmem:s13], [sflag:$0x1], $0x80, s4, s15, $0xb8;
	[tilespmem:$0x19400] =	vst v63  }
0x11b: {  	_ = 	snop  }
0x11c: {  	[spmem:s2] =	stream.indirect.scatter.add.f32 [tilespmem:s13], [sflag:$0x1], $0x80, s15, s15, $0xb8;
	[tilespmem:$0x19400] =	vst v63  }
0x11d: {  	_ = 	snop  }
0x11e: {  	[spmem:s2] =	stream.indirect.scatter.add.f32 [tilespmem:s13], [sflag:$0x1], $0x80, s5, s15, $0xb8;
	[tilespmem:$0x19400] =	vst v63  }
0x11f: {  	_ = 	snop  }
0x120: {  	[spmem:s2] =	stream.indirect.scatter.add.f32 [tilespmem:s13], [sflag:$0x1], $0x80, s6, s15, $0xb8;
	[tilespmem:$0x19400] =	vst v63  }
0x121: {  	_ = 	snop  }
0x122: {  	[spmem:s2] =	stream.indirect.scatter.add.f32 [tilespmem:s13], [sflag:$0x1], $0x80, s7, s15, $0xb8;
	[tilespmem:$0x19400] =	vst v63  }
0x123: {  	_ = 	snop  }
0x124: {  	[spmem:s2] =	stream.indirect.scatter.add.f32 [tilespmem:s13], [sflag:$0x1], $0x80, s8, s15, $0xb8;
	[tilespmem:$0x19400] =	vst v63  }
0x125: {  	_ = 	snop  }
0x126: {  	[spmem:s2] =	stream.indirect.scatter.add.f32 [tilespmem:s13], [sflag:$0x1], $0x80, s16, s15, $0xb8;
	[tilespmem:$0x19400] =	vst v63  }
0x127: {  	_ = 	snop  }
0x128: {  	[spmem:s2] =	stream.indirect.scatter.add.f32 [tilespmem:s13], [sflag:$0x1], $0x80, s9, s15, $0xb8;
	[tilespmem:$0x19400] =	vst v63  }
0x129: {  	_ =	swait.ge [sflag:s22], $0x4000  }
0x12a: {  	[sflag:s22] =	ssyncset.done $0x0  }
0x12b: {  	[sflag:s22] =	ssyncadd.s32 $0xFFFFC000  }
0x12c: {  	_ =	swait.ge [sflag:s22], $0x4000  }
0x12d: {  	[sflag:s22] =	ssyncset.done $0x0  }
0x12e: {  	[sflag:s22] =	ssyncadd.s32 $0xFFFFC000  }
0x12f: {  	_ =	swait.ge [sflag:s22], $0x4000  }
0x130: {  	[sflag:s22] =	ssyncset.done $0x0  }
0x131: {  	[sflag:s22] =	ssyncadd.s32 $0xFFFFC000  }
0x132: {  	_ =	swait.ge [sflag:s22], $0x4000  }
0x133: {  	[sflag:s22] =	ssyncset.done $0x0  }
0x134: {  	[sflag:s22] =	ssyncadd.s32 $0xFFFFC000  }
0x135: {  	_ =	swait.ge [sflag:s22], $0x4000  }
0x136: {  	[sflag:s22] =	ssyncset.done $0x0  }
0x137: {  	[sflag:s22] =	ssyncadd.s32 $0xFFFFC000  }
0x138: {  	_ =	swait.ge [sflag:s22], $0x4000  }
0x139: {  	[sflag:s22] =	ssyncset.done $0x0  }
0x13a: {  	[sflag:s22] =	ssyncadd.s32 $0xFFFFC000  }
0x13b: {  	_ =	swait.ge [sflag:s22], $0x4000  }
0x13c: {  	[sflag:s22] =	ssyncset.done $0x0  }
0x13d: {  	[sflag:s22] =	ssyncadd.s32 $0xFFFFC000  }
0x13e: {  	_ =	swait.ge [sflag:s22], $0x4000  }
0x13f: {  	[sflag:s22] =	ssyncset.done $0x0  }
0x140: {  	[sflag:s22] =	ssyncadd.s32 $0xFFFFC000  }
0x141: {  	[spmem:s2] =	stream.indirect.scatter.add.f32 [tilespmem:s13], [sflag:$0x1], $0x80, s17, s15, $0xb8;
	[tilespmem:$0x19400] =	vst v63  }
0x142: {  	_ = 	snop  }
0x143: {  	[spmem:s2] =	stream.indirect.scatter.add.f32 [tilespmem:s13], [sflag:$0x1], $0x80, s10, s15, $0xb8;
	[tilespmem:$0x19400] =	vst v63  }
0x144: {  	_ = 	snop  }
0x145: {  	[spmem:s2] =	stream.indirect.scatter.add.f32 [tilespmem:s13], [sflag:$0x1], $0x80, s18, s15, $0xb8;
	[tilespmem:$0x19400] =	vst v63  }
0x146: {  	_ = 	snop  }
0x147: {  	[spmem:s2] =	stream.indirect.scatter.add.f32 [tilespmem:s13], [sflag:$0x1], $0x80, s11, s15, $0xb8;
	[tilespmem:$0x19400] =	vst v63  }
0x148: {  	_ = 	snop  }
0x149: {  	[spmem:s2] =	stream.indirect.scatter.add.f32 [tilespmem:s13], [sflag:$0x1], $0x80, s19, s15, $0xb8;
	[tilespmem:$0x19400] =	vst v63  }
0x14a: {  	_ = 	snop  }
0x14b: {  	[spmem:s2] =	stream.indirect.scatter.add.f32 [tilespmem:s13], [sflag:$0x1], $0x80, s12, s15, $0xb8;
	[tilespmem:$0x19400] =	vst v63  }
0x14c: {  	_ = 	snop  }
0x14d: {  	[spmem:s2] =	stream.indirect.scatter.add.f32 [tilespmem:s13], [sflag:$0x1], $0x80, s20, s15, $0xb8;
	[tilespmem:$0x19400] =	vst v63  }
0x14e: {  	_ = 	snop  }
0x14f: {  	[spmem:s2] =	stream.indirect.scatter.add.f32 [tilespmem:s13], [sflag:$0x1], $0x80, s21, s15, $0xb8;
	[tilespmem:$0x19400] =	vst v63  }
0x150: {  	_ =	swait.ge [sflag:s22], $0x4000  }
0x151: {  	[sflag:s22] =	ssyncset.done $0x0  }
0x152: {  	[sflag:s22] =	ssyncadd.s32 $0xFFFFC000  }
0x153: {  	_ =	swait.ge [sflag:s22], $0x4000  }
0x154: {  	[sflag:s22] =	ssyncset.done $0x0  }
0x155: {  	[sflag:s22] =	ssyncadd.s32 $0xFFFFC000  }
0x156: {  	_ =	swait.ge [sflag:s22], $0x4000  }
0x157: {  	[sflag:s22] =	ssyncset.done $0x0  }
0x158: {  	[sflag:s22] =	ssyncadd.s32 $0xFFFFC000  }
0x159: {  	_ =	swait.ge [sflag:s22], $0x4000  }
0x15a: {  	[sflag:s22] =	ssyncset.done $0x0  }
0x15b: {  	[sflag:s22] =	ssyncadd.s32 $0xFFFFC000  }
0x15c: {  	_ =	swait.ge [sflag:s22], $0x4000  }
0x15d: {  	[sflag:s22] =	ssyncset.done $0x0  }
0x15e: {  	[sflag:s22] =	ssyncadd.s32 $0xFFFFC000  }
0x15f: {  	_ =	swait.ge [sflag:s22], $0x4000  }
0x160: {  	[sflag:s22] =	ssyncset.done $0x0  }
0x161: {  	[sflag:s22] =	ssyncadd.s32 $0xFFFFC000  }
0x162: {  	_ =	swait.ge [sflag:s22], $0x4000  }
0x163: {  	[sflag:s22] =	ssyncset.done $0x0  }
0x164: {  	[sflag:s22] =	ssyncadd.s32 $0xFFFFC000  }
0x165: {  	_ =	swait.ge [sflag:s22], $0x4000  }
0x166: {  	[sflag:s22] =	ssyncset.done $0x0  }
0x167: {  	[sflag:s22] =	ssyncadd.s32 $0xFFFFC000  }
0x168: {  	[spmem:s2] =	stream.indirect.scatter.add.f32 [tilespmem:s13], [sflag:$0x1], $0x80, s23, s15, $0xb8;
	[tilespmem:$0x19400] =	vst v63  }
0x169: {  	_ = 	snop  }
0x16a: {  	[spmem:s2] =	stream.indirect.scatter.add.f32 [tilespmem:s13], [sflag:$0x1], $0x80, s24, s15, $0xb8;
	[tilespmem:$0x19400] =	vst v63  }
0x16b: {  	_ = 	snop  }
0x16c: {  	[spmem:s2] =	stream.indirect.scatter.add.f32 [tilespmem:s13], [sflag:$0x1], $0x80, s25, s15, $0xb8;
	[tilespmem:$0x19400] =	vst v63  }
0x16d: {  	_ = 	snop  }
0x16e: {  	[spmem:s2] =	stream.indirect.scatter.add.f32 [tilespmem:s13], [sflag:$0x1], $0x80, s26, s15, $0xb8;
	[tilespmem:$0x19400] =	vst v63  }
0x16f: {  	_ = 	snop  }
0x170: {  	[spmem:s2] =	stream.indirect.scatter.add.f32 [tilespmem:s13], [sflag:$0x1], $0x80, s28, s15, $0xb8;
	[tilespmem:$0x19400] =	vst v63  }
0x171: {  	_ = 	snop  }
0x172: {  	[spmem:s2] =	stream.indirect.scatter.add.f32 [tilespmem:s13], [sflag:$0x1], $0x80, s29, s15, $0xb8;
	[tilespmem:$0x19400] =	vst v63  }
0x173: {  	_ = 	snop  }
0x174: {  	[spmem:s2] =	stream.indirect.scatter.add.f32 [tilespmem:s13], [sflag:$0x1], $0x80, s30, s15, $0xb8;
	[tilespmem:$0x19400] =	vst v63  }
0x175: {  	_ = 	snop  }
0x176: {  	[spmem:s2] =	stream.indirect.scatter.add.f32 [tilespmem:s13], [sflag:$0x1], $0x80, s31, s15, $0xb8;
	[tilespmem:$0x19400] =	vst v63  }
0x177: {  	_ =	swait.ge [sflag:s22], $0x4000  }
0x178: {  	[sflag:s22] =	ssyncset.done $0x0  }
0x179: {  	[sflag:s22] =	ssyncadd.s32 $0xFFFFC000  }
0x17a: {  	_ =	swait.ge [sflag:s22], $0x4000  }
0x17b: {  	[sflag:s22] =	ssyncset.done $0x0  }
0x17c: {  	[sflag:s22] =	ssyncadd.s32 $0xFFFFC000  }
0x17d: {  	_ =	swait.ge [sflag:s22], $0x4000  }
0x17e: {  	[sflag:s22] =	ssyncset.done $0x0  }
0x17f: {  	[sflag:s22] =	ssyncadd.s32 $0xFFFFC000  }
0x180: {  	_ =	swait.ge [sflag:s22], $0x4000  }
0x181: {  	[sflag:s22] =	ssyncset.done $0x0  }
0x182: {  	[sflag:s22] =	ssyncadd.s32 $0xFFFFC000  }
0x183: {  	_ =	swait.ge [sflag:s22], $0x4000  }
0x184: {  	[sflag:s22] =	ssyncset.done $0x0  }
0x185: {  	[sflag:s22] =	ssyncadd.s32 $0xFFFFC000  }
0x186: {  	_ =	swait.ge [sflag:s22], $0x4000  }
0x187: {  	[sflag:s22] =	ssyncset.done $0x0  }
0x188: {  	[sflag:s22] =	ssyncadd.s32 $0xFFFFC000  }
0x189: {  	_ =	swait.ge [sflag:s22], $0x4000  }
0x18a: {  	[sflag:s22] =	ssyncset.done $0x0  }
0x18b: {  	[sflag:s22] =	ssyncadd.s32 $0xFFFFC000  }
0x18c: {  	_ =	swait.ge [sflag:s22], $0x4000  }
0x18d: {  	[sflag:s22] =	ssyncset.done $0x0  }
0x18e: {  	[sflag:s22] =	ssyncadd.s32 $0xFFFFC000  }
0x18f: {  	[spmem:s2] =	stream.indirect.scatter.add.f32 [tilespmem:s13], [sflag:$0x1], $0x80, s3, s15, $0xb8;
	[tilespmem:$0x19400] =	vst v63  }
0x190: {  	s5 =	simm.s32 $0xC80  }
0x191: {  	[spmem:s2] =	stream.indirect.scatter.add.f32 [tilespmem:s13], [sflag:$0x1], $0x80, s5, s15, $0xb8;
	[tilespmem:$0x19400] =	vst v63  }
0x192: {  	s6 =	simm.s32 $0xD00  }
0x193: {  	[spmem:s2] =	stream.indirect.scatter.add.f32 [tilespmem:s13], [sflag:$0x1], $0x80, s6, s15, $0xb8;
	[tilespmem:$0x19400] =	vst v63  }
0x194: {  	s3 =	simm.s32 $0xD80  }
0x195: {  	[spmem:s2] =	stream.indirect.scatter.add.f32 [tilespmem:s13], [sflag:$0x1], $0x80, s3, s15, $0xb8;
	[tilespmem:$0x19400] =	vst v63  }
0x196: {  	s5 =	simm.s32 $0xE00  }
0x197: {  	[spmem:s2] =	stream.indirect.scatter.add.f32 [tilespmem:s13], [sflag:$0x1], $0x80, s5, s15, $0xb8;
	[tilespmem:$0x19400] =	vst v63  }
0x198: {  	s6 =	simm.s32 $0xE80  }
0x199: {  	[spmem:s2] =	stream.indirect.scatter.add.f32 [tilespmem:s13], [sflag:$0x1], $0x80, s6, s15, $0xb8;
	[tilespmem:$0x19400] =	vst v63  }
0x19a: {  	s3 =	simm.s32 $0xF00  }
0x19b: {  	[spmem:s2] =	stream.indirect.scatter.add.f32 [tilespmem:s13], [sflag:$0x1], $0x80, s3, s15, $0xb8;
	[tilespmem:$0x19400] =	vst v63  }
0x19c: {  	s5 =	simm.s32 $0xF80  }
0x19d: {  	[spmem:s2] =	stream.indirect.scatter.add.f32 [tilespmem:s13], [sflag:$0x1], $0x80, s5, s15, $0xb8;
	[tilespmem:$0x19400] =	vst v63  }
0x19e: {  	_ =	swait.ge [sflag:s22], $0x4000  }
0x19f: {  	[sflag:s22] =	ssyncset.done $0x0  }
0x1a0: {  	[sflag:s22] =	ssyncadd.s32 $0xFFFFC000  }
0x1a1: {  	_ =	swait.ge [sflag:s22], $0x4000  }
0x1a2: {  	[sflag:s22] =	ssyncset.done $0x0  }
0x1a3: {  	[sflag:s22] =	ssyncadd.s32 $0xFFFFC000  }
0x1a4: {  	_ =	swait.ge [sflag:s22], $0x4000  }
0x1a5: {  	[sflag:s22] =	ssyncset.done $0x0  }
0x1a6: {  	[sflag:s22] =	ssyncadd.s32 $0xFFFFC000  }
0x1a7: {  	_ =	swait.ge [sflag:s22], $0x4000  }
0x1a8: {  	[sflag:s22] =	ssyncset.done $0x0  }
0x1a9: {  	[sflag:s22] =	ssyncadd.s32 $0xFFFFC000  }
0x1aa: {  	_ =	swait.ge [sflag:s22], $0x4000  }
0x1ab: {  	[sflag:s22] =	ssyncset.done $0x0  }
0x1ac: {  	[sflag:s22] =	ssyncadd.s32 $0xFFFFC000  }
0x1ad: {  	_ =	swait.ge [sflag:s22], $0x4000  }
0x1ae: {  	[sflag:s22] =	ssyncset.done $0x0  }
0x1af: {  	[sflag:s22] =	ssyncadd.s32 $0xFFFFC000  }
0x1b0: {  	_ =	swait.ge [sflag:s22], $0x4000  }
0x1b1: {  	[sflag:s22] =	ssyncset.done $0x0  }
0x1b2: {  	[sflag:s22] =	ssyncadd.s32 $0xFFFFC000  }
0x1b3: {  	_ =	swait.ge [sflag:s22], $0x4000  }
0x1b4: {  	[sflag:s22] =	ssyncset.done $0x0  }
0x1b5: {  	s6 =	simm.s32 $0x1000;
	[sflag:s22] =	ssyncadd.s32 $0xFFFFC000  }
0x1b6: {  	[spmem:s2] =	stream.indirect.scatter.add.f32 [tilespmem:s13], [sflag:$0x1], $0x80, s6, s15, $0xb8;
	[tilespmem:$0x19400] =	vst v63  }
0x1b7: {  	s3 =	simm.s32 $0x1080  }
0x1b8: {  	[spmem:s2] =	stream.indirect.scatter.add.f32 [tilespmem:s13], [sflag:$0x1], $0x80, s3, s15, $0xb8;
	[tilespmem:$0x19400] =	vst v63  }
0x1b9: {  	s5 =	simm.s32 $0x1100  }
0x1ba: {  	[spmem:s2] =	stream.indirect.scatter.add.f32 [tilespmem:s13], [sflag:$0x1], $0x80, s5, s15, $0xb8;
	[tilespmem:$0x19400] =	vst v63  }
0x1bb: {  	s6 =	simm.s32 $0x1180  }
0x1bc: {  	[spmem:s2] =	stream.indirect.scatter.add.f32 [tilespmem:s13], [sflag:$0x1], $0x80, s6, s15, $0xb8;
	[tilespmem:$0x19400] =	vst v63  }
0x1bd: {  	s3 =	simm.s32 $0x1200  }
0x1be: {  	[spmem:s2] =	stream.indirect.scatter.add.f32 [tilespmem:s13], [sflag:$0x1], $0x80, s3, s15, $0xb8;
	[tilespmem:$0x19400] =	vst v63  }
0x1bf: {  	s5 =	simm.s32 $0x1280  }
0x1c0: {  	[spmem:s2] =	stream.indirect.scatter.add.f32 [tilespmem:s13], [sflag:$0x1], $0x80, s5, s15, $0xb8;
	[tilespmem:$0x19400] =	vst v63  }
0x1c1: {  	s6 =	simm.s32 $0x1300  }
0x1c2: {  	[spmem:s2] =	stream.indirect.scatter.add.f32 [tilespmem:s13], [sflag:$0x1], $0x80, s6, s15, $0xb8;
	[tilespmem:$0x19400] =	vst v63  }
0x1c3: {  	s3 =	simm.s32 $0x1380  }
0x1c4: {  	[spmem:s2] =	stream.indirect.scatter.add.f32 [tilespmem:s13], [sflag:$0x1], $0x80, s3, s15, $0xb8;
	[tilespmem:$0x19400] =	vst v63  }
0x1c5: {  	_ =	swait.ge [sflag:s22], $0x4000  }
0x1c6: {  	[sflag:s22] =	ssyncset.done $0x0  }
0x1c7: {  	[sflag:s22] =	ssyncadd.s32 $0xFFFFC000  }
0x1c8: {  	_ =	swait.ge [sflag:s22], $0x4000  }
0x1c9: {  	[sflag:s22] =	ssyncset.done $0x0  }
0x1ca: {  	[sflag:s22] =	ssyncadd.s32 $0xFFFFC000  }
0x1cb: {  	_ =	swait.ge [sflag:s22], $0x4000  }
0x1cc: {  	[sflag:s22] =	ssyncset.done $0x0  }
0x1cd: {  	[sflag:s22] =	ssyncadd.s32 $0xFFFFC000  }
0x1ce: {  	_ =	swait.ge [sflag:s22], $0x4000  }
0x1cf: {  	[sflag:s22] =	ssyncset.done $0x0  }
0x1d0: {  	[sflag:s22] =	ssyncadd.s32 $0xFFFFC000  }
0x1d1: {  	_ =	swait.ge [sflag:s22], $0x4000  }
0x1d2: {  	[sflag:s22] =	ssyncset.done $0x0  }
0x1d3: {  	[sflag:s22] =	ssyncadd.s32 $0xFFFFC000  }
0x1d4: {  	_ =	swait.ge [sflag:s22], $0x4000  }
0x1d5: {  	[sflag:s22] =	ssyncset.done $0x0  }
0x1d6: {  	[sflag:s22] =	ssyncadd.s32 $0xFFFFC000  }
0x1d7: {  	_ =	swait.ge [sflag:s22], $0x4000  }
0x1d8: {  	[sflag:s22] =	ssyncset.done $0x0  }
0x1d9: {  	[sflag:s22] =	ssyncadd.s32 $0xFFFFC000  }
0x1da: {  	_ =	swait.ge [sflag:s22], $0x4000  }
0x1db: {  	[sflag:s22] =	ssyncset.done $0x0  }
0x1dc: {  	[sflag:s22] =	ssyncadd.s32 $0xFFFFC000  }
0x1dd: {  	s5 =	stileid.u32;
	[bflag:$0x0] =	sbarrier.arrive $0xFFFF  }
0x1de: {  	s0 =	sshll.u32 s5, $0x6;
	s3 =	rddreg [dreg:$0xb]  }
0x1df: {  	s0 =	sor.u32 $0x1C02, s0;
	s6 =	rddreg [dreg:$0x9];
	s5 =	sshrl.u32 s3, $0x3  }
0x1e0: {  	[hbm:s6], [sflag:s0] =	dma.local [spmem:s5], $0x2800  }
0x1e1: {  	_ =	swait.ge [sflag:s14], $0x2800  }
0x1e2: {  	s1 =	sadd.s32 $0x1, s1;
	s6 =	rddreg [dreg:$0xa]  }
0x1e3: {  	p0 =	sne.s32 s1, s6  }
.Ltmp2:
0x1e4: {  	_ = 	snop;
	(pc) =	sbr.rel @p0 .LBB2_1-.Ltmp2, $3  }
0x1e5: {  	_ =	sdelay $0x1  }
0x1e6: {  	[sflag:s14] =	ssyncset.done $0x0  }
0x1e7: {  	[sflag:s14] =	ssyncadd.s32 $0xFFFFD800  }
0x1e8: {  	_ =	sfence.sel $0x180000  }
0x1e9: {  	[bflag:$0x0] =	sbarrier.arrive $0xFFFF  }
0x1ea: {  	_ =	strace $0x90000047  }
0x1eb: {  	s0 =	stileid.u32;
	[bflag:$0x2] =	sbarrier.arrive $0xFFFF  }
0x1ec: {  	p0 =	sne.s32 s0, $0x0;
	s0 =	rddreg [dreg:$0x2]  }
0x1ed: {  	s0 =	sadd.s32 @!p0 $0x100000, s0  }
0x1ee: {  	[sflag:s0] =	ssyncadd.tile.s32 @!p0 $0x1;
	_ =	shalt  }
.Lfunc_end2:
_tile_overlayer_lowered:
.L_overlay_start_2:
0x1ef: {  	(tag) =	ssettag $0x2  }
0x1f0: {  	s0 =	rddreg [dreg:$0x0];
	s2 =	stileid.u32  }
0x1f1: {  	s1 =	rddreg [dreg:$0x1];
	p0 =	sne.s32 s2, $0x0  }
0x1f2: {  	s3 =	rddreg [dreg:$0x2];
	[bflag:$0x3] =	sbarrier.arrive $0xFFFF;
	s2 =	simm.s32 @!p0 $0x1C02  }
0x1f3: {  	[timem:s3], [sflag:s2] =	dma.local @!p0 [hbm:s0], s1  }
0x1f4: {  	s0 =	simm.s32 @!p0 $0x2  }
0x1f5: {  	_ =	swait.ge @!p0 [sflag:s0], s1  }
0x1f6: {  	s1 =	ssub.s32 @!p0 $0x0, s1;
	[sflag:s0] =	ssyncset.done @!p0 $0x0  }
0x1f7: {  	[sflag:s0] =	ssyncadd.s32 @!p0 s1  }
0x1f8: {  	[bflag:$0x3] =	sbarrier.arrive $0xFFFF  }
0x1f9: {  	_ =	shalt  }

// kernel: kernel.13.cloned.1.call-start
scs
__scs_entry_jumppad:
0x0: {  	(pc) =	sbr.rel $0x88, $3  }
0x1: {  	(tag) =	ssettag $0x0;
	lr =	simm.s32 $0x1  }
0x2: {  	[smem:$0x3F95] =	sst lr;
	_ =	strace $0xD0000000  }
0x3: {  	_ = 	snop  }
0x4: {  	_ = 	snop  }
0x5: {  	_ = 	snop  }
0x6: {  	_ = 	snop  }
0x7: {  	_ = 	snop  }
__scs_overlays_trampoline_lowered:
0x8: {  	[smem:$0x3FA4] =	sst s0  }
0x9: {  	[smem:$0x3FA5] =	sst s1  }
0xa: {  	[smem:$0x3FA6] =	sst s2  }
0xb: {  	[smem:$0x3FA7] =	sst s3  }
0xc: {  	[smem:$0x3FA8] =	sst s4  }
0xd: {  	[smem:$0x3FA9] =	sst s5  }
0xe: {  	[smem:$0x3FAA] =	sst s6  }
0xf: {  	[smem:$0x3FAB] =	sst s7  }
0x10: {  	[smem:$0x3FAC] =	sst s8  }
0x11: {  	[smem:$0x3FAD] =	sst s9;
	s0 =	simm.s32 @!p0 $0x0  }
0x12: {  	s1 =	sld [smem:$0x3F93];
	s0 =	simm.s32 @p0 $0x1  }
0x13: {  	[smem:$0x3FAE] =	sst s0;
	s0 =	simm.s32 @!p1 $0x0  }
0x14: {  	s2 =	sld [smem:$0x3F92];
	s0 =	simm.s32 @p1 $0x1  }
0x15: {  	[smem:$0x3FAF] =	sst s0;
	s0 =	simm.s32 @!p2 $0x0  }
0x16: {  	s3 =	sld [smem:$0x3FDB];
	s0 =	simm.s32 @p2 $0x1  }
0x17: {  	s4 =	simm.s32 $0x1BF5;
	[smem:$0x3FB1] =	sst s0  }
0x18: {  	s0 =	sld [smem:$0x3F94];
	_ =	swait.ge [sflag:s4], $0x0  }
0x19: {  	s7 =	sld [smem:$0x3F95]  }
0x1a: {  	s8 =	sadd.s32 $0xFFFFE003, lr  }
0x1b: {  	s9 =	sadd.s32 $0xFFFFFEF7, lr;
	s5 =	simm.s32 $0xFFFFFFFF;
	p2 =	slt.u32 s8, $0xFFFFF086  }
0x1c: {  	p1 =	slt.u32 s9, $0xF7A;
	s5 =	simm.s32 @!p2 $0x0  }
0x1d: {  	s5 =	simm.s32 @p1 $0x1;
	p0 =	seq.s32 s7, s2  }
0x1e: {  	s7 =	smul.u32 @!p0 $0xF7A, s2;
	p2 =	seq.s32 @!p0 s5, $0x0  }
0x1f: {  	s9 =	smul.u32 $0xF7A, s1;
	s8 =	simm.s32 @!p0 $0x1BF5;
	p2 =	por !p2, p0  }
0x20: {  	[sflag:s8] =	ssyncset.s32 @!p0 $0xFFFFF086;
	s6 =	sadd.s32 @!p0 s3, s7;
	s7 =	simm.s32 @!p0 $0x108  }
0x21: {  	s3 =	sadd.s32 s3, s9;
	s6 =	sadd.s32 @!p0 $0x88, s6;
	s7 =	simm.s32 @p2 $0x1082  }
0x22: {  	[simem:s7], [sflag:s8] =	dma.local @!p0 [hbm:s6], $0xF7A  }
0x23: {  	s9 =	sor.u32 $0xD0000000, s2;
	s6 =	simm.s32 $0x108;
	_ =	swait.ge @!p0 [sflag:s8], $0x0  }
0x24: {  	s3 =	sadd.s32 $0x88, s3;
	s6 =	simm.s32 @!p1 $0x1082;
	[sflag:s4] =	ssyncset.s32 $0xFFFFF086  }
0x25: {  	[simem:s6], [sflag:s4] =	dma.local [hbm:s3], $0xF7A  }
0x26: {  	[smem:$0x3F95] =	sst s1;
	(tag) =	ssettag s2;
	_ =	strace s9  }
0x27: {  	s1 =	sld [smem:$0x3FA5]  }
0x28: {  	s2 =	sld [smem:$0x3FA6]  }
0x29: {  	s4 =	sld [smem:$0x3FA8]  }
0x2a: {  	p0 =	seq.s32 s5, $0x0;
	s5 =	sld [smem:$0x3FA9]  }
0x2b: {  	s6 =	sld [smem:$0x3FAA]  }
0x2c: {  	s7 =	sld [smem:$0x3FAB]  }
0x2d: {  	s3 =	simm.s32 $0x108;
	s8 =	sld [smem:$0x3FAC]  }
0x2e: {  	s3 =	simm.s32 @!p0 $0x1082;
	s9 =	sld [smem:$0x3FAD]  }
0x2f: {  	lr =	sadd.s32 s0, s3;
	s0 =	sld [smem:$0x3FA4]  }
0x30: {  	s3 =	sld [smem:$0x3FA7]  }
0x31: {  	[smem:$0x3FB0] =	sst s10  }
0x32: {  	s10 =	sld [smem:$0x3FAE];
	_ =	sdelay $0x3  }
0x33: {  	p0 =	seq.s32 s10, $0x1;
	s10 =	sld [smem:$0x3FB0];
	_ =	sdelay $0x3  }
0x34: {  	[smem:$0x3FB0] =	sst s10  }
0x35: {  	s10 =	sld [smem:$0x3FAF];
	_ =	sdelay $0x3  }
0x36: {  	p1 =	seq.s32 s10, $0x1;
	s10 =	sld [smem:$0x3FB0];
	_ =	sdelay $0x3  }
0x37: {  	[smem:$0x3FB0] =	sst s10  }
0x38: {  	s10 =	sld [smem:$0x3FB1]  }
0x39: {  	_ = 	snop;
	(pc) =	sbr.ind lr, $3  }
0x3a: {  	_ = 	snop  }
0x3b: {  	_ = 	snop  }
0x3c: {  	p2 =	seq.s32 s10, $0x1;
	s10 =	sld [smem:$0x3FB0]  }
0x3d: {  	_ =	shalt  }
0x3e: {  	_ =	shalt  }
0x3f: {  	_ =	shalt  }
0x40: {  	_ =	shalt  }
0x41: {  	_ =	shalt  }
0x42: {  	_ =	shalt  }
0x43: {  	_ =	shalt  }
0x44: {  	_ =	shalt  }
0x45: {  	_ =	shalt  }
0x46: {  	_ =	shalt  }
0x47: {  	_ =	shalt  }
0x48: {  	_ =	shalt  }
0x49: {  	_ =	shalt  }
0x4a: {  	_ =	shalt  }
0x4b: {  	_ =	shalt  }
0x4c: {  	_ =	shalt  }
0x4d: {  	_ =	shalt  }
0x4e: {  	_ =	shalt  }
0x4f: {  	_ =	shalt  }
0x50: {  	_ =	shalt  }
0x51: {  	_ =	shalt  }
0x52: {  	_ =	shalt  }
0x53: {  	_ =	shalt  }
0x54: {  	_ =	shalt  }
0x55: {  	_ =	shalt  }
0x56: {  	_ =	shalt  }
0x57: {  	_ =	shalt  }
0x58: {  	_ =	shalt  }
0x59: {  	_ =	shalt  }
0x5a: {  	_ =	shalt  }
0x5b: {  	_ =	shalt  }
0x5c: {  	_ =	shalt  }
0x5d: {  	_ =	shalt  }
0x5e: {  	_ =	shalt  }
0x5f: {  	_ =	shalt  }
0x60: {  	_ =	shalt  }
0x61: {  	_ =	shalt  }
0x62: {  	_ =	shalt  }
0x63: {  	_ =	shalt  }
0x64: {  	_ =	shalt  }
0x65: {  	_ =	shalt  }
0x66: {  	_ =	shalt  }
0x67: {  	_ =	shalt  }
0x68: {  	_ =	shalt  }
0x69: {  	_ =	shalt  }
0x6a: {  	_ =	shalt  }
0x6b: {  	_ =	shalt  }
0x6c: {  	_ =	shalt  }
0x6d: {  	_ =	shalt  }
0x6e: {  	_ =	shalt  }
0x6f: {  	_ =	shalt  }
0x70: {  	_ =	shalt  }
0x71: {  	_ =	shalt  }
0x72: {  	_ =	shalt  }
0x73: {  	_ =	shalt  }
0x74: {  	_ =	shalt  }
0x75: {  	_ =	shalt  }
0x76: {  	_ =	shalt  }
0x77: {  	_ =	shalt  }
0x78: {  	_ =	shalt  }
0x79: {  	_ =	shalt  }
0x7a: {  	_ =	shalt  }
0x7b: {  	_ =	shalt  }
0x7c: {  	_ =	shalt  }
0x7d: {  	_ =	shalt  }
0x7e: {  	_ =	shalt  }
0x7f: {  	_ =	shalt  }
0x80: {  	_ =	shalt  }
0x81: {  	_ =	shalt  }
0x82: {  	_ =	shalt  }
0x83: {  	_ =	shalt  }
0x84: {  	_ =	shalt  }
0x85: {  	_ =	shalt  }
0x86: {  	_ =	shalt  }
0x87: {  	_ =	shalt  }
.Lfunc_end0:
.L_simem_size_0:
called_computation.1_lowered:
.L_overlay_start_0:
0x88: {  	s2 =	sld [smem:$0x3FD9]  }
0x89: {  	s3 =	sld [smem:$0x3FFE];
	_ =	sdelay $0x1  }
0x8a: {  	s1 =	srdreg.scid  }
0x8b: {  	s0 =	sand.u32 $0x1, s1  }
0x8c: {  	s17 =	sshll.u32 s0, $0xA;
	s2 =	sadd.s32 s3, s2  }
0x8d: {  	s2 =	sadd.s32 s2, s17  }
0x8e: {  	[smem:$0x3FBC] =	sst s2  }
0x8f: {  	_ = 	snop  }
0x90: {  	s2 =	sld [smem:$0x3FD0];
	(tm) =	ssettm $0x1  }
0x91: {  	s18 =	sld [smem:$0x3FFB];
	_ =	sdelay $0x3  }
0x92: {  	_ =	strace s18  }
0x93: {  	s3 =	sld [smem:$0x3FFC];
	_ =	sdelay $0x3  }
0x94: {  	_ =	strace s3  }
0x95: {  	s3 =	sld [smem:$0x3FFD];
	_ =	sdelay $0x3  }
0x96: {  	_ =	strace s3  }
0x97: {  	_ =	strace $0x8FFFFFFF  }
0x98: {  	s19 =	sld [smem:$0x3FDB];
	_ =	sdelay $0x1  }
0x99: {  	s4 =	simm.s32 $_scs_section_size  }
0x9a: {  	s5 =	simm.s32 $_size__tile_overlayer_lowered;
	s6 =	simm.s32 $_tile_overlayer_lowered  }
0x9b: {  	s22 =	simm.s32 $0x1BFF;
	s21 =	sshll.u32 s6, $0x1;
	s3 =	sadd.s32 s4, s19  }
0x9c: {  	s7 =	simm.s32 $0x0;
	s20 =	sshll.u32 s5, $0x1;
	s5 =	sadd.s32 s21, s3  }
0x9d: {  	[timem:s7], [sflag:s22] =	dma.local [hbm:s5], s20  }
0x9e: {  	_ =	swait.ge [sflag:s22], s20  }
0x9f: {  	s4 =	ssub.s32 $0x0, s20;
	[sflag:s22] =	ssyncset.done $0x0  }
0xa0: {  	[sflag:s22] =	ssyncadd.s32 s4;
	_ =	sdelay $0x1  }
0xa1: {  	s23 =	simm.s32 $0x1B8B  }
0xa2: {  	_ =	swait.ge [sflag:s23], $0x1  }
0xa3: {  	[sflag:s23] =	ssyncset.done $0x0  }
0xa4: {  	s25 =	simm.s32 $0x1B8E;
	s24 =	sld [smem:$0x3FFE];
	[sflag:s23] =	ssyncadd.s32 $0xFFFFFFFF  }
0xa5: {  	s26 =	simm.s32 $execute0_lowered;
	[smem:$0x3FD2] =	sst s25  }
0xa6: {  	s5 =	sshll.u32 s26, $0x1;
	_ =	strace $0x80000049;
	[dreg:$0x1] =	wrdreg $0xFFFFFFFF  }
0xa7: {  	s28 =	simm.s32 $_size_execute0_lowered;
	s3 =	sadd.s32 s3, s5;
	[dreg:$0x0] =	wrdreg $0x0  }
0xa8: {  	s5 =	sshll.u32 s28, $0x1;
	[dreg:$0x2] =	wrdreg s3  }
0xa9: {  	[dreg:$0x3] =	wrdreg s5  }
0xaa: {  	[dreg:$0x4] =	wrdreg $0xC0  }
0xab: {  	_ =	task [dreg:s7], $0x5FFFF  }
0xac: {  	[dreg:$0x1] =	wrdreg $0xFFFFFFFF  }
0xad: {  	[dreg:$0x0] =	wrdreg $0x60  }
0xae: {  	[dreg:$0x2] =	wrdreg s24  }
0xaf: {  	[dreg:$0x3] =	wrdreg s2  }
0xb0: {  	[dreg:$0x4] =	wrdreg $0xAC000  }
0xb1: {  	[dreg:$0x5] =	wrdreg $0x9  }
0xb2: {  	_ =	task.clear_ibuf [dreg:s7], $0x6FFFF;
	_ =	strace $0x90000049  }
0xb3: {  	s29 =	simm.s32 $0x9;
	_ =	strace $0x8000004B  }
0xb4: {  	_ =	swait.ge [sflag:s29], $0x1  }
0xb5: {  	[sflag:s29] =	ssyncadd.s32 $0xFFFFFFFF  }
0xb6: {  	_ =	strace $0x9000004B  }
0xb7: {  	_ =	sfence  }
0xb8: {  	s30 =	sld [smem:$0x0];
	_ =	sdelay $0x2  }
0xb9: {  	s31 =	sshll.u32 s1, $0xD;
	s1 =	sshrl.u32 s1, $0x2  }
0xba: {  	s3 =	sand.u32 $0x4000, s31;
	s1 =	sadd.s32 s1, s30  }
0xbb: {  	s0 =	sor.u32 s3, s0;
	s1 =	sshll.u32 s1, $0x11  }
0xbc: {  	s0 =	sor.u32 s1, s0  }
0xbd: {  	s0 =	sadd.s32 $0x8F2B, s0  }
0xbe: {  	[sflag:s0] =	ssyncadd.remote.s32 $0x1  }
0xbf: {  	_ =	sfence.sel $0xFFFF  }
0xc0: {  	[dreg:$0x0] =	wrdreg $0xFFFFFFFF;
	(pc) =	sbr.abs _section_cstart, $3  }
0xc1: {  	[dreg:$0x1] =	wrdreg $0xFFFFFFFF  }
0xc2: {  	_ =	task.clear_ibuf [dreg:s7], $0x2FFFF;
	_ =	strace $0x9FFFFFFF  }
0xc3: {  	(tm) =	ssettm $0x7FFFFFFF  }
tec
execute0_lowered:
.L_overlay_start_1:
0x0: {  	(tag) =	ssettag $0x1  }
0x1: {  	s6 =	rddreg [dreg:$0x0]  }
0x2: {  	s10 =	rddreg [dreg:$0x1]  }
0x3: {  	s0 =	srdreg.scid;
	s2 =	rddreg [dreg:$0x2]  }
0x4: {  	s3 =	simm.s32 $0x0;
	s16 =	simm.s32 $0x2C00;
	s17 =	simm.s32 $0x3  }
0x5: {  	s18 =	simm.s32 $0x1800;
	s19 =	simm.s32 $0x40;
	s20 =	simm.s32 $0x4C00  }
0x6: {  	s21 =	simm.s32 $0x6C00;
	s22 =	simm.s32 $0x8C00;
	s23 =	simm.s32 $0x1  }
0x7: {  	s24 =	simm.s32 $0x80;
	s5 =	sand.u32 $0x1, s0;
	s0 =	stileid.u32  }
0x8: {  	s25 =	simm.s32 $0x2;
	[smem:$0x7FF] =	sst s3;
	s9 =	smul.u32 $0x140000, s5  }
0x9: {  	s4 =	sadd.s32 $0x5E600, s6;
	s1 =	sshll.u32 s5, $0x4;
	s11 =	smul.u32 $0x14000, s0  }
0xa: {  	s28 =	smul.u32 $0x50000, s0;
	s5 =	ssub.s32 $0x2, s5;
	s7 =	sor.u32 s0, s1  }
0xb: {  	s1 =	rddreg [dreg:$0x3];
	_ =	strace $0x8000004A;
	s30 =	sshrl.u32 s5, $0x1  }
0xc: {  	s8 =	smul.u32 $0x2800, s7;
	s9 =	sadd.s32 s11, s9;
	s11 =	sshrl.u32 s28, $0x2  }
0xd: {  	s12 =	smul.u32 $0x3000, s7;
	s15 =	ssub.s32 s5, s30;
	s29 =	sshrl.u32 s9, $0x3  }
0xe: {  	s5 =	sadd.s32 s11, s2;
	s15 =	smax.u32 s15, $0x1;
	s8 =	sshrl.u32 s8, $0x3  }
0xf: {  	s14 =	sadd.s32 s29, s6;
	s7 =	sadd.s32 $0x8000, s5;
	s31 =	sshrl.u32 s12, $0x3  }
0x10: {  	s9 =	sadd.s32 $0x10000, s5;
	s13 =	sadd.s32 s8, s6;
	s6 =	sadd.s32 $0x4000, s5  }
0x11: {  	s8 =	sadd.s32 $0xC000, s5;
	s10 =	sadd.s32 s10, s31;
	s14 =	sadd.s32 $0x86600, s14  }
0x12: {  	v0 =	vimm.f32 $0.0e+00;
	s11 =	sadd.s32 $0x4600, s13;
	s12 =	sadd.s32 $0x300, s10;
	s13 =	sadd.s32 $0x4880, s13  }
.LBB2_1:
0x13: {  	s26 =	simm.s32 $0x0;
	s28 =	simm.s32 $0x200  }
.LBB2_2:
0x14: {  	p0 =	sne.s32 s28, $0xFE00;
	[tilespmem:s26+$0x2C70] =	vst v0  }
0x15: {  	[tilespmem:s26+$0x2C00] =	vst v0  }
0x16: {  	[tilespmem:s26+$0x2C10] =	vst v0  }
.Ltmp0:
0x17: {  	[tilespmem:s26+$0x2C20] =	vst v0;
	(pc) =	sbr.rel @p0 .LBB2_2-.Ltmp0, $4  }
0x18: {  	[tilespmem:s26+$0x2C30] =	vst v0  }
0x19: {  	[tilespmem:s26+$0x2C40] =	vst v0  }
0x1a: {  	[tilespmem:s26+$0x2C50] =	vst v0  }
0x1b: {  	[tilespmem:s26+$0x2C60] =	vst v0;
	s26 =	sshra.s32 s28, $0x2;
	s28 =	sadd.s32 $0x200, s28  }
0x1c: {  	[tilespmem:s26+$0x2C70] =	vst v0  }
0x1d: {  	[tilespmem:s26+$0x2C00] =	vst v0  }
0x1e: {  	[tilespmem:s26+$0x2C10] =	vst v0  }
0x1f: {  	[tilespmem:s26+$0x2C20] =	vst v0  }
0x20: {  	[tilespmem:s26+$0x2C30] =	vst v0  }
0x21: {  	[tilespmem:s26+$0x2C40] =	vst v0  }
0x22: {  	[tilespmem:s26+$0x2C50] =	vst v0  }
0x23: {  	[tilespmem:s26+$0x2C60] =	vst v0  }
0x24: {  	[spmem:s5] =	stream.linear.scatter [tilespmem:s16], [sflag:$0x3], $0x4000, $0x38;
	[tilespmem:$0x1EC00] =	vst v63  }
0x25: {  	_ =	swait.ge [sflag:s17], $0x4000  }
0x26: {  	[sflag:s17] =	ssyncset.done $0x0  }
0x27: {  	[sflag:s17] =	ssyncadd.s32 $0xFFFFC000  }
0x28: {  	[spmem:s6] =	stream.linear.scatter [tilespmem:s16], [sflag:$0x3], $0x4000, $0x38;
	[tilespmem:$0x1EC00] =	vst v63  }
0x29: {  	_ =	swait.ge [sflag:s17], $0x4000  }
0x2a: {  	[sflag:s17] =	ssyncset.done $0x0  }
0x2b: {  	[sflag:s17] =	ssyncadd.s32 $0xFFFFC000  }
0x2c: {  	[spmem:s7] =	stream.linear.scatter [tilespmem:s16], [sflag:$0x3], $0x4000, $0x38;
	[tilespmem:$0x1EC00] =	vst v63  }
0x2d: {  	_ =	swait.ge [sflag:s17], $0x4000  }
0x2e: {  	[sflag:s17] =	ssyncset.done $0x0  }
0x2f: {  	[sflag:s17] =	ssyncadd.s32 $0xFFFFC000  }
0x30: {  	[spmem:s8] =	stream.linear.scatter [tilespmem:s16], [sflag:$0x3], $0x4000, $0x38;
	[tilespmem:$0x1EC00] =	vst v63  }
0x31: {  	_ =	swait.ge [sflag:s17], $0x4000  }
0x32: {  	[sflag:s17] =	ssyncset.done $0x0  }
0x33: {  	[sflag:s17] =	ssyncadd.s32 $0xFFFFC000  }
0x34: {  	[spmem:s9] =	stream.linear.scatter [tilespmem:s16], [sflag:$0x3], $0x4000, $0x38;
	[tilespmem:$0x1EC00] =	vst v63  }
0x35: {  	_ =	swait.ge [sflag:s17], $0x4000  }
0x36: {  	[sflag:s17] =	ssyncset.done $0x0  }
0x37: {  	[sflag:s17] =	ssyncadd.s32 $0xFFFFC000  }
0x38: {  	s31 =	simm.s32 $0x0;
	[bflag:$0x0] =	sbarrier.arrive $0xFFFF  }
0x39: {  	[tilespmem:s31], [sflag:$0x3] =	stream.linear.gather [hbm4b:s10+s31], $0x1800, $0x38;
	[tilespmem:$0x1EC00] =	vst v63  }
0x3a: {  	_ =	swait.ge [sflag:s17], $0x1800  }
0x3b: {  	[sflag:s17] =	ssyncset.done $0x0  }
0x3c: {  	[sflag:s17] =	ssyncadd.s32 $0xFFFFE800  }
0x3d: {  	[tilespmem:s18], [sflag:$0x3] =	stream.linear.gather [hbm4b:s11+s31], $0x1400, $0x38;
	[tilespmem:$0x1EC00] =	vst v63  }
0x3e: {  	_ =	swait.ge [sflag:s17], $0x1400  }
0x3f: {  	[sflag:s17] =	ssyncset.done $0x0  }
0x40: {  	s29 =	simm.s32 $0x0;
	[sflag:s17] =	ssyncadd.s32 $0xFFFFEC00  }
0x41: {  	[tilespmem:s16], [sflag:$0x1] =	stream.indirect.gather [hbm4b:s4+s19], $0x80, s29, s19, $0xb8;
	[tilespmem:$0x1EC00] =	vst v63  }
0x42: {  	s30 =	simm.s32 $0x40  }
0x43: {  	[tilespmem:s20], [sflag:$0x1] =	stream.indirect.gather [hbm4b:s4+s19], $0x80, s30, s19, $0xb8;
	[tilespmem:$0x1EC00] =	vst v63  }
0x44: {  	s31 =	simm.s32 $0x80  }
0x45: {  	[tilespmem:s21], [sflag:$0x2] =	stream.indirect.gather [hbm4b:s4+s19], $0x80, s31, s19, $0xb8;
	[tilespmem:$0x1EC00] =	vst v63  }
0x46: {  	s29 =	simm.s32 $0xC0  }
0x47: {  	[tilespmem:s22], [sflag:$0x2] =	stream.indirect.gather [hbm4b:s4+s19], $0x80, s29, s19, $0xb8;
	[tilespmem:$0x1EC00] =	vst v63  }
0x48: {  	_ =	swait.ge [sflag:s23], $0x2000  }
0x49: {  	[sflag:s23] =	ssyncset.done $0x0  }
0x4a: {  	[sflag:s23] =	ssyncadd.s32 $0xFFFFE000  }
0x4b: {  	_ =	swait.ge [sflag:s23], $0x2000  }
0x4c: {  	[sflag:s23] =	ssyncset.done $0x0  }
0x4d: {  	s30 =	simm.s32 $0x1800;
	[sflag:s23] =	ssyncadd.s32 $0xFFFFE000  }
0x4e: {  	[spmem:s2] =	stream.indirect.scatter.add.f32 [tilespmem:s16], [sflag:$0x3], $0x80, s30, s24, $0xb8;
	[tilespmem:$0x1EC00] =	vst v63  }
0x4f: {  	_ =	swait.ge [sflag:s17], $0x4000  }
0x50: {  	[sflag:s17] =	ssyncset.done $0x0  }
0x51: {  	[sflag:s17] =	ssyncadd.s32 $0xFFFFC000  }
0x52: {  	_ =	swait.ge [sflag:s25], $0x2000  }
0x53: {  	[sflag:s25] =	ssyncset.done $0x0  }
0x54: {  	[sflag:s25] =	ssyncadd.s32 $0xFFFFE000  }
0x55: {  	_ =	swait.ge [sflag:s25], $0x2000  }
0x56: {  	[sflag:s25] =	ssyncset.done $0x0  }
0x57: {  	s31 =	simm.s32 $0x1880;
	[sflag:s25] =	ssyncadd.s32 $0xFFFFE000  }
0x58: {  	[spmem:s2] =	stream.indirect.scatter.add.f32 [tilespmem:s21], [sflag:$0x3], $0x80, s31, s24, $0xb8;
	[tilespmem:$0x1EC00] =	vst v63  }
0x59: {  	_ =	swait.ge [sflag:s17], $0x4000  }
0x5a: {  	s26 =	simm.s32 $0x400;
	s28 =	simm.s32 $0x800;
	[sflag:s17] =	ssyncset.done $0x0  }
.LBB2_4:
0x5b: {  	s29 =	sshra.s32 s26, $0x2  }
0x5c: {  	[sflag:s17] =	ssyncadd.s32 $0xFFFFC000;
	s26 =	smov.u32 s28;
	s30 =	sadd.s32 $0x400, s28  }
0x5d: {  	[tilespmem:s16], [sflag:$0x1] =	stream.indirect.gather [hbm4b:s4+s19], $0x80, s29, s19, $0xb8;
	[tilespmem:$0x1EC00] =	vst v63  }
0x5e: {  	p0 =	sne.s32 s28, $0x4C00;
	s28 =	sadd.s32 $0x40, s29  }
0x5f: {  	[tilespmem:s20], [sflag:$0x1] =	stream.indirect.gather [hbm4b:s4+s19], $0x80, s28, s19, $0xb8;
	[tilespmem:$0x1EC00] =	vst v63  }
0x60: {  	s28 =	sadd.s32 $0x80, s29  }
0x61: {  	[tilespmem:s21], [sflag:$0x2] =	stream.indirect.gather [hbm4b:s4+s19], $0x80, s28, s19, $0xb8;
	[tilespmem:$0x1EC00] =	vst v63  }
0x62: {  	s28 =	sadd.s32 $0xC0, s29  }
0x63: {  	[tilespmem:s22], [sflag:$0x2] =	stream.indirect.gather [hbm4b:s4+s19], $0x80, s28, s19, $0xb8;
	[tilespmem:$0x1EC00] =	vst v63  }
0x64: {  	_ =	swait.ge [sflag:s23], $0x2000  }
0x65: {  	[sflag:s23] =	ssyncset.done $0x0  }
0x66: {  	[sflag:s23] =	ssyncadd.s32 $0xFFFFE000  }
0x67: {  	_ =	swait.ge [sflag:s23], $0x2000  }
0x68: {  	[sflag:s23] =	ssyncset.done $0x0  }
0x69: {  	s28 =	sadd.s32 $0x1800, s29;
	[sflag:s23] =	ssyncadd.s32 $0xFFFFE000  }
0x6a: {  	[spmem:s2] =	stream.indirect.scatter.add.f32 [tilespmem:s16], [sflag:$0x3], $0x80, s28, s24, $0xb8;
	[tilespmem:$0x1EC00] =	vst v63  }
0x6b: {  	_ =	swait.ge [sflag:s17], $0x4000  }
0x6c: {  	[sflag:s17] =	ssyncset.done $0x0  }
0x6d: {  	[sflag:s17] =	ssyncadd.s32 $0xFFFFC000  }
0x6e: {  	_ =	swait.ge [sflag:s25], $0x2000  }
0x6f: {  	[sflag:s25] =	ssyncset.done $0x0  }
0x70: {  	[sflag:s25] =	ssyncadd.s32 $0xFFFFE000  }
0x71: {  	_ =	swait.ge [sflag:s25], $0x2000  }
.Ltmp1:
0x72: {  	[sflag:s25] =	ssyncset.done $0x0;
	(pc) =	sbr.rel @p0 .LBB2_4-.Ltmp1, $4  }
0x73: {  	s28 =	sadd.s32 $0x1880, s29;
	[sflag:s25] =	ssyncadd.s32 $0xFFFFE000  }
0x74: {  	[spmem:s2] =	stream.indirect.scatter.add.f32 [tilespmem:s21], [sflag:$0x3], $0x80, s28, s24, $0xb8;
	[tilespmem:$0x1EC00] =	vst v63  }
0x75: {  	_ =	swait.ge [sflag:s17], $0x4000  }
0x76: {  	s28 =	smov.u32 s30;
	[sflag:s17] =	ssyncset.done $0x0  }
0x77: {  	s26 =	sshra.s32 s26, $0x2;
	[sflag:s17] =	ssyncadd.s32 $0xFFFFC000  }
0x78: {  	[tilespmem:s16], [sflag:$0x1] =	stream.indirect.gather [hbm4b:s4+s19], $0x80, s26, s19, $0xb8;
	[tilespmem:$0x1EC00] =	vst v63  }
0x79: {  	s28 =	sadd.s32 $0x40, s26  }
0x7a: {  	[tilespmem:s20], [sflag:$0x1] =	stream.indirect.gather [hbm4b:s4+s19], $0x80, s28, s19, $0xb8;
	[tilespmem:$0x1EC00] =	vst v63  }
0x7b: {  	s28 =	sadd.s32 $0x80, s26  }
0x7c: {  	[tilespmem:s21], [sflag:$0x2] =	stream.indirect.gather [hbm4b:s4+s19], $0x80, s28, s19, $0xb8;
	[tilespmem:$0x1EC00] =	vst v63  }
0x7d: {  	s28 =	sadd.s32 $0xC0, s26  }
0x7e: {  	[tilespmem:s22], [sflag:$0x2] =	stream.indirect.gather [hbm4b:s4+s19], $0x80, s28, s19, $0xb8;
	[tilespmem:$0x1EC00] =	vst v63  }
0x7f: {  	_ =	swait.ge [sflag:s23], $0x2000  }
0x80: {  	[sflag:s23] =	ssyncset.done $0x0  }
0x81: {  	[sflag:s23] =	ssyncadd.s32 $0xFFFFE000  }
0x82: {  	_ =	swait.ge [sflag:s23], $0x2000  }
0x83: {  	[sflag:s23] =	ssyncset.done $0x0  }
0x84: {  	s28 =	sadd.s32 $0x1800, s26;
	[sflag:s23] =	ssyncadd.s32 $0xFFFFE000  }
0x85: {  	[spmem:s2] =	stream.indirect.scatter.add.f32 [tilespmem:s16], [sflag:$0x3], $0x80, s28, s24, $0xb8;
	[tilespmem:$0x1EC00] =	vst v63  }
0x86: {  	_ =	swait.ge [sflag:s17], $0x4000  }
0x87: {  	[sflag:s17] =	ssyncset.done $0x0  }
0x88: {  	[sflag:s17] =	ssyncadd.s32 $0xFFFFC000  }
0x89: {  	_ =	swait.ge [sflag:s25], $0x2000  }
0x8a: {  	[sflag:s25] =	ssyncset.done $0x0  }
0x8b: {  	[sflag:s25] =	ssyncadd.s32 $0xFFFFE000  }
0x8c: {  	_ =	swait.ge [sflag:s25], $0x2000  }
0x8d: {  	[sflag:s25] =	ssyncset.done $0x0  }
0x8e: {  	s26 =	sadd.s32 $0x1880, s26;
	[sflag:s25] =	ssyncadd.s32 $0xFFFFE000  }
0x8f: {  	[spmem:s2] =	stream.indirect.scatter.add.f32 [tilespmem:s21], [sflag:$0x3], $0x80, s26, s24, $0xb8;
	[tilespmem:$0x1EC00] =	vst v63  }
0x90: {  	_ =	swait.ge [sflag:s17], $0x4000  }
0x91: {  	[sflag:s17] =	ssyncset.done $0x0  }
0x92: {  	s31 =	simm.s32 $0x0;
	[sflag:s17] =	ssyncadd.s32 $0xFFFFC000  }
0x93: {  	[tilespmem:s31], [sflag:$0x3] =	stream.linear.gather [hbm4b:s12+s31], $0x1800, $0x38;
	[tilespmem:$0x1EC00] =	vst v63  }
0x94: {  	_ =	swait.ge [sflag:s17], $0x1800  }
0x95: {  	[sflag:s17] =	ssyncset.done $0x0  }
0x96: {  	[sflag:s17] =	ssyncadd.s32 $0xFFFFE800  }
0x97: {  	[tilespmem:s18], [sflag:$0x3] =	stream.linear.gather [hbm4b:s13+s31], $0x1400, $0x38;
	[tilespmem:$0x1EC00] =	vst v63  }
0x98: {  	_ =	swait.ge [sflag:s17], $0x1400  }
0x99: {  	[sflag:s17] =	ssyncset.done $0x0  }
0x9a: {  	s29 =	simm.s32 $0x0;
	[sflag:s17] =	ssyncadd.s32 $0xFFFFEC00  }
0x9b: {  	[tilespmem:s16], [sflag:$0x1] =	stream.indirect.gather [hbm4b:s4+s19], $0x80, s29, s19, $0xb8;
	[tilespmem:$0x1EC00] =	vst v63  }
0x9c: {  	s30 =	simm.s32 $0x40  }
0x9d: {  	[tilespmem:s20], [sflag:$0x1] =	stream.indirect.gather [hbm4b:s4+s19], $0x80, s30, s19, $0xb8;
	[tilespmem:$0x1EC00] =	vst v63  }
0x9e: {  	s31 =	simm.s32 $0x80  }
0x9f: {  	[tilespmem:s21], [sflag:$0x2] =	stream.indirect.gather [hbm4b:s4+s19], $0x80, s31, s19, $0xb8;
	[tilespmem:$0x1EC00] =	vst v63  }
0xa0: {  	s29 =	simm.s32 $0xC0  }
0xa1: {  	[tilespmem:s22], [sflag:$0x2] =	stream.indirect.gather [hbm4b:s4+s19], $0x80, s29, s19, $0xb8;
	[tilespmem:$0x1EC00] =	vst v63  }
0xa2: {  	_ =	swait.ge [sflag:s23], $0x2000  }
0xa3: {  	[sflag:s23] =	ssyncset.done $0x0  }
0xa4: {  	[sflag:s23] =	ssyncadd.s32 $0xFFFFE000  }
0xa5: {  	_ =	swait.ge [sflag:s23], $0x2000  }
0xa6: {  	[sflag:s23] =	ssyncset.done $0x0  }
0xa7: {  	s30 =	simm.s32 $0x1800;
	[sflag:s23] =	ssyncadd.s32 $0xFFFFE000  }
0xa8: {  	[spmem:s2] =	stream.indirect.scatter.add.f32 [tilespmem:s16], [sflag:$0x3], $0x80, s30, s24, $0xb8;
	[tilespmem:$0x1EC00] =	vst v63  }
0xa9: {  	_ =	swait.ge [sflag:s17], $0x4000  }
0xaa: {  	[sflag:s17] =	ssyncset.done $0x0  }
0xab: {  	[sflag:s17] =	ssyncadd.s32 $0xFFFFC000  }
0xac: {  	_ =	swait.ge [sflag:s25], $0x2000  }
0xad: {  	[sflag:s25] =	ssyncset.done $0x0  }
0xae: {  	[sflag:s25] =	ssyncadd.s32 $0xFFFFE000  }
0xaf: {  	_ =	swait.ge [sflag:s25], $0x2000  }
0xb0: {  	[sflag:s25] =	ssyncset.done $0x0  }
0xb1: {  	s31 =	simm.s32 $0x1880;
	[sflag:s25] =	ssyncadd.s32 $0xFFFFE000  }
0xb2: {  	[spmem:s2] =	stream.indirect.scatter.add.f32 [tilespmem:s21], [sflag:$0x3], $0x80, s31, s24, $0xb8;
	[tilespmem:$0x1EC00] =	vst v63  }
0xb3: {  	_ =	swait.ge [sflag:s17], $0x4000  }
0xb4: {  	s28 =	simm.s32 $0x800;
	s26 =	simm.s32 $0x400;
	[sflag:s17] =	ssyncset.done $0x0  }
.LBB2_6:
0xb5: {  	s29 =	sshra.s32 s26, $0x2  }
0xb6: {  	[sflag:s17] =	ssyncadd.s32 $0xFFFFC000;
	s26 =	smov.u32 s28;
	s30 =	sadd.s32 $0x400, s28  }
0xb7: {  	[tilespmem:s16], [sflag:$0x1] =	stream.indirect.gather [hbm4b:s4+s19], $0x80, s29, s19, $0xb8;
	[tilespmem:$0x1EC00] =	vst v63  }
0xb8: {  	p0 =	sne.s32 s28, $0x4C00;
	s28 =	sadd.s32 $0x40, s29  }
0xb9: {  	[tilespmem:s20], [sflag:$0x1] =	stream.indirect.gather [hbm4b:s4+s19], $0x80, s28, s19, $0xb8;
	[tilespmem:$0x1EC00] =	vst v63  }
0xba: {  	s28 =	sadd.s32 $0x80, s29  }
0xbb: {  	[tilespmem:s21], [sflag:$0x2] =	stream.indirect.gather [hbm4b:s4+s19], $0x80, s28, s19, $0xb8;
	[tilespmem:$0x1EC00] =	vst v63  }
0xbc: {  	s28 =	sadd.s32 $0xC0, s29  }
0xbd: {  	[tilespmem:s22], [sflag:$0x2] =	stream.indirect.gather [hbm4b:s4+s19], $0x80, s28, s19, $0xb8;
	[tilespmem:$0x1EC00] =	vst v63  }
0xbe: {  	_ =	swait.ge [sflag:s23], $0x2000  }
0xbf: {  	[sflag:s23] =	ssyncset.done $0x0  }
0xc0: {  	[sflag:s23] =	ssyncadd.s32 $0xFFFFE000  }
0xc1: {  	_ =	swait.ge [sflag:s23], $0x2000  }
0xc2: {  	[sflag:s23] =	ssyncset.done $0x0  }
0xc3: {  	s28 =	sadd.s32 $0x1800, s29;
	[sflag:s23] =	ssyncadd.s32 $0xFFFFE000  }
0xc4: {  	[spmem:s2] =	stream.indirect.scatter.add.f32 [tilespmem:s16], [sflag:$0x3], $0x80, s28, s24, $0xb8;
	[tilespmem:$0x1EC00] =	vst v63  }
0xc5: {  	_ =	swait.ge [sflag:s17], $0x4000  }
0xc6: {  	[sflag:s17] =	ssyncset.done $0x0  }
0xc7: {  	[sflag:s17] =	ssyncadd.s32 $0xFFFFC000  }
0xc8: {  	_ =	swait.ge [sflag:s25], $0x2000  }
0xc9: {  	[sflag:s25] =	ssyncset.done $0x0  }
0xca: {  	[sflag:s25] =	ssyncadd.s32 $0xFFFFE000  }
0xcb: {  	_ =	swait.ge [sflag:s25], $0x2000  }
.Ltmp2:
0xcc: {  	[sflag:s25] =	ssyncset.done $0x0;
	(pc) =	sbr.rel @p0 .LBB2_6-.Ltmp2, $4  }
0xcd: {  	s28 =	sadd.s32 $0x1880, s29;
	[sflag:s25] =	ssyncadd.s32 $0xFFFFE000  }
0xce: {  	[spmem:s2] =	stream.indirect.scatter.add.f32 [tilespmem:s21], [sflag:$0x3], $0x80, s28, s24, $0xb8;
	[tilespmem:$0x1EC00] =	vst v63  }
0xcf: {  	_ =	swait.ge [sflag:s17], $0x4000  }
0xd0: {  	s28 =	smov.u32 s30;
	[sflag:s17] =	ssyncset.done $0x0  }
0xd1: {  	s26 =	sshra.s32 s26, $0x2;
	[sflag:s17] =	ssyncadd.s32 $0xFFFFC000  }
0xd2: {  	[tilespmem:s16], [sflag:$0x1] =	stream.indirect.gather [hbm4b:s4+s19], $0x80, s26, s19, $0xb8;
	[tilespmem:$0x1EC00] =	vst v63  }
0xd3: {  	s28 =	sadd.s32 $0x40, s26  }
0xd4: {  	[tilespmem:s20], [sflag:$0x1] =	stream.indirect.gather [hbm4b:s4+s19], $0x80, s28, s19, $0xb8;
	[tilespmem:$0x1EC00] =	vst v63  }
0xd5: {  	s30 =	sadd.s32 $0x80, s26  }
0xd6: {  	[tilespmem:s21], [sflag:$0x2] =	stream.indirect.gather [hbm4b:s4+s19], $0x80, s30, s19, $0xb8;
	[tilespmem:$0x1EC00] =	vst v63  }
0xd7: {  	s31 =	sadd.s32 $0xC0, s26  }
0xd8: {  	[tilespmem:s22], [sflag:$0x2] =	stream.indirect.gather [hbm4b:s4+s19], $0x80, s31, s19, $0xb8;
	[tilespmem:$0x1EC00] =	vst v63  }
0xd9: {  	_ =	swait.ge [sflag:s23], $0x2000  }
0xda: {  	[sflag:s23] =	ssyncset.done $0x0  }
0xdb: {  	[sflag:s23] =	ssyncadd.s32 $0xFFFFE000  }
0xdc: {  	_ =	swait.ge [sflag:s23], $0x2000  }
0xdd: {  	[sflag:s23] =	ssyncset.done $0x0  }
0xde: {  	s29 =	sadd.s32 $0x1800, s26;
	[sflag:s23] =	ssyncadd.s32 $0xFFFFE000  }
0xdf: {  	[spmem:s2] =	stream.indirect.scatter.add.f32 [tilespmem:s16], [sflag:$0x3], $0x80, s29, s24, $0xb8;
	[tilespmem:$0x1EC00] =	vst v63  }
0xe0: {  	_ =	swait.ge [sflag:s17], $0x4000  }
0xe1: {  	[sflag:s17] =	ssyncset.done $0x0  }
0xe2: {  	[sflag:s17] =	ssyncadd.s32 $0xFFFFC000  }
0xe3: {  	_ =	swait.ge [sflag:s25], $0x2000  }
0xe4: {  	[sflag:s25] =	ssyncset.done $0x0  }
0xe5: {  	[sflag:s25] =	ssyncadd.s32 $0xFFFFE000  }
0xe6: {  	_ =	swait.ge [sflag:s25], $0x2000  }
0xe7: {  	[sflag:s25] =	ssyncset.done $0x0  }
0xe8: {  	s26 =	sadd.s32 $0x1880, s26;
	[sflag:s25] =	ssyncadd.s32 $0xFFFFE000  }
0xe9: {  	[spmem:s2] =	stream.indirect.scatter.add.f32 [tilespmem:s21], [sflag:$0x3], $0x80, s26, s24, $0xb8;
	[tilespmem:$0x1EC00] =	vst v63  }
0xea: {  	s3 =	sadd.s32 $0x1, s3;
	_ =	swait.ge [sflag:s17], $0x4000  }
0xeb: {  	p0 =	sne.s32 s3, s15;
	[sflag:s17] =	ssyncset.done $0x0  }
0xec: {  	s30 =	sshll.u32 s0, $0x6;
	s31 =	sshrl.u32 s5, $0x3;
	[sflag:s17] =	ssyncadd.s32 $0xFFFFC000  }
.Ltmp3:
0xed: {  	s26 =	sor.u32 $0x1C03, s30;
	[bflag:$0x0] =	sbarrier.arrive $0xFFFF;
	(pc) =	sbr.rel @p0 .LBB2_1-.Ltmp3, $4  }
0xee: {  	[hbm:s14], [sflag:s26] =	dma.local [spmem:s31], $0x2800  }
0xef: {  	_ =	swait.ge [sflag:s17], $0x2800  }
0xf0: {  	[sflag:s17] =	ssyncset.done $0x0  }
0xf1: {  	[sflag:s17] =	ssyncadd.s32 $0xFFFFD800  }
0xf2: {  	_ =	sfence.sel $0x180000  }
0xf3: {  	[bflag:$0x0] =	sbarrier.arrive $0xFFFF  }
0xf4: {  	p0 =	sne.s32 s0, $0x0;
	_ =	strace $0x9000004A  }
0xf5: {  	s0 =	sadd.s32 @!p0 $0x100000, s1;
	[bflag:$0x2] =	sbarrier.arrive $0xFFFF  }
0xf6: {  	[sflag:s0] =	ssyncadd.tile.s32 @!p0 $0x1;
	_ =	shalt  }
.Lfunc_end2:
_tile_overlayer_lowered:
.L_overlay_start_2:
0xf7: {  	(tag) =	ssettag $0x2  }
0xf8: {  	s0 =	rddreg [dreg:$0x0];
	s2 =	stileid.u32  }
0xf9: {  	s1 =	rddreg [dreg:$0x1];
	p0 =	sne.s32 s2, $0x0  }
0xfa: {  	s3 =	rddreg [dreg:$0x2];
	[bflag:$0x3] =	sbarrier.arrive $0xFFFF;
	s2 =	simm.s32 @!p0 $0x1C03  }
0xfb: {  	[timem:s3], [sflag:s2] =	dma.local @!p0 [hbm:s0], s1  }
0xfc: {  	s0 =	simm.s32 @!p0 $0x3  }
0xfd: {  	_ =	swait.ge @!p0 [sflag:s0], s1  }
0xfe: {  	s1 =	ssub.s32 @!p0 $0x0, s1;
	[sflag:s0] =	ssyncset.done @!p0 $0x0  }
0xff: {  	[sflag:s0] =	ssyncadd.s32 @!p0 s1  }
0x100: {  	[bflag:$0x3] =	sbarrier.arrive $0xFFFF  }
0x101: {  	_ =	shalt  }

// kernel: kernel.16.cloned.1.call-start
scs
__scs_entry_jumppad:
0x0: {  	(pc) =	sbr.rel $0x88, $3  }
0x1: {  	(tag) =	ssettag $0x0;
	lr =	simm.s32 $0x1  }
0x2: {  	[smem:$0x3F95] =	sst lr;
	_ =	strace $0xD0000000  }
0x3: {  	_ = 	snop  }
0x4: {  	_ = 	snop  }
0x5: {  	_ = 	snop  }
0x6: {  	_ = 	snop  }
0x7: {  	_ = 	snop  }
__scs_overlays_trampoline_lowered:
0x8: {  	[smem:$0x3FA4] =	sst s0  }
0x9: {  	[smem:$0x3FA5] =	sst s1  }
0xa: {  	[smem:$0x3FA6] =	sst s2  }
0xb: {  	[smem:$0x3FA7] =	sst s3  }
0xc: {  	[smem:$0x3FA8] =	sst s4  }
0xd: {  	[smem:$0x3FA9] =	sst s5  }
0xe: {  	[smem:$0x3FAA] =	sst s6  }
0xf: {  	[smem:$0x3FAB] =	sst s7  }
0x10: {  	[smem:$0x3FAC] =	sst s8  }
0x11: {  	[smem:$0x3FAD] =	sst s9;
	s0 =	simm.s32 @!p0 $0x0  }
0x12: {  	s1 =	sld [smem:$0x3F93];
	s0 =	simm.s32 @p0 $0x1  }
0x13: {  	[smem:$0x3FAE] =	sst s0;
	s0 =	simm.s32 @!p1 $0x0  }
0x14: {  	s2 =	sld [smem:$0x3F92];
	s0 =	simm.s32 @p1 $0x1  }
0x15: {  	[smem:$0x3FAF] =	sst s0;
	s0 =	simm.s32 @!p2 $0x0  }
0x16: {  	s3 =	sld [smem:$0x3FDB];
	s0 =	simm.s32 @p2 $0x1  }
0x17: {  	s4 =	simm.s32 $0x1BF5;
	[smem:$0x3FB1] =	sst s0  }
0x18: {  	s0 =	sld [smem:$0x3F94];
	_ =	swait.ge [sflag:s4], $0x0  }
0x19: {  	s7 =	sld [smem:$0x3F95]  }
0x1a: {  	s8 =	sadd.s32 $0xFFFFE003, lr  }
0x1b: {  	s9 =	sadd.s32 $0xFFFFFEF7, lr;
	s5 =	simm.s32 $0xFFFFFFFF;
	p2 =	slt.u32 s8, $0xFFFFF086  }
0x1c: {  	p1 =	slt.u32 s9, $0xF7A;
	s5 =	simm.s32 @!p2 $0x0  }
0x1d: {  	s5 =	simm.s32 @p1 $0x1;
	p0 =	seq.s32 s7, s2  }
0x1e: {  	s7 =	smul.u32 @!p0 $0xF7A, s2;
	p2 =	seq.s32 @!p0 s5, $0x0  }
0x1f: {  	s9 =	smul.u32 $0xF7A, s1;
	s8 =	simm.s32 @!p0 $0x1BF5;
	p2 =	por !p2, p0  }
0x20: {  	[sflag:s8] =	ssyncset.s32 @!p0 $0xFFFFF086;
	s6 =	sadd.s32 @!p0 s3, s7;
	s7 =	simm.s32 @!p0 $0x108  }
0x21: {  	s3 =	sadd.s32 s3, s9;
	s6 =	sadd.s32 @!p0 $0x88, s6;
	s7 =	simm.s32 @p2 $0x1082  }
0x22: {  	[simem:s7], [sflag:s8] =	dma.local @!p0 [hbm:s6], $0xF7A  }
0x23: {  	s9 =	sor.u32 $0xD0000000, s2;
	s6 =	simm.s32 $0x108;
	_ =	swait.ge @!p0 [sflag:s8], $0x0  }
0x24: {  	s3 =	sadd.s32 $0x88, s3;
	s6 =	simm.s32 @!p1 $0x1082;
	[sflag:s4] =	ssyncset.s32 $0xFFFFF086  }
0x25: {  	[simem:s6], [sflag:s4] =	dma.local [hbm:s3], $0xF7A  }
0x26: {  	[smem:$0x3F95] =	sst s1;
	(tag) =	ssettag s2;
	_ =	strace s9  }
0x27: {  	s1 =	sld [smem:$0x3FA5]  }
0x28: {  	s2 =	sld [smem:$0x3FA6]  }
0x29: {  	s4 =	sld [smem:$0x3FA8]  }
0x2a: {  	p0 =	seq.s32 s5, $0x0;
	s5 =	sld [smem:$0x3FA9]  }
0x2b: {  	s6 =	sld [smem:$0x3FAA]  }
0x2c: {  	s7 =	sld [smem:$0x3FAB]  }
0x2d: {  	s3 =	simm.s32 $0x108;
	s8 =	sld [smem:$0x3FAC]  }
0x2e: {  	s3 =	simm.s32 @!p0 $0x1082;
	s9 =	sld [smem:$0x3FAD]  }
0x2f: {  	lr =	sadd.s32 s0, s3;
	s0 =	sld [smem:$0x3FA4]  }
0x30: {  	s3 =	sld [smem:$0x3FA7]  }
0x31: {  	[smem:$0x3FB0] =	sst s10  }
0x32: {  	s10 =	sld [smem:$0x3FAE];
	_ =	sdelay $0x3  }
0x33: {  	p0 =	seq.s32 s10, $0x1;
	s10 =	sld [smem:$0x3FB0];
	_ =	sdelay $0x3  }
0x34: {  	[smem:$0x3FB0] =	sst s10  }
0x35: {  	s10 =	sld [smem:$0x3FAF];
	_ =	sdelay $0x3  }
0x36: {  	p1 =	seq.s32 s10, $0x1;
	s10 =	sld [smem:$0x3FB0];
	_ =	sdelay $0x3  }
0x37: {  	[smem:$0x3FB0] =	sst s10  }
0x38: {  	s10 =	sld [smem:$0x3FB1]  }
0x39: {  	_ = 	snop;
	(pc) =	sbr.ind lr, $3  }
0x3a: {  	_ = 	snop  }
0x3b: {  	_ = 	snop  }
0x3c: {  	p2 =	seq.s32 s10, $0x1;
	s10 =	sld [smem:$0x3FB0]  }
0x3d: {  	_ =	shalt  }
0x3e: {  	_ =	shalt  }
0x3f: {  	_ =	shalt  }
0x40: {  	_ =	shalt  }
0x41: {  	_ =	shalt  }
0x42: {  	_ =	shalt  }
0x43: {  	_ =	shalt  }
0x44: {  	_ =	shalt  }
0x45: {  	_ =	shalt  }
0x46: {  	_ =	shalt  }
0x47: {  	_ =	shalt  }
0x48: {  	_ =	shalt  }
0x49: {  	_ =	shalt  }
0x4a: {  	_ =	shalt  }
0x4b: {  	_ =	shalt  }
0x4c: {  	_ =	shalt  }
0x4d: {  	_ =	shalt  }
0x4e: {  	_ =	shalt  }
0x4f: {  	_ =	shalt  }
0x50: {  	_ =	shalt  }
0x51: {  	_ =	shalt  }
0x52: {  	_ =	shalt  }
0x53: {  	_ =	shalt  }
0x54: {  	_ =	shalt  }
0x55: {  	_ =	shalt  }
0x56: {  	_ =	shalt  }
0x57: {  	_ =	shalt  }
0x58: {  	_ =	shalt  }
0x59: {  	_ =	shalt  }
0x5a: {  	_ =	shalt  }
0x5b: {  	_ =	shalt  }
0x5c: {  	_ =	shalt  }
0x5d: {  	_ =	shalt  }
0x5e: {  	_ =	shalt  }
0x5f: {  	_ =	shalt  }
0x60: {  	_ =	shalt  }
0x61: {  	_ =	shalt  }
0x62: {  	_ =	shalt  }
0x63: {  	_ =	shalt  }
0x64: {  	_ =	shalt  }
0x65: {  	_ =	shalt  }
0x66: {  	_ =	shalt  }
0x67: {  	_ =	shalt  }
0x68: {  	_ =	shalt  }
0x69: {  	_ =	shalt  }
0x6a: {  	_ =	shalt  }
0x6b: {  	_ =	shalt  }
0x6c: {  	_ =	shalt  }
0x6d: {  	_ =	shalt  }
0x6e: {  	_ =	shalt  }
0x6f: {  	_ =	shalt  }
0x70: {  	_ =	shalt  }
0x71: {  	_ =	shalt  }
0x72: {  	_ =	shalt  }
0x73: {  	_ =	shalt  }
0x74: {  	_ =	shalt  }
0x75: {  	_ =	shalt  }
0x76: {  	_ =	shalt  }
0x77: {  	_ =	shalt  }
0x78: {  	_ =	shalt  }
0x79: {  	_ =	shalt  }
0x7a: {  	_ =	shalt  }
0x7b: {  	_ =	shalt  }
0x7c: {  	_ =	shalt  }
0x7d: {  	_ =	shalt  }
0x7e: {  	_ =	shalt  }
0x7f: {  	_ =	shalt  }
0x80: {  	_ =	shalt  }
0x81: {  	_ =	shalt  }
0x82: {  	_ =	shalt  }
0x83: {  	_ =	shalt  }
0x84: {  	_ =	shalt  }
0x85: {  	_ =	shalt  }
0x86: {  	_ =	shalt  }
0x87: {  	_ =	shalt  }
.Lfunc_end0:
.L_simem_size_0:
called_computation.2_lowered:
.L_overlay_start_0:
0x88: {  	s2 =	sld [smem:$0x3FD9]  }
0x89: {  	s3 =	sld [smem:$0x3FFE];
	_ =	sdelay $0x1  }
0x8a: {  	s1 =	srdreg.scid  }
0x8b: {  	s0 =	sand.u32 $0x1, s1  }
0x8c: {  	s17 =	sshll.u32 s0, $0xA;
	s2 =	sadd.s32 s3, s2  }
0x8d: {  	s2 =	sadd.s32 s2, s17  }
0x8e: {  	[smem:$0x3FBC] =	sst s2  }
0x8f: {  	_ = 	snop  }
0x90: {  	s2 =	sld [smem:$0x3FD0];
	(tm) =	ssettm $0x1  }
0x91: {  	s18 =	sld [smem:$0x3FFB];
	_ =	sdelay $0x3  }
0x92: {  	_ =	strace s18  }
0x93: {  	s3 =	sld [smem:$0x3FFC];
	_ =	sdelay $0x3  }
0x94: {  	_ =	strace s3  }
0x95: {  	s3 =	sld [smem:$0x3FFD];
	_ =	sdelay $0x3  }
0x96: {  	_ =	strace s3  }
0x97: {  	_ =	strace $0x8FFFFFFF  }
0x98: {  	s19 =	sld [smem:$0x3FDB];
	_ =	sdelay $0x1  }
0x99: {  	s4 =	simm.s32 $_scs_section_size  }
0x9a: {  	s5 =	simm.s32 $_size__tile_overlayer_lowered;
	s6 =	simm.s32 $_tile_overlayer_lowered  }
0x9b: {  	s22 =	simm.s32 $0x1BFF;
	s21 =	sshll.u32 s6, $0x1;
	s3 =	sadd.s32 s4, s19  }
0x9c: {  	s7 =	simm.s32 $0x0;
	s20 =	sshll.u32 s5, $0x1;
	s5 =	sadd.s32 s21, s3  }
0x9d: {  	[timem:s7], [sflag:s22] =	dma.local [hbm:s5], s20  }
0x9e: {  	_ =	swait.ge [sflag:s22], s20  }
0x9f: {  	s4 =	ssub.s32 $0x0, s20;
	[sflag:s22] =	ssyncset.done $0x0  }
0xa0: {  	[sflag:s22] =	ssyncadd.s32 s4;
	_ =	sdelay $0x1  }
0xa1: {  	s23 =	simm.s32 $0x1B8B  }
0xa2: {  	_ =	swait.ge [sflag:s23], $0x1  }
0xa3: {  	[sflag:s23] =	ssyncset.done $0x0  }
0xa4: {  	s25 =	simm.s32 $0x1B8E;
	s24 =	sld [smem:$0x3FFE];
	[sflag:s23] =	ssyncadd.s32 $0xFFFFFFFF  }
0xa5: {  	s26 =	simm.s32 $execute0_lowered;
	[smem:$0x3FD2] =	sst s25  }
0xa6: {  	s5 =	sshll.u32 s26, $0x1;
	_ =	strace $0x8000004C;
	[dreg:$0x1] =	wrdreg $0xFFFFFFFF  }
0xa7: {  	s28 =	simm.s32 $_size_execute0_lowered;
	s3 =	sadd.s32 s3, s5;
	[dreg:$0x0] =	wrdreg $0x0  }
0xa8: {  	s5 =	sshll.u32 s28, $0x1;
	[dreg:$0x2] =	wrdreg s3  }
0xa9: {  	[dreg:$0x3] =	wrdreg s5  }
0xaa: {  	[dreg:$0x4] =	wrdreg $0xC0  }
0xab: {  	_ =	task [dreg:s7], $0x5FFFF  }
0xac: {  	[dreg:$0x1] =	wrdreg $0xFFFFFFFF  }
0xad: {  	[dreg:$0x0] =	wrdreg $0x60  }
0xae: {  	[dreg:$0x2] =	wrdreg s24  }
0xaf: {  	[dreg:$0x3] =	wrdreg s2  }
0xb0: {  	[dreg:$0x4] =	wrdreg $0xAC000  }
0xb1: {  	[dreg:$0x5] =	wrdreg $0x9  }
0xb2: {  	_ =	task.clear_ibuf [dreg:s7], $0x6FFFF;
	_ =	strace $0x9000004C  }
0xb3: {  	s29 =	simm.s32 $0x9;
	_ =	strace $0x8000004E  }
0xb4: {  	_ =	swait.ge [sflag:s29], $0x1  }
0xb5: {  	[sflag:s29] =	ssyncadd.s32 $0xFFFFFFFF  }
0xb6: {  	_ =	strace $0x9000004E  }
0xb7: {  	_ =	sfence  }
0xb8: {  	s30 =	sld [smem:$0x0];
	_ =	sdelay $0x2  }
0xb9: {  	s31 =	sshll.u32 s1, $0xD;
	s1 =	sshrl.u32 s1, $0x2  }
0xba: {  	s3 =	sand.u32 $0x4000, s31;
	s1 =	sadd.s32 s1, s30  }
0xbb: {  	s0 =	sor.u32 s3, s0;
	s1 =	sshll.u32 s1, $0x11  }
0xbc: {  	s0 =	sor.u32 s1, s0  }
0xbd: {  	s0 =	sadd.s32 $0x8F2B, s0  }
0xbe: {  	[sflag:s0] =	ssyncadd.remote.s32 $0x1  }
0xbf: {  	_ =	sfence.sel $0xFFFF  }
0xc0: {  	[dreg:$0x0] =	wrdreg $0xFFFFFFFF;
	(pc) =	sbr.abs _section_cstart, $3  }
0xc1: {  	[dreg:$0x1] =	wrdreg $0xFFFFFFFF  }
0xc2: {  	_ =	task.clear_ibuf [dreg:s7], $0x2FFFF;
	_ =	strace $0x9FFFFFFF  }
0xc3: {  	(tm) =	ssettm $0x7FFFFFFF  }
tec
execute0_lowered:
.L_overlay_start_1:
0x0: {  	(tag) =	ssettag $0x1  }
0x1: {  	s6 =	rddreg [dreg:$0x0]  }
0x2: {  	s10 =	rddreg [dreg:$0x1]  }
0x3: {  	s0 =	srdreg.scid;
	s2 =	rddreg [dreg:$0x2]  }
0x4: {  	s3 =	simm.s32 $0x0;
	s16 =	simm.s32 $0x2C00;
	s17 =	simm.s32 $0x3  }
0x5: {  	s18 =	simm.s32 $0x1800;
	s19 =	simm.s32 $0x40;
	s20 =	simm.s32 $0x4C00  }
0x6: {  	s21 =	simm.s32 $0x6C00;
	s22 =	simm.s32 $0x8C00;
	s23 =	simm.s32 $0x1  }
0x7: {  	s24 =	simm.s32 $0x80;
	s5 =	sand.u32 $0x1, s0;
	s0 =	stileid.u32  }
0x8: {  	s25 =	simm.s32 $0x2;
	[smem:$0x7FF] =	sst s3;
	s9 =	smul.u32 $0x140000, s5  }
0x9: {  	s4 =	sadd.s32 $0x5E600, s6;
	s1 =	sshll.u32 s5, $0x4;
	s11 =	smul.u32 $0x14000, s0  }
0xa: {  	s28 =	smul.u32 $0x50000, s0;
	s5 =	ssub.s32 $0x2, s5;
	s7 =	sor.u32 s0, s1  }
0xb: {  	s1 =	rddreg [dreg:$0x3];
	_ =	strace $0x8000004D;
	s30 =	sshrl.u32 s5, $0x1  }
0xc: {  	s8 =	smul.u32 $0x2800, s7;
	s9 =	sadd.s32 s11, s9;
	s11 =	sshrl.u32 s28, $0x2  }
0xd: {  	s12 =	smul.u32 $0x3000, s7;
	s15 =	ssub.s32 s5, s30;
	s29 =	sshrl.u32 s9, $0x3  }
0xe: {  	s5 =	sadd.s32 s11, s2;
	s15 =	smax.u32 s15, $0x1;
	s8 =	sshrl.u32 s8, $0x3  }
0xf: {  	s14 =	sadd.s32 s29, s6;
	s7 =	sadd.s32 $0x8000, s5;
	s31 =	sshrl.u32 s12, $0x3  }
0x10: {  	s9 =	sadd.s32 $0x10000, s5;
	s13 =	sadd.s32 s8, s6;
	s6 =	sadd.s32 $0x4000, s5  }
0x11: {  	s8 =	sadd.s32 $0xC000, s5;
	s10 =	sadd.s32 s10, s31;
	s14 =	sadd.s32 $0x86600, s14  }
0x12: {  	v0 =	vimm.f32 $0.0e+00;
	s11 =	sadd.s32 $0x4600, s13;
	s12 =	sadd.s32 $0x300, s10;
	s13 =	sadd.s32 $0x4880, s13  }
.LBB2_1:
0x13: {  	s26 =	simm.s32 $0x0;
	s28 =	simm.s32 $0x200  }
.LBB2_2:
0x14: {  	p0 =	sne.s32 s28, $0xFE00;
	[tilespmem:s26+$0x2C70] =	vst v0  }
0x15: {  	[tilespmem:s26+$0x2C00] =	vst v0  }
0x16: {  	[tilespmem:s26+$0x2C10] =	vst v0  }
.Ltmp0:
0x17: {  	[tilespmem:s26+$0x2C20] =	vst v0;
	(pc) =	sbr.rel @p0 .LBB2_2-.Ltmp0, $4  }
0x18: {  	[tilespmem:s26+$0x2C30] =	vst v0  }
0x19: {  	[tilespmem:s26+$0x2C40] =	vst v0  }
0x1a: {  	[tilespmem:s26+$0x2C50] =	vst v0  }
0x1b: {  	[tilespmem:s26+$0x2C60] =	vst v0;
	s26 =	sshra.s32 s28, $0x2;
	s28 =	sadd.s32 $0x200, s28  }
0x1c: {  	[tilespmem:s26+$0x2C70] =	vst v0  }
0x1d: {  	[tilespmem:s26+$0x2C00] =	vst v0  }
0x1e: {  	[tilespmem:s26+$0x2C10] =	vst v0  }
0x1f: {  	[tilespmem:s26+$0x2C20] =	vst v0  }
0x20: {  	[tilespmem:s26+$0x2C30] =	vst v0  }
0x21: {  	[tilespmem:s26+$0x2C40] =	vst v0  }
0x22: {  	[tilespmem:s26+$0x2C50] =	vst v0  }
0x23: {  	[tilespmem:s26+$0x2C60] =	vst v0  }
0x24: {  	[spmem:s5] =	stream.linear.scatter [tilespmem:s16], [sflag:$0x3], $0x4000, $0x38;
	[tilespmem:$0x1EC00] =	vst v63  }
0x25: {  	_ =	swait.ge [sflag:s17], $0x4000  }
0x26: {  	[sflag:s17] =	ssyncset.done $0x0  }
0x27: {  	[sflag:s17] =	ssyncadd.s32 $0xFFFFC000  }
0x28: {  	[spmem:s6] =	stream.linear.scatter [tilespmem:s16], [sflag:$0x3], $0x4000, $0x38;
	[tilespmem:$0x1EC00] =	vst v63  }
0x29: {  	_ =	swait.ge [sflag:s17], $0x4000  }
0x2a: {  	[sflag:s17] =	ssyncset.done $0x0  }
0x2b: {  	[sflag:s17] =	ssyncadd.s32 $0xFFFFC000  }
0x2c: {  	[spmem:s7] =	stream.linear.scatter [tilespmem:s16], [sflag:$0x3], $0x4000, $0x38;
	[tilespmem:$0x1EC00] =	vst v63  }
0x2d: {  	_ =	swait.ge [sflag:s17], $0x4000  }
0x2e: {  	[sflag:s17] =	ssyncset.done $0x0  }
0x2f: {  	[sflag:s17] =	ssyncadd.s32 $0xFFFFC000  }
0x30: {  	[spmem:s8] =	stream.linear.scatter [tilespmem:s16], [sflag:$0x3], $0x4000, $0x38;
	[tilespmem:$0x1EC00] =	vst v63  }
0x31: {  	_ =	swait.ge [sflag:s17], $0x4000  }
0x32: {  	[sflag:s17] =	ssyncset.done $0x0  }
0x33: {  	[sflag:s17] =	ssyncadd.s32 $0xFFFFC000  }
0x34: {  	[spmem:s9] =	stream.linear.scatter [tilespmem:s16], [sflag:$0x3], $0x4000, $0x38;
	[tilespmem:$0x1EC00] =	vst v63  }
0x35: {  	_ =	swait.ge [sflag:s17], $0x4000  }
0x36: {  	[sflag:s17] =	ssyncset.done $0x0  }
0x37: {  	[sflag:s17] =	ssyncadd.s32 $0xFFFFC000  }
0x38: {  	s31 =	simm.s32 $0x0;
	[bflag:$0x0] =	sbarrier.arrive $0xFFFF  }
0x39: {  	[tilespmem:s31], [sflag:$0x3] =	stream.linear.gather [hbm4b:s10+s31], $0x1800, $0x38;
	[tilespmem:$0x1EC00] =	vst v63  }
0x3a: {  	_ =	swait.ge [sflag:s17], $0x1800  }
0x3b: {  	[sflag:s17] =	ssyncset.done $0x0  }
0x3c: {  	[sflag:s17] =	ssyncadd.s32 $0xFFFFE800  }
0x3d: {  	[tilespmem:s18], [sflag:$0x3] =	stream.linear.gather [hbm4b:s11+s31], $0x1400, $0x38;
	[tilespmem:$0x1EC00] =	vst v63  }
0x3e: {  	_ =	swait.ge [sflag:s17], $0x1400  }
0x3f: {  	[sflag:s17] =	ssyncset.done $0x0  }
0x40: {  	s29 =	simm.s32 $0x0;
	[sflag:s17] =	ssyncadd.s32 $0xFFFFEC00  }
0x41: {  	[tilespmem:s16], [sflag:$0x1] =	stream.indirect.gather [hbm4b:s4+s19], $0x80, s29, s19, $0xb8;
	[tilespmem:$0x1EC00] =	vst v63  }
0x42: {  	s30 =	simm.s32 $0x40  }
0x43: {  	[tilespmem:s20], [sflag:$0x1] =	stream.indirect.gather [hbm4b:s4+s19], $0x80, s30, s19, $0xb8;
	[tilespmem:$0x1EC00] =	vst v63  }
0x44: {  	s31 =	simm.s32 $0x80  }
0x45: {  	[tilespmem:s21], [sflag:$0x2] =	stream.indirect.gather [hbm4b:s4+s19], $0x80, s31, s19, $0xb8;
	[tilespmem:$0x1EC00] =	vst v63  }
0x46: {  	s29 =	simm.s32 $0xC0  }
0x47: {  	[tilespmem:s22], [sflag:$0x2] =	stream.indirect.gather [hbm4b:s4+s19], $0x80, s29, s19, $0xb8;
	[tilespmem:$0x1EC00] =	vst v63  }
0x48: {  	_ =	swait.ge [sflag:s23], $0x2000  }
0x49: {  	[sflag:s23] =	ssyncset.done $0x0  }
0x4a: {  	[sflag:s23] =	ssyncadd.s32 $0xFFFFE000  }
0x4b: {  	_ =	swait.ge [sflag:s23], $0x2000  }
0x4c: {  	[sflag:s23] =	ssyncset.done $0x0  }
0x4d: {  	s30 =	simm.s32 $0x1800;
	[sflag:s23] =	ssyncadd.s32 $0xFFFFE000  }
0x4e: {  	[spmem:s2] =	stream.indirect.scatter.add.f32 [tilespmem:s16], [sflag:$0x3], $0x80, s30, s24, $0xb8;
	[tilespmem:$0x1EC00] =	vst v63  }
0x4f: {  	_ =	swait.ge [sflag:s17], $0x4000  }
0x50: {  	[sflag:s17] =	ssyncset.done $0x0  }
0x51: {  	[sflag:s17] =	ssyncadd.s32 $0xFFFFC000  }
0x52: {  	_ =	swait.ge [sflag:s25], $0x2000  }
0x53: {  	[sflag:s25] =	ssyncset.done $0x0  }
0x54: {  	[sflag:s25] =	ssyncadd.s32 $0xFFFFE000  }
0x55: {  	_ =	swait.ge [sflag:s25], $0x2000  }
0x56: {  	[sflag:s25] =	ssyncset.done $0x0  }
0x57: {  	s31 =	simm.s32 $0x1880;
	[sflag:s25] =	ssyncadd.s32 $0xFFFFE000  }
0x58: {  	[spmem:s2] =	stream.indirect.scatter.add.f32 [tilespmem:s21], [sflag:$0x3], $0x80, s31, s24, $0xb8;
	[tilespmem:$0x1EC00] =	vst v63  }
0x59: {  	_ =	swait.ge [sflag:s17], $0x4000  }
0x5a: {  	s26 =	simm.s32 $0x400;
	s28 =	simm.s32 $0x800;
	[sflag:s17] =	ssyncset.done $0x0  }
.LBB2_4:
0x5b: {  	s29 =	sshra.s32 s26, $0x2  }
0x5c: {  	[sflag:s17] =	ssyncadd.s32 $0xFFFFC000;
	s26 =	smov.u32 s28;
	s30 =	sadd.s32 $0x400, s28  }
0x5d: {  	[tilespmem:s16], [sflag:$0x1] =	stream.indirect.gather [hbm4b:s4+s19], $0x80, s29, s19, $0xb8;
	[tilespmem:$0x1EC00] =	vst v63  }
0x5e: {  	p0 =	sne.s32 s28, $0x4C00;
	s28 =	sadd.s32 $0x40, s29  }
0x5f: {  	[tilespmem:s20], [sflag:$0x1] =	stream.indirect.gather [hbm4b:s4+s19], $0x80, s28, s19, $0xb8;
	[tilespmem:$0x1EC00] =	vst v63  }
0x60: {  	s28 =	sadd.s32 $0x80, s29  }
0x61: {  	[tilespmem:s21], [sflag:$0x2] =	stream.indirect.gather [hbm4b:s4+s19], $0x80, s28, s19, $0xb8;
	[tilespmem:$0x1EC00] =	vst v63  }
0x62: {  	s28 =	sadd.s32 $0xC0, s29  }
0x63: {  	[tilespmem:s22], [sflag:$0x2] =	stream.indirect.gather [hbm4b:s4+s19], $0x80, s28, s19, $0xb8;
	[tilespmem:$0x1EC00] =	vst v63  }
0x64: {  	_ =	swait.ge [sflag:s23], $0x2000  }
0x65: {  	[sflag:s23] =	ssyncset.done $0x0  }
0x66: {  	[sflag:s23] =	ssyncadd.s32 $0xFFFFE000  }
0x67: {  	_ =	swait.ge [sflag:s23], $0x2000  }
0x68: {  	[sflag:s23] =	ssyncset.done $0x0  }
0x69: {  	s28 =	sadd.s32 $0x1800, s29;
	[sflag:s23] =	ssyncadd.s32 $0xFFFFE000  }
0x6a: {  	[spmem:s2] =	stream.indirect.scatter.add.f32 [tilespmem:s16], [sflag:$0x3], $0x80, s28, s24, $0xb8;
	[tilespmem:$0x1EC00] =	vst v63  }
0x6b: {  	_ =	swait.ge [sflag:s17], $0x4000  }
0x6c: {  	[sflag:s17] =	ssyncset.done $0x0  }
0x6d: {  	[sflag:s17] =	ssyncadd.s32 $0xFFFFC000  }
0x6e: {  	_ =	swait.ge [sflag:s25], $0x2000  }
0x6f: {  	[sflag:s25] =	ssyncset.done $0x0  }
0x70: {  	[sflag:s25] =	ssyncadd.s32 $0xFFFFE000  }
0x71: {  	_ =	swait.ge [sflag:s25], $0x2000  }
.Ltmp1:
0x72: {  	[sflag:s25] =	ssyncset.done $0x0;
	(pc) =	sbr.rel @p0 .LBB2_4-.Ltmp1, $4  }
0x73: {  	s28 =	sadd.s32 $0x1880, s29;
	[sflag:s25] =	ssyncadd.s32 $0xFFFFE000  }
0x74: {  	[spmem:s2] =	stream.indirect.scatter.add.f32 [tilespmem:s21], [sflag:$0x3], $0x80, s28, s24, $0xb8;
	[tilespmem:$0x1EC00] =	vst v63  }
0x75: {  	_ =	swait.ge [sflag:s17], $0x4000  }
0x76: {  	s28 =	smov.u32 s30;
	[sflag:s17] =	ssyncset.done $0x0  }
0x77: {  	s26 =	sshra.s32 s26, $0x2;
	[sflag:s17] =	ssyncadd.s32 $0xFFFFC000  }
0x78: {  	[tilespmem:s16], [sflag:$0x1] =	stream.indirect.gather [hbm4b:s4+s19], $0x80, s26, s19, $0xb8;
	[tilespmem:$0x1EC00] =	vst v63  }
0x79: {  	s28 =	sadd.s32 $0x40, s26  }
0x7a: {  	[tilespmem:s20], [sflag:$0x1] =	stream.indirect.gather [hbm4b:s4+s19], $0x80, s28, s19, $0xb8;
	[tilespmem:$0x1EC00] =	vst v63  }
0x7b: {  	s28 =	sadd.s32 $0x80, s26  }
0x7c: {  	[tilespmem:s21], [sflag:$0x2] =	stream.indirect.gather [hbm4b:s4+s19], $0x80, s28, s19, $0xb8;
	[tilespmem:$0x1EC00] =	vst v63  }
0x7d: {  	s28 =	sadd.s32 $0xC0, s26  }
0x7e: {  	[tilespmem:s22], [sflag:$0x2] =	stream.indirect.gather [hbm4b:s4+s19], $0x80, s28, s19, $0xb8;
	[tilespmem:$0x1EC00] =	vst v63  }
0x7f: {  	_ =	swait.ge [sflag:s23], $0x2000  }
0x80: {  	[sflag:s23] =	ssyncset.done $0x0  }
0x81: {  	[sflag:s23] =	ssyncadd.s32 $0xFFFFE000  }
0x82: {  	_ =	swait.ge [sflag:s23], $0x2000  }
0x83: {  	[sflag:s23] =	ssyncset.done $0x0  }
0x84: {  	s28 =	sadd.s32 $0x1800, s26;
	[sflag:s23] =	ssyncadd.s32 $0xFFFFE000  }
0x85: {  	[spmem:s2] =	stream.indirect.scatter.add.f32 [tilespmem:s16], [sflag:$0x3], $0x80, s28, s24, $0xb8;
	[tilespmem:$0x1EC00] =	vst v63  }
0x86: {  	_ =	swait.ge [sflag:s17], $0x4000  }
0x87: {  	[sflag:s17] =	ssyncset.done $0x0  }
0x88: {  	[sflag:s17] =	ssyncadd.s32 $0xFFFFC000  }
0x89: {  	_ =	swait.ge [sflag:s25], $0x2000  }
0x8a: {  	[sflag:s25] =	ssyncset.done $0x0  }
0x8b: {  	[sflag:s25] =	ssyncadd.s32 $0xFFFFE000  }
0x8c: {  	_ =	swait.ge [sflag:s25], $0x2000  }
0x8d: {  	[sflag:s25] =	ssyncset.done $0x0  }
0x8e: {  	s26 =	sadd.s32 $0x1880, s26;
	[sflag:s25] =	ssyncadd.s32 $0xFFFFE000  }
0x8f: {  	[spmem:s2] =	stream.indirect.scatter.add.f32 [tilespmem:s21], [sflag:$0x3], $0x80, s26, s24, $0xb8;
	[tilespmem:$0x1EC00] =	vst v63  }
0x90: {  	_ =	swait.ge [sflag:s17], $0x4000  }
0x91: {  	[sflag:s17] =	ssyncset.done $0x0  }
0x92: {  	s31 =	simm.s32 $0x0;
	[sflag:s17] =	ssyncadd.s32 $0xFFFFC000  }
0x93: {  	[tilespmem:s31], [sflag:$0x3] =	stream.linear.gather [hbm4b:s12+s31], $0x1800, $0x38;
	[tilespmem:$0x1EC00] =	vst v63  }
0x94: {  	_ =	swait.ge [sflag:s17], $0x1800  }
0x95: {  	[sflag:s17] =	ssyncset.done $0x0  }
0x96: {  	[sflag:s17] =	ssyncadd.s32 $0xFFFFE800  }
0x97: {  	[tilespmem:s18], [sflag:$0x3] =	stream.linear.gather [hbm4b:s13+s31], $0x1400, $0x38;
	[tilespmem:$0x1EC00] =	vst v63  }
0x98: {  	_ =	swait.ge [sflag:s17], $0x1400  }
0x99: {  	[sflag:s17] =	ssyncset.done $0x0  }
0x9a: {  	s29 =	simm.s32 $0x0;
	[sflag:s17] =	ssyncadd.s32 $0xFFFFEC00  }
0x9b: {  	[tilespmem:s16], [sflag:$0x1] =	stream.indirect.gather [hbm4b:s4+s19], $0x80, s29, s19, $0xb8;
	[tilespmem:$0x1EC00] =	vst v63  }
0x9c: {  	s30 =	simm.s32 $0x40  }
0x9d: {  	[tilespmem:s20], [sflag:$0x1] =	stream.indirect.gather [hbm4b:s4+s19], $0x80, s30, s19, $0xb8;
	[tilespmem:$0x1EC00] =	vst v63  }
0x9e: {  	s31 =	simm.s32 $0x80  }
0x9f: {  	[tilespmem:s21], [sflag:$0x2] =	stream.indirect.gather [hbm4b:s4+s19], $0x80, s31, s19, $0xb8;
	[tilespmem:$0x1EC00] =	vst v63  }
0xa0: {  	s29 =	simm.s32 $0xC0  }
0xa1: {  	[tilespmem:s22], [sflag:$0x2] =	stream.indirect.gather [hbm4b:s4+s19], $0x80, s29, s19, $0xb8;
	[tilespmem:$0x1EC00] =	vst v63  }
0xa2: {  	_ =	swait.ge [sflag:s23], $0x2000  }
0xa3: {  	[sflag:s23] =	ssyncset.done $0x0  }
0xa4: {  	[sflag:s23] =	ssyncadd.s32 $0xFFFFE000  }
0xa5: {  	_ =	swait.ge [sflag:s23], $0x2000  }
0xa6: {  	[sflag:s23] =	ssyncset.done $0x0  }
0xa7: {  	s30 =	simm.s32 $0x1800;
	[sflag:s23] =	ssyncadd.s32 $0xFFFFE000  }
0xa8: {  	[spmem:s2] =	stream.indirect.scatter.add.f32 [tilespmem:s16], [sflag:$0x3], $0x80, s30, s24, $0xb8;
	[tilespmem:$0x1EC00] =	vst v63  }
0xa9: {  	_ =	swait.ge [sflag:s17], $0x4000  }
0xaa: {  	[sflag:s17] =	ssyncset.done $0x0  }
0xab: {  	[sflag:s17] =	ssyncadd.s32 $0xFFFFC000  }
0xac: {  	_ =	swait.ge [sflag:s25], $0x2000  }
0xad: {  	[sflag:s25] =	ssyncset.done $0x0  }
0xae: {  	[sflag:s25] =	ssyncadd.s32 $0xFFFFE000  }
0xaf: {  	_ =	swait.ge [sflag:s25], $0x2000  }
0xb0: {  	[sflag:s25] =	ssyncset.done $0x0  }
0xb1: {  	s31 =	simm.s32 $0x1880;
	[sflag:s25] =	ssyncadd.s32 $0xFFFFE000  }
0xb2: {  	[spmem:s2] =	stream.indirect.scatter.add.f32 [tilespmem:s21], [sflag:$0x3], $0x80, s31, s24, $0xb8;
	[tilespmem:$0x1EC00] =	vst v63  }
0xb3: {  	_ =	swait.ge [sflag:s17], $0x4000  }
0xb4: {  	s28 =	simm.s32 $0x800;
	s26 =	simm.s32 $0x400;
	[sflag:s17] =	ssyncset.done $0x0  }
.LBB2_6:
0xb5: {  	s29 =	sshra.s32 s26, $0x2  }
0xb6: {  	[sflag:s17] =	ssyncadd.s32 $0xFFFFC000;
	s26 =	smov.u32 s28;
	s30 =	sadd.s32 $0x400, s28  }
0xb7: {  	[tilespmem:s16], [sflag:$0x1] =	stream.indirect.gather [hbm4b:s4+s19], $0x80, s29, s19, $0xb8;
	[tilespmem:$0x1EC00] =	vst v63  }
0xb8: {  	p0 =	sne.s32 s28, $0x4C00;
	s28 =	sadd.s32 $0x40, s29  }
0xb9: {  	[tilespmem:s20], [sflag:$0x1] =	stream.indirect.gather [hbm4b:s4+s19], $0x80, s28, s19, $0xb8;
	[tilespmem:$0x1EC00] =	vst v63  }
0xba: {  	s28 =	sadd.s32 $0x80, s29  }
0xbb: {  	[tilespmem:s21], [sflag:$0x2] =	stream.indirect.gather [hbm4b:s4+s19], $0x80, s28, s19, $0xb8;
	[tilespmem:$0x1EC00] =	vst v63  }
0xbc: {  	s28 =	sadd.s32 $0xC0, s29  }
0xbd: {  	[tilespmem:s22], [sflag:$0x2] =	stream.indirect.gather [hbm4b:s4+s19], $0x80, s28, s19, $0xb8;
	[tilespmem:$0x1EC00] =	vst v63  }
0xbe: {  	_ =	swait.ge [sflag:s23], $0x2000  }
0xbf: {  	[sflag:s23] =	ssyncset.done $0x0  }
0xc0: {  	[sflag:s23] =	ssyncadd.s32 $0xFFFFE000  }
0xc1: {  	_ =	swait.ge [sflag:s23], $0x2000  }
0xc2: {  	[sflag:s23] =	ssyncset.done $0x0  }
0xc3: {  	s28 =	sadd.s32 $0x1800, s29;
	[sflag:s23] =	ssyncadd.s32 $0xFFFFE000  }
0xc4: {  	[spmem:s2] =	stream.indirect.scatter.add.f32 [tilespmem:s16], [sflag:$0x3], $0x80, s28, s24, $0xb8;
	[tilespmem:$0x1EC00] =	vst v63  }
0xc5: {  	_ =	swait.ge [sflag:s17], $0x4000  }
0xc6: {  	[sflag:s17] =	ssyncset.done $0x0  }
0xc7: {  	[sflag:s17] =	ssyncadd.s32 $0xFFFFC000  }
0xc8: {  	_ =	swait.ge [sflag:s25], $0x2000  }
0xc9: {  	[sflag:s25] =	ssyncset.done $0x0  }
0xca: {  	[sflag:s25] =	ssyncadd.s32 $0xFFFFE000  }
0xcb: {  	_ =	swait.ge [sflag:s25], $0x2000  }
.Ltmp2:
0xcc: {  	[sflag:s25] =	ssyncset.done $0x0;
	(pc) =	sbr.rel @p0 .LBB2_6-.Ltmp2, $4  }
0xcd: {  	s28 =	sadd.s32 $0x1880, s29;
	[sflag:s25] =	ssyncadd.s32 $0xFFFFE000  }
0xce: {  	[spmem:s2] =	stream.indirect.scatter.add.f32 [tilespmem:s21], [sflag:$0x3], $0x80, s28, s24, $0xb8;
	[tilespmem:$0x1EC00] =	vst v63  }
0xcf: {  	_ =	swait.ge [sflag:s17], $0x4000  }
0xd0: {  	s28 =	smov.u32 s30;
	[sflag:s17] =	ssyncset.done $0x0  }
0xd1: {  	s26 =	sshra.s32 s26, $0x2;
	[sflag:s17] =	ssyncadd.s32 $0xFFFFC000  }
0xd2: {  	[tilespmem:s16], [sflag:$0x1] =	stream.indirect.gather [hbm4b:s4+s19], $0x80, s26, s19, $0xb8;
	[tilespmem:$0x1EC00] =	vst v63  }
0xd3: {  	s28 =	sadd.s32 $0x40, s26  }
0xd4: {  	[tilespmem:s20], [sflag:$0x1] =	stream.indirect.gather [hbm4b:s4+s19], $0x80, s28, s19, $0xb8;
	[tilespmem:$0x1EC00] =	vst v63  }
0xd5: {  	s30 =	sadd.s32 $0x80, s26  }
0xd6: {  	[tilespmem:s21], [sflag:$0x2] =	stream.indirect.gather [hbm4b:s4+s19], $0x80, s30, s19, $0xb8;
	[tilespmem:$0x1EC00] =	vst v63  }
0xd7: {  	s31 =	sadd.s32 $0xC0, s26  }
0xd8: {  	[tilespmem:s22], [sflag:$0x2] =	stream.indirect.gather [hbm4b:s4+s19], $0x80, s31, s19, $0xb8;
	[tilespmem:$0x1EC00] =	vst v63  }
0xd9: {  	_ =	swait.ge [sflag:s23], $0x2000  }
0xda: {  	[sflag:s23] =	ssyncset.done $0x0  }
0xdb: {  	[sflag:s23] =	ssyncadd.s32 $0xFFFFE000  }
0xdc: {  	_ =	swait.ge [sflag:s23], $0x2000  }
0xdd: {  	[sflag:s23] =	ssyncset.done $0x0  }
0xde: {  	s29 =	sadd.s32 $0x1800, s26;
	[sflag:s23] =	ssyncadd.s32 $0xFFFFE000  }
0xdf: {  	[spmem:s2] =	stream.indirect.scatter.add.f32 [tilespmem:s16], [sflag:$0x3], $0x80, s29, s24, $0xb8;
	[tilespmem:$0x1EC00] =	vst v63  }
0xe0: {  	_ =	swait.ge [sflag:s17], $0x4000  }
0xe1: {  	[sflag:s17] =	ssyncset.done $0x0  }
0xe2: {  	[sflag:s17] =	ssyncadd.s32 $0xFFFFC000  }
0xe3: {  	_ =	swait.ge [sflag:s25], $0x2000  }
0xe4: {  	[sflag:s25] =	ssyncset.done $0x0  }
0xe5: {  	[sflag:s25] =	ssyncadd.s32 $0xFFFFE000  }
0xe6: {  	_ =	swait.ge [sflag:s25], $0x2000  }
0xe7: {  	[sflag:s25] =	ssyncset.done $0x0  }
0xe8: {  	s26 =	sadd.s32 $0x1880, s26;
	[sflag:s25] =	ssyncadd.s32 $0xFFFFE000  }
0xe9: {  	[spmem:s2] =	stream.indirect.scatter.add.f32 [tilespmem:s21], [sflag:$0x3], $0x80, s26, s24, $0xb8;
	[tilespmem:$0x1EC00] =	vst v63  }
0xea: {  	s3 =	sadd.s32 $0x1, s3;
	_ =	swait.ge [sflag:s17], $0x4000  }
0xeb: {  	p0 =	sne.s32 s3, s15;
	[sflag:s17] =	ssyncset.done $0x0  }
0xec: {  	s30 =	sshll.u32 s0, $0x6;
	s31 =	sshrl.u32 s5, $0x3;
	[sflag:s17] =	ssyncadd.s32 $0xFFFFC000  }
.Ltmp3:
0xed: {  	s26 =	sor.u32 $0x1C03, s30;
	[bflag:$0x0] =	sbarrier.arrive $0xFFFF;
	(pc) =	sbr.rel @p0 .LBB2_1-.Ltmp3, $4  }
0xee: {  	[hbm:s14], [sflag:s26] =	dma.local [spmem:s31], $0x2800  }
0xef: {  	_ =	swait.ge [sflag:s17], $0x2800  }
0xf0: {  	[sflag:s17] =	ssyncset.done $0x0  }
0xf1: {  	[sflag:s17] =	ssyncadd.s32 $0xFFFFD800  }
0xf2: {  	_ =	sfence.sel $0x180000  }
0xf3: {  	[bflag:$0x0] =	sbarrier.arrive $0xFFFF  }
0xf4: {  	p0 =	sne.s32 s0, $0x0;
	_ =	strace $0x9000004D  }
0xf5: {  	s0 =	sadd.s32 @!p0 $0x100000, s1;
	[bflag:$0x2] =	sbarrier.arrive $0xFFFF  }
0xf6: {  	[sflag:s0] =	ssyncadd.tile.s32 @!p0 $0x1;
	_ =	shalt  }
.Lfunc_end2:
_tile_overlayer_lowered:
.L_overlay_start_2:
0xf7: {  	(tag) =	ssettag $0x2  }
0xf8: {  	s0 =	rddreg [dreg:$0x0];
	s2 =	stileid.u32  }
0xf9: {  	s1 =	rddreg [dreg:$0x1];
	p0 =	sne.s32 s2, $0x0  }
0xfa: {  	s3 =	rddreg [dreg:$0x2];
	[bflag:$0x3] =	sbarrier.arrive $0xFFFF;
	s2 =	simm.s32 @!p0 $0x1C03  }
0xfb: {  	[timem:s3], [sflag:s2] =	dma.local @!p0 [hbm:s0], s1  }
0xfc: {  	s0 =	simm.s32 @!p0 $0x3  }
0xfd: {  	_ =	swait.ge @!p0 [sflag:s0], s1  }
0xfe: {  	s1 =	ssub.s32 @!p0 $0x0, s1;
	[sflag:s0] =	ssyncset.done @!p0 $0x0  }
0xff: {  	[sflag:s0] =	ssyncadd.s32 @!p0 s1  }
0x100: {  	[bflag:$0x3] =	sbarrier.arrive $0xFFFF  }
0x101: {  	_ =	shalt  }

// kernel: kernel.19.cloned.1.call-start
scs
__scs_entry_jumppad:
0x0: {  	(pc) =	sbr.rel $0x88, $3  }
0x1: {  	(tag) =	ssettag $0x0;
	lr =	simm.s32 $0x1  }
0x2: {  	[smem:$0x3F95] =	sst lr;
	_ =	strace $0xD0000000  }
0x3: {  	_ = 	snop  }
0x4: {  	_ = 	snop  }
0x5: {  	_ = 	snop  }
0x6: {  	_ = 	snop  }
0x7: {  	_ = 	snop  }
__scs_overlays_trampoline_lowered:
0x8: {  	[smem:$0x3FA4] =	sst s0  }
0x9: {  	[smem:$0x3FA5] =	sst s1  }
0xa: {  	[smem:$0x3FA6] =	sst s2  }
0xb: {  	[smem:$0x3FA7] =	sst s3  }
0xc: {  	[smem:$0x3FA8] =	sst s4  }
0xd: {  	[smem:$0x3FA9] =	sst s5  }
0xe: {  	[smem:$0x3FAA] =	sst s6  }
0xf: {  	[smem:$0x3FAB] =	sst s7  }
0x10: {  	[smem:$0x3FAC] =	sst s8  }
0x11: {  	[smem:$0x3FAD] =	sst s9;
	s0 =	simm.s32 @!p0 $0x0  }
0x12: {  	s1 =	sld [smem:$0x3F93];
	s0 =	simm.s32 @p0 $0x1  }
0x13: {  	[smem:$0x3FAE] =	sst s0;
	s0 =	simm.s32 @!p1 $0x0  }
0x14: {  	s2 =	sld [smem:$0x3F92];
	s0 =	simm.s32 @p1 $0x1  }
0x15: {  	[smem:$0x3FAF] =	sst s0;
	s0 =	simm.s32 @!p2 $0x0  }
0x16: {  	s3 =	sld [smem:$0x3FDB];
	s0 =	simm.s32 @p2 $0x1  }
0x17: {  	s4 =	simm.s32 $0x1BF5;
	[smem:$0x3FB1] =	sst s0  }
0x18: {  	s0 =	sld [smem:$0x3F94];
	_ =	swait.ge [sflag:s4], $0x0  }
0x19: {  	s7 =	sld [smem:$0x3F95]  }
0x1a: {  	s8 =	sadd.s32 $0xFFFFE003, lr  }
0x1b: {  	s9 =	sadd.s32 $0xFFFFFEF7, lr;
	s5 =	simm.s32 $0xFFFFFFFF;
	p2 =	slt.u32 s8, $0xFFFFF086  }
0x1c: {  	p1 =	slt.u32 s9, $0xF7A;
	s5 =	simm.s32 @!p2 $0x0  }
0x1d: {  	s5 =	simm.s32 @p1 $0x1;
	p0 =	seq.s32 s7, s2  }
0x1e: {  	s7 =	smul.u32 @!p0 $0xF7A, s2;
	p2 =	seq.s32 @!p0 s5, $0x0  }
0x1f: {  	s9 =	smul.u32 $0xF7A, s1;
	s8 =	simm.s32 @!p0 $0x1BF5;
	p2 =	por !p2, p0  }
0x20: {  	[sflag:s8] =	ssyncset.s32 @!p0 $0xFFFFF086;
	s6 =	sadd.s32 @!p0 s3, s7;
	s7 =	simm.s32 @!p0 $0x108  }
0x21: {  	s3 =	sadd.s32 s3, s9;
	s6 =	sadd.s32 @!p0 $0x88, s6;
	s7 =	simm.s32 @p2 $0x1082  }
0x22: {  	[simem:s7], [sflag:s8] =	dma.local @!p0 [hbm:s6], $0xF7A  }
0x23: {  	s9 =	sor.u32 $0xD0000000, s2;
	s6 =	simm.s32 $0x108;
	_ =	swait.ge @!p0 [sflag:s8], $0x0  }
0x24: {  	s3 =	sadd.s32 $0x88, s3;
	s6 =	simm.s32 @!p1 $0x1082;
	[sflag:s4] =	ssyncset.s32 $0xFFFFF086  }
0x25: {  	[simem:s6], [sflag:s4] =	dma.local [hbm:s3], $0xF7A  }
0x26: {  	[smem:$0x3F95] =	sst s1;
	(tag) =	ssettag s2;
	_ =	strace s9  }
0x27: {  	s1 =	sld [smem:$0x3FA5]  }
0x28: {  	s2 =	sld [smem:$0x3FA6]  }
0x29: {  	s4 =	sld [smem:$0x3FA8]  }
0x2a: {  	p0 =	seq.s32 s5, $0x0;
	s5 =	sld [smem:$0x3FA9]  }
0x2b: {  	s6 =	sld [smem:$0x3FAA]  }
0x2c: {  	s7 =	sld [smem:$0x3FAB]  }
0x2d: {  	s3 =	simm.s32 $0x108;
	s8 =	sld [smem:$0x3FAC]  }
0x2e: {  	s3 =	simm.s32 @!p0 $0x1082;
	s9 =	sld [smem:$0x3FAD]  }
0x2f: {  	lr =	sadd.s32 s0, s3;
	s0 =	sld [smem:$0x3FA4]  }
0x30: {  	s3 =	sld [smem:$0x3FA7]  }
0x31: {  	[smem:$0x3FB0] =	sst s10  }
0x32: {  	s10 =	sld [smem:$0x3FAE];
	_ =	sdelay $0x3  }
0x33: {  	p0 =	seq.s32 s10, $0x1;
	s10 =	sld [smem:$0x3FB0];
	_ =	sdelay $0x3  }
0x34: {  	[smem:$0x3FB0] =	sst s10  }
0x35: {  	s10 =	sld [smem:$0x3FAF];
	_ =	sdelay $0x3  }
0x36: {  	p1 =	seq.s32 s10, $0x1;
	s10 =	sld [smem:$0x3FB0];
	_ =	sdelay $0x3  }
0x37: {  	[smem:$0x3FB0] =	sst s10  }
0x38: {  	s10 =	sld [smem:$0x3FB1]  }
0x39: {  	_ = 	snop;
	(pc) =	sbr.ind lr, $3  }
0x3a: {  	_ = 	snop  }
0x3b: {  	_ = 	snop  }
0x3c: {  	p2 =	seq.s32 s10, $0x1;
	s10 =	sld [smem:$0x3FB0]  }
0x3d: {  	_ =	shalt  }
0x3e: {  	_ =	shalt  }
0x3f: {  	_ =	shalt  }
0x40: {  	_ =	shalt  }
0x41: {  	_ =	shalt  }
0x42: {  	_ =	shalt  }
0x43: {  	_ =	shalt  }
0x44: {  	_ =	shalt  }
0x45: {  	_ =	shalt  }
0x46: {  	_ =	shalt  }
0x47: {  	_ =	shalt  }
0x48: {  	_ =	shalt  }
0x49: {  	_ =	shalt  }
0x4a: {  	_ =	shalt  }
0x4b: {  	_ =	shalt  }
0x4c: {  	_ =	shalt  }
0x4d: {  	_ =	shalt  }
0x4e: {  	_ =	shalt  }
0x4f: {  	_ =	shalt  }
0x50: {  	_ =	shalt  }
0x51: {  	_ =	shalt  }
0x52: {  	_ =	shalt  }
0x53: {  	_ =	shalt  }
0x54: {  	_ =	shalt  }
0x55: {  	_ =	shalt  }
0x56: {  	_ =	shalt  }
0x57: {  	_ =	shalt  }
0x58: {  	_ =	shalt  }
0x59: {  	_ =	shalt  }
0x5a: {  	_ =	shalt  }
0x5b: {  	_ =	shalt  }
0x5c: {  	_ =	shalt  }
0x5d: {  	_ =	shalt  }
0x5e: {  	_ =	shalt  }
0x5f: {  	_ =	shalt  }
0x60: {  	_ =	shalt  }
0x61: {  	_ =	shalt  }
0x62: {  	_ =	shalt  }
0x63: {  	_ =	shalt  }
0x64: {  	_ =	shalt  }
0x65: {  	_ =	shalt  }
0x66: {  	_ =	shalt  }
0x67: {  	_ =	shalt  }
0x68: {  	_ =	shalt  }
0x69: {  	_ =	shalt  }
0x6a: {  	_ =	shalt  }
0x6b: {  	_ =	shalt  }
0x6c: {  	_ =	shalt  }
0x6d: {  	_ =	shalt  }
0x6e: {  	_ =	shalt  }
0x6f: {  	_ =	shalt  }
0x70: {  	_ =	shalt  }
0x71: {  	_ =	shalt  }
0x72: {  	_ =	shalt  }
0x73: {  	_ =	shalt  }
0x74: {  	_ =	shalt  }
0x75: {  	_ =	shalt  }
0x76: {  	_ =	shalt  }
0x77: {  	_ =	shalt  }
0x78: {  	_ =	shalt  }
0x79: {  	_ =	shalt  }
0x7a: {  	_ =	shalt  }
0x7b: {  	_ =	shalt  }
0x7c: {  	_ =	shalt  }
0x7d: {  	_ =	shalt  }
0x7e: {  	_ =	shalt  }
0x7f: {  	_ =	shalt  }
0x80: {  	_ =	shalt  }
0x81: {  	_ =	shalt  }
0x82: {  	_ =	shalt  }
0x83: {  	_ =	shalt  }
0x84: {  	_ =	shalt  }
0x85: {  	_ =	shalt  }
0x86: {  	_ =	shalt  }
0x87: {  	_ =	shalt  }
.Lfunc_end0:
.L_simem_size_0:
called_computation.3_lowered:
.L_overlay_start_0:
0x88: {  	s2 =	sld [smem:$0x3FD9]  }
0x89: {  	s3 =	sld [smem:$0x3FFE];
	_ =	sdelay $0x1  }
0x8a: {  	s1 =	srdreg.scid  }
0x8b: {  	s0 =	sand.u32 $0x1, s1  }
0x8c: {  	s17 =	sshll.u32 s0, $0xA;
	s2 =	sadd.s32 s3, s2  }
0x8d: {  	s2 =	sadd.s32 s2, s17  }
0x8e: {  	[smem:$0x3FBC] =	sst s2  }
0x8f: {  	_ = 	snop  }
0x90: {  	s2 =	sld [smem:$0x3FD0];
	(tm) =	ssettm $0x1  }
0x91: {  	s18 =	sld [smem:$0x3FFB];
	_ =	sdelay $0x3  }
0x92: {  	_ =	strace s18  }
0x93: {  	s3 =	sld [smem:$0x3FFC];
	_ =	sdelay $0x3  }
0x94: {  	_ =	strace s3  }
0x95: {  	s3 =	sld [smem:$0x3FFD];
	_ =	sdelay $0x3  }
0x96: {  	_ =	strace s3  }
0x97: {  	_ =	strace $0x8FFFFFFF  }
0x98: {  	s19 =	sld [smem:$0x3FDB];
	_ =	sdelay $0x1  }
0x99: {  	s4 =	simm.s32 $_scs_section_size  }
0x9a: {  	s5 =	simm.s32 $_size__tile_overlayer_lowered;
	s6 =	simm.s32 $_tile_overlayer_lowered  }
0x9b: {  	s22 =	simm.s32 $0x1BFF;
	s21 =	sshll.u32 s6, $0x1;
	s3 =	sadd.s32 s4, s19  }
0x9c: {  	s7 =	simm.s32 $0x0;
	s20 =	sshll.u32 s5, $0x1;
	s5 =	sadd.s32 s21, s3  }
0x9d: {  	[timem:s7], [sflag:s22] =	dma.local [hbm:s5], s20  }
0x9e: {  	_ =	swait.ge [sflag:s22], s20  }
0x9f: {  	s4 =	ssub.s32 $0x0, s20;
	[sflag:s22] =	ssyncset.done $0x0  }
0xa0: {  	[sflag:s22] =	ssyncadd.s32 s4;
	_ =	sdelay $0x1  }
0xa1: {  	s23 =	simm.s32 $0x1B8B  }
0xa2: {  	_ =	swait.ge [sflag:s23], $0x1  }
0xa3: {  	[sflag:s23] =	ssyncset.done $0x0  }
0xa4: {  	s25 =	simm.s32 $0x1B8E;
	s24 =	sld [smem:$0x3FFE];
	[sflag:s23] =	ssyncadd.s32 $0xFFFFFFFF  }
0xa5: {  	s26 =	simm.s32 $execute0_lowered;
	[smem:$0x3FD2] =	sst s25  }
0xa6: {  	s5 =	sshll.u32 s26, $0x1;
	_ =	strace $0x8000004F;
	[dreg:$0x1] =	wrdreg $0xFFFFFFFF  }
0xa7: {  	s28 =	simm.s32 $_size_execute0_lowered;
	s3 =	sadd.s32 s3, s5;
	[dreg:$0x0] =	wrdreg $0x0  }
0xa8: {  	s5 =	sshll.u32 s28, $0x1;
	[dreg:$0x2] =	wrdreg s3  }
0xa9: {  	[dreg:$0x3] =	wrdreg s5  }
0xaa: {  	[dreg:$0x4] =	wrdreg $0xC0  }
0xab: {  	_ =	task [dreg:s7], $0x5FFFF  }
0xac: {  	[dreg:$0x1] =	wrdreg $0xFFFFFFFF  }
0xad: {  	[dreg:$0x0] =	wrdreg $0x60  }
0xae: {  	[dreg:$0x2] =	wrdreg s24  }
0xaf: {  	[dreg:$0x3] =	wrdreg s2  }
0xb0: {  	[dreg:$0x4] =	wrdreg $0xAC000  }
0xb1: {  	[dreg:$0x5] =	wrdreg $0x9  }
0xb2: {  	_ =	task.clear_ibuf [dreg:s7], $0x6FFFF;
	_ =	strace $0x9000004F  }
0xb3: {  	s29 =	simm.s32 $0x9;
	_ =	strace $0x80000051  }
0xb4: {  	_ =	swait.ge [sflag:s29], $0x1  }
0xb5: {  	[sflag:s29] =	ssyncadd.s32 $0xFFFFFFFF  }
0xb6: {  	_ =	strace $0x90000051  }
0xb7: {  	_ =	sfence  }
0xb8: {  	s30 =	sld [smem:$0x0];
	_ =	sdelay $0x2  }
0xb9: {  	s31 =	sshll.u32 s1, $0xD;
	s1 =	sshrl.u32 s1, $0x2  }
0xba: {  	s3 =	sand.u32 $0x4000, s31;
	s1 =	sadd.s32 s1, s30  }
0xbb: {  	s0 =	sor.u32 s3, s0;
	s1 =	sshll.u32 s1, $0x11  }
0xbc: {  	s0 =	sor.u32 s1, s0  }
0xbd: {  	s0 =	sadd.s32 $0x8F2B, s0  }
0xbe: {  	[sflag:s0] =	ssyncadd.remote.s32 $0x1  }
0xbf: {  	_ =	sfence.sel $0xFFFF  }
0xc0: {  	[dreg:$0x0] =	wrdreg $0xFFFFFFFF;
	(pc) =	sbr.abs _section_cstart, $3  }
0xc1: {  	[dreg:$0x1] =	wrdreg $0xFFFFFFFF  }
0xc2: {  	_ =	task.clear_ibuf [dreg:s7], $0x2FFFF;
	_ =	strace $0x9FFFFFFF  }
0xc3: {  	(tm) =	ssettm $0x7FFFFFFF  }
tec
execute0_lowered:
.L_overlay_start_1:
0x0: {  	(tag) =	ssettag $0x1  }
0x1: {  	s6 =	rddreg [dreg:$0x0]  }
0x2: {  	s10 =	rddreg [dreg:$0x1]  }
0x3: {  	s0 =	srdreg.scid;
	s2 =	rddreg [dreg:$0x2]  }
0x4: {  	s3 =	simm.s32 $0x0;
	s16 =	simm.s32 $0x2C00;
	s17 =	simm.s32 $0x3  }
0x5: {  	s18 =	simm.s32 $0x1800;
	s19 =	simm.s32 $0x40;
	s20 =	simm.s32 $0x4C00  }
0x6: {  	s21 =	simm.s32 $0x6C00;
	s22 =	simm.s32 $0x8C00;
	s23 =	simm.s32 $0x1  }
0x7: {  	s24 =	simm.s32 $0x80;
	s5 =	sand.u32 $0x1, s0;
	s0 =	stileid.u32  }
0x8: {  	s25 =	simm.s32 $0x2;
	[smem:$0x7FF] =	sst s3;
	s9 =	smul.u32 $0x140000, s5  }
0x9: {  	s4 =	sadd.s32 $0x5E600, s6;
	s1 =	sshll.u32 s5, $0x4;
	s11 =	smul.u32 $0x14000, s0  }
0xa: {  	s28 =	smul.u32 $0x50000, s0;
	s5 =	ssub.s32 $0x2, s5;
	s7 =	sor.u32 s0, s1  }
0xb: {  	s1 =	rddreg [dreg:$0x3];
	_ =	strace $0x80000050;
	s30 =	sshrl.u32 s5, $0x1  }
0xc: {  	s8 =	smul.u32 $0x2800, s7;
	s9 =	sadd.s32 s11, s9;
	s11 =	sshrl.u32 s28, $0x2  }
0xd: {  	s12 =	smul.u32 $0x3000, s7;
	s15 =	ssub.s32 s5, s30;
	s29 =	sshrl.u32 s9, $0x3  }
0xe: {  	s5 =	sadd.s32 s11, s2;
	s15 =	smax.u32 s15, $0x1;
	s8 =	sshrl.u32 s8, $0x3  }
0xf: {  	s14 =	sadd.s32 s29, s6;
	s7 =	sadd.s32 $0x8000, s5;
	s31 =	sshrl.u32 s12, $0x3  }
0x10: {  	s9 =	sadd.s32 $0x10000, s5;
	s13 =	sadd.s32 s8, s6;
	s6 =	sadd.s32 $0x4000, s5  }
0x11: {  	s8 =	sadd.s32 $0xC000, s5;
	s10 =	sadd.s32 s10, s31;
	s14 =	sadd.s32 $0x86600, s14  }
0x12: {  	v0 =	vimm.f32 $0.0e+00;
	s11 =	sadd.s32 $0x4600, s13;
	s12 =	sadd.s32 $0x300, s10;
	s13 =	sadd.s32 $0x4880, s13  }
.LBB2_1:
0x13: {  	s26 =	simm.s32 $0x0;
	s28 =	simm.s32 $0x200  }
.LBB2_2:
0x14: {  	p0 =	sne.s32 s28, $0xFE00;
	[tilespmem:s26+$0x2C70] =	vst v0  }
0x15: {  	[tilespmem:s26+$0x2C00] =	vst v0  }
0x16: {  	[tilespmem:s26+$0x2C10] =	vst v0  }
.Ltmp0:
0x17: {  	[tilespmem:s26+$0x2C20] =	vst v0;
	(pc) =	sbr.rel @p0 .LBB2_2-.Ltmp0, $4  }
0x18: {  	[tilespmem:s26+$0x2C30] =	vst v0  }
0x19: {  	[tilespmem:s26+$0x2C40] =	vst v0  }
0x1a: {  	[tilespmem:s26+$0x2C50] =	vst v0  }
0x1b: {  	[tilespmem:s26+$0x2C60] =	vst v0;
	s26 =	sshra.s32 s28, $0x2;
	s28 =	sadd.s32 $0x200, s28  }
0x1c: {  	[tilespmem:s26+$0x2C70] =	vst v0  }
0x1d: {  	[tilespmem:s26+$0x2C00] =	vst v0  }
0x1e: {  	[tilespmem:s26+$0x2C10] =	vst v0  }
0x1f: {  	[tilespmem:s26+$0x2C20] =	vst v0  }
0x20: {  	[tilespmem:s26+$0x2C30] =	vst v0  }
0x21: {  	[tilespmem:s26+$0x2C40] =	vst v0  }
0x22: {  	[tilespmem:s26+$0x2C50] =	vst v0  }
0x23: {  	[tilespmem:s26+$0x2C60] =	vst v0  }
0x24: {  	[spmem:s5] =	stream.linear.scatter [tilespmem:s16], [sflag:$0x3], $0x4000, $0x38;
	[tilespmem:$0x1EC00] =	vst v63  }
0x25: {  	_ =	swait.ge [sflag:s17], $0x4000  }
0x26: {  	[sflag:s17] =	ssyncset.done $0x0  }
0x27: {  	[sflag:s17] =	ssyncadd.s32 $0xFFFFC000  }
0x28: {  	[spmem:s6] =	stream.linear.scatter [tilespmem:s16], [sflag:$0x3], $0x4000, $0x38;
	[tilespmem:$0x1EC00] =	vst v63  }
0x29: {  	_ =	swait.ge [sflag:s17], $0x4000  }
0x2a: {  	[sflag:s17] =	ssyncset.done $0x0  }
0x2b: {  	[sflag:s17] =	ssyncadd.s32 $0xFFFFC000  }
0x2c: {  	[spmem:s7] =	stream.linear.scatter [tilespmem:s16], [sflag:$0x3], $0x4000, $0x38;
	[tilespmem:$0x1EC00] =	vst v63  }
0x2d: {  	_ =	swait.ge [sflag:s17], $0x4000  }
0x2e: {  	[sflag:s17] =	ssyncset.done $0x0  }
0x2f: {  	[sflag:s17] =	ssyncadd.s32 $0xFFFFC000  }
0x30: {  	[spmem:s8] =	stream.linear.scatter [tilespmem:s16], [sflag:$0x3], $0x4000, $0x38;
	[tilespmem:$0x1EC00] =	vst v63  }
0x31: {  	_ =	swait.ge [sflag:s17], $0x4000  }
0x32: {  	[sflag:s17] =	ssyncset.done $0x0  }
0x33: {  	[sflag:s17] =	ssyncadd.s32 $0xFFFFC000  }
0x34: {  	[spmem:s9] =	stream.linear.scatter [tilespmem:s16], [sflag:$0x3], $0x4000, $0x38;
	[tilespmem:$0x1EC00] =	vst v63  }
0x35: {  	_ =	swait.ge [sflag:s17], $0x4000  }
0x36: {  	[sflag:s17] =	ssyncset.done $0x0  }
0x37: {  	[sflag:s17] =	ssyncadd.s32 $0xFFFFC000  }
0x38: {  	s31 =	simm.s32 $0x0;
	[bflag:$0x0] =	sbarrier.arrive $0xFFFF  }
0x39: {  	[tilespmem:s31], [sflag:$0x3] =	stream.linear.gather [hbm4b:s10+s31], $0x1800, $0x38;
	[tilespmem:$0x1EC00] =	vst v63  }
0x3a: {  	_ =	swait.ge [sflag:s17], $0x1800  }
0x3b: {  	[sflag:s17] =	ssyncset.done $0x0  }
0x3c: {  	[sflag:s17] =	ssyncadd.s32 $0xFFFFE800  }
0x3d: {  	[tilespmem:s18], [sflag:$0x3] =	stream.linear.gather [hbm4b:s11+s31], $0x1400, $0x38;
	[tilespmem:$0x1EC00] =	vst v63  }
0x3e: {  	_ =	swait.ge [sflag:s17], $0x1400  }
0x3f: {  	[sflag:s17] =	ssyncset.done $0x0  }
0x40: {  	s29 =	simm.s32 $0x0;
	[sflag:s17] =	ssyncadd.s32 $0xFFFFEC00  }
0x41: {  	[tilespmem:s16], [sflag:$0x1] =	stream.indirect.gather [hbm4b:s4+s19], $0x80, s29, s19, $0xb8;
	[tilespmem:$0x1EC00] =	vst v63  }
0x42: {  	s30 =	simm.s32 $0x40  }
0x43: {  	[tilespmem:s20], [sflag:$0x1] =	stream.indirect.gather [hbm4b:s4+s19], $0x80, s30, s19, $0xb8;
	[tilespmem:$0x1EC00] =	vst v63  }
0x44: {  	s31 =	simm.s32 $0x80  }
0x45: {  	[tilespmem:s21], [sflag:$0x2] =	stream.indirect.gather [hbm4b:s4+s19], $0x80, s31, s19, $0xb8;
	[tilespmem:$0x1EC00] =	vst v63  }
0x46: {  	s29 =	simm.s32 $0xC0  }
0x47: {  	[tilespmem:s22], [sflag:$0x2] =	stream.indirect.gather [hbm4b:s4+s19], $0x80, s29, s19, $0xb8;
	[tilespmem:$0x1EC00] =	vst v63  }
0x48: {  	_ =	swait.ge [sflag:s23], $0x2000  }
0x49: {  	[sflag:s23] =	ssyncset.done $0x0  }
0x4a: {  	[sflag:s23] =	ssyncadd.s32 $0xFFFFE000  }
0x4b: {  	_ =	swait.ge [sflag:s23], $0x2000  }
0x4c: {  	[sflag:s23] =	ssyncset.done $0x0  }
0x4d: {  	s30 =	simm.s32 $0x1800;
	[sflag:s23] =	ssyncadd.s32 $0xFFFFE000  }
0x4e: {  	[spmem:s2] =	stream.indirect.scatter.add.f32 [tilespmem:s16], [sflag:$0x3], $0x80, s30, s24, $0xb8;
	[tilespmem:$0x1EC00] =	vst v63  }
0x4f: {  	_ =	swait.ge [sflag:s17], $0x4000  }
0x50: {  	[sflag:s17] =	ssyncset.done $0x0  }
0x51: {  	[sflag:s17] =	ssyncadd.s32 $0xFFFFC000  }
0x52: {  	_ =	swait.ge [sflag:s25], $0x2000  }
0x53: {  	[sflag:s25] =	ssyncset.done $0x0  }
0x54: {  	[sflag:s25] =	ssyncadd.s32 $0xFFFFE000  }
0x55: {  	_ =	swait.ge [sflag:s25], $0x2000  }
0x56: {  	[sflag:s25] =	ssyncset.done $0x0  }
0x57: {  	s31 =	simm.s32 $0x1880;
	[sflag:s25] =	ssyncadd.s32 $0xFFFFE000  }
0x58: {  	[spmem:s2] =	stream.indirect.scatter.add.f32 [tilespmem:s21], [sflag:$0x3], $0x80, s31, s24, $0xb8;
	[tilespmem:$0x1EC00] =	vst v63  }
0x59: {  	_ =	swait.ge [sflag:s17], $0x4000  }
0x5a: {  	s26 =	simm.s32 $0x400;
	s28 =	simm.s32 $0x800;
	[sflag:s17] =	ssyncset.done $0x0  }
.LBB2_4:
0x5b: {  	s29 =	sshra.s32 s26, $0x2  }
0x5c: {  	[sflag:s17] =	ssyncadd.s32 $0xFFFFC000;
	s26 =	smov.u32 s28;
	s30 =	sadd.s32 $0x400, s28  }
0x5d: {  	[tilespmem:s16], [sflag:$0x1] =	stream.indirect.gather [hbm4b:s4+s19], $0x80, s29, s19, $0xb8;
	[tilespmem:$0x1EC00] =	vst v63  }
0x5e: {  	p0 =	sne.s32 s28, $0x4C00;
	s28 =	sadd.s32 $0x40, s29  }
0x5f: {  	[tilespmem:s20], [sflag:$0x1] =	stream.indirect.gather [hbm4b:s4+s19], $0x80, s28, s19, $0xb8;
	[tilespmem:$0x1EC00] =	vst v63  }
0x60: {  	s28 =	sadd.s32 $0x80, s29  }
0x61: {  	[tilespmem:s21], [sflag:$0x2] =	stream.indirect.gather [hbm4b:s4+s19], $0x80, s28, s19, $0xb8;
	[tilespmem:$0x1EC00] =	vst v63  }
0x62: {  	s28 =	sadd.s32 $0xC0, s29  }
0x63: {  	[tilespmem:s22], [sflag:$0x2] =	stream.indirect.gather [hbm4b:s4+s19], $0x80, s28, s19, $0xb8;
	[tilespmem:$0x1EC00] =	vst v63  }
0x64: {  	_ =	swait.ge [sflag:s23], $0x2000  }
0x65: {  	[sflag:s23] =	ssyncset.done $0x0  }
0x66: {  	[sflag:s23] =	ssyncadd.s32 $0xFFFFE000  }
0x67: {  	_ =	swait.ge [sflag:s23], $0x2000  }
0x68: {  	[sflag:s23] =	ssyncset.done $0x0  }
0x69: {  	s28 =	sadd.s32 $0x1800, s29;
	[sflag:s23] =	ssyncadd.s32 $0xFFFFE000  }
0x6a: {  	[spmem:s2] =	stream.indirect.scatter.add.f32 [tilespmem:s16], [sflag:$0x3], $0x80, s28, s24, $0xb8;
	[tilespmem:$0x1EC00] =	vst v63  }
0x6b: {  	_ =	swait.ge [sflag:s17], $0x4000  }
0x6c: {  	[sflag:s17] =	ssyncset.done $0x0  }
0x6d: {  	[sflag:s17] =	ssyncadd.s32 $0xFFFFC000  }
0x6e: {  	_ =	swait.ge [sflag:s25], $0x2000  }
0x6f: {  	[sflag:s25] =	ssyncset.done $0x0  }
0x70: {  	[sflag:s25] =	ssyncadd.s32 $0xFFFFE000  }
0x71: {  	_ =	swait.ge [sflag:s25], $0x2000  }
.Ltmp1:
0x72: {  	[sflag:s25] =	ssyncset.done $0x0;
	(pc) =	sbr.rel @p0 .LBB2_4-.Ltmp1, $4  }
0x73: {  	s28 =	sadd.s32 $0x1880, s29;
	[sflag:s25] =	ssyncadd.s32 $0xFFFFE000  }
0x74: {  	[spmem:s2] =	stream.indirect.scatter.add.f32 [tilespmem:s21], [sflag:$0x3], $0x80, s28, s24, $0xb8;
	[tilespmem:$0x1EC00] =	vst v63  }
0x75: {  	_ =	swait.ge [sflag:s17], $0x4000  }
0x76: {  	s28 =	smov.u32 s30;
	[sflag:s17] =	ssyncset.done $0x0  }
0x77: {  	s26 =	sshra.s32 s26, $0x2;
	[sflag:s17] =	ssyncadd.s32 $0xFFFFC000  }
0x78: {  	[tilespmem:s16], [sflag:$0x1] =	stream.indirect.gather [hbm4b:s4+s19], $0x80, s26, s19, $0xb8;
	[tilespmem:$0x1EC00] =	vst v63  }
0x79: {  	s28 =	sadd.s32 $0x40, s26  }
0x7a: {  	[tilespmem:s20], [sflag:$0x1] =	stream.indirect.gather [hbm4b:s4+s19], $0x80, s28, s19, $0xb8;
	[tilespmem:$0x1EC00] =	vst v63  }
0x7b: {  	s28 =	sadd.s32 $0x80, s26  }
0x7c: {  	[tilespmem:s21], [sflag:$0x2] =	stream.indirect.gather [hbm4b:s4+s19], $0x80, s28, s19, $0xb8;
	[tilespmem:$0x1EC00] =	vst v63  }
0x7d: {  	s28 =	sadd.s32 $0xC0, s26  }
0x7e: {  	[tilespmem:s22], [sflag:$0x2] =	stream.indirect.gather [hbm4b:s4+s19], $0x80, s28, s19, $0xb8;
	[tilespmem:$0x1EC00] =	vst v63  }
0x7f: {  	_ =	swait.ge [sflag:s23], $0x2000  }
0x80: {  	[sflag:s23] =	ssyncset.done $0x0  }
0x81: {  	[sflag:s23] =	ssyncadd.s32 $0xFFFFE000  }
0x82: {  	_ =	swait.ge [sflag:s23], $0x2000  }
0x83: {  	[sflag:s23] =	ssyncset.done $0x0  }
0x84: {  	s28 =	sadd.s32 $0x1800, s26;
	[sflag:s23] =	ssyncadd.s32 $0xFFFFE000  }
0x85: {  	[spmem:s2] =	stream.indirect.scatter.add.f32 [tilespmem:s16], [sflag:$0x3], $0x80, s28, s24, $0xb8;
	[tilespmem:$0x1EC00] =	vst v63  }
0x86: {  	_ =	swait.ge [sflag:s17], $0x4000  }
0x87: {  	[sflag:s17] =	ssyncset.done $0x0  }
0x88: {  	[sflag:s17] =	ssyncadd.s32 $0xFFFFC000  }
0x89: {  	_ =	swait.ge [sflag:s25], $0x2000  }
0x8a: {  	[sflag:s25] =	ssyncset.done $0x0  }
0x8b: {  	[sflag:s25] =	ssyncadd.s32 $0xFFFFE000  }
0x8c: {  	_ =	swait.ge [sflag:s25], $0x2000  }
0x8d: {  	[sflag:s25] =	ssyncset.done $0x0  }
0x8e: {  	s26 =	sadd.s32 $0x1880, s26;
	[sflag:s25] =	ssyncadd.s32 $0xFFFFE000  }
0x8f: {  	[spmem:s2] =	stream.indirect.scatter.add.f32 [tilespmem:s21], [sflag:$0x3], $0x80, s26, s24, $0xb8;
	[tilespmem:$0x1EC00] =	vst v63  }
0x90: {  	_ =	swait.ge [sflag:s17], $0x4000  }
0x91: {  	[sflag:s17] =	ssyncset.done $0x0  }
0x92: {  	s31 =	simm.s32 $0x0;
	[sflag:s17] =	ssyncadd.s32 $0xFFFFC000  }
0x93: {  	[tilespmem:s31], [sflag:$0x3] =	stream.linear.gather [hbm4b:s12+s31], $0x1800, $0x38;
	[tilespmem:$0x1EC00] =	vst v63  }
0x94: {  	_ =	swait.ge [sflag:s17], $0x1800  }
0x95: {  	[sflag:s17] =	ssyncset.done $0x0  }
0x96: {  	[sflag:s17] =	ssyncadd.s32 $0xFFFFE800  }
0x97: {  	[tilespmem:s18], [sflag:$0x3] =	stream.linear.gather [hbm4b:s13+s31], $0x1400, $0x38;
	[tilespmem:$0x1EC00] =	vst v63  }
0x98: {  	_ =	swait.ge [sflag:s17], $0x1400  }
0x99: {  	[sflag:s17] =	ssyncset.done $0x0  }
0x9a: {  	s29 =	simm.s32 $0x0;
	[sflag:s17] =	ssyncadd.s32 $0xFFFFEC00  }
0x9b: {  	[tilespmem:s16], [sflag:$0x1] =	stream.indirect.gather [hbm4b:s4+s19], $0x80, s29, s19, $0xb8;
	[tilespmem:$0x1EC00] =	vst v63  }
0x9c: {  	s30 =	simm.s32 $0x40  }
0x9d: {  	[tilespmem:s20], [sflag:$0x1] =	stream.indirect.gather [hbm4b:s4+s19], $0x80, s30, s19, $0xb8;
	[tilespmem:$0x1EC00] =	vst v63  }
0x9e: {  	s31 =	simm.s32 $0x80  }
0x9f: {  	[tilespmem:s21], [sflag:$0x2] =	stream.indirect.gather [hbm4b:s4+s19], $0x80, s31, s19, $0xb8;
	[tilespmem:$0x1EC00] =	vst v63  }
0xa0: {  	s29 =	simm.s32 $0xC0  }
0xa1: {  	[tilespmem:s22], [sflag:$0x2] =	stream.indirect.gather [hbm4b:s4+s19], $0x80, s29, s19, $0xb8;
	[tilespmem:$0x1EC00] =	vst v63  }
0xa2: {  	_ =	swait.ge [sflag:s23], $0x2000  }
0xa3: {  	[sflag:s23] =	ssyncset.done $0x0  }
0xa4: {  	[sflag:s23] =	ssyncadd.s32 $0xFFFFE000  }
0xa5: {  	_ =	swait.ge [sflag:s23], $0x2000  }
0xa6: {  	[sflag:s23] =	ssyncset.done $0x0  }
0xa7: {  	s30 =	simm.s32 $0x1800;
	[sflag:s23] =	ssyncadd.s32 $0xFFFFE000  }
0xa8: {  	[spmem:s2] =	stream.indirect.scatter.add.f32 [tilespmem:s16], [sflag:$0x3], $0x80, s30, s24, $0xb8;
	[tilespmem:$0x1EC00] =	vst v63  }
0xa9: {  	_ =	swait.ge [sflag:s17], $0x4000  }
0xaa: {  	[sflag:s17] =	ssyncset.done $0x0  }
0xab: {  	[sflag:s17] =	ssyncadd.s32 $0xFFFFC000  }
0xac: {  	_ =	swait.ge [sflag:s25], $0x2000  }
0xad: {  	[sflag:s25] =	ssyncset.done $0x0  }
0xae: {  	[sflag:s25] =	ssyncadd.s32 $0xFFFFE000  }
0xaf: {  	_ =	swait.ge [sflag:s25], $0x2000  }
0xb0: {  	[sflag:s25] =	ssyncset.done $0x0  }
0xb1: {  	s31 =	simm.s32 $0x1880;
	[sflag:s25] =	ssyncadd.s32 $0xFFFFE000  }
0xb2: {  	[spmem:s2] =	stream.indirect.scatter.add.f32 [tilespmem:s21], [sflag:$0x3], $0x80, s31, s24, $0xb8;
	[tilespmem:$0x1EC00] =	vst v63  }
0xb3: {  	_ =	swait.ge [sflag:s17], $0x4000  }
0xb4: {  	s28 =	simm.s32 $0x800;
	s26 =	simm.s32 $0x400;
	[sflag:s17] =	ssyncset.done $0x0  }
.LBB2_6:
0xb5: {  	s29 =	sshra.s32 s26, $0x2  }
0xb6: {  	[sflag:s17] =	ssyncadd.s32 $0xFFFFC000;
	s26 =	smov.u32 s28;
	s30 =	sadd.s32 $0x400, s28  }
0xb7: {  	[tilespmem:s16], [sflag:$0x1] =	stream.indirect.gather [hbm4b:s4+s19], $0x80, s29, s19, $0xb8;
	[tilespmem:$0x1EC00] =	vst v63  }
0xb8: {  	p0 =	sne.s32 s28, $0x4C00;
	s28 =	sadd.s32 $0x40, s29  }
0xb9: {  	[tilespmem:s20], [sflag:$0x1] =	stream.indirect.gather [hbm4b:s4+s19], $0x80, s28, s19, $0xb8;
	[tilespmem:$0x1EC00] =	vst v63  }
0xba: {  	s28 =	sadd.s32 $0x80, s29  }
0xbb: {  	[tilespmem:s21], [sflag:$0x2] =	stream.indirect.gather [hbm4b:s4+s19], $0x80, s28, s19, $0xb8;
	[tilespmem:$0x1EC00] =	vst v63  }
0xbc: {  	s28 =	sadd.s32 $0xC0, s29  }
0xbd: {  	[tilespmem:s22], [sflag:$0x2] =	stream.indirect.gather [hbm4b:s4+s19], $0x80, s28, s19, $0xb8;
	[tilespmem:$0x1EC00] =	vst v63  }
0xbe: {  	_ =	swait.ge [sflag:s23], $0x2000  }
0xbf: {  	[sflag:s23] =	ssyncset.done $0x0  }
0xc0: {  	[sflag:s23] =	ssyncadd.s32 $0xFFFFE000  }
0xc1: {  	_ =	swait.ge [sflag:s23], $0x2000  }
0xc2: {  	[sflag:s23] =	ssyncset.done $0x0  }
0xc3: {  	s28 =	sadd.s32 $0x1800, s29;
	[sflag:s23] =	ssyncadd.s32 $0xFFFFE000  }
0xc4: {  	[spmem:s2] =	stream.indirect.scatter.add.f32 [tilespmem:s16], [sflag:$0x3], $0x80, s28, s24, $0xb8;
	[tilespmem:$0x1EC00] =	vst v63  }
0xc5: {  	_ =	swait.ge [sflag:s17], $0x4000  }
0xc6: {  	[sflag:s17] =	ssyncset.done $0x0  }
0xc7: {  	[sflag:s17] =	ssyncadd.s32 $0xFFFFC000  }
0xc8: {  	_ =	swait.ge [sflag:s25], $0x2000  }
0xc9: {  	[sflag:s25] =	ssyncset.done $0x0  }
0xca: {  	[sflag:s25] =	ssyncadd.s32 $0xFFFFE000  }
0xcb: {  	_ =	swait.ge [sflag:s25], $0x2000  }
.Ltmp2:
0xcc: {  	[sflag:s25] =	ssyncset.done $0x0;
	(pc) =	sbr.rel @p0 .LBB2_6-.Ltmp2, $4  }
0xcd: {  	s28 =	sadd.s32 $0x1880, s29;
	[sflag:s25] =	ssyncadd.s32 $0xFFFFE000  }
0xce: {  	[spmem:s2] =	stream.indirect.scatter.add.f32 [tilespmem:s21], [sflag:$0x3], $0x80, s28, s24, $0xb8;
	[tilespmem:$0x1EC00] =	vst v63  }
0xcf: {  	_ =	swait.ge [sflag:s17], $0x4000  }
0xd0: {  	s28 =	smov.u32 s30;
	[sflag:s17] =	ssyncset.done $0x0  }
0xd1: {  	s26 =	sshra.s32 s26, $0x2;
	[sflag:s17] =	ssyncadd.s32 $0xFFFFC000  }
0xd2: {  	[tilespmem:s16], [sflag:$0x1] =	stream.indirect.gather [hbm4b:s4+s19], $0x80, s26, s19, $0xb8;
	[tilespmem:$0x1EC00] =	vst v63  }
0xd3: {  	s28 =	sadd.s32 $0x40, s26  }
0xd4: {  	[tilespmem:s20], [sflag:$0x1] =	stream.indirect.gather [hbm4b:s4+s19], $0x80, s28, s19, $0xb8;
	[tilespmem:$0x1EC00] =	vst v63  }
0xd5: {  	s30 =	sadd.s32 $0x80, s26  }
0xd6: {  	[tilespmem:s21], [sflag:$0x2] =	stream.indirect.gather [hbm4b:s4+s19], $0x80, s30, s19, $0xb8;
	[tilespmem:$0x1EC00] =	vst v63  }
0xd7: {  	s31 =	sadd.s32 $0xC0, s26  }
0xd8: {  	[tilespmem:s22], [sflag:$0x2] =	stream.indirect.gather [hbm4b:s4+s19], $0x80, s31, s19, $0xb8;
	[tilespmem:$0x1EC00] =	vst v63  }
0xd9: {  	_ =	swait.ge [sflag:s23], $0x2000  }
0xda: {  	[sflag:s23] =	ssyncset.done $0x0  }
0xdb: {  	[sflag:s23] =	ssyncadd.s32 $0xFFFFE000  }
0xdc: {  	_ =	swait.ge [sflag:s23], $0x2000  }
0xdd: {  	[sflag:s23] =	ssyncset.done $0x0  }
0xde: {  	s29 =	sadd.s32 $0x1800, s26;
	[sflag:s23] =	ssyncadd.s32 $0xFFFFE000  }
0xdf: {  	[spmem:s2] =	stream.indirect.scatter.add.f32 [tilespmem:s16], [sflag:$0x3], $0x80, s29, s24, $0xb8;
	[tilespmem:$0x1EC00] =	vst v63  }
0xe0: {  	_ =	swait.ge [sflag:s17], $0x4000  }
0xe1: {  	[sflag:s17] =	ssyncset.done $0x0  }
0xe2: {  	[sflag:s17] =	ssyncadd.s32 $0xFFFFC000  }
0xe3: {  	_ =	swait.ge [sflag:s25], $0x2000  }
0xe4: {  	[sflag:s25] =	ssyncset.done $0x0  }
0xe5: {  	[sflag:s25] =	ssyncadd.s32 $0xFFFFE000  }
0xe6: {  	_ =	swait.ge [sflag:s25], $0x2000  }
0xe7: {  	[sflag:s25] =	ssyncset.done $0x0  }
0xe8: {  	s26 =	sadd.s32 $0x1880, s26;
	[sflag:s25] =	ssyncadd.s32 $0xFFFFE000  }
0xe9: {  	[spmem:s2] =	stream.indirect.scatter.add.f32 [tilespmem:s21], [sflag:$0x3], $0x80, s26, s24, $0xb8;
	[tilespmem:$0x1EC00] =	vst v63  }
0xea: {  	s3 =	sadd.s32 $0x1, s3;
	_ =	swait.ge [sflag:s17], $0x4000  }
0xeb: {  	p0 =	sne.s32 s3, s15;
	[sflag:s17] =	ssyncset.done $0x0  }
0xec: {  	s30 =	sshll.u32 s0, $0x6;
	s31 =	sshrl.u32 s5, $0x3;
	[sflag:s17] =	ssyncadd.s32 $0xFFFFC000  }
.Ltmp3:
0xed: {  	s26 =	sor.u32 $0x1C03, s30;
	[bflag:$0x0] =	sbarrier.arrive $0xFFFF;
	(pc) =	sbr.rel @p0 .LBB2_1-.Ltmp3, $4  }
0xee: {  	[hbm:s14], [sflag:s26] =	dma.local [spmem:s31], $0x2800  }
0xef: {  	_ =	swait.ge [sflag:s17], $0x2800  }
0xf0: {  	[sflag:s17] =	ssyncset.done $0x0  }
0xf1: {  	[sflag:s17] =	ssyncadd.s32 $0xFFFFD800  }
0xf2: {  	_ =	sfence.sel $0x180000  }
0xf3: {  	[bflag:$0x0] =	sbarrier.arrive $0xFFFF  }
0xf4: {  	p0 =	sne.s32 s0, $0x0;
	_ =	strace $0x90000050  }
0xf5: {  	s0 =	sadd.s32 @!p0 $0x100000, s1;
	[bflag:$0x2] =	sbarrier.arrive $0xFFFF  }
0xf6: {  	[sflag:s0] =	ssyncadd.tile.s32 @!p0 $0x1;
	_ =	shalt  }
.Lfunc_end2:
_tile_overlayer_lowered:
.L_overlay_start_2:
0xf7: {  	(tag) =	ssettag $0x2  }
0xf8: {  	s0 =	rddreg [dreg:$0x0];
	s2 =	stileid.u32  }
0xf9: {  	s1 =	rddreg [dreg:$0x1];
	p0 =	sne.s32 s2, $0x0  }
0xfa: {  	s3 =	rddreg [dreg:$0x2];
	[bflag:$0x3] =	sbarrier.arrive $0xFFFF;
	s2 =	simm.s32 @!p0 $0x1C03  }
0xfb: {  	[timem:s3], [sflag:s2] =	dma.local @!p0 [hbm:s0], s1  }
0xfc: {  	s0 =	simm.s32 @!p0 $0x3  }
0xfd: {  	_ =	swait.ge @!p0 [sflag:s0], s1  }
0xfe: {  	s1 =	ssub.s32 @!p0 $0x0, s1;
	[sflag:s0] =	ssyncset.done @!p0 $0x0  }
0xff: {  	[sflag:s0] =	ssyncadd.s32 @!p0 s1  }
0x100: {  	[bflag:$0x3] =	sbarrier.arrive $0xFFFF  }
0x101: {  	_ =	shalt  }

</sc_bundles>
